<compile_context>
chip_gen: v7x
topology: tpu7x:2x2x1
jax: 0.10.2.dev20260603
libtpu: 0.0.44.dev20260713+nightly
codegen_flags: <defaults>
</compile_context>

<pallas_src>
import functools

import jax
import jax.numpy as jnp
from jax import lax
from jax.experimental import pallas as pl
from jax.experimental.pallas import tpu as pltpu
from jax.experimental.pallas import tpu_sc as plsc

N = 20000
NUM_OBJ_CLS = 151
NUM_REL_CLS = 51
REL_DIM = 4096

BLOCK_N = 1000

NW = 32
W_STRIDE = 624
SLAB = 336
NSLAB = 2
LANES = 16
GROUPS = SLAB // LANES
CHUNKS = (0, 16, 32, 48, 64, 80, 96, 112, 128, 135)


def _mm_body(vr_ref, wt_ref, b_ref, rel_ref):
    rel = jnp.dot(vr_ref[...], wt_ref[...], preferred_element_type=jnp.float32)
    rel_ref[...] = rel + b_ref[...]


def _matmul(vr, wt, b2):
    return pl.pallas_call(
        _mm_body,
        grid=(N // BLOCK_N,),
        in_specs=[
            pl.BlockSpec((BLOCK_N, REL_DIM), lambda i: (i, 0)),
            pl.BlockSpec((REL_DIM, NUM_REL_CLS), lambda i: (0, 0)),
            pl.BlockSpec((1, NUM_REL_CLS), lambda i: (0, 0)),
        ],
        out_specs=pl.BlockSpec((BLOCK_N, NUM_REL_CLS), lambda i: (i, 0)),
        out_shape=jax.ShapeDtypeStruct((N, NUM_REL_CLS), jnp.float32),
        compiler_params=pltpu.CompilerParams(
            dimension_semantics=("parallel",),
        ),
    )(vr, wt, b2)


@functools.partial(
    pl.kernel,
    mesh=plsc.VectorSubcoreMesh(
        core_axis_name="c", subcore_axis_name="s", num_cores=2, num_subcores=16
    ),
    compiler_params=pltpu.CompilerParams(needs_layout_passes=False),
    out_type=jax.ShapeDtypeStruct((N,), jnp.int32),
    scratch_types=[
        pltpu.VMEM((SLAB, NUM_OBJ_CLS), jnp.float32),
        pltpu.VMEM((SLAB,), jnp.int32),
    ],
)
def _sc_argmax(obj_hbm, out_hbm, slab, preds):
    w = lax.axis_index("s") * 2 + lax.axis_index("c")
    lanes = lax.broadcasted_iota(jnp.int32, (LANES,), 0)
    neg_inf = jnp.full((LANES,), -jnp.inf, jnp.float32)
    chunk_idx = [lanes + c0 for c0 in CHUNKS]

    for s in range(NSLAB):
        start = jnp.minimum(w * W_STRIDE + s * SLAB, N - SLAB)
        pltpu.sync_copy(obj_hbm.at[pl.ds(start, SLAB)], slab)

        def group_body(g, carry):
            r0 = g * LANES
            acc = jnp.full((LANES,), 0, jnp.int32)
            for j in range(LANES):
                best = jnp.full((LANES,), -jnp.inf, jnp.float32)
                bidx = jnp.full((LANES,), 1, jnp.int32)
                for ci, c0 in enumerate(CHUNKS):
                    v = slab[r0 + j, pl.ds(c0, LANES)]
                    if c0 == 0:
                        v = jnp.where(lanes == 0, neg_inf, v)
                    gt = v > best
                    best = jnp.where(gt, v, best)
                    bidx = jnp.where(gt, chunk_idx[ci], bidx)
                m = jnp.max(best, axis=0)
                cand = jnp.where(best == m, bidx, NUM_OBJ_CLS)
                acc = jnp.where(lanes == j, jnp.min(cand, axis=0), acc)
            preds[pl.ds(r0, LANES)] = acc
            return carry

        lax.fori_loop(0, GROUPS, group_body, 0)
        pltpu.sync_copy(preds, out_hbm.at[pl.ds(start, SLAB)])


def kernel(obj_logits, vr, W, b):
    wt = W.T
    b2 = b.reshape(1, NUM_REL_CLS)
    preds = _sc_argmax(obj_logits)
    rel = _matmul(vr, wt, b2)
    return (obj_logits, preds, rel)

# --- scband reference (transcript-rebuilt; emitter-appended) ---
"""Pipeline reference for scband-vrfc-5669356831750 (READ-ONLY COPY).

The authoritative reference and input builder live on the scoring server;
editing this copy changes nothing except your own understanding.
"""

import jax, jax.numpy as jnp
import numpy as np

N = 20000
NUM_OBJ_CLS = 151
NUM_REL_CLS = 51
REL_DIM = 4096

def setup_inputs(seed: int = 0) -> dict:
    key = jax.random.key(seed)
    k1, k2, k3, k4 = jax.random.split(key, 4)
    obj_logits = jax.random.normal(k1, (N, NUM_OBJ_CLS), dtype=jnp.float32)
    vr = jax.random.normal(k2, (N, REL_DIM), dtype=jnp.float32)
    # nn.Linear(rel_dim, num_rel_cls): weight [out, in], bias [out]
    bound = 1.0 / np.sqrt(REL_DIM)
    W = jax.random.uniform(k3, (NUM_REL_CLS, REL_DIM), dtype=jnp.float32, minval=-bound, maxval=bound)
    b = jax.random.uniform(k4, (NUM_REL_CLS,), dtype=jnp.float32, minval=-bound, maxval=bound)
    return {"obj_logits": obj_logits, "vr": vr, "W": W, "b": b}

def reference(obj_logits, vr, W, b):
    # mode == 'sgcls' (not 'predcls', not 'sgdet'): obj_dists2 = obj_logits;
    # obj_labels is None -> obj_preds = argmax over classes 1.. + 1
    obj_dists2 = obj_logits
    obj_preds = jnp.argmax(obj_dists2[:, 1:], axis=1) + 1
    rel_dists = vr @ W.T + b
    return (obj_dists2, obj_preds, rel_dists)

if __name__ == "__main__":
    import jax
    _d = setup_inputs()
    print(jax.jit(kernel)(*tuple(_d.values())))

</pallas_src>

<mosaic_0001>
#map = affine_map<(d0, d1) -> (0, 0)>
#map1 = affine_map<(d0, d1) -> (0)>
module attributes {stable_mosaic.version = 14 : i64} {
  func.func @_sc_argmax(%arg0: i32, %arg1: i32, %arg2: memref<20000x151xf32, #tpu.memory_space<hbm>>, %arg3: memref<20000xi32, #tpu.memory_space<hbm>>, %arg4: memref<336x151xf32, #tpu.memory_space<vmem>>, %arg5: memref<336xi32, #tpu.memory_space<vmem>>) attributes {dimension_semantics = [#tpu.dimension_semantics<core_parallel>, #tpu.dimension_semantics<subcore_parallel>], iteration_bounds = array<i64: 2, 16>, scalar_prefetch = 0 : i64, scratch_operands = 2 : i64, tpu.core_type = #tpu.core_type<sc_vector_subcore>, window_params = [{transform_indices = #map}, {transform_indices = #map1}]} {
    %mul3A = arith.constant 2 : i32
    %mul3A_0 = arith.muli %arg1, %mul3A : i32
    %add3A = arith.addi %mul3A_0, %arg0 : i32
    %iota3A = tpu.iota {dimensions = array<i32: 0>} : vector<16xi32>
    %broadcast_in_dim3A = arith.constant 0xFF800000 : f32
    %broadcast_in_dim3A_1 = vector.broadcast %broadcast_in_dim3A : f32 to vector<16xf32>
    %add3A_2 = arith.constant 0 : i32
    %add3A_3 = vector.broadcast %add3A_2 : i32 to vector<16xi32>
    %add3A_4 = arith.addi %iota3A, %add3A_3 : vector<16xi32>
    %add3A_5 = arith.constant 16 : i32
    %add3A_6 = vector.broadcast %add3A_5 : i32 to vector<16xi32>
    %add3A_7 = arith.addi %iota3A, %add3A_6 : vector<16xi32>
    %add3A_8 = arith.constant 32 : i32
    %add3A_9 = vector.broadcast %add3A_8 : i32 to vector<16xi32>
    %add3A_10 = arith.addi %iota3A, %add3A_9 : vector<16xi32>
    %add3A_11 = arith.constant 48 : i32
    %add3A_12 = vector.broadcast %add3A_11 : i32 to vector<16xi32>
    %add3A_13 = arith.addi %iota3A, %add3A_12 : vector<16xi32>
    %add3A_14 = arith.constant 64 : i32
    %add3A_15 = vector.broadcast %add3A_14 : i32 to vector<16xi32>
    %add3A_16 = arith.addi %iota3A, %add3A_15 : vector<16xi32>
    %add3A_17 = arith.constant 80 : i32
    %add3A_18 = vector.broadcast %add3A_17 : i32 to vector<16xi32>
    %add3A_19 = arith.addi %iota3A, %add3A_18 : vector<16xi32>
    %add3A_20 = arith.constant 96 : i32
    %add3A_21 = vector.broadcast %add3A_20 : i32 to vector<16xi32>
    %add3A_22 = arith.addi %iota3A, %add3A_21 : vector<16xi32>
    %add3A_23 = arith.constant 112 : i32
    %add3A_24 = vector.broadcast %add3A_23 : i32 to vector<16xi32>
    %add3A_25 = arith.addi %iota3A, %add3A_24 : vector<16xi32>
    %add3A_26 = arith.constant 128 : i32
    %add3A_27 = vector.broadcast %add3A_26 : i32 to vector<16xi32>
    %add3A_28 = arith.addi %iota3A, %add3A_27 : vector<16xi32>
    %add3A_29 = arith.constant 135 : i32
    %add3A_30 = vector.broadcast %add3A_29 : i32 to vector<16xi32>
    %add3A_31 = arith.addi %iota3A, %add3A_30 : vector<16xi32>
    %mul3A_32 = arith.constant 624 : i32
    %mul3A_33 = arith.muli %add3A, %mul3A_32 : i32
    %add3A_34 = arith.constant 0 : i32
    %add3A_35 = arith.addi %mul3A_33, %add3A_34 : i32
    %min3A = arith.constant 19664 : i32
    %min3A_36 = arith.minsi %add3A_35, %min3A : i32
    "tpu.region"() ({
      %run_scoped3A = tpu.sem_alloc : memref<!tpu.dma_semaphore, #tpu.memory_space<semaphore_mem>>
      %dma_start3A = arith.constant 0 : i32
      %dma_start3A_54 = tpu.memref_slice %arg2[%min3A_36, %dma_start3A] : memref<20000x151xf32, #tpu.memory_space<hbm>> -> memref<336x151xf32, #tpu.memory_space<hbm>>
      %dma_start3A_55 = arith.constant 0 : i32
      %dma_start3A_56 = tpu.memref_slice %arg2[%min3A_36, %dma_start3A_55] : memref<20000x151xf32, #tpu.memory_space<hbm>> -> memref<336x151xf32, #tpu.memory_space<hbm>>
      tpu.enqueue_dma source(%dma_start3A_56 : memref<336x151xf32, #tpu.memory_space<hbm>>) target(%arg4 : memref<336x151xf32, #tpu.memory_space<vmem>>) target_semaphore(%run_scoped3A : memref<!tpu.dma_semaphore, #tpu.memory_space<semaphore_mem>>)
      %dma_wait3A = arith.constant 0 : i32
      %dma_wait3A_57 = tpu.memref_slice %arg2[%min3A_36, %dma_wait3A] : memref<20000x151xf32, #tpu.memory_space<hbm>> -> memref<336x151xf32, #tpu.memory_space<hbm>>
      %dma_wait3A_58 = arith.constant 0 : i32
      %dma_wait3A_59 = tpu.memref_slice %arg2[%min3A_36, %dma_wait3A_58] : memref<20000x151xf32, #tpu.memory_space<hbm>> -> memref<336x151xf32, #tpu.memory_space<hbm>>
      tpu.wait_dma2 semaphore(%run_scoped3A : memref<!tpu.dma_semaphore, #tpu.memory_space<semaphore_mem>>) src(%dma_wait3A_59 : memref<336x151xf32, #tpu.memory_space<hbm>>) dst(%arg4 : memref<336x151xf32, #tpu.memory_space<vmem>>)
      tpu.yield
    }) : () -> ()
    %scan3A = arith.constant 0 : i32
    %scan3A_37 = arith.constant 0 : i32
    %scan3A_38 = arith.constant 21 : i32
    %scan3A_39 = arith.addi %scan3A_37, %scan3A_38 : i32
    %scan3A_40 = arith.constant 1 : i32
    scf.for %scan3A_54 = %scan3A_37 to %scan3A_39 step %scan3A_40  : i32 {
      %mul3A_55 = arith.constant 16 : i32
      %mul3A_56 = arith.muli %scan3A_54, %mul3A_55 : i32
      %broadcast_in_dim3A_57 = arith.constant 0 : i32
      %broadcast_in_dim3A_58 = vector.broadcast %broadcast_in_dim3A_57 : i32 to vector<16xi32>
      %broadcast_in_dim3A_59 = arith.constant 0xFF800000 : f32
      %broadcast_in_dim3A_60 = vector.broadcast %broadcast_in_dim3A_59 : f32 to vector<16xf32>
      %broadcast_in_dim3A_61 = arith.constant 1 : i32
      %broadcast_in_dim3A_62 = vector.broadcast %broadcast_in_dim3A_61 : i32 to vector<16xi32>
      %add3A_63 = arith.constant 0 : i32
      %add3A_64 = arith.addi %mul3A_56, %add3A_63 : i32
      %get3A = arith.index_cast %add3A_64 : i32 to index
      %get3A_65 = arith.constant 0 : index
      %get3A_66 = tpu.vector_load %arg4[%get3A, %get3A_65] {strides = array<i32>} : memref<336x151xf32, #tpu.memory_space<vmem>>, vector<16xf32>,
      %eq3A = arith.constant 0 : i32
      %eq3A_67 = vector.broadcast %eq3A : i32 to vector<16xi32>
      %eq3A_68 = arith.cmpi eq, %iota3A, %eq3A_67 : vector<16xi32>
      %select_n3A = arith.select %eq3A_68, %broadcast_in_dim3A_1, %get3A_66 : vector<16xi1>, vector<16xf32>
      %gt3A = arith.cmpf ogt, %select_n3A, %broadcast_in_dim3A_60 : vector<16xf32>
      %select_n3A_69 = arith.select %gt3A, %select_n3A, %broadcast_in_dim3A_60 : vector<16xi1>, vector<16xf32>
      %select_n3A_70 = arith.select %gt3A, %add3A_4, %broadcast_in_dim3A_62 : vector<16xi1>, vector<16xi32>
      %add3A_71 = arith.constant 0 : i32
      %add3A_72 = arith.addi %mul3A_56, %add3A_71 : i32
      %get3A_73 = arith.index_cast %add3A_72 : i32 to index
      %get3A_74 = arith.constant 16 : index
      %get3A_75 = tpu.vector_load %arg4[%get3A_73, %get3A_74] {strides = array<i32>} : memref<336x151xf32, #tpu.memory_space<vmem>>, vector<16xf32>,
      %gt3A_76 = arith.cmpf ogt, %get3A_75, %select_n3A_69 : vector<16xf32>
      %select_n3A_77 = arith.select %gt3A_76, %get3A_75, %select_n3A_69 : vector<16xi1>, vector<16xf32>
      %select_n3A_78 = arith.select %gt3A_76, %add3A_7, %select_n3A_70 : vector<16xi1>, vector<16xi32>
      %add3A_79 = arith.constant 0 : i32
      %add3A_80 = arith.addi %mul3A_56, %add3A_79 : i32
      %get3A_81 = arith.index_cast %add3A_80 : i32 to index
      %get3A_82 = arith.constant 32 : index
      %get3A_83 = tpu.vector_load %arg4[%get3A_81, %get3A_82] {strides = array<i32>} : memref<336x151xf32, #tpu.memory_space<vmem>>, vector<16xf32>,
      %gt3A_84 = arith.cmpf ogt, %get3A_83, %select_n3A_77 : vector<16xf32>
      %select_n3A_85 = arith.select %gt3A_84, %get3A_83, %select_n3A_77 : vector<16xi1>, vector<16xf32>
      %select_n3A_86 = arith.select %gt3A_84, %add3A_10, %select_n3A_78 : vector<16xi1>, vector<16xi32>
      %add3A_87 = arith.constant 0 : i32
      %add3A_88 = arith.addi %mul3A_56, %add3A_87 : i32
      %get3A_89 = arith.index_cast %add3A_88 : i32 to index
      %get3A_90 = arith.constant 48 : index
      %get3A_91 = tpu.vector_load %arg4[%get3A_89, %get3A_90] {strides = array<i32>} : memref<336x151xf32, #tpu.memory_space<vmem>>, vector<16xf32>,
      %gt3A_92 = arith.cmpf ogt, %get3A_91, %select_n3A_85 : vector<16xf32>
      %select_n3A_93 = arith.select %gt3A_92, %get3A_91, %select_n3A_85 : vector<16xi1>, vector<16xf32>
      %select_n3A_94 = arith.select %gt3A_92, %add3A_13, %select_n3A_86 : vector<16xi1>, vector<16xi32>
      %add3A_95 = arith.constant 0 : i32
      %add3A_96 = arith.addi %mul3A_56, %add3A_95 : i32
      %get3A_97 = arith.index_cast %add3A_96 : i32 to index
      %get3A_98 = arith.constant 64 : index
      %get3A_99 = tpu.vector_load %arg4[%get3A_97, %get3A_98] {strides = array<i32>} : memref<336x151xf32, #tpu.memory_space<vmem>>, vector<16xf32>,
      %gt3A_100 = arith.cmpf ogt, %get3A_99, %select_n3A_93 : vector<16xf32>
      %select_n3A_101 = arith.select %gt3A_100, %get3A_99, %select_n3A_93 : vector<16xi1>, vector<16xf32>
      %select_n3A_102 = arith.select %gt3A_100, %add3A_16, %select_n3A_94 : vector<16xi1>, vector<16xi32>
      %add3A_103 = arith.constant 0 : i32
      %add3A_104 = arith.addi %mul3A_56, %add3A_103 : i32
      %get3A_105 = arith.index_cast %add3A_104 : i32 to index
      %get3A_106 = arith.constant 80 : index
      %get3A_107 = tpu.vector_load %arg4[%get3A_105, %get3A_106] {strides = array<i32>} : memref<336x151xf32, #tpu.memory_space<vmem>>, vector<16xf32>,
      %gt3A_108 = arith.cmpf ogt, %get3A_107, %select_n3A_101 : vector<16xf32>
      %select_n3A_109 = arith.select %gt3A_108, %get3A_107, %select_n3A_101 : vector<16xi1>, vector<16xf32>
      %select_n3A_110 = arith.select %gt3A_108, %add3A_19, %select_n3A_102 : vector<16xi1>, vector<16xi32>
      %add3A_111 = arith.constant 0 : i32
      %add3A_112 = arith.addi %mul3A_56, %add3A_111 : i32
      %get3A_113 = arith.index_cast %add3A_112 : i32 to index
      %get3A_114 = arith.constant 96 : index
      %get3A_115 = tpu.vector_load %arg4[%get3A_113, %get3A_114] {strides = array<i32>} : memref<336x151xf32, #tpu.memory_space<vmem>>, vector<16xf32>,
      %gt3A_116 = arith.cmpf ogt, %get3A_115, %select_n3A_109 : vector<16xf32>
      %select_n3A_117 = arith.select %gt3A_116, %get3A_115, %select_n3A_109 : vector<16xi1>, vector<16xf32>
      %select_n3A_118 = arith.select %gt3A_116, %add3A_22, %select_n3A_110 : vector<16xi1>, vector<16xi32>
      %add3A_119 = arith.constant 0 : i32
      %add3A_120 = arith.addi %mul3A_56, %add3A_119 : i32
      %get3A_121 = arith.index_cast %add3A_120 : i32 to index
      %get3A_122 = arith.constant 112 : index
      %get3A_123 = tpu.vector_load %arg4[%get3A_121, %get3A_122] {strides = array<i32>} : memref<336x151xf32, #tpu.memory_space<vmem>>, vector<16xf32>,
      %gt3A_124 = arith.cmpf ogt, %get3A_123, %select_n3A_117 : vector<16xf32>
      %select_n3A_125 = arith.select %gt3A_124, %get3A_123, %select_n3A_117 : vector<16xi1>, vector<16xf32>
      %select_n3A_126 = arith.select %gt3A_124, %add3A_25, %select_n3A_118 : vector<16xi1>, vector<16xi32>
      %add3A_127 = arith.constant 0 : i32
      %add3A_128 = arith.addi %mul3A_56, %add3A_127 : i32
      %get3A_129 = arith.index_cast %add3A_128 : i32 to index
      %get3A_130 = arith.constant 128 : index
      %get3A_131 = tpu.vector_load %arg4[%get3A_129, %get3A_130] {strides = array<i32>} : memref<336x151xf32, #tpu.memory_space<vmem>>, vector<16xf32>,
      %gt3A_132 = arith.cmpf ogt, %get3A_131, %select_n3A_125 : vector<16xf32>
      %select_n3A_133 = arith.select %gt3A_132, %get3A_131, %select_n3A_125 : vector<16xi1>, vector<16xf32>
      %select_n3A_134 = arith.select %gt3A_132, %add3A_28, %select_n3A_126 : vector<16xi1>, vector<16xi32>
      %add3A_135 = arith.constant 0 : i32
      %add3A_136 = arith.addi %mul3A_56, %add3A_135 : i32
      %get3A_137 = arith.index_cast %add3A_136 : i32 to index
      %get3A_138 = arith.constant 135 : index
      %get3A_139 = tpu.vector_load %arg4[%get3A_137, %get3A_138] {strides = array<i32>} : memref<336x151xf32, #tpu.memory_space<vmem>>, vector<16xf32>,
      %gt3A_140 = arith.cmpf ogt, %get3A_139, %select_n3A_133 : vector<16xf32>
      %select_n3A_141 = arith.select %gt3A_140, %get3A_139, %select_n3A_133 : vector<16xi1>, vector<16xf32>
      %select_n3A_142 = arith.select %gt3A_140, %add3A_31, %select_n3A_134 : vector<16xi1>, vector<16xi32>
      %reduce_max3A = arith.constant true
      %reduce_max3A_143 = vector.broadcast %reduce_max3A : i1 to vector<16xi1>
      %reduce_max3A_144 = tpu.scan <max>, %select_n3A_141 masked %reduce_max3A_143 : vector<16xf32>, vector<16xi1> -> vector<16xf32>
      %reduce_max3A_145 = vector.extract %reduce_max3A_144[15] : f32 from vector<16xf32>
      %eq3A_146 = vector.broadcast %reduce_max3A_145 : f32 to vector<16xf32>
      %eq3A_147 = arith.cmpf oeq, %select_n3A_141, %eq3A_146 : vector<16xf32>
      %jit3A = arith.constant 151 : i32
      %broadcast_in_dim3A_148 = vector.broadcast %jit3A : i32 to vector<16xi32>
      %select_n3A_149 = arith.select %eq3A_147, %select_n3A_142, %broadcast_in_dim3A_148 : vector<16xi1>, vector<16xi32>
      %eq3A_150 = arith.constant 0 : i32
      %eq3A_151 = vector.broadcast %eq3A_150 : i32 to vector<16xi32>
      %eq3A_152 = arith.cmpi eq, %iota3A, %eq3A_151 : vector<16xi32>
      %reduce_min3A = arith.constant true
      %reduce_min3A_153 = vector.broadcast %reduce_min3A : i1 to vector<16xi1>
      %reduce_min3A_154 = arith.constant -2147483648 : i32
      %reduce_min3A_155 = vector.broadcast %reduce_min3A_154 : i32 to vector<16xi32>
      %reduce_min3A_156 = arith.xori %select_n3A_149, %reduce_min3A_155 : vector<16xi32>
      %reduce_min3A_157 = tpu.scan <min>, %reduce_min3A_156 masked %reduce_min3A_153 : vector<16xi32>, vector<16xi1> -> vector<16xi32>
      %reduce_min3A_158 = arith.xori %reduce_min3A_157, %reduce_min3A_155 : vector<16xi32>
      %reduce_min3A_159 = vector.extract %reduce_min3A_158[15] : i32 from vector<16xi32>
      %broadcast_in_dim3A_160 = vector.broadcast %reduce_min3A_159 : i32 to vector<16xi32>
      %select_n3A_161 = arith.select %eq3A_152, %broadcast_in_dim3A_160, %broadcast_in_dim3A_58 : vector<16xi1>, vector<16xi32>
      %broadcast_in_dim3A_162 = arith.constant 0xFF800000 : f32
      %broadcast_in_dim3A_163 = vector.broadcast %broadcast_in_dim3A_162 : f32 to vector<16xf32>
      %broadcast_in_dim3A_164 = arith.constant 1 : i32
      %broadcast_in_dim3A_165 = vector.broadcast %broadcast_in_dim3A_164 : i32 to vector<16xi32>
      %add3A_166 = arith.constant 1 : i32
      %add3A_167 = arith.addi %mul3A_56, %add3A_166 : i32
      %get3A_168 = arith.index_cast %add3A_167 : i32 to index
      %get3A_169 = arith.constant 0 : index
      %get3A_170 = tpu.vector_load %arg4[%get3A_168, %get3A_169] {strides = array<i32>} : memref<336x151xf32, #tpu.memory_space<vmem>>, vector<16xf32>,
      %eq3A_171 = arith.constant 0 : i32
      %eq3A_172 = vector.broadcast %eq3A_171 : i32 to vector<16xi32>
      %eq3A_173 = arith.cmpi eq, %iota3A, %eq3A_172 : vector<16xi32>
      %select_n3A_174 = arith.select %eq3A_173, %broadcast_in_dim3A_1, %get3A_170 : vector<16xi1>, vector<16xf32>
      %gt3A_175 = arith.cmpf ogt, %select_n3A_174, %broadcast_in_dim3A_163 : vector<16xf32>
      %select_n3A_176 = arith.select %gt3A_175, %select_n3A_174, %broadcast_in_dim3A_163 : vector<16xi1>, vector<16xf32>
      %select_n3A_177 = arith.select %gt3A_175, %add3A_4, %broadcast_in_dim3A_165 : vector<16xi1>, vector<16xi32>
      %add3A_178 = arith.constant 1 : i32
      %add3A_179 = arith.addi %mul3A_56, %add3A_178 : i32
      %get3A_180 = arith.index_cast %add3A_179 : i32 to index
      %get3A_181 = arith.constant 16 : index
      %get3A_182 = tpu.vector_load %arg4[%get3A_180, %get3A_181] {strides = array<i32>} : memref<336x151xf32, #tpu.memory_space<vmem>>, vector<16xf32>,
      %gt3A_183 = arith.cmpf ogt, %get3A_182, %select_n3A_176 : vector<16xf32>
      %select_n3A_184 = arith.select %gt3A_183, %get3A_182, %select_n3A_176 : vector<16xi1>, vector<16xf32>
      %select_n3A_185 = arith.select %gt3A_183, %add3A_7, %select_n3A_177 : vector<16xi1>, vector<16xi32>
      %add3A_186 = arith.constant 1 : i32
      %add3A_187 = arith.addi %mul3A_56, %add3A_186 : i32
      %get3A_188 = arith.index_cast %add3A_187 : i32 to index
      %get3A_189 = arith.constant 32 : index
      %get3A_190 = tpu.vector_load %arg4[%get3A_188, %get3A_189] {strides = array<i32>} : memref<336x151xf32, #tpu.memory_space<vmem>>, vector<16xf32>,
      %gt3A_191 = arith.cmpf ogt, %get3A_190, %select_n3A_184 : vector<16xf32>
      %select_n3A_192 = arith.select %gt3A_191, %get3A_190, %select_n3A_184 : vector<16xi1>, vector<16xf32>
      %select_n3A_193 = arith.select %gt3A_191, %add3A_10, %select_n3A_185 : vector<16xi1>, vector<16xi32>
      %add3A_194 = arith.constant 1 : i32
      %add3A_195 = arith.addi %mul3A_56, %add3A_194 : i32
      %get3A_196 = arith.index_cast %add3A_195 : i32 to index
      %get3A_197 = arith.constant 48 : index
      %get3A_198 = tpu.vector_load %arg4[%get3A_196, %get3A_197] {strides = array<i32>} : memref<336x151xf32, #tpu.memory_space<vmem>>, vector<16xf32>,
      %gt3A_199 = arith.cmpf ogt, %get3A_198, %select_n3A_192 : vector<16xf32>
      %select_n3A_200 = arith.select %gt3A_199, %get3A_198, %select_n3A_192 : vector<16xi1>, vector<16xf32>
      %select_n3A_201 = arith.select %gt3A_199, %add3A_13, %select_n3A_193 : vector<16xi1>, vector<16xi32>
      %add3A_202 = arith.constant 1 : i32
      %add3A_203 = arith.addi %mul3A_56, %add3A_202 : i32
      %get3A_204 = arith.index_cast %add3A_203 : i32 to index
      %get3A_205 = arith.constant 64 : index
      %get3A_206 = tpu.vector_load %arg4[%get3A_204, %get3A_205] {strides = array<i32>} : memref<336x151xf32, #tpu.memory_space<vmem>>, vector<16xf32>,
      %gt3A_207 = arith.cmpf ogt, %get3A_206, %select_n3A_200 : vector<16xf32>
      %select_n3A_208 = arith.select %gt3A_207, %get3A_206, %select_n3A_200 : vector<16xi1>, vector<16xf32>
      %select_n3A_209 = arith.select %gt3A_207, %add3A_16, %select_n3A_201 : vector<16xi1>, vector<16xi32>
      %add3A_210 = arith.constant 1 : i32
      %add3A_211 = arith.addi %mul3A_56, %add3A_210 : i32
      %get3A_212 = arith.index_cast %add3A_211 : i32 to index
      %get3A_213 = arith.constant 80 : index
      %get3A_214 = tpu.vector_load %arg4[%get3A_212, %get3A_213] {strides = array<i32>} : memref<336x151xf32, #tpu.memory_space<vmem>>, vector<16xf32>,
      %gt3A_215 = arith.cmpf ogt, %get3A_214, %select_n3A_208 : vector<16xf32>
      %select_n3A_216 = arith.select %gt3A_215, %get3A_214, %select_n3A_208 : vector<16xi1>, vector<16xf32>
      %select_n3A_217 = arith.select %gt3A_215, %add3A_19, %select_n3A_209 : vector<16xi1>, vector<16xi32>
      %add3A_218 = arith.constant 1 : i32
      %add3A_219 = arith.addi %mul3A_56, %add3A_218 : i32
      %get3A_220 = arith.index_cast %add3A_219 : i32 to index
      %get3A_221 = arith.constant 96 : index
      %get3A_222 = tpu.vector_load %arg4[%get3A_220, %get3A_221] {strides = array<i32>} : memref<336x151xf32, #tpu.memory_space<vmem>>, vector<16xf32>,
      %gt3A_223 = arith.cmpf ogt, %get3A_222, %select_n3A_216 : vector<16xf32>
      %select_n3A_224 = arith.select %gt3A_223, %get3A_222, %select_n3A_216 : vector<16xi1>, vector<16xf32>
      %select_n3A_225 = arith.select %gt3A_223, %add3A_22, %select_n3A_217 : vector<16xi1>, vector<16xi32>
      %add3A_226 = arith.constant 1 : i32
      %add3A_227 = arith.addi %mul3A_56, %add3A_226 : i32
      %get3A_228 = arith.index_cast %add3A_227 : i32 to index
      %get3A_229 = arith.constant 112 : index
      %get3A_230 = tpu.vector_load %arg4[%get3A_228, %get3A_229] {strides = array<i32>} : memref<336x151xf32, #tpu.memory_space<vmem>>, vector<16xf32>,
      %gt3A_231 = arith.cmpf ogt, %get3A_230, %select_n3A_224 : vector<16xf32>
      %select_n3A_232 = arith.select %gt3A_231, %get3A_230, %select_n3A_224 : vector<16xi1>, vector<16xf32>
      %select_n3A_233 = arith.select %gt3A_231, %add3A_25, %select_n3A_225 : vector<16xi1>, vector<16xi32>
      %add3A_234 = arith.constant 1 : i32
      %add3A_235 = arith.addi %mul3A_56, %add3A_234 : i32
      %get3A_236 = arith.index_cast %add3A_235 : i32 to index
      %get3A_237 = arith.constant 128 : index
      %get3A_238 = tpu.vector_load %arg4[%get3A_236, %get3A_237] {strides = array<i32>} : memref<336x151xf32, #tpu.memory_space<vmem>>, vector<16xf32>,
      %gt3A_239 = arith.cmpf ogt, %get3A_238, %select_n3A_232 : vector<16xf32>
      %select_n3A_240 = arith.select %gt3A_239, %get3A_238, %select_n3A_232 : vector<16xi1>, vector<16xf32>
      %select_n3A_241 = arith.select %gt3A_239, %add3A_28, %select_n3A_233 : vector<16xi1>, vector<16xi32>
      %add3A_242 = arith.constant 1 : i32
      %add3A_243 = arith.addi %mul3A_56, %add3A_242 : i32
      %get3A_244 = arith.index_cast %add3A_243 : i32 to index
      %get3A_245 = arith.constant 135 : index
      %get3A_246 = tpu.vector_load %arg4[%get3A_244, %get3A_245] {strides = array<i32>} : memref<336x151xf32, #tpu.memory_space<vmem>>, vector<16xf32>,
      %gt3A_247 = arith.cmpf ogt, %get3A_246, %select_n3A_240 : vector<16xf32>
      %select_n3A_248 = arith.select %gt3A_247, %get3A_246, %select_n3A_240 : vector<16xi1>, vector<16xf32>
      %select_n3A_249 = arith.select %gt3A_247, %add3A_31, %select_n3A_241 : vector<16xi1>, vector<16xi32>
      %reduce_max3A_250 = arith.constant true
      %reduce_max3A_251 = vector.broadcast %reduce_max3A_250 : i1 to vector<16xi1>
      %reduce_max3A_252 = tpu.scan <max>, %select_n3A_248 masked %reduce_max3A_251 : vector<16xf32>, vector<16xi1> -> vector<16xf32>
      %reduce_max3A_253 = vector.extract %reduce_max3A_252[15] : f32 from vector<16xf32>
      %eq3A_254 = vector.broadcast %reduce_max3A_253 : f32 to vector<16xf32>
      %eq3A_255 = arith.cmpf oeq, %select_n3A_248, %eq3A_254 : vector<16xf32>
      %jit3A_256 = arith.constant 151 : i32
      %broadcast_in_dim3A_257 = vector.broadcast %jit3A_256 : i32 to vector<16xi32>
      %select_n3A_258 = arith.select %eq3A_255, %select_n3A_249, %broadcast_in_dim3A_257 : vector<16xi1>, vector<16xi32>
      %eq3A_259 = arith.constant 1 : i32
      %eq3A_260 = vector.broadcast %eq3A_259 : i32 to vector<16xi32>
      %eq3A_261 = arith.cmpi eq, %iota3A, %eq3A_260 : vector<16xi32>
      %reduce_min3A_262 = arith.constant true
      %reduce_min3A_263 = vector.broadcast %reduce_min3A_262 : i1 to vector<16xi1>
      %reduce_min3A_264 = arith.constant -2147483648 : i32
      %reduce_min3A_265 = vector.broadcast %reduce_min3A_264 : i32 to vector<16xi32>
      %reduce_min3A_266 = arith.xori %select_n3A_258, %reduce_min3A_265 : vector<16xi32>
      %reduce_min3A_267 = tpu.scan <min>, %reduce_min3A_266 masked %reduce_min3A_263 : vector<16xi32>, vector<16xi1> -> vector<16xi32>
      %reduce_min3A_268 = arith.xori %reduce_min3A_267, %reduce_min3A_265 : vector<16xi32>
      %reduce_min3A_269 = vector.extract %reduce_min3A_268[15] : i32 from vector<16xi32>
      %broadcast_in_dim3A_270 = vector.broadcast %reduce_min3A_269 : i32 to vector<16xi32>
      %select_n3A_271 = arith.select %eq3A_261, %broadcast_in_dim3A_270, %select_n3A_161 : vector<16xi1>, vector<16xi32>
      %broadcast_in_dim3A_272 = arith.constant 0xFF800000 : f32
      %broadcast_in_dim3A_273 = vector.broadcast %broadcast_in_dim3A_272 : f32 to vector<16xf32>
      %broadcast_in_dim3A_274 = arith.constant 1 : i32
      %broadcast_in_dim3A_275 = vector.broadcast %broadcast_in_dim3A_274 : i32 to vector<16xi32>
      %add3A_276 = arith.constant 2 : i32
      %add3A_277 = arith.addi %mul3A_56, %add3A_276 : i32
      %get3A_278 = arith.index_cast %add3A_277 : i32 to index
      %get3A_279 = arith.constant 0 : index
      %get3A_280 = tpu.vector_load %arg4[%get3A_278, %get3A_279] {strides = array<i32>} : memref<336x151xf32, #tpu.memory_space<vmem>>, vector<16xf32>,
      %eq3A_281 = arith.constant 0 : i32
      %eq3A_282 = vector.broadcast %eq3A_281 : i32 to vector<16xi32>
      %eq3A_283 = arith.cmpi eq, %iota3A, %eq3A_282 : vector<16xi32>
      %select_n3A_284 = arith.select %eq3A_283, %broadcast_in_dim3A_1, %get3A_280 : vector<16xi1>, vector<16xf32>
      %gt3A_285 = arith.cmpf ogt, %select_n3A_284, %broadcast_in_dim3A_273 : vector<16xf32>
      %select_n3A_286 = arith.select %gt3A_285, %select_n3A_284, %broadcast_in_dim3A_273 : vector<16xi1>, vector<16xf32>
      %select_n3A_287 = arith.select %gt3A_285, %add3A_4, %broadcast_in_dim3A_275 : vector<16xi1>, vector<16xi32>
      %add3A_288 = arith.constant 2 : i32
      %add3A_289 = arith.addi %mul3A_56, %add3A_288 : i32
      %get3A_290 = arith.index_cast %add3A_289 : i32 to index
      %get3A_291 = arith.constant 16 : index
      %get3A_292 = tpu.vector_load %arg4[%get3A_290, %get3A_291] {strides = array<i32>} : memref<336x151xf32, #tpu.memory_space<vmem>>, vector<16xf32>,
      %gt3A_293 = arith.cmpf ogt, %get3A_292, %select_n3A_286 : vector<16xf32>
      %select_n3A_294 = arith.select %gt3A_293, %get3A_292, %select_n3A_286 : vector<16xi1>, vector<16xf32>
      %select_n3A_295 = arith.select %gt3A_293, %add3A_7, %select_n3A_287 : vector<16xi1>, vector<16xi32>
      %add3A_296 = arith.constant 2 : i32
      %add3A_297 = arith.addi %mul3A_56, %add3A_296 : i32
      %get3A_298 = arith.index_cast %add3A_297 : i32 to index
      %get3A_299 = arith.constant 32 : index
      %get3A_300 = tpu.vector_load %arg4[%get3A_298, %get3A_299] {strides = array<i32>} : memref<336x151xf32, #tpu.memory_space<vmem>>, vector<16xf32>,
      %gt3A_301 = arith.cmpf ogt, %get3A_300, %select_n3A_294 : vector<16xf32>
      %select_n3A_302 = arith.select %gt3A_301, %get3A_300, %select_n3A_294 : vector<16xi1>, vector<16xf32>
      %select_n3A_303 = arith.select %gt3A_301, %add3A_10, %select_n3A_295 : vector<16xi1>, vector<16xi32>
      %add3A_304 = arith.constant 2 : i32
      %add3A_305 = arith.addi %mul3A_56, %add3A_304 : i32
      %get3A_306 = arith.index_cast %add3A_305 : i32 to index
      %get3A_307 = arith.constant 48 : index
      %get3A_308 = tpu.vector_load %arg4[%get3A_306, %get3A_307] {strides = array<i32>} : memref<336x151xf32, #tpu.memory_space<vmem>>, vector<16xf32>,
      %gt3A_309 = arith.cmpf ogt, %get3A_308, %select_n3A_302 : vector<16xf32>
      %select_n3A_310 = arith.select %gt3A_309, %get3A_308, %select_n3A_302 : vector<16xi1>, vector<16xf32>
      %select_n3A_311 = arith.select %gt3A_309, %add3A_13, %select_n3A_303 : vector<16xi1>, vector<16xi32>
      %add3A_312 = arith.constant 2 : i32
      %add3A_313 = arith.addi %mul3A_56, %add3A_312 : i32
      %get3A_314 = arith.index_cast %add3A_313 : i32 to index
      %get3A_315 = arith.constant 64 : index
      %get3A_316 = tpu.vector_load %arg4[%get3A_314, %get3A_315] {strides = array<i32>} : memref<336x151xf32, #tpu.memory_space<vmem>>, vector<16xf32>,
      %gt3A_317 = arith.cmpf ogt, %get3A_316, %select_n3A_310 : vector<16xf32>
      %select_n3A_318 = arith.select %gt3A_317, %get3A_316, %select_n3A_310 : vector<16xi1>, vector<16xf32>
      %select_n3A_319 = arith.select %gt3A_317, %add3A_16, %select_n3A_311 : vector<16xi1>, vector<16xi32>
      %add3A_320 = arith.constant 2 : i32
      %add3A_321 = arith.addi %mul3A_56, %add3A_320 : i32
      %get3A_322 = arith.index_cast %add3A_321 : i32 to index
      %get3A_323 = arith.constant 80 : index
      %get3A_324 = tpu.vector_load %arg4[%get3A_322, %get3A_323] {strides = array<i32>} : memref<336x151xf32, #tpu.memory_space<vmem>>, vector<16xf32>,
      %gt3A_325 = arith.cmpf ogt, %get3A_324, %select_n3A_318 : vector<16xf32>
      %select_n3A_326 = arith.select %gt3A_325, %get3A_324, %select_n3A_318 : vector<16xi1>, vector<16xf32>
      %select_n3A_327 = arith.select %gt3A_325, %add3A_19, %select_n3A_319 : vector<16xi1>, vector<16xi32>
      %add3A_328 = arith.constant 2 : i32
      %add3A_329 = arith.addi %mul3A_56, %add3A_328 : i32
      %get3A_330 = arith.index_cast %add3A_329 : i32 to index
      %get3A_331 = arith.constant 96 : index
      %get3A_332 = tpu.vector_load %arg4[%get3A_330, %get3A_331] {strides = array<i32>} : memref<336x151xf32, #tpu.memory_space<vmem>>, vector<16xf32>,
      %gt3A_333 = arith.cmpf ogt, %get3A_332, %select_n3A_326 : vector<16xf32>
      %select_n3A_334 = arith.select %gt3A_333, %get3A_332, %select_n3A_326 : vector<16xi1>, vector<16xf32>
      %select_n3A_335 = arith.select %gt3A_333, %add3A_22, %select_n3A_327 : vector<16xi1>, vector<16xi32>
      %add3A_336 = arith.constant 2 : i32
      %add3A_337 = arith.addi %mul3A_56, %add3A_336 : i32
      %get3A_338 = arith.index_cast %add3A_337 : i32 to index
      %get3A_339 = arith.constant 112 : index
      %get3A_340 = tpu.vector_load %arg4[%get3A_338, %get3A_339] {strides = array<i32>} : memref<336x151xf32, #tpu.memory_space<vmem>>, vector<16xf32>,
      %gt3A_341 = arith.cmpf ogt, %get3A_340, %select_n3A_334 : vector<16xf32>
      %select_n3A_342 = arith.select %gt3A_341, %get3A_340, %select_n3A_334 : vector<16xi1>, vector<16xf32>
      %select_n3A_343 = arith.select %gt3A_341, %add3A_25, %select_n3A_335 : vector<16xi1>, vector<16xi32>
      %add3A_344 = arith.constant 2 : i32
      %add3A_345 = arith.addi %mul3A_56, %add3A_344 : i32
      %get3A_346 = arith.index_cast %add3A_345 : i32 to index
      %get3A_347 = arith.constant 128 : index
      %get3A_348 = tpu.vector_load %arg4[%get3A_346, %get3A_347] {strides = array<i32>} : memref<336x151xf32, #tpu.memory_space<vmem>>, vector<16xf32>,
      %gt3A_349 = arith.cmpf ogt, %get3A_348, %select_n3A_342 : vector<16xf32>
      %select_n3A_350 = arith.select %gt3A_349, %get3A_348, %select_n3A_342 : vector<16xi1>, vector<16xf32>
      %select_n3A_351 = arith.select %gt3A_349, %add3A_28, %select_n3A_343 : vector<16xi1>, vector<16xi32>
      %add3A_352 = arith.constant 2 : i32
      %add3A_353 = arith.addi %mul3A_56, %add3A_352 : i32
      %get3A_354 = arith.index_cast %add3A_353 : i32 to index
      %get3A_355 = arith.constant 135 : index
      %get3A_356 = tpu.vector_load %arg4[%get3A_354, %get3A_355] {strides = array<i32>} : memref<336x151xf32, #tpu.memory_space<vmem>>, vector<16xf32>,
      %gt3A_357 = arith.cmpf ogt, %get3A_356, %select_n3A_350 : vector<16xf32>
      %select_n3A_358 = arith.select %gt3A_357, %get3A_356, %select_n3A_350 : vector<16xi1>, vector<16xf32>
      %select_n3A_359 = arith.select %gt3A_357, %add3A_31, %select_n3A_351 : vector<16xi1>, vector<16xi32>
      %reduce_max3A_360 = arith.constant true
      %reduce_max3A_361 = vector.broadcast %reduce_max3A_360 : i1 to vector<16xi1>
      %reduce_max3A_362 = tpu.scan <max>, %select_n3A_358 masked %reduce_max3A_361 : vector<16xf32>, vector<16xi1> -> vector<16xf32>
      %reduce_max3A_363 = vector.extract %reduce_max3A_362[15] : f32 from vector<16xf32>
      %eq3A_364 = vector.broadcast %reduce_max3A_363 : f32 to vector<16xf32>
      %eq3A_365 = arith.cmpf oeq, %select_n3A_358, %eq3A_364 : vector<16xf32>
      %jit3A_366 = arith.constant 151 : i32
      %broadcast_in_dim3A_367 = vector.broadcast %jit3A_366 : i32 to vector<16xi32>
      %select_n3A_368 = arith.select %eq3A_365, %select_n3A_359, %broadcast_in_dim3A_367 : vector<16xi1>, vector<16xi32>
      %eq3A_369 = arith.constant 2 : i32
      %eq3A_370 = vector.broadcast %eq3A_369 : i32 to vector<16xi32>
      %eq3A_371 = arith.cmpi eq, %iota3A, %eq3A_370 : vector<16xi32>
      %reduce_min3A_372 = arith.constant true
      %reduce_min3A_373 = vector.broadcast %reduce_min3A_372 : i1 to vector<16xi1>
      %reduce_min3A_374 = arith.constant -2147483648 : i32
      %reduce_min3A_375 = vector.broadcast %reduce_min3A_374 : i32 to vector<16xi32>
      %reduce_min3A_376 = arith.xori %select_n3A_368, %reduce_min3A_375 : vector<16xi32>
      %reduce_min3A_377 = tpu.scan <min>, %reduce_min3A_376 masked %reduce_min3A_373 : vector<16xi32>, vector<16xi1> -> vector<16xi32>
      %reduce_min3A_378 = arith.xori %reduce_min3A_377, %reduce_min3A_375 : vector<16xi32>
      %reduce_min3A_379 = vector.extract %reduce_min3A_378[15] : i32 from vector<16xi32>
      %broadcast_in_dim3A_380 = vector.broadcast %reduce_min3A_379 : i32 to vector<16xi32>
      %select_n3A_381 = arith.select %eq3A_371, %broadcast_in_dim3A_380, %select_n3A_271 : vector<16xi1>, vector<16xi32>
      %broadcast_in_dim3A_382 = arith.constant 0xFF800000 : f32
      %broadcast_in_dim3A_383 = vector.broadcast %broadcast_in_dim3A_382 : f32 to vector<16xf32>
      %broadcast_in_dim3A_384 = arith.constant 1 : i32
      %broadcast_in_dim3A_385 = vector.broadcast %broadcast_in_dim3A_384 : i32 to vector<16xi32>
      %add3A_386 = arith.constant 3 : i32
      %add3A_387 = arith.addi %mul3A_56, %add3A_386 : i32
      %get3A_388 = arith.index_cast %add3A_387 : i32 to index
      %get3A_389 = arith.constant 0 : index
      %get3A_390 = tpu.vector_load %arg4[%get3A_388, %get3A_389] {strides = array<i32>} : memref<336x151xf32, #tpu.memory_space<vmem>>, vector<16xf32>,
      %eq3A_391 = arith.constant 0 : i32
      %eq3A_392 = vector.broadcast %eq3A_391 : i32 to vector<16xi32>
      %eq3A_393 = arith.cmpi eq, %iota3A, %eq3A_392 : vector<16xi32>
      %select_n3A_394 = arith.select %eq3A_393, %broadcast_in_dim3A_1, %get3A_390 : vector<16xi1>, vector<16xf32>
      %gt3A_395 = arith.cmpf ogt, %select_n3A_394, %broadcast_in_dim3A_383 : vector<16xf32>
      %select_n3A_396 = arith.select %gt3A_395, %select_n3A_394, %broadcast_in_dim3A_383 : vector<16xi1>, vector<16xf32>
      %select_n3A_397 = arith.select %gt3A_395, %add3A_4, %broadcast_in_dim3A_385 : vector<16xi1>, vector<16xi32>
      %add3A_398 = arith.constant 3 : i32
      %add3A_399 = arith.addi %mul3A_56, %add3A_398 : i32
      %get3A_400 = arith.index_cast %add3A_399 : i32 to index
      %get3A_401 = arith.constant 16 : index
      %get3A_402 = tpu.vector_load %arg4[%get3A_400, %get3A_401] {strides = array<i32>} : memref<336x151xf32, #tpu.memory_space<vmem>>, vector<16xf32>,
      %gt3A_403 = arith.cmpf ogt, %get3A_402, %select_n3A_396 : vector<16xf32>
      %select_n3A_404 = arith.select %gt3A_403, %get3A_402, %select_n3A_396 : vector<16xi1>, vector<16xf32>
      %select_n3A_405 = arith.select %gt3A_403, %add3A_7, %select_n3A_397 : vector<16xi1>, vector<16xi32>
      %add3A_406 = arith.constant 3 : i32
      %add3A_407 = arith.addi %mul3A_56, %add3A_406 : i32
      %get3A_408 = arith.index_cast %add3A_407 : i32 to index
      %get3A_409 = arith.constant 32 : index
      %get3A_410 = tpu.vector_load %arg4[%get3A_408, %get3A_409] {strides = array<i32>} : memref<336x151xf32, #tpu.memory_space<vmem>>, vector<16xf32>,
      %gt3A_411 = arith.cmpf ogt, %get3A_410, %select_n3A_404 : vector<16xf32>
      %select_n3A_412 = arith.select %gt3A_411, %get3A_410, %select_n3A_404 : vector<16xi1>, vector<16xf32>
      %select_n3A_413 = arith.select %gt3A_411, %add3A_10, %select_n3A_405 : vector<16xi1>, vector<16xi32>
      %add3A_414 = arith.constant 3 : i32
      %add3A_415 = arith.addi %mul3A_56, %add3A_414 : i32
      %get3A_416 = arith.index_cast %add3A_415 : i32 to index
      %get3A_417 = arith.constant 48 : index
      %get3A_418 = tpu.vector_load %arg4[%get3A_416, %get3A_417] {strides = array<i32>} : memref<336x151xf32, #tpu.memory_space<vmem>>, vector<16xf32>,
      %gt3A_419 = arith.cmpf ogt, %get3A_418, %select_n3A_412 : vector<16xf32>
      %select_n3A_420 = arith.select %gt3A_419, %get3A_418, %select_n3A_412 : vector<16xi1>, vector<16xf32>
      %select_n3A_421 = arith.select %gt3A_419, %add3A_13, %select_n3A_413 : vector<16xi1>, vector<16xi32>
      %add3A_422 = arith.constant 3 : i32
      %add3A_423 = arith.addi %mul3A_56, %add3A_422 : i32
      %get3A_424 = arith.index_cast %add3A_423 : i32 to index
      %get3A_425 = arith.constant 64 : index
      %get3A_426 = tpu.vector_load %arg4[%get3A_424, %get3A_425] {strides = array<i32>} : memref<336x151xf32, #tpu.memory_space<vmem>>, vector<16xf32>,
      %gt3A_427 = arith.cmpf ogt, %get3A_426, %select_n3A_420 : vector<16xf32>
      %select_n3A_428 = arith.select %gt3A_427, %get3A_426, %select_n3A_420 : vector<16xi1>, vector<16xf32>
      %select_n3A_429 = arith.select %gt3A_427, %add3A_16, %select_n3A_421 : vector<16xi1>, vector<16xi32>
      %add3A_430 = arith.constant 3 : i32
      %add3A_431 = arith.addi %mul3A_56, %add3A_430 : i32
      %get3A_432 = arith.index_cast %add3A_431 : i32 to index
      %get3A_433 = arith.constant 80 : index
      %get3A_434 = tpu.vector_load %arg4[%get3A_432, %get3A_433] {strides = array<i32>} : memref<336x151xf32, #tpu.memory_space<vmem>>, vector<16xf32>,
      %gt3A_435 = arith.cmpf ogt, %get3A_434, %select_n3A_428 : vector<16xf32>
      %select_n3A_436 = arith.select %gt3A_435, %get3A_434, %select_n3A_428 : vector<16xi1>, vector<16xf32>
      %select_n3A_437 = arith.select %gt3A_435, %add3A_19, %select_n3A_429 : vector<16xi1>, vector<16xi32>
      %add3A_438 = arith.constant 3 : i32
      %add3A_439 = arith.addi %mul3A_56, %add3A_438 : i32
      %get3A_440 = arith.index_cast %add3A_439 : i32 to index
      %get3A_441 = arith.constant 96 : index
      %get3A_442 = tpu.vector_load %arg4[%get3A_440, %get3A_441] {strides = array<i32>} : memref<336x151xf32, #tpu.memory_space<vmem>>, vector<16xf32>,
      %gt3A_443 = arith.cmpf ogt, %get3A_442, %select_n3A_436 : vector<16xf32>
      %select_n3A_444 = arith.select %gt3A_443, %get3A_442, %select_n3A_436 : vector<16xi1>, vector<16xf32>
      %select_n3A_445 = arith.select %gt3A_443, %add3A_22, %select_n3A_437 : vector<16xi1>, vector<16xi32>
      %add3A_446 = arith.constant 3 : i32
      %add3A_447 = arith.addi %mul3A_56, %add3A_446 : i32
      %get3A_448 = arith.index_cast %add3A_447 : i32 to index
      %get3A_449 = arith.constant 112 : index
      %get3A_450 = tpu.vector_load %arg4[%get3A_448, %get3A_449] {strides = array<i32>} : memref<336x151xf32, #tpu.memory_space<vmem>>, vector<16xf32>,
      %gt3A_451 = arith.cmpf ogt, %get3A_450, %select_n3A_444 : vector<16xf32>
      %select_n3A_452 = arith.select %gt3A_451, %get3A_450, %select_n3A_444 : vector<16xi1>, vector<16xf32>
      %select_n3A_453 = arith.select %gt3A_451, %add3A_25, %select_n3A_445 : vector<16xi1>, vector<16xi32>
      %add3A_454 = arith.constant 3 : i32
      %add3A_455 = arith.addi %mul3A_56, %add3A_454 : i32
      %get3A_456 = arith.index_cast %add3A_455 : i32 to index
      %get3A_457 = arith.constant 128 : index
      %get3A_458 = tpu.vector_load %arg4[%get3A_456, %get3A_457] {strides = array<i32>} : memref<336x151xf32, #tpu.memory_space<vmem>>, vector<16xf32>,
      %gt3A_459 = arith.cmpf ogt, %get3A_458, %select_n3A_452 : vector<16xf32>
      %select_n3A_460 = arith.select %gt3A_459, %get3A_458, %select_n3A_452 : vector<16xi1>, vector<16xf32>
      %select_n3A_461 = arith.select %gt3A_459, %add3A_28, %select_n3A_453 : vector<16xi1>, vector<16xi32>
      %add3A_462 = arith.constant 3 : i32
      %add3A_463 = arith.addi %mul3A_56, %add3A_462 : i32
      %get3A_464 = arith.index_cast %add3A_463 : i32 to index
      %get3A_465 = arith.constant 135 : index
      %get3A_466 = tpu.vector_load %arg4[%get3A_464, %get3A_465] {strides = array<i32>} : memref<336x151xf32, #tpu.memory_space<vmem>>, vector<16xf32>,
      %gt3A_467 = arith.cmpf ogt, %get3A_466, %select_n3A_460 : vector<16xf32>
      %select_n3A_468 = arith.select %gt3A_467, %get3A_466, %select_n3A_460 : vector<16xi1>, vector<16xf32>
      %select_n3A_469 = arith.select %gt3A_467, %add3A_31, %select_n3A_461 : vector<16xi1>, vector<16xi32>
      %reduce_max3A_470 = arith.constant true
      %reduce_max3A_471 = vector.broadcast %reduce_max3A_470 : i1 to vector<16xi1>
      %reduce_max3A_472 = tpu.scan <max>, %select_n3A_468 masked %reduce_max3A_471 : vector<16xf32>, vector<16xi1> -> vector<16xf32>
      %reduce_max3A_473 = vector.extract %reduce_max3A_472[15] : f32 from vector<16xf32>
      %eq3A_474 = vector.broadcast %reduce_max3A_473 : f32 to vector<16xf32>
      %eq3A_475 = arith.cmpf oeq, %select_n3A_468, %eq3A_474 : vector<16xf32>
      %jit3A_476 = arith.constant 151 : i32
      %broadcast_in_dim3A_477 = vector.broadcast %jit3A_476 : i32 to vector<16xi32>
      %select_n3A_478 = arith.select %eq3A_475, %select_n3A_469, %broadcast_in_dim3A_477 : vector<16xi1>, vector<16xi32>
      %eq3A_479 = arith.constant 3 : i32
      %eq3A_480 = vector.broadcast %eq3A_479 : i32 to vector<16xi32>
      %eq3A_481 = arith.cmpi eq, %iota3A, %eq3A_480 : vector<16xi32>
      %reduce_min3A_482 = arith.constant true
      %reduce_min3A_483 = vector.broadcast %reduce_min3A_482 : i1 to vector<16xi1>
      %reduce_min3A_484 = arith.constant -2147483648 : i32
      %reduce_min3A_485 = vector.broadcast %reduce_min3A_484 : i32 to vector<16xi32>
      %reduce_min3A_486 = arith.xori %select_n3A_478, %reduce_min3A_485 : vector<16xi32>
      %reduce_min3A_487 = tpu.scan <min>, %reduce_min3A_486 masked %reduce_min3A_483 : vector<16xi32>, vector<16xi1> -> vector<16xi32>
      %reduce_min3A_488 = arith.xori %reduce_min3A_487, %reduce_min3A_485 : vector<16xi32>
      %reduce_min3A_489 = vector.extract %reduce_min3A_488[15] : i32 from vector<16xi32>
      %broadcast_in_dim3A_490 = vector.broadcast %reduce_min3A_489 : i32 to vector<16xi32>
      %select_n3A_491 = arith.select %eq3A_481, %broadcast_in_dim3A_490, %select_n3A_381 : vector<16xi1>, vector<16xi32>
      %broadcast_in_dim3A_492 = arith.constant 0xFF800000 : f32
      %broadcast_in_dim3A_493 = vector.broadcast %broadcast_in_dim3A_492 : f32 to vector<16xf32>
      %broadcast_in_dim3A_494 = arith.constant 1 : i32
      %broadcast_in_dim3A_495 = vector.broadcast %broadcast_in_dim3A_494 : i32 to vector<16xi32>
      %add3A_496 = arith.constant 4 : i32
      %add3A_497 = arith.addi %mul3A_56, %add3A_496 : i32
      %get3A_498 = arith.index_cast %add3A_497 : i32 to index
      %get3A_499 = arith.constant 0 : index
      %get3A_500 = tpu.vector_load %arg4[%get3A_498, %get3A_499] {strides = array<i32>} : memref<336x151xf32, #tpu.memory_space<vmem>>, vector<16xf32>,
      %eq3A_501 = arith.constant 0 : i32
      %eq3A_502 = vector.broadcast %eq3A_501 : i32 to vector<16xi32>
      %eq3A_503 = arith.cmpi eq, %iota3A, %eq3A_502 : vector<16xi32>
      %select_n3A_504 = arith.select %eq3A_503, %broadcast_in_dim3A_1, %get3A_500 : vector<16xi1>, vector<16xf32>
      %gt3A_505 = arith.cmpf ogt, %select_n3A_504, %broadcast_in_dim3A_493 : vector<16xf32>
      %select_n3A_506 = arith.select %gt3A_505, %select_n3A_504, %broadcast_in_dim3A_493 : vector<16xi1>, vector<16xf32>
      %select_n3A_507 = arith.select %gt3A_505, %add3A_4, %broadcast_in_dim3A_495 : vector<16xi1>, vector<16xi32>
      %add3A_508 = arith.constant 4 : i32
      %add3A_509 = arith.addi %mul3A_56, %add3A_508 : i32
      %get3A_510 = arith.index_cast %add3A_509 : i32 to index
      %get3A_511 = arith.constant 16 : index
      %get3A_512 = tpu.vector_load %arg4[%get3A_510, %get3A_511] {strides = array<i32>} : memref<336x151xf32, #tpu.memory_space<vmem>>, vector<16xf32>,
      %gt3A_513 = arith.cmpf ogt, %get3A_512, %select_n3A_506 : vector<16xf32>
      %select_n3A_514 = arith.select %gt3A_513, %get3A_512, %select_n3A_506 : vector<16xi1>, vector<16xf32>
      %select_n3A_515 = arith.select %gt3A_513, %add3A_7, %select_n3A_507 : vector<16xi1>, vector<16xi32>
      %add3A_516 = arith.constant 4 : i32
      %add3A_517 = arith.addi %mul3A_56, %add3A_516 : i32
      %get3A_518 = arith.index_cast %add3A_517 : i32 to index
      %get3A_519 = arith.constant 32 : index
      %get3A_520 = tpu.vector_load %arg4[%get3A_518, %get3A_519] {strides = array<i32>} : memref<336x151xf32, #tpu.memory_space<vmem>>, vector<16xf32>,
      %gt3A_521 = arith.cmpf ogt, %get3A_520, %select_n3A_514 : vector<16xf32>
      %select_n3A_522 = arith.select %gt3A_521, %get3A_520, %select_n3A_514 : vector<16xi1>, vector<16xf32>
      %select_n3A_523 = arith.select %gt3A_521, %add3A_10, %select_n3A_515 : vector<16xi1>, vector<16xi32>
      %add3A_524 = arith.constant 4 : i32
      %add3A_525 = arith.addi %mul3A_56, %add3A_524 : i32
      %get3A_526 = arith.index_cast %add3A_525 : i32 to index
      %get3A_527 = arith.constant 48 : index
      %get3A_528 = tpu.vector_load %arg4[%get3A_526, %get3A_527] {strides = array<i32>} : memref<336x151xf32, #tpu.memory_space<vmem>>, vector<16xf32>,
      %gt3A_529 = arith.cmpf ogt, %get3A_528, %select_n3A_522 : vector<16xf32>
      %select_n3A_530 = arith.select %gt3A_529, %get3A_528, %select_n3A_522 : vector<16xi1>, vector<16xf32>
      %select_n3A_531 = arith.select %gt3A_529, %add3A_13, %select_n3A_523 : vector<16xi1>, vector<16xi32>
      %add3A_532 = arith.constant 4 : i32
      %add3A_533 = arith.addi %mul3A_56, %add3A_532 : i32
      %get3A_534 = arith.index_cast %add3A_533 : i32 to index
      %get3A_535 = arith.constant 64 : index
      %get3A_536 = tpu.vector_load %arg4[%get3A_534, %get3A_535] {strides = array<i32>} : memref<336x151xf32, #tpu.memory_space<vmem>>, vector<16xf32>,
      %gt3A_537 = arith.cmpf ogt, %get3A_536, %select_n3A_530 : vector<16xf32>
      %select_n3A_538 = arith.select %gt3A_537, %get3A_536, %select_n3A_530 : vector<16xi1>, vector<16xf32>
      %select_n3A_539 = arith.select %gt3A_537, %add3A_16, %select_n3A_531 : vector<16xi1>, vector<16xi32>
      %add3A_540 = arith.constant 4 : i32
      %add3A_541 = arith.addi %mul3A_56, %add3A_540 : i32
      %get3A_542 = arith.index_cast %add3A_541 : i32 to index
      %get3A_543 = arith.constant 80 : index
      %get3A_544 = tpu.vector_load %arg4[%get3A_542, %get3A_543] {strides = array<i32>} : memref<336x151xf32, #tpu.memory_space<vmem>>, vector<16xf32>,
      %gt3A_545 = arith.cmpf ogt, %get3A_544, %select_n3A_538 : vector<16xf32>
      %select_n3A_546 = arith.select %gt3A_545, %get3A_544, %select_n3A_538 : vector<16xi1>, vector<16xf32>
      %select_n3A_547 = arith.select %gt3A_545, %add3A_19, %select_n3A_539 : vector<16xi1>, vector<16xi32>
      %add3A_548 = arith.constant 4 : i32
      %add3A_549 = arith.addi %mul3A_56, %add3A_548 : i32
      %get3A_550 = arith.index_cast %add3A_549 : i32 to index
      %get3A_551 = arith.constant 96 : index
      %get3A_552 = tpu.vector_load %arg4[%get3A_550, %get3A_551] {strides = array<i32>} : memref<336x151xf32, #tpu.memory_space<vmem>>, vector<16xf32>,
      %gt3A_553 = arith.cmpf ogt, %get3A_552, %select_n3A_546 : vector<16xf32>
      %select_n3A_554 = arith.select %gt3A_553, %get3A_552, %select_n3A_546 : vector<16xi1>, vector<16xf32>
      %select_n3A_555 = arith.select %gt3A_553, %add3A_22, %select_n3A_547 : vector<16xi1>, vector<16xi32>
      %add3A_556 = arith.constant 4 : i32
      %add3A_557 = arith.addi %mul3A_56, %add3A_556 : i32
      %get3A_558 = arith.index_cast %add3A_557 : i32 to index
      %get3A_559 = arith.constant 112 : index
      %get3A_560 = tpu.vector_load %arg4[%get3A_558, %get3A_559] {strides = array<i32>} : memref<336x151xf32, #tpu.memory_space<vmem>>, vector<16xf32>,
      %gt3A_561 = arith.cmpf ogt, %get3A_560, %select_n3A_554 : vector<16xf32>
      %select_n3A_562 = arith.select %gt3A_561, %get3A_560, %select_n3A_554 : vector<16xi1>, vector<16xf32>
      %select_n3A_563 = arith.select %gt3A_561, %add3A_25, %select_n3A_555 : vector<16xi1>, vector<16xi32>
      %add3A_564 = arith.constant 4 : i32
      %add3A_565 = arith.addi %mul3A_56, %add3A_564 : i32
      %get3A_566 = arith.index_cast %add3A_565 : i32 to index
      %get3A_567 = arith.constant 128 : index
      %get3A_568 = tpu.vector_load %arg4[%get3A_566, %get3A_567] {strides = array<i32>} : memref<336x151xf32, #tpu.memory_space<vmem>>, vector<16xf32>,
      %gt3A_569 = arith.cmpf ogt, %get3A_568, %select_n3A_562 : vector<16xf32>
      %select_n3A_570 = arith.select %gt3A_569, %get3A_568, %select_n3A_562 : vector<16xi1>, vector<16xf32>
      %select_n3A_571 = arith.select %gt3A_569, %add3A_28, %select_n3A_563 : vector<16xi1>, vector<16xi32>
      %add3A_572 = arith.constant 4 : i32
      %add3A_573 = arith.addi %mul3A_56, %add3A_572 : i32
      %get3A_574 = arith.index_cast %add3A_573 : i32 to index
      %get3A_575 = arith.constant 135 : index
      %get3A_576 = tpu.vector_load %arg4[%get3A_574, %get3A_575] {strides = array<i32>} : memref<336x151xf32, #tpu.memory_space<vmem>>, vector<16xf32>,
      %gt3A_577 = arith.cmpf ogt, %get3A_576, %select_n3A_570 : vector<16xf32>
      %select_n3A_578 = arith.select %gt3A_577, %get3A_576, %select_n3A_570 : vector<16xi1>, vector<16xf32>
      %select_n3A_579 = arith.select %gt3A_577, %add3A_31, %select_n3A_571 : vector<16xi1>, vector<16xi32>
      %reduce_max3A_580 = arith.constant true
      %reduce_max3A_581 = vector.broadcast %reduce_max3A_580 : i1 to vector<16xi1>
      %reduce_max3A_582 = tpu.scan <max>, %select_n3A_578 masked %reduce_max3A_581 : vector<16xf32>, vector<16xi1> -> vector<16xf32>
      %reduce_max3A_583 = vector.extract %reduce_max3A_582[15] : f32 from vector<16xf32>
      %eq3A_584 = vector.broadcast %reduce_max3A_583 : f32 to vector<16xf32>
      %eq3A_585 = arith.cmpf oeq, %select_n3A_578, %eq3A_584 : vector<16xf32>
      %jit3A_586 = arith.constant 151 : i32
      %broadcast_in_dim3A_587 = vector.broadcast %jit3A_586 : i32 to vector<16xi32>
      %select_n3A_588 = arith.select %eq3A_585, %select_n3A_579, %broadcast_in_dim3A_587 : vector<16xi1>, vector<16xi32>
      %eq3A_589 = arith.constant 4 : i32
      %eq3A_590 = vector.broadcast %eq3A_589 : i32 to vector<16xi32>
      %eq3A_591 = arith.cmpi eq, %iota3A, %eq3A_590 : vector<16xi32>
      %reduce_min3A_592 = arith.constant true
      %reduce_min3A_593 = vector.broadcast %reduce_min3A_592 : i1 to vector<16xi1>
      %reduce_min3A_594 = arith.constant -2147483648 : i32
      %reduce_min3A_595 = vector.broadcast %reduce_min3A_594 : i32 to vector<16xi32>
      %reduce_min3A_596 = arith.xori %select_n3A_588, %reduce_min3A_595 : vector<16xi32>
      %reduce_min3A_597 = tpu.scan <min>, %reduce_min3A_596 masked %reduce_min3A_593 : vector<16xi32>, vector<16xi1> -> vector<16xi32>
      %reduce_min3A_598 = arith.xori %reduce_min3A_597, %reduce_min3A_595 : vector<16xi32>
      %reduce_min3A_599 = vector.extract %reduce_min3A_598[15] : i32 from vector<16xi32>
      %broadcast_in_dim3A_600 = vector.broadcast %reduce_min3A_599 : i32 to vector<16xi32>
      %select_n3A_601 = arith.select %eq3A_591, %broadcast_in_dim3A_600, %select_n3A_491 : vector<16xi1>, vector<16xi32>
      %broadcast_in_dim3A_602 = arith.constant 0xFF800000 : f32
      %broadcast_in_dim3A_603 = vector.broadcast %broadcast_in_dim3A_602 : f32 to vector<16xf32>
      %broadcast_in_dim3A_604 = arith.constant 1 : i32
      %broadcast_in_dim3A_605 = vector.broadcast %broadcast_in_dim3A_604 : i32 to vector<16xi32>
      %add3A_606 = arith.constant 5 : i32
      %add3A_607 = arith.addi %mul3A_56, %add3A_606 : i32
      %get3A_608 = arith.index_cast %add3A_607 : i32 to index
      %get3A_609 = arith.constant 0 : index
      %get3A_610 = tpu.vector_load %arg4[%get3A_608, %get3A_609] {strides = array<i32>} : memref<336x151xf32, #tpu.memory_space<vmem>>, vector<16xf32>,
      %eq3A_611 = arith.constant 0 : i32
      %eq3A_612 = vector.broadcast %eq3A_611 : i32 to vector<16xi32>
      %eq3A_613 = arith.cmpi eq, %iota3A, %eq3A_612 : vector<16xi32>
      %select_n3A_614 = arith.select %eq3A_613, %broadcast_in_dim3A_1, %get3A_610 : vector<16xi1>, vector<16xf32>
      %gt3A_615 = arith.cmpf ogt, %select_n3A_614, %broadcast_in_dim3A_603 : vector<16xf32>
      %select_n3A_616 = arith.select %gt3A_615, %select_n3A_614, %broadcast_in_dim3A_603 : vector<16xi1>, vector<16xf32>
      %select_n3A_617 = arith.select %gt3A_615, %add3A_4, %broadcast_in_dim3A_605 : vector<16xi1>, vector<16xi32>
      %add3A_618 = arith.constant 5 : i32
      %add3A_619 = arith.addi %mul3A_56, %add3A_618 : i32
      %get3A_620 = arith.index_cast %add3A_619 : i32 to index
      %get3A_621 = arith.constant 16 : index
      %get3A_622 = tpu.vector_load %arg4[%get3A_620, %get3A_621] {strides = array<i32>} : memref<336x151xf32, #tpu.memory_space<vmem>>, vector<16xf32>,
      %gt3A_623 = arith.cmpf ogt, %get3A_622, %select_n3A_616 : vector<16xf32>
      %select_n3A_624 = arith.select %gt3A_623, %get3A_622, %select_n3A_616 : vector<16xi1>, vector<16xf32>
      %select_n3A_625 = arith.select %gt3A_623, %add3A_7, %select_n3A_617 : vector<16xi1>, vector<16xi32>
      %add3A_626 = arith.constant 5 : i32
      %add3A_627 = arith.addi %mul3A_56, %add3A_626 : i32
      %get3A_628 = arith.index_cast %add3A_627 : i32 to index
      %get3A_629 = arith.constant 32 : index
      %get3A_630 = tpu.vector_load %arg4[%get3A_628, %get3A_629] {strides = array<i32>} : memref<336x151xf32, #tpu.memory_space<vmem>>, vector<16xf32>,
      %gt3A_631 = arith.cmpf ogt, %get3A_630, %select_n3A_624 : vector<16xf32>
      %select_n3A_632 = arith.select %gt3A_631, %get3A_630, %select_n3A_624 : vector<16xi1>, vector<16xf32>
      %select_n3A_633 = arith.select %gt3A_631, %add3A_10, %select_n3A_625 : vector<16xi1>, vector<16xi32>
      %add3A_634 = arith.constant 5 : i32
      %add3A_635 = arith.addi %mul3A_56, %add3A_634 : i32
      %get3A_636 = arith.index_cast %add3A_635 : i32 to index
      %get3A_637 = arith.constant 48 : index
      %get3A_638 = tpu.vector_load %arg4[%get3A_636, %get3A_637] {strides = array<i32>} : memref<336x151xf32, #tpu.memory_space<vmem>>, vector<16xf32>,
      %gt3A_639 = arith.cmpf ogt, %get3A_638, %select_n3A_632 : vector<16xf32>
      %select_n3A_640 = arith.select %gt3A_639, %get3A_638, %select_n3A_632 : vector<16xi1>, vector<16xf32>
      %select_n3A_641 = arith.select %gt3A_639, %add3A_13, %select_n3A_633 : vector<16xi1>, vector<16xi32>
      %add3A_642 = arith.constant 5 : i32
      %add3A_643 = arith.addi %mul3A_56, %add3A_642 : i32
      %get3A_644 = arith.index_cast %add3A_643 : i32 to index
      %get3A_645 = arith.constant 64 : index
      %get3A_646 = tpu.vector_load %arg4[%get3A_644, %get3A_645] {strides = array<i32>} : memref<336x151xf32, #tpu.memory_space<vmem>>, vector<16xf32>,
      %gt3A_647 = arith.cmpf ogt, %get3A_646, %select_n3A_640 : vector<16xf32>
      %select_n3A_648 = arith.select %gt3A_647, %get3A_646, %select_n3A_640 : vector<16xi1>, vector<16xf32>
      %select_n3A_649 = arith.select %gt3A_647, %add3A_16, %select_n3A_641 : vector<16xi1>, vector<16xi32>
      %add3A_650 = arith.constant 5 : i32
      %add3A_651 = arith.addi %mul3A_56, %add3A_650 : i32
      %get3A_652 = arith.index_cast %add3A_651 : i32 to index
      %get3A_653 = arith.constant 80 : index
      %get3A_654 = tpu.vector_load %arg4[%get3A_652, %get3A_653] {strides = array<i32>} : memref<336x151xf32, #tpu.memory_space<vmem>>, vector<16xf32>,
      %gt3A_655 = arith.cmpf ogt, %get3A_654, %select_n3A_648 : vector<16xf32>
      %select_n3A_656 = arith.select %gt3A_655, %get3A_654, %select_n3A_648 : vector<16xi1>, vector<16xf32>
      %select_n3A_657 = arith.select %gt3A_655, %add3A_19, %select_n3A_649 : vector<16xi1>, vector<16xi32>
      %add3A_658 = arith.constant 5 : i32
      %add3A_659 = arith.addi %mul3A_56, %add3A_658 : i32
      %get3A_660 = arith.index_cast %add3A_659 : i32 to index
      %get3A_661 = arith.constant 96 : index
      %get3A_662 = tpu.vector_load %arg4[%get3A_660, %get3A_661] {strides = array<i32>} : memref<336x151xf32, #tpu.memory_space<vmem>>, vector<16xf32>,
      %gt3A_663 = arith.cmpf ogt, %get3A_662, %select_n3A_656 : vector<16xf32>
      %select_n3A_664 = arith.select %gt3A_663, %get3A_662, %select_n3A_656 : vector<16xi1>, vector<16xf32>
      %select_n3A_665 = arith.select %gt3A_663, %add3A_22, %select_n3A_657 : vector<16xi1>, vector<16xi32>
      %add3A_666 = arith.constant 5 : i32
      %add3A_667 = arith.addi %mul3A_56, %add3A_666 : i32
      %get3A_668 = arith.index_cast %add3A_667 : i32 to index
      %get3A_669 = arith.constant 112 : index
      %get3A_670 = tpu.vector_load %arg4[%get3A_668, %get3A_669] {strides = array<i32>} : memref<336x151xf32, #tpu.memory_space<vmem>>, vector<16xf32>,
      %gt3A_671 = arith.cmpf ogt, %get3A_670, %select_n3A_664 : vector<16xf32>
      %select_n3A_672 = arith.select %gt3A_671, %get3A_670, %select_n3A_664 : vector<16xi1>, vector<16xf32>
      %select_n3A_673 = arith.select %gt3A_671, %add3A_25, %select_n3A_665 : vector<16xi1>, vector<16xi32>
      %add3A_674 = arith.constant 5 : i32
      %add3A_675 = arith.addi %mul3A_56, %add3A_674 : i32
      %get3A_676 = arith.index_cast %add3A_675 : i32 to index
      %get3A_677 = arith.constant 128 : index
      %get3A_678 = tpu.vector_load %arg4[%get3A_676, %get3A_677] {strides = array<i32>} : memref<336x151xf32, #tpu.memory_space<vmem>>, vector<16xf32>,
      %gt3A_679 = arith.cmpf ogt, %get3A_678, %select_n3A_672 : vector<16xf32>
      %select_n3A_680 = arith.select %gt3A_679, %get3A_678, %select_n3A_672 : vector<16xi1>, vector<16xf32>
      %select_n3A_681 = arith.select %gt3A_679, %add3A_28, %select_n3A_673 : vector<16xi1>, vector<16xi32>
      %add3A_682 = arith.constant 5 : i32
      %add3A_683 = arith.addi %mul3A_56, %add3A_682 : i32
      %get3A_684 = arith.index_cast %add3A_683 : i32 to index
      %get3A_685 = arith.constant 135 : index
      %get3A_686 = tpu.vector_load %arg4[%get3A_684, %get3A_685] {strides = array<i32>} : memref<336x151xf32, #tpu.memory_space<vmem>>, vector<16xf32>,
      %gt3A_687 = arith.cmpf ogt, %get3A_686, %select_n3A_680 : vector<16xf32>
      %select_n3A_688 = arith.select %gt3A_687, %get3A_686, %select_n3A_680 : vector<16xi1>, vector<16xf32>
      %select_n3A_689 = arith.select %gt3A_687, %add3A_31, %select_n3A_681 : vector<16xi1>, vector<16xi32>
      %reduce_max3A_690 = arith.constant true
      %reduce_max3A_691 = vector.broadcast %reduce_max3A_690 : i1 to vector<16xi1>
      %reduce_max3A_692 = tpu.scan <max>, %select_n3A_688 masked %reduce_max3A_691 : vector<16xf32>, vector<16xi1> -> vector<16xf32>
      %reduce_max3A_693 = vector.extract %reduce_max3A_692[15] : f32 from vector<16xf32>
      %eq3A_694 = vector.broadcast %reduce_max3A_693 : f32 to vector<16xf32>
      %eq3A_695 = arith.cmpf oeq, %select_n3A_688, %eq3A_694 : vector<16xf32>
      %jit3A_696 = arith.constant 151 : i32
      %broadcast_in_dim3A_697 = vector.broadcast %jit3A_696 : i32 to vector<16xi32>
      %select_n3A_698 = arith.select %eq3A_695, %select_n3A_689, %broadcast_in_dim3A_697 : vector<16xi1>, vector<16xi32>
      %eq3A_699 = arith.constant 5 : i32
      %eq3A_700 = vector.broadcast %eq3A_699 : i32 to vector<16xi32>
      %eq3A_701 = arith.cmpi eq, %iota3A, %eq3A_700 : vector<16xi32>
      %reduce_min3A_702 = arith.constant true
      %reduce_min3A_703 = vector.broadcast %reduce_min3A_702 : i1 to vector<16xi1>
      %reduce_min3A_704 = arith.constant -2147483648 : i32
      %reduce_min3A_705 = vector.broadcast %reduce_min3A_704 : i32 to vector<16xi32>
      %reduce_min3A_706 = arith.xori %select_n3A_698, %reduce_min3A_705 : vector<16xi32>
      %reduce_min3A_707 = tpu.scan <min>, %reduce_min3A_706 masked %reduce_min3A_703 : vector<16xi32>, vector<16xi1> -> vector<16xi32>
      %reduce_min3A_708 = arith.xori %reduce_min3A_707, %reduce_min3A_705 : vector<16xi32>
      %reduce_min3A_709 = vector.extract %reduce_min3A_708[15] : i32 from vector<16xi32>
      %broadcast_in_dim3A_710 = vector.broadcast %reduce_min3A_709 : i32 to vector<16xi32>
      %select_n3A_711 = arith.select %eq3A_701, %broadcast_in_dim3A_710, %select_n3A_601 : vector<16xi1>, vector<16xi32>
      %broadcast_in_dim3A_712 = arith.constant 0xFF800000 : f32
      %broadcast_in_dim3A_713 = vector.broadcast %broadcast_in_dim3A_712 : f32 to vector<16xf32>
      %broadcast_in_dim3A_714 = arith.constant 1 : i32
      %broadcast_in_dim3A_715 = vector.broadcast %broadcast_in_dim3A_714 : i32 to vector<16xi32>
      %add3A_716 = arith.constant 6 : i32
      %add3A_717 = arith.addi %mul3A_56, %add3A_716 : i32
      %get3A_718 = arith.index_cast %add3A_717 : i32 to index
      %get3A_719 = arith.constant 0 : index
      %get3A_720 = tpu.vector_load %arg4[%get3A_718, %get3A_719] {strides = array<i32>} : memref<336x151xf32, #tpu.memory_space<vmem>>, vector<16xf32>,
      %eq3A_721 = arith.constant 0 : i32
      %eq3A_722 = vector.broadcast %eq3A_721 : i32 to vector<16xi32>
      %eq3A_723 = arith.cmpi eq, %iota3A, %eq3A_722 : vector<16xi32>
      %select_n3A_724 = arith.select %eq3A_723, %broadcast_in_dim3A_1, %get3A_720 : vector<16xi1>, vector<16xf32>
      %gt3A_725 = arith.cmpf ogt, %select_n3A_724, %broadcast_in_dim3A_713 : vector<16xf32>
      %select_n3A_726 = arith.select %gt3A_725, %select_n3A_724, %broadcast_in_dim3A_713 : vector<16xi1>, vector<16xf32>
      %select_n3A_727 = arith.select %gt3A_725, %add3A_4, %broadcast_in_dim3A_715 : vector<16xi1>, vector<16xi32>
      %add3A_728 = arith.constant 6 : i32
      %add3A_729 = arith.addi %mul3A_56, %add3A_728 : i32
      %get3A_730 = arith.index_cast %add3A_729 : i32 to index
      %get3A_731 = arith.constant 16 : index
      %get3A_732 = tpu.vector_load %arg4[%get3A_730, %get3A_731] {strides = array<i32>} : memref<336x151xf32, #tpu.memory_space<vmem>>, vector<16xf32>,
      %gt3A_733 = arith.cmpf ogt, %get3A_732, %select_n3A_726 : vector<16xf32>
      %select_n3A_734 = arith.select %gt3A_733, %get3A_732, %select_n3A_726 : vector<16xi1>, vector<16xf32>
      %select_n3A_735 = arith.select %gt3A_733, %add3A_7, %select_n3A_727 : vector<16xi1>, vector<16xi32>
      %add3A_736 = arith.constant 6 : i32
      %add3A_737 = arith.addi %mul3A_56, %add3A_736 : i32
      %get3A_738 = arith.index_cast %add3A_737 : i32 to index
      %get3A_739 = arith.constant 32 : index
      %get3A_740 = tpu.vector_load %arg4[%get3A_738, %get3A_739] {strides = array<i32>} : memref<336x151xf32, #tpu.memory_space<vmem>>, vector<16xf32>,
      %gt3A_741 = arith.cmpf ogt, %get3A_740, %select_n3A_734 : vector<16xf32>
      %select_n3A_742 = arith.select %gt3A_741, %get3A_740, %select_n3A_734 : vector<16xi1>, vector<16xf32>
      %select_n3A_743 = arith.select %gt3A_741, %add3A_10, %select_n3A_735 : vector<16xi1>, vector<16xi32>
      %add3A_744 = arith.constant 6 : i32
      %add3A_745 = arith.addi %mul3A_56, %add3A_744 : i32
      %get3A_746 = arith.index_cast %add3A_745 : i32 to index
      %get3A_747 = arith.constant 48 : index
      %get3A_748 = tpu.vector_load %arg4[%get3A_746, %get3A_747] {strides = array<i32>} : memref<336x151xf32, #tpu.memory_space<vmem>>, vector<16xf32>,
      %gt3A_749 = arith.cmpf ogt, %get3A_748, %select_n3A_742 : vector<16xf32>
      %select_n3A_750 = arith.select %gt3A_749, %get3A_748, %select_n3A_742 : vector<16xi1>, vector<16xf32>
      %select_n3A_751 = arith.select %gt3A_749, %add3A_13, %select_n3A_743 : vector<16xi1>, vector<16xi32>
      %add3A_752 = arith.constant 6 : i32
      %add3A_753 = arith.addi %mul3A_56, %add3A_752 : i32
      %get3A_754 = arith.index_cast %add3A_753 : i32 to index
      %get3A_755 = arith.constant 64 : index
      %get3A_756 = tpu.vector_load %arg4[%get3A_754, %get3A_755] {strides = array<i32>} : memref<336x151xf32, #tpu.memory_space<vmem>>, vector<16xf32>,
      %gt3A_757 = arith.cmpf ogt, %get3A_756, %select_n3A_750 : vector<16xf32>
      %select_n3A_758 = arith.select %gt3A_757, %get3A_756, %select_n3A_750 : vector<16xi1>, vector<16xf32>
      %select_n3A_759 = arith.select %gt3A_757, %add3A_16, %select_n3A_751 : vector<16xi1>, vector<16xi32>
      %add3A_760 = arith.constant 6 : i32
      %add3A_761 = arith.addi %mul3A_56, %add3A_760 : i32
      %get3A_762 = arith.index_cast %add3A_761 : i32 to index
      %get3A_763 = arith.constant 80 : index
      %get3A_764 = tpu.vector_load %arg4[%get3A_762, %get3A_763] {strides = array<i32>} : memref<336x151xf32, #tpu.memory_space<vmem>>, vector<16xf32>,
      %gt3A_765 = arith.cmpf ogt, %get3A_764, %select_n3A_758 : vector<16xf32>
      %select_n3A_766 = arith.select %gt3A_765, %get3A_764, %select_n3A_758 : vector<16xi1>, vector<16xf32>
      %select_n3A_767 = arith.select %gt3A_765, %add3A_19, %select_n3A_759 : vector<16xi1>, vector<16xi32>
      %add3A_768 = arith.constant 6 : i32
      %add3A_769 = arith.addi %mul3A_56, %add3A_768 : i32
      %get3A_770 = arith.index_cast %add3A_769 : i32 to index
      %get3A_771 = arith.constant 96 : index
      %get3A_772 = tpu.vector_load %arg4[%get3A_770, %get3A_771] {strides = array<i32>} : memref<336x151xf32, #tpu.memory_space<vmem>>, vector<16xf32>,
      %gt3A_773 = arith.cmpf ogt, %get3A_772, %select_n3A_766 : vector<16xf32>
      %select_n3A_774 = arith.select %gt3A_773, %get3A_772, %select_n3A_766 : vector<16xi1>, vector<16xf32>
      %select_n3A_775 = arith.select %gt3A_773, %add3A_22, %select_n3A_767 : vector<16xi1>, vector<16xi32>
      %add3A_776 = arith.constant 6 : i32
      %add3A_777 = arith.addi %mul3A_56, %add3A_776 : i32
      %get3A_778 = arith.index_cast %add3A_777 : i32 to index
      %get3A_779 = arith.constant 112 : index
      %get3A_780 = tpu.vector_load %arg4[%get3A_778, %get3A_779] {strides = array<i32>} : memref<336x151xf32, #tpu.memory_space<vmem>>, vector<16xf32>,
      %gt3A_781 = arith.cmpf ogt, %get3A_780, %select_n3A_774 : vector<16xf32>
      %select_n3A_782 = arith.select %gt3A_781, %get3A_780, %select_n3A_774 : vector<16xi1>, vector<16xf32>
      %select_n3A_783 = arith.select %gt3A_781, %add3A_25, %select_n3A_775 : vector<16xi1>, vector<16xi32>
      %add3A_784 = arith.constant 6 : i32
      %add3A_785 = arith.addi %mul3A_56, %add3A_784 : i32
      %get3A_786 = arith.index_cast %add3A_785 : i32 to index
      %get3A_787 = arith.constant 128 : index
      %get3A_788 = tpu.vector_load %arg4[%get3A_786, %get3A_787] {strides = array<i32>} : memref<336x151xf32, #tpu.memory_space<vmem>>, vector<16xf32>,
      %gt3A_789 = arith.cmpf ogt, %get3A_788, %select_n3A_782 : vector<16xf32>
      %select_n3A_790 = arith.select %gt3A_789, %get3A_788, %select_n3A_782 : vector<16xi1>, vector<16xf32>
      %select_n3A_791 = arith.select %gt3A_789, %add3A_28, %select_n3A_783 : vector<16xi1>, vector<16xi32>
      %add3A_792 = arith.constant 6 : i32
      %add3A_793 = arith.addi %mul3A_56, %add3A_792 : i32
      %get3A_794 = arith.index_cast %add3A_793 : i32 to index
      %get3A_795 = arith.constant 135 : index
      %get3A_796 = tpu.vector_load %arg4[%get3A_794, %get3A_795] {strides = array<i32>} : memref<336x151xf32, #tpu.memory_space<vmem>>, vector<16xf32>,
      %gt3A_797 = arith.cmpf ogt, %get3A_796, %select_n3A_790 : vector<16xf32>
      %select_n3A_798 = arith.select %gt3A_797, %get3A_796, %select_n3A_790 : vector<16xi1>, vector<16xf32>
      %select_n3A_799 = arith.select %gt3A_797, %add3A_31, %select_n3A_791 : vector<16xi1>, vector<16xi32>
      %reduce_max3A_800 = arith.constant true
      %reduce_max3A_801 = vector.broadcast %reduce_max3A_800 : i1 to vector<16xi1>
      %reduce_max3A_802 = tpu.scan <max>, %select_n3A_798 masked %reduce_max3A_801 : vector<16xf32>, vector<16xi1> -> vector<16xf32>
      %reduce_max3A_803 = vector.extract %reduce_max3A_802[15] : f32 from vector<16xf32>
      %eq3A_804 = vector.broadcast %reduce_max3A_803 : f32 to vector<16xf32>
      %eq3A_805 = arith.cmpf oeq, %select_n3A_798, %eq3A_804 : vector<16xf32>
      %jit3A_806 = arith.constant 151 : i32
      %broadcast_in_dim3A_807 = vector.broadcast %jit3A_806 : i32 to vector<16xi32>
      %select_n3A_808 = arith.select %eq3A_805, %select_n3A_799, %broadcast_in_dim3A_807 : vector<16xi1>, vector<16xi32>
      %eq3A_809 = arith.constant 6 : i32
      %eq3A_810 = vector.broadcast %eq3A_809 : i32 to vector<16xi32>
      %eq3A_811 = arith.cmpi eq, %iota3A, %eq3A_810 : vector<16xi32>
      %reduce_min3A_812 = arith.constant true
      %reduce_min3A_813 = vector.broadcast %reduce_min3A_812 : i1 to vector<16xi1>
      %reduce_min3A_814 = arith.constant -2147483648 : i32
      %reduce_min3A_815 = vector.broadcast %reduce_min3A_814 : i32 to vector<16xi32>
      %reduce_min3A_816 = arith.xori %select_n3A_808, %reduce_min3A_815 : vector<16xi32>
      %reduce_min3A_817 = tpu.scan <min>, %reduce_min3A_816 masked %reduce_min3A_813 : vector<16xi32>, vector<16xi1> -> vector<16xi32>
      %reduce_min3A_818 = arith.xori %reduce_min3A_817, %reduce_min3A_815 : vector<16xi32>
      %reduce_min3A_819 = vector.extract %reduce_min3A_818[15] : i32 from vector<16xi32>
      %broadcast_in_dim3A_820 = vector.broadcast %reduce_min3A_819 : i32 to vector<16xi32>
      %select_n3A_821 = arith.select %eq3A_811, %broadcast_in_dim3A_820, %select_n3A_711 : vector<16xi1>, vector<16xi32>
      %broadcast_in_dim3A_822 = arith.constant 0xFF800000 : f32
      %broadcast_in_dim3A_823 = vector.broadcast %broadcast_in_dim3A_822 : f32 to vector<16xf32>
      %broadcast_in_dim3A_824 = arith.constant 1 : i32
      %broadcast_in_dim3A_825 = vector.broadcast %broadcast_in_dim3A_824 : i32 to vector<16xi32>
      %add3A_826 = arith.constant 7 : i32
      %add3A_827 = arith.addi %mul3A_56, %add3A_826 : i32
      %get3A_828 = arith.index_cast %add3A_827 : i32 to index
      %get3A_829 = arith.constant 0 : index
      %get3A_830 = tpu.vector_load %arg4[%get3A_828, %get3A_829] {strides = array<i32>} : memref<336x151xf32, #tpu.memory_space<vmem>>, vector<16xf32>,
      %eq3A_831 = arith.constant 0 : i32
      %eq3A_832 = vector.broadcast %eq3A_831 : i32 to vector<16xi32>
      %eq3A_833 = arith.cmpi eq, %iota3A, %eq3A_832 : vector<16xi32>
      %select_n3A_834 = arith.select %eq3A_833, %broadcast_in_dim3A_1, %get3A_830 : vector<16xi1>, vector<16xf32>
      %gt3A_835 = arith.cmpf ogt, %select_n3A_834, %broadcast_in_dim3A_823 : vector<16xf32>
      %select_n3A_836 = arith.select %gt3A_835, %select_n3A_834, %broadcast_in_dim3A_823 : vector<16xi1>, vector<16xf32>
      %select_n3A_837 = arith.select %gt3A_835, %add3A_4, %broadcast_in_dim3A_825 : vector<16xi1>, vector<16xi32>
      %add3A_838 = arith.constant 7 : i32
      %add3A_839 = arith.addi %mul3A_56, %add3A_838 : i32
      %get3A_840 = arith.index_cast %add3A_839 : i32 to index
      %get3A_841 = arith.constant 16 : index
      %get3A_842 = tpu.vector_load %arg4[%get3A_840, %get3A_841] {strides = array<i32>} : memref<336x151xf32, #tpu.memory_space<vmem>>, vector<16xf32>,
      %gt3A_843 = arith.cmpf ogt, %get3A_842, %select_n3A_836 : vector<16xf32>
      %select_n3A_844 = arith.select %gt3A_843, %get3A_842, %select_n3A_836 : vector<16xi1>, vector<16xf32>
      %select_n3A_845 = arith.select %gt3A_843, %add3A_7, %select_n3A_837 : vector<16xi1>, vector<16xi32>
      %add3A_846 = arith.constant 7 : i32
      %add3A_847 = arith.addi %mul3A_56, %add3A_846 : i32
      %get3A_848 = arith.index_cast %add3A_847 : i32 to index
      %get3A_849 = arith.constant 32 : index
      %get3A_850 = tpu.vector_load %arg4[%get3A_848, %get3A_849] {strides = array<i32>} : memref<336x151xf32, #tpu.memory_space<vmem>>, vector<16xf32>,
      %gt3A_851 = arith.cmpf ogt, %get3A_850, %select_n3A_844 : vector<16xf32>
      %select_n3A_852 = arith.select %gt3A_851, %get3A_850, %select_n3A_844 : vector<16xi1>, vector<16xf32>
      %select_n3A_853 = arith.select %gt3A_851, %add3A_10, %select_n3A_845 : vector<16xi1>, vector<16xi32>
      %add3A_854 = arith.constant 7 : i32
      %add3A_855 = arith.addi %mul3A_56, %add3A_854 : i32
      %get3A_856 = arith.index_cast %add3A_855 : i32 to index
      %get3A_857 = arith.constant 48 : index
      %get3A_858 = tpu.vector_load %arg4[%get3A_856, %get3A_857] {strides = array<i32>} : memref<336x151xf32, #tpu.memory_space<vmem>>, vector<16xf32>,
      %gt3A_859 = arith.cmpf ogt, %get3A_858, %select_n3A_852 : vector<16xf32>
      %select_n3A_860 = arith.select %gt3A_859, %get3A_858, %select_n3A_852 : vector<16xi1>, vector<16xf32>
      %select_n3A_861 = arith.select %gt3A_859, %add3A_13, %select_n3A_853 : vector<16xi1>, vector<16xi32>
      %add3A_862 = arith.constant 7 : i32
      %add3A_863 = arith.addi %mul3A_56, %add3A_862 : i32
      %get3A_864 = arith.index_cast %add3A_863 : i32 to index
      %get3A_865 = arith.constant 64 : index
      %get3A_866 = tpu.vector_load %arg4[%get3A_864, %get3A_865] {strides = array<i32>} : memref<336x151xf32, #tpu.memory_space<vmem>>, vector<16xf32>,
      %gt3A_867 = arith.cmpf ogt, %get3A_866, %select_n3A_860 : vector<16xf32>
      %select_n3A_868 = arith.select %gt3A_867, %get3A_866, %select_n3A_860 : vector<16xi1>, vector<16xf32>
      %select_n3A_869 = arith.select %gt3A_867, %add3A_16, %select_n3A_861 : vector<16xi1>, vector<16xi32>
      %add3A_870 = arith.constant 7 : i32
      %add3A_871 = arith.addi %mul3A_56, %add3A_870 : i32
      %get3A_872 = arith.index_cast %add3A_871 : i32 to index
      %get3A_873 = arith.constant 80 : index
      %get3A_874 = tpu.vector_load %arg4[%get3A_872, %get3A_873] {strides = array<i32>} : memref<336x151xf32, #tpu.memory_space<vmem>>, vector<16xf32>,
      %gt3A_875 = arith.cmpf ogt, %get3A_874, %select_n3A_868 : vector<16xf32>
      %select_n3A_876 = arith.select %gt3A_875, %get3A_874, %select_n3A_868 : vector<16xi1>, vector<16xf32>
      %select_n3A_877 = arith.select %gt3A_875, %add3A_19, %select_n3A_869 : vector<16xi1>, vector<16xi32>
      %add3A_878 = arith.constant 7 : i32
      %add3A_879 = arith.addi %mul3A_56, %add3A_878 : i32
      %get3A_880 = arith.index_cast %add3A_879 : i32 to index
      %get3A_881 = arith.constant 96 : index
      %get3A_882 = tpu.vector_load %arg4[%get3A_880, %get3A_881] {strides = array<i32>} : memref<336x151xf32, #tpu.memory_space<vmem>>, vector<16xf32>,
      %gt3A_883 = arith.cmpf ogt, %get3A_882, %select_n3A_876 : vector<16xf32>
      %select_n3A_884 = arith.select %gt3A_883, %get3A_882, %select_n3A_876 : vector<16xi1>, vector<16xf32>
      %select_n3A_885 = arith.select %gt3A_883, %add3A_22, %select_n3A_877 : vector<16xi1>, vector<16xi32>
      %add3A_886 = arith.constant 7 : i32
      %add3A_887 = arith.addi %mul3A_56, %add3A_886 : i32
      %get3A_888 = arith.index_cast %add3A_887 : i32 to index
      %get3A_889 = arith.constant 112 : index
      %get3A_890 = tpu.vector_load %arg4[%get3A_888, %get3A_889] {strides = array<i32>} : memref<336x151xf32, #tpu.memory_space<vmem>>, vector<16xf32>,
      %gt3A_891 = arith.cmpf ogt, %get3A_890, %select_n3A_884 : vector<16xf32>
      %select_n3A_892 = arith.select %gt3A_891, %get3A_890, %select_n3A_884 : vector<16xi1>, vector<16xf32>
      %select_n3A_893 = arith.select %gt3A_891, %add3A_25, %select_n3A_885 : vector<16xi1>, vector<16xi32>
      %add3A_894 = arith.constant 7 : i32
      %add3A_895 = arith.addi %mul3A_56, %add3A_894 : i32
      %get3A_896 = arith.index_cast %add3A_895 : i32 to index
      %get3A_897 = arith.constant 128 : index
      %get3A_898 = tpu.vector_load %arg4[%get3A_896, %get3A_897] {strides = array<i32>} : memref<336x151xf32, #tpu.memory_space<vmem>>, vector<16xf32>,
      %gt3A_899 = arith.cmpf ogt, %get3A_898, %select_n3A_892 : vector<16xf32>
      %select_n3A_900 = arith.select %gt3A_899, %get3A_898, %select_n3A_892 : vector<16xi1>, vector<16xf32>
      %select_n3A_901 = arith.select %gt3A_899, %add3A_28, %select_n3A_893 : vector<16xi1>, vector<16xi32>
      %add3A_902 = arith.constant 7 : i32
      %add3A_903 = arith.addi %mul3A_56, %add3A_902 : i32
      %get3A_904 = arith.index_cast %add3A_903 : i32 to index
      %get3A_905 = arith.constant 135 : index
      %get3A_906 = tpu.vector_load %arg4[%get3A_904, %get3A_905] {strides = array<i32>} : memref<336x151xf32, #tpu.memory_space<vmem>>, vector<16xf32>,
      %gt3A_907 = arith.cmpf ogt, %get3A_906, %select_n3A_900 : vector<16xf32>
      %select_n3A_908 = arith.select %gt3A_907, %get3A_906, %select_n3A_900 : vector<16xi1>, vector<16xf32>
      %select_n3A_909 = arith.select %gt3A_907, %add3A_31, %select_n3A_901 : vector<16xi1>, vector<16xi32>
      %reduce_max3A_910 = arith.constant true
      %reduce_max3A_911 = vector.broadcast %reduce_max3A_910 : i1 to vector<16xi1>
      %reduce_max3A_912 = tpu.scan <max>, %select_n3A_908 masked %reduce_max3A_911 : vector<16xf32>, vector<16xi1> -> vector<16xf32>
      %reduce_max3A_913 = vector.extract %reduce_max3A_912[15] : f32 from vector<16xf32>
      %eq3A_914 = vector.broadcast %reduce_max3A_913 : f32 to vector<16xf32>
      %eq3A_915 = arith.cmpf oeq, %select_n3A_908, %eq3A_914 : vector<16xf32>
      %jit3A_916 = arith.constant 151 : i32
      %broadcast_in_dim3A_917 = vector.broadcast %jit3A_916 : i32 to vector<16xi32>
      %select_n3A_918 = arith.select %eq3A_915, %select_n3A_909, %broadcast_in_dim3A_917 : vector<16xi1>, vector<16xi32>
      %eq3A_919 = arith.constant 7 : i32
      %eq3A_920 = vector.broadcast %eq3A_919 : i32 to vector<16xi32>
      %eq3A_921 = arith.cmpi eq, %iota3A, %eq3A_920 : vector<16xi32>
      %reduce_min3A_922 = arith.constant true
      %reduce_min3A_923 = vector.broadcast %reduce_min3A_922 : i1 to vector<16xi1>
      %reduce_min3A_924 = arith.constant -2147483648 : i32
      %reduce_min3A_925 = vector.broadcast %reduce_min3A_924 : i32 to vector<16xi32>
      %reduce_min3A_926 = arith.xori %select_n3A_918, %reduce_min3A_925 : vector<16xi32>
      %reduce_min3A_927 = tpu.scan <min>, %reduce_min3A_926 masked %reduce_min3A_923 : vector<16xi32>, vector<16xi1> -> vector<16xi32>
      %reduce_min3A_928 = arith.xori %reduce_min3A_927, %reduce_min3A_925 : vector<16xi32>
      %reduce_min3A_929 = vector.extract %reduce_min3A_928[15] : i32 from vector<16xi32>
      %broadcast_in_dim3A_930 = vector.broadcast %reduce_min3A_929 : i32 to vector<16xi32>
      %select_n3A_931 = arith.select %eq3A_921, %broadcast_in_dim3A_930, %select_n3A_821 : vector<16xi1>, vector<16xi32>
      %broadcast_in_dim3A_932 = arith.constant 0xFF800000 : f32
      %broadcast_in_dim3A_933 = vector.broadcast %broadcast_in_dim3A_932 : f32 to vector<16xf32>
      %broadcast_in_dim3A_934 = arith.constant 1 : i32
      %broadcast_in_dim3A_935 = vector.broadcast %broadcast_in_dim3A_934 : i32 to vector<16xi32>
      %add3A_936 = arith.constant 8 : i32
      %add3A_937 = arith.addi %mul3A_56, %add3A_936 : i32
      %get3A_938 = arith.index_cast %add3A_937 : i32 to index
      %get3A_939 = arith.constant 0 : index
      %get3A_940 = tpu.vector_load %arg4[%get3A_938, %get3A_939] {strides = array<i32>} : memref<336x151xf32, #tpu.memory_space<vmem>>, vector<16xf32>,
      %eq3A_941 = arith.constant 0 : i32
      %eq3A_942 = vector.broadcast %eq3A_941 : i32 to vector<16xi32>
      %eq3A_943 = arith.cmpi eq, %iota3A, %eq3A_942 : vector<16xi32>
      %select_n3A_944 = arith.select %eq3A_943, %broadcast_in_dim3A_1, %get3A_940 : vector<16xi1>, vector<16xf32>
      %gt3A_945 = arith.cmpf ogt, %select_n3A_944, %broadcast_in_dim3A_933 : vector<16xf32>
      %select_n3A_946 = arith.select %gt3A_945, %select_n3A_944, %broadcast_in_dim3A_933 : vector<16xi1>, vector<16xf32>
      %select_n3A_947 = arith.select %gt3A_945, %add3A_4, %broadcast_in_dim3A_935 : vector<16xi1>, vector<16xi32>
      %add3A_948 = arith.constant 8 : i32
      %add3A_949 = arith.addi %mul3A_56, %add3A_948 : i32
      %get3A_950 = arith.index_cast %add3A_949 : i32 to index
      %get3A_951 = arith.constant 16 : index
      %get3A_952 = tpu.vector_load %arg4[%get3A_950, %get3A_951] {strides = array<i32>} : memref<336x151xf32, #tpu.memory_space<vmem>>, vector<16xf32>,
      %gt3A_953 = arith.cmpf ogt, %get3A_952, %select_n3A_946 : vector<16xf32>
      %select_n3A_954 = arith.select %gt3A_953, %get3A_952, %select_n3A_946 : vector<16xi1>, vector<16xf32>
      %select_n3A_955 = arith.select %gt3A_953, %add3A_7, %select_n3A_947 : vector<16xi1>, vector<16xi32>
      %add3A_956 = arith.constant 8 : i32
      %add3A_957 = arith.addi %mul3A_56, %add3A_956 : i32
      %get3A_958 = arith.index_cast %add3A_957 : i32 to index
      %get3A_959 = arith.constant 32 : index
      %get3A_960 = tpu.vector_load %arg4[%get3A_958, %get3A_959] {strides = array<i32>} : memref<336x151xf32, #tpu.memory_space<vmem>>, vector<16xf32>,
      %gt3A_961 = arith.cmpf ogt, %get3A_960, %select_n3A_954 : vector<16xf32>
      %select_n3A_962 = arith.select %gt3A_961, %get3A_960, %select_n3A_954 : vector<16xi1>, vector<16xf32>
      %select_n3A_963 = arith.select %gt3A_961, %add3A_10, %select_n3A_955 : vector<16xi1>, vector<16xi32>
      %add3A_964 = arith.constant 8 : i32
      %add3A_965 = arith.addi %mul3A_56, %add3A_964 : i32
      %get3A_966 = arith.index_cast %add3A_965 : i32 to index
      %get3A_967 = arith.constant 48 : index
      %get3A_968 = tpu.vector_load %arg4[%get3A_966, %get3A_967] {strides = array<i32>} : memref<336x151xf32, #tpu.memory_space<vmem>>, vector<16xf32>,
      %gt3A_969 = arith.cmpf ogt, %get3A_968, %select_n3A_962 : vector<16xf32>
      %select_n3A_970 = arith.select %gt3A_969, %get3A_968, %select_n3A_962 : vector<16xi1>, vector<16xf32>
      %select_n3A_971 = arith.select %gt3A_969, %add3A_13, %select_n3A_963 : vector<16xi1>, vector<16xi32>
      %add3A_972 = arith.constant 8 : i32
      %add3A_973 = arith.addi %mul3A_56, %add3A_972 : i32
      %get3A_974 = arith.index_cast %add3A_973 : i32 to index
      %get3A_975 = arith.constant 64 : index
      %get3A_976 = tpu.vector_load %arg4[%get3A_974, %get3A_975] {strides = array<i32>} : memref<336x151xf32, #tpu.memory_space<vmem>>, vector<16xf32>,
      %gt3A_977 = arith.cmpf ogt, %get3A_976, %select_n3A_970 : vector<16xf32>
      %select_n3A_978 = arith.select %gt3A_977, %get3A_976, %select_n3A_970 : vector<16xi1>, vector<16xf32>
      %select_n3A_979 = arith.select %gt3A_977, %add3A_16, %select_n3A_971 : vector<16xi1>, vector<16xi32>
      %add3A_980 = arith.constant 8 : i32
      %add3A_981 = arith.addi %mul3A_56, %add3A_980 : i32
      %get3A_982 = arith.index_cast %add3A_981 : i32 to index
      %get3A_983 = arith.constant 80 : index
      %get3A_984 = tpu.vector_load %arg4[%get3A_982, %get3A_983] {strides = array<i32>} : memref<336x151xf32, #tpu.memory_space<vmem>>, vector<16xf32>,
      %gt3A_985 = arith.cmpf ogt, %get3A_984, %select_n3A_978 : vector<16xf32>
      %select_n3A_986 = arith.select %gt3A_985, %get3A_984, %select_n3A_978 : vector<16xi1>, vector<16xf32>
      %select_n3A_987 = arith.select %gt3A_985, %add3A_19, %select_n3A_979 : vector<16xi1>, vector<16xi32>
      %add3A_988 = arith.constant 8 : i32
      %add3A_989 = arith.addi %mul3A_56, %add3A_988 : i32
      %get3A_990 = arith.index_cast %add3A_989 : i32 to index
      %get3A_991 = arith.constant 96 : index
      %get3A_992 = tpu.vector_load %arg4[%get3A_990, %get3A_991] {strides = array<i32>} : memref<336x151xf32, #tpu.memory_space<vmem>>, vector<16xf32>,
      %gt3A_993 = arith.cmpf ogt, %get3A_992, %select_n3A_986 : vector<16xf32>
      %select_n3A_994 = arith.select %gt3A_993, %get3A_992, %select_n3A_986 : vector<16xi1>, vector<16xf32>
      %select_n3A_995 = arith.select %gt3A_993, %add3A_22, %select_n3A_987 : vector<16xi1>, vector<16xi32>
      %add3A_996 = arith.constant 8 : i32
      %add3A_997 = arith.addi %mul3A_56, %add3A_996 : i32
      %get3A_998 = arith.index_cast %add3A_997 : i32 to index
      %get3A_999 = arith.constant 112 : index
      %get3A_1000 = tpu.vector_load %arg4[%get3A_998, %get3A_999] {strides = array<i32>} : memref<336x151xf32, #tpu.memory_space<vmem>>, vector<16xf32>,
      %gt3A_1001 = arith.cmpf ogt, %get3A_1000, %select_n3A_994 : vector<16xf32>
      %select_n3A_1002 = arith.select %gt3A_1001, %get3A_1000, %select_n3A_994 : vector<16xi1>, vector<16xf32>
      %select_n3A_1003 = arith.select %gt3A_1001, %add3A_25, %select_n3A_995 : vector<16xi1>, vector<16xi32>
      %add3A_1004 = arith.constant 8 : i32
      %add3A_1005 = arith.addi %mul3A_56, %add3A_1004 : i32
      %get3A_1006 = arith.index_cast %add3A_1005 : i32 to index
      %get3A_1007 = arith.constant 128 : index
      %get3A_1008 = tpu.vector_load %arg4[%get3A_1006, %get3A_1007] {strides = array<i32>} : memref<336x151xf32, #tpu.memory_space<vmem>>, vector<16xf32>,
      %gt3A_1009 = arith.cmpf ogt, %get3A_1008, %select_n3A_1002 : vector<16xf32>
      %select_n3A_1010 = arith.select %gt3A_1009, %get3A_1008, %select_n3A_1002 : vector<16xi1>, vector<16xf32>
      %select_n3A_1011 = arith.select %gt3A_1009, %add3A_28, %select_n3A_1003 : vector<16xi1>, vector<16xi32>
      %add3A_1012 = arith.constant 8 : i32
      %add3A_1013 = arith.addi %mul3A_56, %add3A_1012 : i32
      %get3A_1014 = arith.index_cast %add3A_1013 : i32 to index
      %get3A_1015 = arith.constant 135 : index
      %get3A_1016 = tpu.vector_load %arg4[%get3A_1014, %get3A_1015] {strides = array<i32>} : memref<336x151xf32, #tpu.memory_space<vmem>>, vector<16xf32>,
      %gt3A_1017 = arith.cmpf ogt, %get3A_1016, %select_n3A_1010 : vector<16xf32>
      %select_n3A_1018 = arith.select %gt3A_1017, %get3A_1016, %select_n3A_1010 : vector<16xi1>, vector<16xf32>
      %select_n3A_1019 = arith.select %gt3A_1017, %add3A_31, %select_n3A_1011 : vector<16xi1>, vector<16xi32>
      %reduce_max3A_1020 = arith.constant true
      %reduce_max3A_1021 = vector.broadcast %reduce_max3A_1020 : i1 to vector<16xi1>
      %reduce_max3A_1022 = tpu.scan <max>, %select_n3A_1018 masked %reduce_max3A_1021 : vector<16xf32>, vector<16xi1> -> vector<16xf32>
      %reduce_max3A_1023 = vector.extract %reduce_max3A_1022[15] : f32 from vector<16xf32>
      %eq3A_1024 = vector.broadcast %reduce_max3A_1023 : f32 to vector<16xf32>
      %eq3A_1025 = arith.cmpf oeq, %select_n3A_1018, %eq3A_1024 : vector<16xf32>
      %jit3A_1026 = arith.constant 151 : i32
      %broadcast_in_dim3A_1027 = vector.broadcast %jit3A_1026 : i32 to vector<16xi32>
      %select_n3A_1028 = arith.select %eq3A_1025, %select_n3A_1019, %broadcast_in_dim3A_1027 : vector<16xi1>, vector<16xi32>
      %eq3A_1029 = arith.constant 8 : i32
      %eq3A_1030 = vector.broadcast %eq3A_1029 : i32 to vector<16xi32>
      %eq3A_1031 = arith.cmpi eq, %iota3A, %eq3A_1030 : vector<16xi32>
      %reduce_min3A_1032 = arith.constant true
      %reduce_min3A_1033 = vector.broadcast %reduce_min3A_1032 : i1 to vector<16xi1>
      %reduce_min3A_1034 = arith.constant -2147483648 : i32
      %reduce_min3A_1035 = vector.broadcast %reduce_min3A_1034 : i32 to vector<16xi32>
      %reduce_min3A_1036 = arith.xori %select_n3A_1028, %reduce_min3A_1035 : vector<16xi32>
      %reduce_min3A_1037 = tpu.scan <min>, %reduce_min3A_1036 masked %reduce_min3A_1033 : vector<16xi32>, vector<16xi1> -> vector<16xi32>
      %reduce_min3A_1038 = arith.xori %reduce_min3A_1037, %reduce_min3A_1035 : vector<16xi32>
      %reduce_min3A_1039 = vector.extract %reduce_min3A_1038[15] : i32 from vector<16xi32>
      %broadcast_in_dim3A_1040 = vector.broadcast %reduce_min3A_1039 : i32 to vector<16xi32>
      %select_n3A_1041 = arith.select %eq3A_1031, %broadcast_in_dim3A_1040, %select_n3A_931 : vector<16xi1>, vector<16xi32>
      %broadcast_in_dim3A_1042 = arith.constant 0xFF800000 : f32
      %broadcast_in_dim3A_1043 = vector.broadcast %broadcast_in_dim3A_1042 : f32 to vector<16xf32>
      %broadcast_in_dim3A_1044 = arith.constant 1 : i32
      %broadcast_in_dim3A_1045 = vector.broadcast %broadcast_in_dim3A_1044 : i32 to vector<16xi32>
      %add3A_1046 = arith.constant 9 : i32
      %add3A_1047 = arith.addi %mul3A_56, %add3A_1046 : i32
      %get3A_1048 = arith.index_cast %add3A_1047 : i32 to index
      %get3A_1049 = arith.constant 0 : index
      %get3A_1050 = tpu.vector_load %arg4[%get3A_1048, %get3A_1049] {strides = array<i32>} : memref<336x151xf32, #tpu.memory_space<vmem>>, vector<16xf32>,
      %eq3A_1051 = arith.constant 0 : i32
      %eq3A_1052 = vector.broadcast %eq3A_1051 : i32 to vector<16xi32>
      %eq3A_1053 = arith.cmpi eq, %iota3A, %eq3A_1052 : vector<16xi32>
      %select_n3A_1054 = arith.select %eq3A_1053, %broadcast_in_dim3A_1, %get3A_1050 : vector<16xi1>, vector<16xf32>
      %gt3A_1055 = arith.cmpf ogt, %select_n3A_1054, %broadcast_in_dim3A_1043 : vector<16xf32>
      %select_n3A_1056 = arith.select %gt3A_1055, %select_n3A_1054, %broadcast_in_dim3A_1043 : vector<16xi1>, vector<16xf32>
      %select_n3A_1057 = arith.select %gt3A_1055, %add3A_4, %broadcast_in_dim3A_1045 : vector<16xi1>, vector<16xi32>
      %add3A_1058 = arith.constant 9 : i32
      %add3A_1059 = arith.addi %mul3A_56, %add3A_1058 : i32
      %get3A_1060 = arith.index_cast %add3A_1059 : i32 to index
      %get3A_1061 = arith.constant 16 : index
      %get3A_1062 = tpu.vector_load %arg4[%get3A_1060, %get3A_1061] {strides = array<i32>} : memref<336x151xf32, #tpu.memory_space<vmem>>, vector<16xf32>,
      %gt3A_1063 = arith.cmpf ogt, %get3A_1062, %select_n3A_1056 : vector<16xf32>
      %select_n3A_1064 = arith.select %gt3A_1063, %get3A_1062, %select_n3A_1056 : vector<16xi1>, vector<16xf32>
      %select_n3A_1065 = arith.select %gt3A_1063, %add3A_7, %select_n3A_1057 : vector<16xi1>, vector<16xi32>
      %add3A_1066 = arith.constant 9 : i32
      %add3A_1067 = arith.addi %mul3A_56, %add3A_1066 : i32
      %get3A_1068 = arith.index_cast %add3A_1067 : i32 to index
      %get3A_1069 = arith.constant 32 : index
      %get3A_1070 = tpu.vector_load %arg4[%get3A_1068, %get3A_1069] {strides = array<i32>} : memref<336x151xf32, #tpu.memory_space<vmem>>, vector<16xf32>,
      %gt3A_1071 = arith.cmpf ogt, %get3A_1070, %select_n3A_1064 : vector<16xf32>
      %select_n3A_1072 = arith.select %gt3A_1071, %get3A_1070, %select_n3A_1064 : vector<16xi1>, vector<16xf32>
      %select_n3A_1073 = arith.select %gt3A_1071, %add3A_10, %select_n3A_1065 : vector<16xi1>, vector<16xi32>
      %add3A_1074 = arith.constant 9 : i32
      %add3A_1075 = arith.addi %mul3A_56, %add3A_1074 : i32
      %get3A_1076 = arith.index_cast %add3A_1075 : i32 to index
      %get3A_1077 = arith.constant 48 : index
      %get3A_1078 = tpu.vector_load %arg4[%get3A_1076, %get3A_1077] {strides = array<i32>} : memref<336x151xf32, #tpu.memory_space<vmem>>, vector<16xf32>,
      %gt3A_1079 = arith.cmpf ogt, %get3A_1078, %select_n3A_1072 : vector<16xf32>
      %select_n3A_1080 = arith.select %gt3A_1079, %get3A_1078, %select_n3A_1072 : vector<16xi1>, vector<16xf32>
      %select_n3A_1081 = arith.select %gt3A_1079, %add3A_13, %select_n3A_1073 : vector<16xi1>, vector<16xi32>
      %add3A_1082 = arith.constant 9 : i32
      %add3A_1083 = arith.addi %mul3A_56, %add3A_1082 : i32
      %get3A_1084 = arith.index_cast %add3A_1083 : i32 to index
      %get3A_1085 = arith.constant 64 : index
      %get3A_1086 = tpu.vector_load %arg4[%get3A_1084, %get3A_1085] {strides = array<i32>} : memref<336x151xf32, #tpu.memory_space<vmem>>, vector<16xf32>,
      %gt3A_1087 = arith.cmpf ogt, %get3A_1086, %select_n3A_1080 : vector<16xf32>
      %select_n3A_1088 = arith.select %gt3A_1087, %get3A_1086, %select_n3A_1080 : vector<16xi1>, vector<16xf32>
      %select_n3A_1089 = arith.select %gt3A_1087, %add3A_16, %select_n3A_1081 : vector<16xi1>, vector<16xi32>
      %add3A_1090 = arith.constant 9 : i32
      %add3A_1091 = arith.addi %mul3A_56, %add3A_1090 : i32
      %get3A_1092 = arith.index_cast %add3A_1091 : i32 to index
      %get3A_1093 = arith.constant 80 : index
      %get3A_1094 = tpu.vector_load %arg4[%get3A_1092, %get3A_1093] {strides = array<i32>} : memref<336x151xf32, #tpu.memory_space<vmem>>, vector<16xf32>,
      %gt3A_1095 = arith.cmpf ogt, %get3A_1094, %select_n3A_1088 : vector<16xf32>
      %select_n3A_1096 = arith.select %gt3A_1095, %get3A_1094, %select_n3A_1088 : vector<16xi1>, vector<16xf32>
      %select_n3A_1097 = arith.select %gt3A_1095, %add3A_19, %select_n3A_1089 : vector<16xi1>, vector<16xi32>
      %add3A_1098 = arith.constant 9 : i32
      %add3A_1099 = arith.addi %mul3A_56, %add3A_1098 : i32
      %get3A_1100 = arith.index_cast %add3A_1099 : i32 to index
      %get3A_1101 = arith.constant 96 : index
      %get3A_1102 = tpu.vector_load %arg4[%get3A_1100, %get3A_1101] {strides = array<i32>} : memref<336x151xf32, #tpu.memory_space<vmem>>, vector<16xf32>,
      %gt3A_1103 = arith.cmpf ogt, %get3A_1102, %select_n3A_1096 : vector<16xf32>
      %select_n3A_1104 = arith.select %gt3A_1103, %get3A_1102, %select_n3A_1096 : vector<16xi1>, vector<16xf32>
      %select_n3A_1105 = arith.select %gt3A_1103, %add3A_22, %select_n3A_1097 : vector<16xi1>, vector<16xi32>
      %add3A_1106 = arith.constant 9 : i32
      %add3A_1107 = arith.addi %mul3A_56, %add3A_1106 : i32
      %get3A_1108 = arith.index_cast %add3A_1107 : i32 to index
      %get3A_1109 = arith.constant 112 : index
      %get3A_1110 = tpu.vector_load %arg4[%get3A_1108, %get3A_1109] {strides = array<i32>} : memref<336x151xf32, #tpu.memory_space<vmem>>, vector<16xf32>,
      %gt3A_1111 = arith.cmpf ogt, %get3A_1110, %select_n3A_1104 : vector<16xf32>
      %select_n3A_1112 = arith.select %gt3A_1111, %get3A_1110, %select_n3A_1104 : vector<16xi1>, vector<16xf32>
      %select_n3A_1113 = arith.select %gt3A_1111, %add3A_25, %select_n3A_1105 : vector<16xi1>, vector<16xi32>
      %add3A_1114 = arith.constant 9 : i32
      %add3A_1115 = arith.addi %mul3A_56, %add3A_1114 : i32
      %get3A_1116 = arith.index_cast %add3A_1115 : i32 to index
      %get3A_1117 = arith.constant 128 : index
      %get3A_1118 = tpu.vector_load %arg4[%get3A_1116, %get3A_1117] {strides = array<i32>} : memref<336x151xf32, #tpu.memory_space<vmem>>, vector<16xf32>,
      %gt3A_1119 = arith.cmpf ogt, %get3A_1118, %select_n3A_1112 : vector<16xf32>
      %select_n3A_1120 = arith.select %gt3A_1119, %get3A_1118, %select_n3A_1112 : vector<16xi1>, vector<16xf32>
      %select_n3A_1121 = arith.select %gt3A_1119, %add3A_28, %select_n3A_1113 : vector<16xi1>, vector<16xi32>
      %add3A_1122 = arith.constant 9 : i32
      %add3A_1123 = arith.addi %mul3A_56, %add3A_1122 : i32
      %get3A_1124 = arith.index_cast %add3A_1123 : i32 to index
      %get3A_1125 = arith.constant 135 : index
      %get3A_1126 = tpu.vector_load %arg4[%get3A_1124, %get3A_1125] {strides = array<i32>} : memref<336x151xf32, #tpu.memory_space<vmem>>, vector<16xf32>,
      %gt3A_1127 = arith.cmpf ogt, %get3A_1126, %select_n3A_1120 : vector<16xf32>
      %select_n3A_1128 = arith.select %gt3A_1127, %get3A_1126, %select_n3A_1120 : vector<16xi1>, vector<16xf32>
      %select_n3A_1129 = arith.select %gt3A_1127, %add3A_31, %select_n3A_1121 : vector<16xi1>, vector<16xi32>
      %reduce_max3A_1130 = arith.constant true
      %reduce_max3A_1131 = vector.broadcast %reduce_max3A_1130 : i1 to vector<16xi1>
      %reduce_max3A_1132 = tpu.scan <max>, %select_n3A_1128 masked %reduce_max3A_1131 : vector<16xf32>, vector<16xi1> -> vector<16xf32>
      %reduce_max3A_1133 = vector.extract %reduce_max3A_1132[15] : f32 from vector<16xf32>
      %eq3A_1134 = vector.broadcast %reduce_max3A_1133 : f32 to vector<16xf32>
      %eq3A_1135 = arith.cmpf oeq, %select_n3A_1128, %eq3A_1134 : vector<16xf32>
      %jit3A_1136 = arith.constant 151 : i32
      %broadcast_in_dim3A_1137 = vector.broadcast %jit3A_1136 : i32 to vector<16xi32>
      %select_n3A_1138 = arith.select %eq3A_1135, %select_n3A_1129, %broadcast_in_dim3A_1137 : vector<16xi1>, vector<16xi32>
      %eq3A_1139 = arith.constant 9 : i32
      %eq3A_1140 = vector.broadcast %eq3A_1139 : i32 to vector<16xi32>
      %eq3A_1141 = arith.cmpi eq, %iota3A, %eq3A_1140 : vector<16xi32>
      %reduce_min3A_1142 = arith.constant true
      %reduce_min3A_1143 = vector.broadcast %reduce_min3A_1142 : i1 to vector<16xi1>
      %reduce_min3A_1144 = arith.constant -2147483648 : i32
      %reduce_min3A_1145 = vector.broadcast %reduce_min3A_1144 : i32 to vector<16xi32>
      %reduce_min3A_1146 = arith.xori %select_n3A_1138, %reduce_min3A_1145 : vector<16xi32>
      %reduce_min3A_1147 = tpu.scan <min>, %reduce_min3A_1146 masked %reduce_min3A_1143 : vector<16xi32>, vector<16xi1> -> vector<16xi32>
      %reduce_min3A_1148 = arith.xori %reduce_min3A_1147, %reduce_min3A_1145 : vector<16xi32>
      %reduce_min3A_1149 = vector.extract %reduce_min3A_1148[15] : i32 from vector<16xi32>
      %broadcast_in_dim3A_1150 = vector.broadcast %reduce_min3A_1149 : i32 to vector<16xi32>
      %select_n3A_1151 = arith.select %eq3A_1141, %broadcast_in_dim3A_1150, %select_n3A_1041 : vector<16xi1>, vector<16xi32>
      %broadcast_in_dim3A_1152 = arith.constant 0xFF800000 : f32
      %broadcast_in_dim3A_1153 = vector.broadcast %broadcast_in_dim3A_1152 : f32 to vector<16xf32>
      %broadcast_in_dim3A_1154 = arith.constant 1 : i32
      %broadcast_in_dim3A_1155 = vector.broadcast %broadcast_in_dim3A_1154 : i32 to vector<16xi32>
      %add3A_1156 = arith.constant 10 : i32
      %add3A_1157 = arith.addi %mul3A_56, %add3A_1156 : i32
      %get3A_1158 = arith.index_cast %add3A_1157 : i32 to index
      %get3A_1159 = arith.constant 0 : index
      %get3A_1160 = tpu.vector_load %arg4[%get3A_1158, %get3A_1159] {strides = array<i32>} : memref<336x151xf32, #tpu.memory_space<vmem>>, vector<16xf32>,
      %eq3A_1161 = arith.constant 0 : i32
      %eq3A_1162 = vector.broadcast %eq3A_1161 : i32 to vector<16xi32>
      %eq3A_1163 = arith.cmpi eq, %iota3A, %eq3A_1162 : vector<16xi32>
      %select_n3A_1164 = arith.select %eq3A_1163, %broadcast_in_dim3A_1, %get3A_1160 : vector<16xi1>, vector<16xf32>
      %gt3A_1165 = arith.cmpf ogt, %select_n3A_1164, %broadcast_in_dim3A_1153 : vector<16xf32>
      %select_n3A_1166 = arith.select %gt3A_1165, %select_n3A_1164, %broadcast_in_dim3A_1153 : vector<16xi1>, vector<16xf32>
      %select_n3A_1167 = arith.select %gt3A_1165, %add3A_4, %broadcast_in_dim3A_1155 : vector<16xi1>, vector<16xi32>
      %add3A_1168 = arith.constant 10 : i32
      %add3A_1169 = arith.addi %mul3A_56, %add3A_1168 : i32
      %get3A_1170 = arith.index_cast %add3A_1169 : i32 to index
      %get3A_1171 = arith.constant 16 : index
      %get3A_1172 = tpu.vector_load %arg4[%get3A_1170, %get3A_1171] {strides = array<i32>} : memref<336x151xf32, #tpu.memory_space<vmem>>, vector<16xf32>,
      %gt3A_1173 = arith.cmpf ogt, %get3A_1172, %select_n3A_1166 : vector<16xf32>
      %select_n3A_1174 = arith.select %gt3A_1173, %get3A_1172, %select_n3A_1166 : vector<16xi1>, vector<16xf32>
      %select_n3A_1175 = arith.select %gt3A_1173, %add3A_7, %select_n3A_1167 : vector<16xi1>, vector<16xi32>
      %add3A_1176 = arith.constant 10 : i32
      %add3A_1177 = arith.addi %mul3A_56, %add3A_1176 : i32
      %get3A_1178 = arith.index_cast %add3A_1177 : i32 to index
      %get3A_1179 = arith.constant 32 : index
      %get3A_1180 = tpu.vector_load %arg4[%get3A_1178, %get3A_1179] {strides = array<i32>} : memref<336x151xf32, #tpu.memory_space<vmem>>, vector<16xf32>,
      %gt3A_1181 = arith.cmpf ogt, %get3A_1180, %select_n3A_1174 : vector<16xf32>
      %select_n3A_1182 = arith.select %gt3A_1181, %get3A_1180, %select_n3A_1174 : vector<16xi1>, vector<16xf32>
      %select_n3A_1183 = arith.select %gt3A_1181, %add3A_10, %select_n3A_1175 : vector<16xi1>, vector<16xi32>
      %add3A_1184 = arith.constant 10 : i32
      %add3A_1185 = arith.addi %mul3A_56, %add3A_1184 : i32
      %get3A_1186 = arith.index_cast %add3A_1185 : i32 to index
      %get3A_1187 = arith.constant 48 : index
      %get3A_1188 = tpu.vector_load %arg4[%get3A_1186, %get3A_1187] {strides = array<i32>} : memref<336x151xf32, #tpu.memory_space<vmem>>, vector<16xf32>,
      %gt3A_1189 = arith.cmpf ogt, %get3A_1188, %select_n3A_1182 : vector<16xf32>
      %select_n3A_1190 = arith.select %gt3A_1189, %get3A_1188, %select_n3A_1182 : vector<16xi1>, vector<16xf32>
      %select_n3A_1191 = arith.select %gt3A_1189, %add3A_13, %select_n3A_1183 : vector<16xi1>, vector<16xi32>
      %add3A_1192 = arith.constant 10 : i32
      %add3A_1193 = arith.addi %mul3A_56, %add3A_1192 : i32
      %get3A_1194 = arith.index_cast %add3A_1193 : i32 to index
      %get3A_1195 = arith.constant 64 : index
      %get3A_1196 = tpu.vector_load %arg4[%get3A_1194, %get3A_1195] {strides = array<i32>} : memref<336x151xf32, #tpu.memory_space<vmem>>, vector<16xf32>,
      %gt3A_1197 = arith.cmpf ogt, %get3A_1196, %select_n3A_1190 : vector<16xf32>
      %select_n3A_1198 = arith.select %gt3A_1197, %get3A_1196, %select_n3A_1190 : vector<16xi1>, vector<16xf32>
      %select_n3A_1199 = arith.select %gt3A_1197, %add3A_16, %select_n3A_1191 : vector<16xi1>, vector<16xi32>
      %add3A_1200 = arith.constant 10 : i32
      %add3A_1201 = arith.addi %mul3A_56, %add3A_1200 : i32
      %get3A_1202 = arith.index_cast %add3A_1201 : i32 to index
      %get3A_1203 = arith.constant 80 : index
      %get3A_1204 = tpu.vector_load %arg4[%get3A_1202, %get3A_1203] {strides = array<i32>} : memref<336x151xf32, #tpu.memory_space<vmem>>, vector<16xf32>,
      %gt3A_1205 = arith.cmpf ogt, %get3A_1204, %select_n3A_1198 : vector<16xf32>
      %select_n3A_1206 = arith.select %gt3A_1205, %get3A_1204, %select_n3A_1198 : vector<16xi1>, vector<16xf32>
      %select_n3A_1207 = arith.select %gt3A_1205, %add3A_19, %select_n3A_1199 : vector<16xi1>, vector<16xi32>
      %add3A_1208 = arith.constant 10 : i32
      %add3A_1209 = arith.addi %mul3A_56, %add3A_1208 : i32
      %get3A_1210 = arith.index_cast %add3A_1209 : i32 to index
      %get3A_1211 = arith.constant 96 : index
      %get3A_1212 = tpu.vector_load %arg4[%get3A_1210, %get3A_1211] {strides = array<i32>} : memref<336x151xf32, #tpu.memory_space<vmem>>, vector<16xf32>,
      %gt3A_1213 = arith.cmpf ogt, %get3A_1212, %select_n3A_1206 : vector<16xf32>
      %select_n3A_1214 = arith.select %gt3A_1213, %get3A_1212, %select_n3A_1206 : vector<16xi1>, vector<16xf32>
      %select_n3A_1215 = arith.select %gt3A_1213, %add3A_22, %select_n3A_1207 : vector<16xi1>, vector<16xi32>
      %add3A_1216 = arith.constant 10 : i32
      %add3A_1217 = arith.addi %mul3A_56, %add3A_1216 : i32
      %get3A_1218 = arith.index_cast %add3A_1217 : i32 to index
      %get3A_1219 = arith.constant 112 : index
      %get3A_1220 = tpu.vector_load %arg4[%get3A_1218, %get3A_1219] {strides = array<i32>} : memref<336x151xf32, #tpu.memory_space<vmem>>, vector<16xf32>,
      %gt3A_1221 = arith.cmpf ogt, %get3A_1220, %select_n3A_1214 : vector<16xf32>
      %select_n3A_1222 = arith.select %gt3A_1221, %get3A_1220, %select_n3A_1214 : vector<16xi1>, vector<16xf32>
      %select_n3A_1223 = arith.select %gt3A_1221, %add3A_25, %select_n3A_1215 : vector<16xi1>, vector<16xi32>
      %add3A_1224 = arith.constant 10 : i32
      %add3A_1225 = arith.addi %mul3A_56, %add3A_1224 : i32
      %get3A_1226 = arith.index_cast %add3A_1225 : i32 to index
      %get3A_1227 = arith.constant 128 : index
      %get3A_1228 = tpu.vector_load %arg4[%get3A_1226, %get3A_1227] {strides = array<i32>} : memref<336x151xf32, #tpu.memory_space<vmem>>, vector<16xf32>,
      %gt3A_1229 = arith.cmpf ogt, %get3A_1228, %select_n3A_1222 : vector<16xf32>
      %select_n3A_1230 = arith.select %gt3A_1229, %get3A_1228, %select_n3A_1222 : vector<16xi1>, vector<16xf32>
      %select_n3A_1231 = arith.select %gt3A_1229, %add3A_28, %select_n3A_1223 : vector<16xi1>, vector<16xi32>
      %add3A_1232 = arith.constant 10 : i32
      %add3A_1233 = arith.addi %mul3A_56, %add3A_1232 : i32
      %get3A_1234 = arith.index_cast %add3A_1233 : i32 to index
      %get3A_1235 = arith.constant 135 : index
      %get3A_1236 = tpu.vector_load %arg4[%get3A_1234, %get3A_1235] {strides = array<i32>} : memref<336x151xf32, #tpu.memory_space<vmem>>, vector<16xf32>,
      %gt3A_1237 = arith.cmpf ogt, %get3A_1236, %select_n3A_1230 : vector<16xf32>
      %select_n3A_1238 = arith.select %gt3A_1237, %get3A_1236, %select_n3A_1230 : vector<16xi1>, vector<16xf32>
      %select_n3A_1239 = arith.select %gt3A_1237, %add3A_31, %select_n3A_1231 : vector<16xi1>, vector<16xi32>
      %reduce_max3A_1240 = arith.constant true
      %reduce_max3A_1241 = vector.broadcast %reduce_max3A_1240 : i1 to vector<16xi1>
      %reduce_max3A_1242 = tpu.scan <max>, %select_n3A_1238 masked %reduce_max3A_1241 : vector<16xf32>, vector<16xi1> -> vector<16xf32>
      %reduce_max3A_1243 = vector.extract %reduce_max3A_1242[15] : f32 from vector<16xf32>
      %eq3A_1244 = vector.broadcast %reduce_max3A_1243 : f32 to vector<16xf32>
      %eq3A_1245 = arith.cmpf oeq, %select_n3A_1238, %eq3A_1244 : vector<16xf32>
      %jit3A_1246 = arith.constant 151 : i32
      %broadcast_in_dim3A_1247 = vector.broadcast %jit3A_1246 : i32 to vector<16xi32>
      %select_n3A_1248 = arith.select %eq3A_1245, %select_n3A_1239, %broadcast_in_dim3A_1247 : vector<16xi1>, vector<16xi32>
      %eq3A_1249 = arith.constant 10 : i32
      %eq3A_1250 = vector.broadcast %eq3A_1249 : i32 to vector<16xi32>
      %eq3A_1251 = arith.cmpi eq, %iota3A, %eq3A_1250 : vector<16xi32>
      %reduce_min3A_1252 = arith.constant true
      %reduce_min3A_1253 = vector.broadcast %reduce_min3A_1252 : i1 to vector<16xi1>
      %reduce_min3A_1254 = arith.constant -2147483648 : i32
      %reduce_min3A_1255 = vector.broadcast %reduce_min3A_1254 : i32 to vector<16xi32>
      %reduce_min3A_1256 = arith.xori %select_n3A_1248, %reduce_min3A_1255 : vector<16xi32>
      %reduce_min3A_1257 = tpu.scan <min>, %reduce_min3A_1256 masked %reduce_min3A_1253 : vector<16xi32>, vector<16xi1> -> vector<16xi32>
      %reduce_min3A_1258 = arith.xori %reduce_min3A_1257, %reduce_min3A_1255 : vector<16xi32>
      %reduce_min3A_1259 = vector.extract %reduce_min3A_1258[15] : i32 from vector<16xi32>
      %broadcast_in_dim3A_1260 = vector.broadcast %reduce_min3A_1259 : i32 to vector<16xi32>
      %select_n3A_1261 = arith.select %eq3A_1251, %broadcast_in_dim3A_1260, %select_n3A_1151 : vector<16xi1>, vector<16xi32>
      %broadcast_in_dim3A_1262 = arith.constant 0xFF800000 : f32
      %broadcast_in_dim3A_1263 = vector.broadcast %broadcast_in_dim3A_1262 : f32 to vector<16xf32>
      %broadcast_in_dim3A_1264 = arith.constant 1 : i32
      %broadcast_in_dim3A_1265 = vector.broadcast %broadcast_in_dim3A_1264 : i32 to vector<16xi32>
      %add3A_1266 = arith.constant 11 : i32
      %add3A_1267 = arith.addi %mul3A_56, %add3A_1266 : i32
      %get3A_1268 = arith.index_cast %add3A_1267 : i32 to index
      %get3A_1269 = arith.constant 0 : index
      %get3A_1270 = tpu.vector_load %arg4[%get3A_1268, %get3A_1269] {strides = array<i32>} : memref<336x151xf32, #tpu.memory_space<vmem>>, vector<16xf32>,
      %eq3A_1271 = arith.constant 0 : i32
      %eq3A_1272 = vector.broadcast %eq3A_1271 : i32 to vector<16xi32>
      %eq3A_1273 = arith.cmpi eq, %iota3A, %eq3A_1272 : vector<16xi32>
      %select_n3A_1274 = arith.select %eq3A_1273, %broadcast_in_dim3A_1, %get3A_1270 : vector<16xi1>, vector<16xf32>
      %gt3A_1275 = arith.cmpf ogt, %select_n3A_1274, %broadcast_in_dim3A_1263 : vector<16xf32>
      %select_n3A_1276 = arith.select %gt3A_1275, %select_n3A_1274, %broadcast_in_dim3A_1263 : vector<16xi1>, vector<16xf32>
      %select_n3A_1277 = arith.select %gt3A_1275, %add3A_4, %broadcast_in_dim3A_1265 : vector<16xi1>, vector<16xi32>
      %add3A_1278 = arith.constant 11 : i32
      %add3A_1279 = arith.addi %mul3A_56, %add3A_1278 : i32
      %get3A_1280 = arith.index_cast %add3A_1279 : i32 to index
      %get3A_1281 = arith.constant 16 : index
      %get3A_1282 = tpu.vector_load %arg4[%get3A_1280, %get3A_1281] {strides = array<i32>} : memref<336x151xf32, #tpu.memory_space<vmem>>, vector<16xf32>,
      %gt3A_1283 = arith.cmpf ogt, %get3A_1282, %select_n3A_1276 : vector<16xf32>
      %select_n3A_1284 = arith.select %gt3A_1283, %get3A_1282, %select_n3A_1276 : vector<16xi1>, vector<16xf32>
      %select_n3A_1285 = arith.select %gt3A_1283, %add3A_7, %select_n3A_1277 : vector<16xi1>, vector<16xi32>
      %add3A_1286 = arith.constant 11 : i32
      %add3A_1287 = arith.addi %mul3A_56, %add3A_1286 : i32
      %get3A_1288 = arith.index_cast %add3A_1287 : i32 to index
      %get3A_1289 = arith.constant 32 : index
      %get3A_1290 = tpu.vector_load %arg4[%get3A_1288, %get3A_1289] {strides = array<i32>} : memref<336x151xf32, #tpu.memory_space<vmem>>, vector<16xf32>,
      %gt3A_1291 = arith.cmpf ogt, %get3A_1290, %select_n3A_1284 : vector<16xf32>
      %select_n3A_1292 = arith.select %gt3A_1291, %get3A_1290, %select_n3A_1284 : vector<16xi1>, vector<16xf32>
      %select_n3A_1293 = arith.select %gt3A_1291, %add3A_10, %select_n3A_1285 : vector<16xi1>, vector<16xi32>
      %add3A_1294 = arith.constant 11 : i32
      %add3A_1295 = arith.addi %mul3A_56, %add3A_1294 : i32
      %get3A_1296 = arith.index_cast %add3A_1295 : i32 to index
      %get3A_1297 = arith.constant 48 : index
      %get3A_1298 = tpu.vector_load %arg4[%get3A_1296, %get3A_1297] {strides = array<i32>} : memref<336x151xf32, #tpu.memory_space<vmem>>, vector<16xf32>,
      %gt3A_1299 = arith.cmpf ogt, %get3A_1298, %select_n3A_1292 : vector<16xf32>
      %select_n3A_1300 = arith.select %gt3A_1299, %get3A_1298, %select_n3A_1292 : vector<16xi1>, vector<16xf32>
      %select_n3A_1301 = arith.select %gt3A_1299, %add3A_13, %select_n3A_1293 : vector<16xi1>, vector<16xi32>
      %add3A_1302 = arith.constant 11 : i32
      %add3A_1303 = arith.addi %mul3A_56, %add3A_1302 : i32
      %get3A_1304 = arith.index_cast %add3A_1303 : i32 to index
      %get3A_1305 = arith.constant 64 : index
      %get3A_1306 = tpu.vector_load %arg4[%get3A_1304, %get3A_1305] {strides = array<i32>} : memref<336x151xf32, #tpu.memory_space<vmem>>, vector<16xf32>,
      %gt3A_1307 = arith.cmpf ogt, %get3A_1306, %select_n3A_1300 : vector<16xf32>
      %select_n3A_1308 = arith.select %gt3A_1307, %get3A_1306, %select_n3A_1300 : vector<16xi1>, vector<16xf32>
      %select_n3A_1309 = arith.select %gt3A_1307, %add3A_16, %select_n3A_1301 : vector<16xi1>, vector<16xi32>
      %add3A_1310 = arith.constant 11 : i32
      %add3A_1311 = arith.addi %mul3A_56, %add3A_1310 : i32
      %get3A_1312 = arith.index_cast %add3A_1311 : i32 to index
      %get3A_1313 = arith.constant 80 : index
      %get3A_1314 = tpu.vector_load %arg4[%get3A_1312, %get3A_1313] {strides = array<i32>} : memref<336x151xf32, #tpu.memory_space<vmem>>, vector<16xf32>,
      %gt3A_1315 = arith.cmpf ogt, %get3A_1314, %select_n3A_1308 : vector<16xf32>
      %select_n3A_1316 = arith.select %gt3A_1315, %get3A_1314, %select_n3A_1308 : vector<16xi1>, vector<16xf32>
      %select_n3A_1317 = arith.select %gt3A_1315, %add3A_19, %select_n3A_1309 : vector<16xi1>, vector<16xi32>
      %add3A_1318 = arith.constant 11 : i32
      %add3A_1319 = arith.addi %mul3A_56, %add3A_1318 : i32
      %get3A_1320 = arith.index_cast %add3A_1319 : i32 to index
      %get3A_1321 = arith.constant 96 : index
      %get3A_1322 = tpu.vector_load %arg4[%get3A_1320, %get3A_1321] {strides = array<i32>} : memref<336x151xf32, #tpu.memory_space<vmem>>, vector<16xf32>,
      %gt3A_1323 = arith.cmpf ogt, %get3A_1322, %select_n3A_1316 : vector<16xf32>
      %select_n3A_1324 = arith.select %gt3A_1323, %get3A_1322, %select_n3A_1316 : vector<16xi1>, vector<16xf32>
      %select_n3A_1325 = arith.select %gt3A_1323, %add3A_22, %select_n3A_1317 : vector<16xi1>, vector<16xi32>
      %add3A_1326 = arith.constant 11 : i32
      %add3A_1327 = arith.addi %mul3A_56, %add3A_1326 : i32
      %get3A_1328 = arith.index_cast %add3A_1327 : i32 to index
      %get3A_1329 = arith.constant 112 : index
      %get3A_1330 = tpu.vector_load %arg4[%get3A_1328, %get3A_1329] {strides = array<i32>} : memref<336x151xf32, #tpu.memory_space<vmem>>, vector<16xf32>,
      %gt3A_1331 = arith.cmpf ogt, %get3A_1330, %select_n3A_1324 : vector<16xf32>
      %select_n3A_1332 = arith.select %gt3A_1331, %get3A_1330, %select_n3A_1324 : vector<16xi1>, vector<16xf32>
      %select_n3A_1333 = arith.select %gt3A_1331, %add3A_25, %select_n3A_1325 : vector<16xi1>, vector<16xi32>
      %add3A_1334 = arith.constant 11 : i32
      %add3A_1335 = arith.addi %mul3A_56, %add3A_1334 : i32
      %get3A_1336 = arith.index_cast %add3A_1335 : i32 to index
      %get3A_1337 = arith.constant 128 : index
      %get3A_1338 = tpu.vector_load %arg4[%get3A_1336, %get3A_1337] {strides = array<i32>} : memref<336x151xf32, #tpu.memory_space<vmem>>, vector<16xf32>,
      %gt3A_1339 = arith.cmpf ogt, %get3A_1338, %select_n3A_1332 : vector<16xf32>
      %select_n3A_1340 = arith.select %gt3A_1339, %get3A_1338, %select_n3A_1332 : vector<16xi1>, vector<16xf32>
      %select_n3A_1341 = arith.select %gt3A_1339, %add3A_28, %select_n3A_1333 : vector<16xi1>, vector<16xi32>
      %add3A_1342 = arith.constant 11 : i32
      %add3A_1343 = arith.addi %mul3A_56, %add3A_1342 : i32
      %get3A_1344 = arith.index_cast %add3A_1343 : i32 to index
      %get3A_1345 = arith.constant 135 : index
      %get3A_1346 = tpu.vector_load %arg4[%get3A_1344, %get3A_1345] {strides = array<i32>} : memref<336x151xf32, #tpu.memory_space<vmem>>, vector<16xf32>,
      %gt3A_1347 = arith.cmpf ogt, %get3A_1346, %select_n3A_1340 : vector<16xf32>
      %select_n3A_1348 = arith.select %gt3A_1347, %get3A_1346, %select_n3A_1340 : vector<16xi1>, vector<16xf32>
      %select_n3A_1349 = arith.select %gt3A_1347, %add3A_31, %select_n3A_1341 : vector<16xi1>, vector<16xi32>
      %reduce_max3A_1350 = arith.constant true
      %reduce_max3A_1351 = vector.broadcast %reduce_max3A_1350 : i1 to vector<16xi1>
      %reduce_max3A_1352 = tpu.scan <max>, %select_n3A_1348 masked %reduce_max3A_1351 : vector<16xf32>, vector<16xi1> -> vector<16xf32>
      %reduce_max3A_1353 = vector.extract %reduce_max3A_1352[15] : f32 from vector<16xf32>
      %eq3A_1354 = vector.broadcast %reduce_max3A_1353 : f32 to vector<16xf32>
      %eq3A_1355 = arith.cmpf oeq, %select_n3A_1348, %eq3A_1354 : vector<16xf32>
      %jit3A_1356 = arith.constant 151 : i32
      %broadcast_in_dim3A_1357 = vector.broadcast %jit3A_1356 : i32 to vector<16xi32>
      %select_n3A_1358 = arith.select %eq3A_1355, %select_n3A_1349, %broadcast_in_dim3A_1357 : vector<16xi1>, vector<16xi32>
      %eq3A_1359 = arith.constant 11 : i32
      %eq3A_1360 = vector.broadcast %eq3A_1359 : i32 to vector<16xi32>
      %eq3A_1361 = arith.cmpi eq, %iota3A, %eq3A_1360 : vector<16xi32>
      %reduce_min3A_1362 = arith.constant true
      %reduce_min3A_1363 = vector.broadcast %reduce_min3A_1362 : i1 to vector<16xi1>
      %reduce_min3A_1364 = arith.constant -2147483648 : i32
      %reduce_min3A_1365 = vector.broadcast %reduce_min3A_1364 : i32 to vector<16xi32>
      %reduce_min3A_1366 = arith.xori %select_n3A_1358, %reduce_min3A_1365 : vector<16xi32>
      %reduce_min3A_1367 = tpu.scan <min>, %reduce_min3A_1366 masked %reduce_min3A_1363 : vector<16xi32>, vector<16xi1> -> vector<16xi32>
      %reduce_min3A_1368 = arith.xori %reduce_min3A_1367, %reduce_min3A_1365 : vector<16xi32>
      %reduce_min3A_1369 = vector.extract %reduce_min3A_1368[15] : i32 from vector<16xi32>
      %broadcast_in_dim3A_1370 = vector.broadcast %reduce_min3A_1369 : i32 to vector<16xi32>
      %select_n3A_1371 = arith.select %eq3A_1361, %broadcast_in_dim3A_1370, %select_n3A_1261 : vector<16xi1>, vector<16xi32>
      %broadcast_in_dim3A_1372 = arith.constant 0xFF800000 : f32
      %broadcast_in_dim3A_1373 = vector.broadcast %broadcast_in_dim3A_1372 : f32 to vector<16xf32>
      %broadcast_in_dim3A_1374 = arith.constant 1 : i32
      %broadcast_in_dim3A_1375 = vector.broadcast %broadcast_in_dim3A_1374 : i32 to vector<16xi32>
      %add3A_1376 = arith.constant 12 : i32
      %add3A_1377 = arith.addi %mul3A_56, %add3A_1376 : i32
      %get3A_1378 = arith.index_cast %add3A_1377 : i32 to index
      %get3A_1379 = arith.constant 0 : index
      %get3A_1380 = tpu.vector_load %arg4[%get3A_1378, %get3A_1379] {strides = array<i32>} : memref<336x151xf32, #tpu.memory_space<vmem>>, vector<16xf32>,
      %eq3A_1381 = arith.constant 0 : i32
      %eq3A_1382 = vector.broadcast %eq3A_1381 : i32 to vector<16xi32>
      %eq3A_1383 = arith.cmpi eq, %iota3A, %eq3A_1382 : vector<16xi32>
      %select_n3A_1384 = arith.select %eq3A_1383, %broadcast_in_dim3A_1, %get3A_1380 : vector<16xi1>, vector<16xf32>
      %gt3A_1385 = arith.cmpf ogt, %select_n3A_1384, %broadcast_in_dim3A_1373 : vector<16xf32>
      %select_n3A_1386 = arith.select %gt3A_1385, %select_n3A_1384, %broadcast_in_dim3A_1373 : vector<16xi1>, vector<16xf32>
      %select_n3A_1387 = arith.select %gt3A_1385, %add3A_4, %broadcast_in_dim3A_1375 : vector<16xi1>, vector<16xi32>
      %add3A_1388 = arith.constant 12 : i32
      %add3A_1389 = arith.addi %mul3A_56, %add3A_1388 : i32
      %get3A_1390 = arith.index_cast %add3A_1389 : i32 to index
      %get3A_1391 = arith.constant 16 : index
      %get3A_1392 = tpu.vector_load %arg4[%get3A_1390, %get3A_1391] {strides = array<i32>} : memref<336x151xf32, #tpu.memory_space<vmem>>, vector<16xf32>,
      %gt3A_1393 = arith.cmpf ogt, %get3A_1392, %select_n3A_1386 : vector<16xf32>
      %select_n3A_1394 = arith.select %gt3A_1393, %get3A_1392, %select_n3A_1386 : vector<16xi1>, vector<16xf32>
      %select_n3A_1395 = arith.select %gt3A_1393, %add3A_7, %select_n3A_1387 : vector<16xi1>, vector<16xi32>
      %add3A_1396 = arith.constant 12 : i32
      %add3A_1397 = arith.addi %mul3A_56, %add3A_1396 : i32
      %get3A_1398 = arith.index_cast %add3A_1397 : i32 to index
      %get3A_1399 = arith.constant 32 : index
      %get3A_1400 = tpu.vector_load %arg4[%get3A_1398, %get3A_1399] {strides = array<i32>} : memref<336x151xf32, #tpu.memory_space<vmem>>, vector<16xf32>,
      %gt3A_1401 = arith.cmpf ogt, %get3A_1400, %select_n3A_1394 : vector<16xf32>
      %select_n3A_1402 = arith.select %gt3A_1401, %get3A_1400, %select_n3A_1394 : vector<16xi1>, vector<16xf32>
      %select_n3A_1403 = arith.select %gt3A_1401, %add3A_10, %select_n3A_1395 : vector<16xi1>, vector<16xi32>
      %add3A_1404 = arith.constant 12 : i32
      %add3A_1405 = arith.addi %mul3A_56, %add3A_1404 : i32
      %get3A_1406 = arith.index_cast %add3A_1405 : i32 to index
      %get3A_1407 = arith.constant 48 : index
      %get3A_1408 = tpu.vector_load %arg4[%get3A_1406, %get3A_1407] {strides = array<i32>} : memref<336x151xf32, #tpu.memory_space<vmem>>, vector<16xf32>,
      %gt3A_1409 = arith.cmpf ogt, %get3A_1408, %select_n3A_1402 : vector<16xf32>
      %select_n3A_1410 = arith.select %gt3A_1409, %get3A_1408, %select_n3A_1402 : vector<16xi1>, vector<16xf32>
      %select_n3A_1411 = arith.select %gt3A_1409, %add3A_13, %select_n3A_1403 : vector<16xi1>, vector<16xi32>
      %add3A_1412 = arith.constant 12 : i32
      %add3A_1413 = arith.addi %mul3A_56, %add3A_1412 : i32
      %get3A_1414 = arith.index_cast %add3A_1413 : i32 to index
      %get3A_1415 = arith.constant 64 : index
      %get3A_1416 = tpu.vector_load %arg4[%get3A_1414, %get3A_1415] {strides = array<i32>} : memref<336x151xf32, #tpu.memory_space<vmem>>, vector<16xf32>,
      %gt3A_1417 = arith.cmpf ogt, %get3A_1416, %select_n3A_1410 : vector<16xf32>
      %select_n3A_1418 = arith.select %gt3A_1417, %get3A_1416, %select_n3A_1410 : vector<16xi1>, vector<16xf32>
      %select_n3A_1419 = arith.select %gt3A_1417, %add3A_16, %select_n3A_1411 : vector<16xi1>, vector<16xi32>
      %add3A_1420 = arith.constant 12 : i32
      %add3A_1421 = arith.addi %mul3A_56, %add3A_1420 : i32
      %get3A_1422 = arith.index_cast %add3A_1421 : i32 to index
      %get3A_1423 = arith.constant 80 : index
      %get3A_1424 = tpu.vector_load %arg4[%get3A_1422, %get3A_1423] {strides = array<i32>} : memref<336x151xf32, #tpu.memory_space<vmem>>, vector<16xf32>,
      %gt3A_1425 = arith.cmpf ogt, %get3A_1424, %select_n3A_1418 : vector<16xf32>
      %select_n3A_1426 = arith.select %gt3A_1425, %get3A_1424, %select_n3A_1418 : vector<16xi1>, vector<16xf32>
      %select_n3A_1427 = arith.select %gt3A_1425, %add3A_19, %select_n3A_1419 : vector<16xi1>, vector<16xi32>
      %add3A_1428 = arith.constant 12 : i32
      %add3A_1429 = arith.addi %mul3A_56, %add3A_1428 : i32
      %get3A_1430 = arith.index_cast %add3A_1429 : i32 to index
      %get3A_1431 = arith.constant 96 : index
      %get3A_1432 = tpu.vector_load %arg4[%get3A_1430, %get3A_1431] {strides = array<i32>} : memref<336x151xf32, #tpu.memory_space<vmem>>, vector<16xf32>,
      %gt3A_1433 = arith.cmpf ogt, %get3A_1432, %select_n3A_1426 : vector<16xf32>
      %select_n3A_1434 = arith.select %gt3A_1433, %get3A_1432, %select_n3A_1426 : vector<16xi1>, vector<16xf32>
      %select_n3A_1435 = arith.select %gt3A_1433, %add3A_22, %select_n3A_1427 : vector<16xi1>, vector<16xi32>
      %add3A_1436 = arith.constant 12 : i32
      %add3A_1437 = arith.addi %mul3A_56, %add3A_1436 : i32
      %get3A_1438 = arith.index_cast %add3A_1437 : i32 to index
      %get3A_1439 = arith.constant 112 : index
      %get3A_1440 = tpu.vector_load %arg4[%get3A_1438, %get3A_1439] {strides = array<i32>} : memref<336x151xf32, #tpu.memory_space<vmem>>, vector<16xf32>,
      %gt3A_1441 = arith.cmpf ogt, %get3A_1440, %select_n3A_1434 : vector<16xf32>
      %select_n3A_1442 = arith.select %gt3A_1441, %get3A_1440, %select_n3A_1434 : vector<16xi1>, vector<16xf32>
      %select_n3A_1443 = arith.select %gt3A_1441, %add3A_25, %select_n3A_1435 : vector<16xi1>, vector<16xi32>
      %add3A_1444 = arith.constant 12 : i32
      %add3A_1445 = arith.addi %mul3A_56, %add3A_1444 : i32
      %get3A_1446 = arith.index_cast %add3A_1445 : i32 to index
      %get3A_1447 = arith.constant 128 : index
      %get3A_1448 = tpu.vector_load %arg4[%get3A_1446, %get3A_1447] {strides = array<i32>} : memref<336x151xf32, #tpu.memory_space<vmem>>, vector<16xf32>,
      %gt3A_1449 = arith.cmpf ogt, %get3A_1448, %select_n3A_1442 : vector<16xf32>
      %select_n3A_1450 = arith.select %gt3A_1449, %get3A_1448, %select_n3A_1442 : vector<16xi1>, vector<16xf32>
      %select_n3A_1451 = arith.select %gt3A_1449, %add3A_28, %select_n3A_1443 : vector<16xi1>, vector<16xi32>
      %add3A_1452 = arith.constant 12 : i32
      %add3A_1453 = arith.addi %mul3A_56, %add3A_1452 : i32
      %get3A_1454 = arith.index_cast %add3A_1453 : i32 to index
      %get3A_1455 = arith.constant 135 : index
      %get3A_1456 = tpu.vector_load %arg4[%get3A_1454, %get3A_1455] {strides = array<i32>} : memref<336x151xf32, #tpu.memory_space<vmem>>, vector<16xf32>,
      %gt3A_1457 = arith.cmpf ogt, %get3A_1456, %select_n3A_1450 : vector<16xf32>
      %select_n3A_1458 = arith.select %gt3A_1457, %get3A_1456, %select_n3A_1450 : vector<16xi1>, vector<16xf32>
      %select_n3A_1459 = arith.select %gt3A_1457, %add3A_31, %select_n3A_1451 : vector<16xi1>, vector<16xi32>
      %reduce_max3A_1460 = arith.constant true
      %reduce_max3A_1461 = vector.broadcast %reduce_max3A_1460 : i1 to vector<16xi1>
      %reduce_max3A_1462 = tpu.scan <max>, %select_n3A_1458 masked %reduce_max3A_1461 : vector<16xf32>, vector<16xi1> -> vector<16xf32>
      %reduce_max3A_1463 = vector.extract %reduce_max3A_1462[15] : f32 from vector<16xf32>
      %eq3A_1464 = vector.broadcast %reduce_max3A_1463 : f32 to vector<16xf32>
      %eq3A_1465 = arith.cmpf oeq, %select_n3A_1458, %eq3A_1464 : vector<16xf32>
      %jit3A_1466 = arith.constant 151 : i32
      %broadcast_in_dim3A_1467 = vector.broadcast %jit3A_1466 : i32 to vector<16xi32>
      %select_n3A_1468 = arith.select %eq3A_1465, %select_n3A_1459, %broadcast_in_dim3A_1467 : vector<16xi1>, vector<16xi32>
      %eq3A_1469 = arith.constant 12 : i32
      %eq3A_1470 = vector.broadcast %eq3A_1469 : i32 to vector<16xi32>
      %eq3A_1471 = arith.cmpi eq, %iota3A, %eq3A_1470 : vector<16xi32>
      %reduce_min3A_1472 = arith.constant true
      %reduce_min3A_1473 = vector.broadcast %reduce_min3A_1472 : i1 to vector<16xi1>
      %reduce_min3A_1474 = arith.constant -2147483648 : i32
      %reduce_min3A_1475 = vector.broadcast %reduce_min3A_1474 : i32 to vector<16xi32>
      %reduce_min3A_1476 = arith.xori %select_n3A_1468, %reduce_min3A_1475 : vector<16xi32>
      %reduce_min3A_1477 = tpu.scan <min>, %reduce_min3A_1476 masked %reduce_min3A_1473 : vector<16xi32>, vector<16xi1> -> vector<16xi32>
      %reduce_min3A_1478 = arith.xori %reduce_min3A_1477, %reduce_min3A_1475 : vector<16xi32>
      %reduce_min3A_1479 = vector.extract %reduce_min3A_1478[15] : i32 from vector<16xi32>
      %broadcast_in_dim3A_1480 = vector.broadcast %reduce_min3A_1479 : i32 to vector<16xi32>
      %select_n3A_1481 = arith.select %eq3A_1471, %broadcast_in_dim3A_1480, %select_n3A_1371 : vector<16xi1>, vector<16xi32>
      %broadcast_in_dim3A_1482 = arith.constant 0xFF800000 : f32
      %broadcast_in_dim3A_1483 = vector.broadcast %broadcast_in_dim3A_1482 : f32 to vector<16xf32>
      %broadcast_in_dim3A_1484 = arith.constant 1 : i32
      %broadcast_in_dim3A_1485 = vector.broadcast %broadcast_in_dim3A_1484 : i32 to vector<16xi32>
      %add3A_1486 = arith.constant 13 : i32
      %add3A_1487 = arith.addi %mul3A_56, %add3A_1486 : i32
      %get3A_1488 = arith.index_cast %add3A_1487 : i32 to index
      %get3A_1489 = arith.constant 0 : index
      %get3A_1490 = tpu.vector_load %arg4[%get3A_1488, %get3A_1489] {strides = array<i32>} : memref<336x151xf32, #tpu.memory_space<vmem>>, vector<16xf32>,
      %eq3A_1491 = arith.constant 0 : i32
      %eq3A_1492 = vector.broadcast %eq3A_1491 : i32 to vector<16xi32>
      %eq3A_1493 = arith.cmpi eq, %iota3A, %eq3A_1492 : vector<16xi32>
      %select_n3A_1494 = arith.select %eq3A_1493, %broadcast_in_dim3A_1, %get3A_1490 : vector<16xi1>, vector<16xf32>
      %gt3A_1495 = arith.cmpf ogt, %select_n3A_1494, %broadcast_in_dim3A_1483 : vector<16xf32>
      %select_n3A_1496 = arith.select %gt3A_1495, %select_n3A_1494, %broadcast_in_dim3A_1483 : vector<16xi1>, vector<16xf32>
      %select_n3A_1497 = arith.select %gt3A_1495, %add3A_4, %broadcast_in_dim3A_1485 : vector<16xi1>, vector<16xi32>
      %add3A_1498 = arith.constant 13 : i32
      %add3A_1499 = arith.addi %mul3A_56, %add3A_1498 : i32
      %get3A_1500 = arith.index_cast %add3A_1499 : i32 to index
      %get3A_1501 = arith.constant 16 : index
      %get3A_1502 = tpu.vector_load %arg4[%get3A_1500, %get3A_1501] {strides = array<i32>} : memref<336x151xf32, #tpu.memory_space<vmem>>, vector<16xf32>,
      %gt3A_1503 = arith.cmpf ogt, %get3A_1502, %select_n3A_1496 : vector<16xf32>
      %select_n3A_1504 = arith.select %gt3A_1503, %get3A_1502, %select_n3A_1496 : vector<16xi1>, vector<16xf32>
      %select_n3A_1505 = arith.select %gt3A_1503, %add3A_7, %select_n3A_1497 : vector<16xi1>, vector<16xi32>
      %add3A_1506 = arith.constant 13 : i32
      %add3A_1507 = arith.addi %mul3A_56, %add3A_1506 : i32
      %get3A_1508 = arith.index_cast %add3A_1507 : i32 to index
      %get3A_1509 = arith.constant 32 : index
      %get3A_1510 = tpu.vector_load %arg4[%get3A_1508, %get3A_1509] {strides = array<i32>} : memref<336x151xf32, #tpu.memory_space<vmem>>, vector<16xf32>,
      %gt3A_1511 = arith.cmpf ogt, %get3A_1510, %select_n3A_1504 : vector<16xf32>
      %select_n3A_1512 = arith.select %gt3A_1511, %get3A_1510, %select_n3A_1504 : vector<16xi1>, vector<16xf32>
      %select_n3A_1513 = arith.select %gt3A_1511, %add3A_10, %select_n3A_1505 : vector<16xi1>, vector<16xi32>
      %add3A_1514 = arith.constant 13 : i32
      %add3A_1515 = arith.addi %mul3A_56, %add3A_1514 : i32
      %get3A_1516 = arith.index_cast %add3A_1515 : i32 to index
      %get3A_1517 = arith.constant 48 : index
      %get3A_1518 = tpu.vector_load %arg4[%get3A_1516, %get3A_1517] {strides = array<i32>} : memref<336x151xf32, #tpu.memory_space<vmem>>, vector<16xf32>,
      %gt3A_1519 = arith.cmpf ogt, %get3A_1518, %select_n3A_1512 : vector<16xf32>
      %select_n3A_1520 = arith.select %gt3A_1519, %get3A_1518, %select_n3A_1512 : vector<16xi1>, vector<16xf32>
      %select_n3A_1521 = arith.select %gt3A_1519, %add3A_13, %select_n3A_1513 : vector<16xi1>, vector<16xi32>
      %add3A_1522 = arith.constant 13 : i32
      %add3A_1523 = arith.addi %mul3A_56, %add3A_1522 : i32
      %get3A_1524 = arith.index_cast %add3A_1523 : i32 to index
      %get3A_1525 = arith.constant 64 : index
      %get3A_1526 = tpu.vector_load %arg4[%get3A_1524, %get3A_1525] {strides = array<i32>} : memref<336x151xf32, #tpu.memory_space<vmem>>, vector<16xf32>,
      %gt3A_1527 = arith.cmpf ogt, %get3A_1526, %select_n3A_1520 : vector<16xf32>
      %select_n3A_1528 = arith.select %gt3A_1527, %get3A_1526, %select_n3A_1520 : vector<16xi1>, vector<16xf32>
      %select_n3A_1529 = arith.select %gt3A_1527, %add3A_16, %select_n3A_1521 : vector<16xi1>, vector<16xi32>
      %add3A_1530 = arith.constant 13 : i32
      %add3A_1531 = arith.addi %mul3A_56, %add3A_1530 : i32
      %get3A_1532 = arith.index_cast %add3A_1531 : i32 to index
      %get3A_1533 = arith.constant 80 : index
      %get3A_1534 = tpu.vector_load %arg4[%get3A_1532, %get3A_1533] {strides = array<i32>} : memref<336x151xf32, #tpu.memory_space<vmem>>, vector<16xf32>,
      %gt3A_1535 = arith.cmpf ogt, %get3A_1534, %select_n3A_1528 : vector<16xf32>
      %select_n3A_1536 = arith.select %gt3A_1535, %get3A_1534, %select_n3A_1528 : vector<16xi1>, vector<16xf32>
      %select_n3A_1537 = arith.select %gt3A_1535, %add3A_19, %select_n3A_1529 : vector<16xi1>, vector<16xi32>
      %add3A_1538 = arith.constant 13 : i32
      %add3A_1539 = arith.addi %mul3A_56, %add3A_1538 : i32
      %get3A_1540 = arith.index_cast %add3A_1539 : i32 to index
      %get3A_1541 = arith.constant 96 : index
      %get3A_1542 = tpu.vector_load %arg4[%get3A_1540, %get3A_1541] {strides = array<i32>} : memref<336x151xf32, #tpu.memory_space<vmem>>, vector<16xf32>,
      %gt3A_1543 = arith.cmpf ogt, %get3A_1542, %select_n3A_1536 : vector<16xf32>
      %select_n3A_1544 = arith.select %gt3A_1543, %get3A_1542, %select_n3A_1536 : vector<16xi1>, vector<16xf32>
      %select_n3A_1545 = arith.select %gt3A_1543, %add3A_22, %select_n3A_1537 : vector<16xi1>, vector<16xi32>
      %add3A_1546 = arith.constant 13 : i32
      %add3A_1547 = arith.addi %mul3A_56, %add3A_1546 : i32
      %get3A_1548 = arith.index_cast %add3A_1547 : i32 to index
      %get3A_1549 = arith.constant 112 : index
      %get3A_1550 = tpu.vector_load %arg4[%get3A_1548, %get3A_1549] {strides = array<i32>} : memref<336x151xf32, #tpu.memory_space<vmem>>, vector<16xf32>,
      %gt3A_1551 = arith.cmpf ogt, %get3A_1550, %select_n3A_1544 : vector<16xf32>
      %select_n3A_1552 = arith.select %gt3A_1551, %get3A_1550, %select_n3A_1544 : vector<16xi1>, vector<16xf32>
      %select_n3A_1553 = arith.select %gt3A_1551, %add3A_25, %select_n3A_1545 : vector<16xi1>, vector<16xi32>
      %add3A_1554 = arith.constant 13 : i32
      %add3A_1555 = arith.addi %mul3A_56, %add3A_1554 : i32
      %get3A_1556 = arith.index_cast %add3A_1555 : i32 to index
      %get3A_1557 = arith.constant 128 : index
      %get3A_1558 = tpu.vector_load %arg4[%get3A_1556, %get3A_1557] {strides = array<i32>} : memref<336x151xf32, #tpu.memory_space<vmem>>, vector<16xf32>,
      %gt3A_1559 = arith.cmpf ogt, %get3A_1558, %select_n3A_1552 : vector<16xf32>
      %select_n3A_1560 = arith.select %gt3A_1559, %get3A_1558, %select_n3A_1552 : vector<16xi1>, vector<16xf32>
      %select_n3A_1561 = arith.select %gt3A_1559, %add3A_28, %select_n3A_1553 : vector<16xi1>, vector<16xi32>
      %add3A_1562 = arith.constant 13 : i32
      %add3A_1563 = arith.addi %mul3A_56, %add3A_1562 : i32
      %get3A_1564 = arith.index_cast %add3A_1563 : i32 to index
      %get3A_1565 = arith.constant 135 : index
      %get3A_1566 = tpu.vector_load %arg4[%get3A_1564, %get3A_1565] {strides = array<i32>} : memref<336x151xf32, #tpu.memory_space<vmem>>, vector<16xf32>,
      %gt3A_1567 = arith.cmpf ogt, %get3A_1566, %select_n3A_1560 : vector<16xf32>
      %select_n3A_1568 = arith.select %gt3A_1567, %get3A_1566, %select_n3A_1560 : vector<16xi1>, vector<16xf32>
      %select_n3A_1569 = arith.select %gt3A_1567, %add3A_31, %select_n3A_1561 : vector<16xi1>, vector<16xi32>
      %reduce_max3A_1570 = arith.constant true
      %reduce_max3A_1571 = vector.broadcast %reduce_max3A_1570 : i1 to vector<16xi1>
      %reduce_max3A_1572 = tpu.scan <max>, %select_n3A_1568 masked %reduce_max3A_1571 : vector<16xf32>, vector<16xi1> -> vector<16xf32>
      %reduce_max3A_1573 = vector.extract %reduce_max3A_1572[15] : f32 from vector<16xf32>
      %eq3A_1574 = vector.broadcast %reduce_max3A_1573 : f32 to vector<16xf32>
      %eq3A_1575 = arith.cmpf oeq, %select_n3A_1568, %eq3A_1574 : vector<16xf32>
      %jit3A_1576 = arith.constant 151 : i32
      %broadcast_in_dim3A_1577 = vector.broadcast %jit3A_1576 : i32 to vector<16xi32>
      %select_n3A_1578 = arith.select %eq3A_1575, %select_n3A_1569, %broadcast_in_dim3A_1577 : vector<16xi1>, vector<16xi32>
      %eq3A_1579 = arith.constant 13 : i32
      %eq3A_1580 = vector.broadcast %eq3A_1579 : i32 to vector<16xi32>
      %eq3A_1581 = arith.cmpi eq, %iota3A, %eq3A_1580 : vector<16xi32>
      %reduce_min3A_1582 = arith.constant true
      %reduce_min3A_1583 = vector.broadcast %reduce_min3A_1582 : i1 to vector<16xi1>
      %reduce_min3A_1584 = arith.constant -2147483648 : i32
      %reduce_min3A_1585 = vector.broadcast %reduce_min3A_1584 : i32 to vector<16xi32>
      %reduce_min3A_1586 = arith.xori %select_n3A_1578, %reduce_min3A_1585 : vector<16xi32>
      %reduce_min3A_1587 = tpu.scan <min>, %reduce_min3A_1586 masked %reduce_min3A_1583 : vector<16xi32>, vector<16xi1> -> vector<16xi32>
      %reduce_min3A_1588 = arith.xori %reduce_min3A_1587, %reduce_min3A_1585 : vector<16xi32>
      %reduce_min3A_1589 = vector.extract %reduce_min3A_1588[15] : i32 from vector<16xi32>
      %broadcast_in_dim3A_1590 = vector.broadcast %reduce_min3A_1589 : i32 to vector<16xi32>
      %select_n3A_1591 = arith.select %eq3A_1581, %broadcast_in_dim3A_1590, %select_n3A_1481 : vector<16xi1>, vector<16xi32>
      %broadcast_in_dim3A_1592 = arith.constant 0xFF800000 : f32
      %broadcast_in_dim3A_1593 = vector.broadcast %broadcast_in_dim3A_1592 : f32 to vector<16xf32>
      %broadcast_in_dim3A_1594 = arith.constant 1 : i32
      %broadcast_in_dim3A_1595 = vector.broadcast %broadcast_in_dim3A_1594 : i32 to vector<16xi32>
      %add3A_1596 = arith.constant 14 : i32
      %add3A_1597 = arith.addi %mul3A_56, %add3A_1596 : i32
      %get3A_1598 = arith.index_cast %add3A_1597 : i32 to index
      %get3A_1599 = arith.constant 0 : index
      %get3A_1600 = tpu.vector_load %arg4[%get3A_1598, %get3A_1599] {strides = array<i32>} : memref<336x151xf32, #tpu.memory_space<vmem>>, vector<16xf32>,
      %eq3A_1601 = arith.constant 0 : i32
      %eq3A_1602 = vector.broadcast %eq3A_1601 : i32 to vector<16xi32>
      %eq3A_1603 = arith.cmpi eq, %iota3A, %eq3A_1602 : vector<16xi32>
      %select_n3A_1604 = arith.select %eq3A_1603, %broadcast_in_dim3A_1, %get3A_1600 : vector<16xi1>, vector<16xf32>
      %gt3A_1605 = arith.cmpf ogt, %select_n3A_1604, %broadcast_in_dim3A_1593 : vector<16xf32>
      %select_n3A_1606 = arith.select %gt3A_1605, %select_n3A_1604, %broadcast_in_dim3A_1593 : vector<16xi1>, vector<16xf32>
      %select_n3A_1607 = arith.select %gt3A_1605, %add3A_4, %broadcast_in_dim3A_1595 : vector<16xi1>, vector<16xi32>
      %add3A_1608 = arith.constant 14 : i32
      %add3A_1609 = arith.addi %mul3A_56, %add3A_1608 : i32
      %get3A_1610 = arith.index_cast %add3A_1609 : i32 to index
      %get3A_1611 = arith.constant 16 : index
      %get3A_1612 = tpu.vector_load %arg4[%get3A_1610, %get3A_1611] {strides = array<i32>} : memref<336x151xf32, #tpu.memory_space<vmem>>, vector<16xf32>,
      %gt3A_1613 = arith.cmpf ogt, %get3A_1612, %select_n3A_1606 : vector<16xf32>
      %select_n3A_1614 = arith.select %gt3A_1613, %get3A_1612, %select_n3A_1606 : vector<16xi1>, vector<16xf32>
      %select_n3A_1615 = arith.select %gt3A_1613, %add3A_7, %select_n3A_1607 : vector<16xi1>, vector<16xi32>
      %add3A_1616 = arith.constant 14 : i32
      %add3A_1617 = arith.addi %mul3A_56, %add3A_1616 : i32
      %get3A_1618 = arith.index_cast %add3A_1617 : i32 to index
      %get3A_1619 = arith.constant 32 : index
      %get3A_1620 = tpu.vector_load %arg4[%get3A_1618, %get3A_1619] {strides = array<i32>} : memref<336x151xf32, #tpu.memory_space<vmem>>, vector<16xf32>,
      %gt3A_1621 = arith.cmpf ogt, %get3A_1620, %select_n3A_1614 : vector<16xf32>
      %select_n3A_1622 = arith.select %gt3A_1621, %get3A_1620, %select_n3A_1614 : vector<16xi1>, vector<16xf32>
      %select_n3A_1623 = arith.select %gt3A_1621, %add3A_10, %select_n3A_1615 : vector<16xi1>, vector<16xi32>
      %add3A_1624 = arith.constant 14 : i32
      %add3A_1625 = arith.addi %mul3A_56, %add3A_1624 : i32
      %get3A_1626 = arith.index_cast %add3A_1625 : i32 to index
      %get3A_1627 = arith.constant 48 : index
      %get3A_1628 = tpu.vector_load %arg4[%get3A_1626, %get3A_1627] {strides = array<i32>} : memref<336x151xf32, #tpu.memory_space<vmem>>, vector<16xf32>,
      %gt3A_1629 = arith.cmpf ogt, %get3A_1628, %select_n3A_1622 : vector<16xf32>
      %select_n3A_1630 = arith.select %gt3A_1629, %get3A_1628, %select_n3A_1622 : vector<16xi1>, vector<16xf32>
      %select_n3A_1631 = arith.select %gt3A_1629, %add3A_13, %select_n3A_1623 : vector<16xi1>, vector<16xi32>
      %add3A_1632 = arith.constant 14 : i32
      %add3A_1633 = arith.addi %mul3A_56, %add3A_1632 : i32
      %get3A_1634 = arith.index_cast %add3A_1633 : i32 to index
      %get3A_1635 = arith.constant 64 : index
      %get3A_1636 = tpu.vector_load %arg4[%get3A_1634, %get3A_1635] {strides = array<i32>} : memref<336x151xf32, #tpu.memory_space<vmem>>, vector<16xf32>,
      %gt3A_1637 = arith.cmpf ogt, %get3A_1636, %select_n3A_1630 : vector<16xf32>
      %select_n3A_1638 = arith.select %gt3A_1637, %get3A_1636, %select_n3A_1630 : vector<16xi1>, vector<16xf32>
      %select_n3A_1639 = arith.select %gt3A_1637, %add3A_16, %select_n3A_1631 : vector<16xi1>, vector<16xi32>
      %add3A_1640 = arith.constant 14 : i32
      %add3A_1641 = arith.addi %mul3A_56, %add3A_1640 : i32
      %get3A_1642 = arith.index_cast %add3A_1641 : i32 to index
      %get3A_1643 = arith.constant 80 : index
      %get3A_1644 = tpu.vector_load %arg4[%get3A_1642, %get3A_1643] {strides = array<i32>} : memref<336x151xf32, #tpu.memory_space<vmem>>, vector<16xf32>,
      %gt3A_1645 = arith.cmpf ogt, %get3A_1644, %select_n3A_1638 : vector<16xf32>
      %select_n3A_1646 = arith.select %gt3A_1645, %get3A_1644, %select_n3A_1638 : vector<16xi1>, vector<16xf32>
      %select_n3A_1647 = arith.select %gt3A_1645, %add3A_19, %select_n3A_1639 : vector<16xi1>, vector<16xi32>
      %add3A_1648 = arith.constant 14 : i32
      %add3A_1649 = arith.addi %mul3A_56, %add3A_1648 : i32
      %get3A_1650 = arith.index_cast %add3A_1649 : i32 to index
      %get3A_1651 = arith.constant 96 : index
      %get3A_1652 = tpu.vector_load %arg4[%get3A_1650, %get3A_1651] {strides = array<i32>} : memref<336x151xf32, #tpu.memory_space<vmem>>, vector<16xf32>,
      %gt3A_1653 = arith.cmpf ogt, %get3A_1652, %select_n3A_1646 : vector<16xf32>
      %select_n3A_1654 = arith.select %gt3A_1653, %get3A_1652, %select_n3A_1646 : vector<16xi1>, vector<16xf32>
      %select_n3A_1655 = arith.select %gt3A_1653, %add3A_22, %select_n3A_1647 : vector<16xi1>, vector<16xi32>
      %add3A_1656 = arith.constant 14 : i32
      %add3A_1657 = arith.addi %mul3A_56, %add3A_1656 : i32
      %get3A_1658 = arith.index_cast %add3A_1657 : i32 to index
      %get3A_1659 = arith.constant 112 : index
      %get3A_1660 = tpu.vector_load %arg4[%get3A_1658, %get3A_1659] {strides = array<i32>} : memref<336x151xf32, #tpu.memory_space<vmem>>, vector<16xf32>,
      %gt3A_1661 = arith.cmpf ogt, %get3A_1660, %select_n3A_1654 : vector<16xf32>
      %select_n3A_1662 = arith.select %gt3A_1661, %get3A_1660, %select_n3A_1654 : vector<16xi1>, vector<16xf32>
      %select_n3A_1663 = arith.select %gt3A_1661, %add3A_25, %select_n3A_1655 : vector<16xi1>, vector<16xi32>
      %add3A_1664 = arith.constant 14 : i32
      %add3A_1665 = arith.addi %mul3A_56, %add3A_1664 : i32
      %get3A_1666 = arith.index_cast %add3A_1665 : i32 to index
      %get3A_1667 = arith.constant 128 : index
      %get3A_1668 = tpu.vector_load %arg4[%get3A_1666, %get3A_1667] {strides = array<i32>} : memref<336x151xf32, #tpu.memory_space<vmem>>, vector<16xf32>,
      %gt3A_1669 = arith.cmpf ogt, %get3A_1668, %select_n3A_1662 : vector<16xf32>
      %select_n3A_1670 = arith.select %gt3A_1669, %get3A_1668, %select_n3A_1662 : vector<16xi1>, vector<16xf32>
      %select_n3A_1671 = arith.select %gt3A_1669, %add3A_28, %select_n3A_1663 : vector<16xi1>, vector<16xi32>
      %add3A_1672 = arith.constant 14 : i32
      %add3A_1673 = arith.addi %mul3A_56, %add3A_1672 : i32
      %get3A_1674 = arith.index_cast %add3A_1673 : i32 to index
      %get3A_1675 = arith.constant 135 : index
      %get3A_1676 = tpu.vector_load %arg4[%get3A_1674, %get3A_1675] {strides = array<i32>} : memref<336x151xf32, #tpu.memory_space<vmem>>, vector<16xf32>,
      %gt3A_1677 = arith.cmpf ogt, %get3A_1676, %select_n3A_1670 : vector<16xf32>
      %select_n3A_1678 = arith.select %gt3A_1677, %get3A_1676, %select_n3A_1670 : vector<16xi1>, vector<16xf32>
      %select_n3A_1679 = arith.select %gt3A_1677, %add3A_31, %select_n3A_1671 : vector<16xi1>, vector<16xi32>
      %reduce_max3A_1680 = arith.constant true
      %reduce_max3A_1681 = vector.broadcast %reduce_max3A_1680 : i1 to vector<16xi1>
      %reduce_max3A_1682 = tpu.scan <max>, %select_n3A_1678 masked %reduce_max3A_1681 : vector<16xf32>, vector<16xi1> -> vector<16xf32>
      %reduce_max3A_1683 = vector.extract %reduce_max3A_1682[15] : f32 from vector<16xf32>
      %eq3A_1684 = vector.broadcast %reduce_max3A_1683 : f32 to vector<16xf32>
      %eq3A_1685 = arith.cmpf oeq, %select_n3A_1678, %eq3A_1684 : vector<16xf32>
      %jit3A_1686 = arith.constant 151 : i32
      %broadcast_in_dim3A_1687 = vector.broadcast %jit3A_1686 : i32 to vector<16xi32>
      %select_n3A_1688 = arith.select %eq3A_1685, %select_n3A_1679, %broadcast_in_dim3A_1687 : vector<16xi1>, vector<16xi32>
      %eq3A_1689 = arith.constant 14 : i32
      %eq3A_1690 = vector.broadcast %eq3A_1689 : i32 to vector<16xi32>
      %eq3A_1691 = arith.cmpi eq, %iota3A, %eq3A_1690 : vector<16xi32>
      %reduce_min3A_1692 = arith.constant true
      %reduce_min3A_1693 = vector.broadcast %reduce_min3A_1692 : i1 to vector<16xi1>
      %reduce_min3A_1694 = arith.constant -2147483648 : i32
      %reduce_min3A_1695 = vector.broadcast %reduce_min3A_1694 : i32 to vector<16xi32>
      %reduce_min3A_1696 = arith.xori %select_n3A_1688, %reduce_min3A_1695 : vector<16xi32>
      %reduce_min3A_1697 = tpu.scan <min>, %reduce_min3A_1696 masked %reduce_min3A_1693 : vector<16xi32>, vector<16xi1> -> vector<16xi32>
      %reduce_min3A_1698 = arith.xori %reduce_min3A_1697, %reduce_min3A_1695 : vector<16xi32>
      %reduce_min3A_1699 = vector.extract %reduce_min3A_1698[15] : i32 from vector<16xi32>
      %broadcast_in_dim3A_1700 = vector.broadcast %reduce_min3A_1699 : i32 to vector<16xi32>
      %select_n3A_1701 = arith.select %eq3A_1691, %broadcast_in_dim3A_1700, %select_n3A_1591 : vector<16xi1>, vector<16xi32>
      %broadcast_in_dim3A_1702 = arith.constant 0xFF800000 : f32
      %broadcast_in_dim3A_1703 = vector.broadcast %broadcast_in_dim3A_1702 : f32 to vector<16xf32>
      %broadcast_in_dim3A_1704 = arith.constant 1 : i32
      %broadcast_in_dim3A_1705 = vector.broadcast %broadcast_in_dim3A_1704 : i32 to vector<16xi32>
      %add3A_1706 = arith.constant 15 : i32
      %add3A_1707 = arith.addi %mul3A_56, %add3A_1706 : i32
      %get3A_1708 = arith.index_cast %add3A_1707 : i32 to index
      %get3A_1709 = arith.constant 0 : index
      %get3A_1710 = tpu.vector_load %arg4[%get3A_1708, %get3A_1709] {strides = array<i32>} : memref<336x151xf32, #tpu.memory_space<vmem>>, vector<16xf32>,
      %eq3A_1711 = arith.constant 0 : i32
      %eq3A_1712 = vector.broadcast %eq3A_1711 : i32 to vector<16xi32>
      %eq3A_1713 = arith.cmpi eq, %iota3A, %eq3A_1712 : vector<16xi32>
      %select_n3A_1714 = arith.select %eq3A_1713, %broadcast_in_dim3A_1, %get3A_1710 : vector<16xi1>, vector<16xf32>
      %gt3A_1715 = arith.cmpf ogt, %select_n3A_1714, %broadcast_in_dim3A_1703 : vector<16xf32>
      %select_n3A_1716 = arith.select %gt3A_1715, %select_n3A_1714, %broadcast_in_dim3A_1703 : vector<16xi1>, vector<16xf32>
      %select_n3A_1717 = arith.select %gt3A_1715, %add3A_4, %broadcast_in_dim3A_1705 : vector<16xi1>, vector<16xi32>
      %add3A_1718 = arith.constant 15 : i32
      %add3A_1719 = arith.addi %mul3A_56, %add3A_1718 : i32
      %get3A_1720 = arith.index_cast %add3A_1719 : i32 to index
      %get3A_1721 = arith.constant 16 : index
      %get3A_1722 = tpu.vector_load %arg4[%get3A_1720, %get3A_1721] {strides = array<i32>} : memref<336x151xf32, #tpu.memory_space<vmem>>, vector<16xf32>,
      %gt3A_1723 = arith.cmpf ogt, %get3A_1722, %select_n3A_1716 : vector<16xf32>
      %select_n3A_1724 = arith.select %gt3A_1723, %get3A_1722, %select_n3A_1716 : vector<16xi1>, vector<16xf32>
      %select_n3A_1725 = arith.select %gt3A_1723, %add3A_7, %select_n3A_1717 : vector<16xi1>, vector<16xi32>
      %add3A_1726 = arith.constant 15 : i32
      %add3A_1727 = arith.addi %mul3A_56, %add3A_1726 : i32
      %get3A_1728 = arith.index_cast %add3A_1727 : i32 to index
      %get3A_1729 = arith.constant 32 : index
      %get3A_1730 = tpu.vector_load %arg4[%get3A_1728, %get3A_1729] {strides = array<i32>} : memref<336x151xf32, #tpu.memory_space<vmem>>, vector<16xf32>,
      %gt3A_1731 = arith.cmpf ogt, %get3A_1730, %select_n3A_1724 : vector<16xf32>
      %select_n3A_1732 = arith.select %gt3A_1731, %get3A_1730, %select_n3A_1724 : vector<16xi1>, vector<16xf32>
      %select_n3A_1733 = arith.select %gt3A_1731, %add3A_10, %select_n3A_1725 : vector<16xi1>, vector<16xi32>
      %add3A_1734 = arith.constant 15 : i32
      %add3A_1735 = arith.addi %mul3A_56, %add3A_1734 : i32
      %get3A_1736 = arith.index_cast %add3A_1735 : i32 to index
      %get3A_1737 = arith.constant 48 : index
      %get3A_1738 = tpu.vector_load %arg4[%get3A_1736, %get3A_1737] {strides = array<i32>} : memref<336x151xf32, #tpu.memory_space<vmem>>, vector<16xf32>,
      %gt3A_1739 = arith.cmpf ogt, %get3A_1738, %select_n3A_1732 : vector<16xf32>
      %select_n3A_1740 = arith.select %gt3A_1739, %get3A_1738, %select_n3A_1732 : vector<16xi1>, vector<16xf32>
      %select_n3A_1741 = arith.select %gt3A_1739, %add3A_13, %select_n3A_1733 : vector<16xi1>, vector<16xi32>
      %add3A_1742 = arith.constant 15 : i32
      %add3A_1743 = arith.addi %mul3A_56, %add3A_1742 : i32
      %get3A_1744 = arith.index_cast %add3A_1743 : i32 to index
      %get3A_1745 = arith.constant 64 : index
      %get3A_1746 = tpu.vector_load %arg4[%get3A_1744, %get3A_1745] {strides = array<i32>} : memref<336x151xf32, #tpu.memory_space<vmem>>, vector<16xf32>,
      %gt3A_1747 = arith.cmpf ogt, %get3A_1746, %select_n3A_1740 : vector<16xf32>
      %select_n3A_1748 = arith.select %gt3A_1747, %get3A_1746, %select_n3A_1740 : vector<16xi1>, vector<16xf32>
      %select_n3A_1749 = arith.select %gt3A_1747, %add3A_16, %select_n3A_1741 : vector<16xi1>, vector<16xi32>
      %add3A_1750 = arith.constant 15 : i32
      %add3A_1751 = arith.addi %mul3A_56, %add3A_1750 : i32
      %get3A_1752 = arith.index_cast %add3A_1751 : i32 to index
      %get3A_1753 = arith.constant 80 : index
      %get3A_1754 = tpu.vector_load %arg4[%get3A_1752, %get3A_1753] {strides = array<i32>} : memref<336x151xf32, #tpu.memory_space<vmem>>, vector<16xf32>,
      %gt3A_1755 = arith.cmpf ogt, %get3A_1754, %select_n3A_1748 : vector<16xf32>
      %select_n3A_1756 = arith.select %gt3A_1755, %get3A_1754, %select_n3A_1748 : vector<16xi1>, vector<16xf32>
      %select_n3A_1757 = arith.select %gt3A_1755, %add3A_19, %select_n3A_1749 : vector<16xi1>, vector<16xi32>
      %add3A_1758 = arith.constant 15 : i32
      %add3A_1759 = arith.addi %mul3A_56, %add3A_1758 : i32
      %get3A_1760 = arith.index_cast %add3A_1759 : i32 to index
      %get3A_1761 = arith.constant 96 : index
      %get3A_1762 = tpu.vector_load %arg4[%get3A_1760, %get3A_1761] {strides = array<i32>} : memref<336x151xf32, #tpu.memory_space<vmem>>, vector<16xf32>,
      %gt3A_1763 = arith.cmpf ogt, %get3A_1762, %select_n3A_1756 : vector<16xf32>
      %select_n3A_1764 = arith.select %gt3A_1763, %get3A_1762, %select_n3A_1756 : vector<16xi1>, vector<16xf32>
      %select_n3A_1765 = arith.select %gt3A_1763, %add3A_22, %select_n3A_1757 : vector<16xi1>, vector<16xi32>
      %add3A_1766 = arith.constant 15 : i32
      %add3A_1767 = arith.addi %mul3A_56, %add3A_1766 : i32
      %get3A_1768 = arith.index_cast %add3A_1767 : i32 to index
      %get3A_1769 = arith.constant 112 : index
      %get3A_1770 = tpu.vector_load %arg4[%get3A_1768, %get3A_1769] {strides = array<i32>} : memref<336x151xf32, #tpu.memory_space<vmem>>, vector<16xf32>,
      %gt3A_1771 = arith.cmpf ogt, %get3A_1770, %select_n3A_1764 : vector<16xf32>
      %select_n3A_1772 = arith.select %gt3A_1771, %get3A_1770, %select_n3A_1764 : vector<16xi1>, vector<16xf32>
      %select_n3A_1773 = arith.select %gt3A_1771, %add3A_25, %select_n3A_1765 : vector<16xi1>, vector<16xi32>
      %add3A_1774 = arith.constant 15 : i32
      %add3A_1775 = arith.addi %mul3A_56, %add3A_1774 : i32
      %get3A_1776 = arith.index_cast %add3A_1775 : i32 to index
      %get3A_1777 = arith.constant 128 : index
      %get3A_1778 = tpu.vector_load %arg4[%get3A_1776, %get3A_1777] {strides = array<i32>} : memref<336x151xf32, #tpu.memory_space<vmem>>, vector<16xf32>,
      %gt3A_1779 = arith.cmpf ogt, %get3A_1778, %select_n3A_1772 : vector<16xf32>
      %select_n3A_1780 = arith.select %gt3A_1779, %get3A_1778, %select_n3A_1772 : vector<16xi1>, vector<16xf32>
      %select_n3A_1781 = arith.select %gt3A_1779, %add3A_28, %select_n3A_1773 : vector<16xi1>, vector<16xi32>
      %add3A_1782 = arith.constant 15 : i32
      %add3A_1783 = arith.addi %mul3A_56, %add3A_1782 : i32
      %get3A_1784 = arith.index_cast %add3A_1783 : i32 to index
      %get3A_1785 = arith.constant 135 : index
      %get3A_1786 = tpu.vector_load %arg4[%get3A_1784, %get3A_1785] {strides = array<i32>} : memref<336x151xf32, #tpu.memory_space<vmem>>, vector<16xf32>,
      %gt3A_1787 = arith.cmpf ogt, %get3A_1786, %select_n3A_1780 : vector<16xf32>
      %select_n3A_1788 = arith.select %gt3A_1787, %get3A_1786, %select_n3A_1780 : vector<16xi1>, vector<16xf32>
      %select_n3A_1789 = arith.select %gt3A_1787, %add3A_31, %select_n3A_1781 : vector<16xi1>, vector<16xi32>
      %reduce_max3A_1790 = arith.constant true
      %reduce_max3A_1791 = vector.broadcast %reduce_max3A_1790 : i1 to vector<16xi1>
      %reduce_max3A_1792 = tpu.scan <max>, %select_n3A_1788 masked %reduce_max3A_1791 : vector<16xf32>, vector<16xi1> -> vector<16xf32>
      %reduce_max3A_1793 = vector.extract %reduce_max3A_1792[15] : f32 from vector<16xf32>
      %eq3A_1794 = vector.broadcast %reduce_max3A_1793 : f32 to vector<16xf32>
      %eq3A_1795 = arith.cmpf oeq, %select_n3A_1788, %eq3A_1794 : vector<16xf32>
      %jit3A_1796 = arith.constant 151 : i32
      %broadcast_in_dim3A_1797 = vector.broadcast %jit3A_1796 : i32 to vector<16xi32>
      %select_n3A_1798 = arith.select %eq3A_1795, %select_n3A_1789, %broadcast_in_dim3A_1797 : vector<16xi1>, vector<16xi32>
      %eq3A_1799 = arith.constant 15 : i32
      %eq3A_1800 = vector.broadcast %eq3A_1799 : i32 to vector<16xi32>
      %eq3A_1801 = arith.cmpi eq, %iota3A, %eq3A_1800 : vector<16xi32>
      %reduce_min3A_1802 = arith.constant true
      %reduce_min3A_1803 = vector.broadcast %reduce_min3A_1802 : i1 to vector<16xi1>
      %reduce_min3A_1804 = arith.constant -2147483648 : i32
      %reduce_min3A_1805 = vector.broadcast %reduce_min3A_1804 : i32 to vector<16xi32>
      %reduce_min3A_1806 = arith.xori %select_n3A_1798, %reduce_min3A_1805 : vector<16xi32>
      %reduce_min3A_1807 = tpu.scan <min>, %reduce_min3A_1806 masked %reduce_min3A_1803 : vector<16xi32>, vector<16xi1> -> vector<16xi32>
      %reduce_min3A_1808 = arith.xori %reduce_min3A_1807, %reduce_min3A_1805 : vector<16xi32>
      %reduce_min3A_1809 = vector.extract %reduce_min3A_1808[15] : i32 from vector<16xi32>
      %broadcast_in_dim3A_1810 = vector.broadcast %reduce_min3A_1809 : i32 to vector<16xi32>
      %select_n3A_1811 = arith.select %eq3A_1801, %broadcast_in_dim3A_1810, %select_n3A_1701 : vector<16xi1>, vector<16xi32>
      %swap3A = arith.index_cast %mul3A_56 : i32 to index
      %swap3A_1812 = tpu.vector_load %arg5[%swap3A] {strides = array<i32>} : memref<336xi32, #tpu.memory_space<vmem>>, vector<16xi32>,
      tpu.vector_store %arg5[%swap3A], %select_n3A_1811 {strides = array<i32>} : memref<336xi32, #tpu.memory_space<vmem>>, vector<16xi32>,
    }
    %scan3A_41 = arith.constant 21 : i32
    "tpu.region"() ({
      %run_scoped3A = tpu.sem_alloc : memref<!tpu.dma_semaphore, #tpu.memory_space<semaphore_mem>>
      %dma_start3A = tpu.memref_slice %arg3[%min3A_36] : memref<20000xi32, #tpu.memory_space<hbm>> -> memref<336xi32, #tpu.memory_space<hbm>>
      %dma_start3A_54 = tpu.memref_slice %arg3[%min3A_36] : memref<20000xi32, #tpu.memory_space<hbm>> -> memref<336xi32, #tpu.memory_space<hbm>>
      tpu.enqueue_dma source(%arg5 : memref<336xi32, #tpu.memory_space<vmem>>) target(%dma_start3A_54 : memref<336xi32, #tpu.memory_space<hbm>>) target_semaphore(%run_scoped3A : memref<!tpu.dma_semaphore, #tpu.memory_space<semaphore_mem>>)
      %dma_wait3A = tpu.memref_slice %arg3[%min3A_36] : memref<20000xi32, #tpu.memory_space<hbm>> -> memref<336xi32, #tpu.memory_space<hbm>>
      %dma_wait3A_55 = tpu.memref_slice %arg3[%min3A_36] : memref<20000xi32, #tpu.memory_space<hbm>> -> memref<336xi32, #tpu.memory_space<hbm>>
      tpu.wait_dma2 semaphore(%run_scoped3A : memref<!tpu.dma_semaphore, #tpu.memory_space<semaphore_mem>>) src(%arg5 : memref<336xi32, #tpu.memory_space<vmem>>) dst(%dma_wait3A_55 : memref<336xi32, #tpu.memory_space<hbm>>)
      tpu.yield
    }) : () -> ()
    %mul3A_42 = arith.constant 624 : i32
    %mul3A_43 = arith.muli %add3A, %mul3A_42 : i32
    %add3A_44 = arith.constant 336 : i32
    %add3A_45 = arith.addi %mul3A_43, %add3A_44 : i32
    %min3A_46 = arith.constant 19664 : i32
    %min3A_47 = arith.minsi %add3A_45, %min3A_46 : i32
    "tpu.region"() ({
      %run_scoped3A = tpu.sem_alloc : memref<!tpu.dma_semaphore, #tpu.memory_space<semaphore_mem>>
      %dma_start3A = arith.constant 0 : i32
      %dma_start3A_54 = tpu.memref_slice %arg2[%min3A_47, %dma_start3A] : memref<20000x151xf32, #tpu.memory_space<hbm>> -> memref<336x151xf32, #tpu.memory_space<hbm>>
      %dma_start3A_55 = arith.constant 0 : i32
      %dma_start3A_56 = tpu.memref_slice %arg2[%min3A_47, %dma_start3A_55] : memref<20000x151xf32, #tpu.memory_space<hbm>> -> memref<336x151xf32, #tpu.memory_space<hbm>>
      tpu.enqueue_dma source(%dma_start3A_56 : memref<336x151xf32, #tpu.memory_space<hbm>>) target(%arg4 : memref<336x151xf32, #tpu.memory_space<vmem>>) target_semaphore(%run_scoped3A : memref<!tpu.dma_semaphore, #tpu.memory_space<semaphore_mem>>)
      %dma_wait3A = arith.constant 0 : i32
      %dma_wait3A_57 = tpu.memref_slice %arg2[%min3A_47, %dma_wait3A] : memref<20000x151xf32, #tpu.memory_space<hbm>> -> memref<336x151xf32, #tpu.memory_space<hbm>>
      %dma_wait3A_58 = arith.constant 0 : i32
      %dma_wait3A_59 = tpu.memref_slice %arg2[%min3A_47, %dma_wait3A_58] : memref<20000x151xf32, #tpu.memory_space<hbm>> -> memref<336x151xf32, #tpu.memory_space<hbm>>
      tpu.wait_dma2 semaphore(%run_scoped3A : memref<!tpu.dma_semaphore, #tpu.memory_space<semaphore_mem>>) src(%dma_wait3A_59 : memref<336x151xf32, #tpu.memory_space<hbm>>) dst(%arg4 : memref<336x151xf32, #tpu.memory_space<vmem>>)
      tpu.yield
    }) : () -> ()
    %scan3A_48 = arith.constant 0 : i32
    %scan3A_49 = arith.constant 0 : i32
    %scan3A_50 = arith.constant 21 : i32
    %scan3A_51 = arith.addi %scan3A_49, %scan3A_50 : i32
    %scan3A_52 = arith.constant 1 : i32
    scf.for %scan3A_54 = %scan3A_49 to %scan3A_51 step %scan3A_52  : i32 {
      %mul3A_55 = arith.constant 16 : i32
      %mul3A_56 = arith.muli %scan3A_54, %mul3A_55 : i32
      %broadcast_in_dim3A_57 = arith.constant 0 : i32
      %broadcast_in_dim3A_58 = vector.broadcast %broadcast_in_dim3A_57 : i32 to vector<16xi32>
      %broadcast_in_dim3A_59 = arith.constant 0xFF800000 : f32
      %broadcast_in_dim3A_60 = vector.broadcast %broadcast_in_dim3A_59 : f32 to vector<16xf32>
      %broadcast_in_dim3A_61 = arith.constant 1 : i32
      %broadcast_in_dim3A_62 = vector.broadcast %broadcast_in_dim3A_61 : i32 to vector<16xi32>
      %add3A_63 = arith.constant 0 : i32
      %add3A_64 = arith.addi %mul3A_56, %add3A_63 : i32
      %get3A = arith.index_cast %add3A_64 : i32 to index
      %get3A_65 = arith.constant 0 : index
      %get3A_66 = tpu.vector_load %arg4[%get3A, %get3A_65] {strides = array<i32>} : memref<336x151xf32, #tpu.memory_space<vmem>>, vector<16xf32>,
      %eq3A = arith.constant 0 : i32
      %eq3A_67 = vector.broadcast %eq3A : i32 to vector<16xi32>
      %eq3A_68 = arith.cmpi eq, %iota3A, %eq3A_67 : vector<16xi32>
      %select_n3A = arith.select %eq3A_68, %broadcast_in_dim3A_1, %get3A_66 : vector<16xi1>, vector<16xf32>
      %gt3A = arith.cmpf ogt, %select_n3A, %broadcast_in_dim3A_60 : vector<16xf32>
      %select_n3A_69 = arith.select %gt3A, %select_n3A, %broadcast_in_dim3A_60 : vector<16xi1>, vector<16xf32>
      %select_n3A_70 = arith.select %gt3A, %add3A_4, %broadcast_in_dim3A_62 : vector<16xi1>, vector<16xi32>
      %add3A_71 = arith.constant 0 : i32
      %add3A_72 = arith.addi %mul3A_56, %add3A_71 : i32
      %get3A_73 = arith.index_cast %add3A_72 : i32 to index
      %get3A_74 = arith.constant 16 : index
      %get3A_75 = tpu.vector_load %arg4[%get3A_73, %get3A_74] {strides = array<i32>} : memref<336x151xf32, #tpu.memory_space<vmem>>, vector<16xf32>,
      %gt3A_76 = arith.cmpf ogt, %get3A_75, %select_n3A_69 : vector<16xf32>
      %select_n3A_77 = arith.select %gt3A_76, %get3A_75, %select_n3A_69 : vector<16xi1>, vector<16xf32>
      %select_n3A_78 = arith.select %gt3A_76, %add3A_7, %select_n3A_70 : vector<16xi1>, vector<16xi32>
      %add3A_79 = arith.constant 0 : i32
      %add3A_80 = arith.addi %mul3A_56, %add3A_79 : i32
      %get3A_81 = arith.index_cast %add3A_80 : i32 to index
      %get3A_82 = arith.constant 32 : index
      %get3A_83 = tpu.vector_load %arg4[%get3A_81, %get3A_82] {strides = array<i32>} : memref<336x151xf32, #tpu.memory_space<vmem>>, vector<16xf32>,
      %gt3A_84 = arith.cmpf ogt, %get3A_83, %select_n3A_77 : vector<16xf32>
      %select_n3A_85 = arith.select %gt3A_84, %get3A_83, %select_n3A_77 : vector<16xi1>, vector<16xf32>
      %select_n3A_86 = arith.select %gt3A_84, %add3A_10, %select_n3A_78 : vector<16xi1>, vector<16xi32>
      %add3A_87 = arith.constant 0 : i32
      %add3A_88 = arith.addi %mul3A_56, %add3A_87 : i32
      %get3A_89 = arith.index_cast %add3A_88 : i32 to index
      %get3A_90 = arith.constant 48 : index
      %get3A_91 = tpu.vector_load %arg4[%get3A_89, %get3A_90] {strides = array<i32>} : memref<336x151xf32, #tpu.memory_space<vmem>>, vector<16xf32>,
      %gt3A_92 = arith.cmpf ogt, %get3A_91, %select_n3A_85 : vector<16xf32>
      %select_n3A_93 = arith.select %gt3A_92, %get3A_91, %select_n3A_85 : vector<16xi1>, vector<16xf32>
      %select_n3A_94 = arith.select %gt3A_92, %add3A_13, %select_n3A_86 : vector<16xi1>, vector<16xi32>
      %add3A_95 = arith.constant 0 : i32
      %add3A_96 = arith.addi %mul3A_56, %add3A_95 : i32
      %get3A_97 = arith.index_cast %add3A_96 : i32 to index
      %get3A_98 = arith.constant 64 : index
      %get3A_99 = tpu.vector_load %arg4[%get3A_97, %get3A_98] {strides = array<i32>} : memref<336x151xf32, #tpu.memory_space<vmem>>, vector<16xf32>,
      %gt3A_100 = arith.cmpf ogt, %get3A_99, %select_n3A_93 : vector<16xf32>
      %select_n3A_101 = arith.select %gt3A_100, %get3A_99, %select_n3A_93 : vector<16xi1>, vector<16xf32>
      %select_n3A_102 = arith.select %gt3A_100, %add3A_16, %select_n3A_94 : vector<16xi1>, vector<16xi32>
      %add3A_103 = arith.constant 0 : i32
      %add3A_104 = arith.addi %mul3A_56, %add3A_103 : i32
      %get3A_105 = arith.index_cast %add3A_104 : i32 to index
      %get3A_106 = arith.constant 80 : index
      %get3A_107 = tpu.vector_load %arg4[%get3A_105, %get3A_106] {strides = array<i32>} : memref<336x151xf32, #tpu.memory_space<vmem>>, vector<16xf32>,
      %gt3A_108 = arith.cmpf ogt, %get3A_107, %select_n3A_101 : vector<16xf32>
      %select_n3A_109 = arith.select %gt3A_108, %get3A_107, %select_n3A_101 : vector<16xi1>, vector<16xf32>
      %select_n3A_110 = arith.select %gt3A_108, %add3A_19, %select_n3A_102 : vector<16xi1>, vector<16xi32>
      %add3A_111 = arith.constant 0 : i32
      %add3A_112 = arith.addi %mul3A_56, %add3A_111 : i32
      %get3A_113 = arith.index_cast %add3A_112 : i32 to index
      %get3A_114 = arith.constant 96 : index
      %get3A_115 = tpu.vector_load %arg4[%get3A_113, %get3A_114] {strides = array<i32>} : memref<336x151xf32, #tpu.memory_space<vmem>>, vector<16xf32>,
      %gt3A_116 = arith.cmpf ogt, %get3A_115, %select_n3A_109 : vector<16xf32>
      %select_n3A_117 = arith.select %gt3A_116, %get3A_115, %select_n3A_109 : vector<16xi1>, vector<16xf32>
      %select_n3A_118 = arith.select %gt3A_116, %add3A_22, %select_n3A_110 : vector<16xi1>, vector<16xi32>
      %add3A_119 = arith.constant 0 : i32
      %add3A_120 = arith.addi %mul3A_56, %add3A_119 : i32
      %get3A_121 = arith.index_cast %add3A_120 : i32 to index
      %get3A_122 = arith.constant 112 : index
      %get3A_123 = tpu.vector_load %arg4[%get3A_121, %get3A_122] {strides = array<i32>} : memref<336x151xf32, #tpu.memory_space<vmem>>, vector<16xf32>,
      %gt3A_124 = arith.cmpf ogt, %get3A_123, %select_n3A_117 : vector<16xf32>
      %select_n3A_125 = arith.select %gt3A_124, %get3A_123, %select_n3A_117 : vector<16xi1>, vector<16xf32>
      %select_n3A_126 = arith.select %gt3A_124, %add3A_25, %select_n3A_118 : vector<16xi1>, vector<16xi32>
      %add3A_127 = arith.constant 0 : i32
      %add3A_128 = arith.addi %mul3A_56, %add3A_127 : i32
      %get3A_129 = arith.index_cast %add3A_128 : i32 to index
      %get3A_130 = arith.constant 128 : index
      %get3A_131 = tpu.vector_load %arg4[%get3A_129, %get3A_130] {strides = array<i32>} : memref<336x151xf32, #tpu.memory_space<vmem>>, vector<16xf32>,
      %gt3A_132 = arith.cmpf ogt, %get3A_131, %select_n3A_125 : vector<16xf32>
      %select_n3A_133 = arith.select %gt3A_132, %get3A_131, %select_n3A_125 : vector<16xi1>, vector<16xf32>
      %select_n3A_134 = arith.select %gt3A_132, %add3A_28, %select_n3A_126 : vector<16xi1>, vector<16xi32>
      %add3A_135 = arith.constant 0 : i32
      %add3A_136 = arith.addi %mul3A_56, %add3A_135 : i32
      %get3A_137 = arith.index_cast %add3A_136 : i32 to index
      %get3A_138 = arith.constant 135 : index
      %get3A_139 = tpu.vector_load %arg4[%get3A_137, %get3A_138] {strides = array<i32>} : memref<336x151xf32, #tpu.memory_space<vmem>>, vector<16xf32>,
      %gt3A_140 = arith.cmpf ogt, %get3A_139, %select_n3A_133 : vector<16xf32>
      %select_n3A_141 = arith.select %gt3A_140, %get3A_139, %select_n3A_133 : vector<16xi1>, vector<16xf32>
      %select_n3A_142 = arith.select %gt3A_140, %add3A_31, %select_n3A_134 : vector<16xi1>, vector<16xi32>
      %reduce_max3A = arith.constant true
      %reduce_max3A_143 = vector.broadcast %reduce_max3A : i1 to vector<16xi1>
      %reduce_max3A_144 = tpu.scan <max>, %select_n3A_141 masked %reduce_max3A_143 : vector<16xf32>, vector<16xi1> -> vector<16xf32>
      %reduce_max3A_145 = vector.extract %reduce_max3A_144[15] : f32 from vector<16xf32>
      %eq3A_146 = vector.broadcast %reduce_max3A_145 : f32 to vector<16xf32>
      %eq3A_147 = arith.cmpf oeq, %select_n3A_141, %eq3A_146 : vector<16xf32>
      %jit3A = arith.constant 151 : i32
      %broadcast_in_dim3A_148 = vector.broadcast %jit3A : i32 to vector<16xi32>
      %select_n3A_149 = arith.select %eq3A_147, %select_n3A_142, %broadcast_in_dim3A_148 : vector<16xi1>, vector<16xi32>
      %eq3A_150 = arith.constant 0 : i32
      %eq3A_151 = vector.broadcast %eq3A_150 : i32 to vector<16xi32>
      %eq3A_152 = arith.cmpi eq, %iota3A, %eq3A_151 : vector<16xi32>
      %reduce_min3A = arith.constant true
      %reduce_min3A_153 = vector.broadcast %reduce_min3A : i1 to vector<16xi1>
      %reduce_min3A_154 = arith.constant -2147483648 : i32
      %reduce_min3A_155 = vector.broadcast %reduce_min3A_154 : i32 to vector<16xi32>
      %reduce_min3A_156 = arith.xori %select_n3A_149, %reduce_min3A_155 : vector<16xi32>
      %reduce_min3A_157 = tpu.scan <min>, %reduce_min3A_156 masked %reduce_min3A_153 : vector<16xi32>, vector<16xi1> -> vector<16xi32>
      %reduce_min3A_158 = arith.xori %reduce_min3A_157, %reduce_min3A_155 : vector<16xi32>
      %reduce_min3A_159 = vector.extract %reduce_min3A_158[15] : i32 from vector<16xi32>
      %broadcast_in_dim3A_160 = vector.broadcast %reduce_min3A_159 : i32 to vector<16xi32>
      %select_n3A_161 = arith.select %eq3A_152, %broadcast_in_dim3A_160, %broadcast_in_dim3A_58 : vector<16xi1>, vector<16xi32>
      %broadcast_in_dim3A_162 = arith.constant 0xFF800000 : f32
      %broadcast_in_dim3A_163 = vector.broadcast %broadcast_in_dim3A_162 : f32 to vector<16xf32>
      %broadcast_in_dim3A_164 = arith.constant 1 : i32
      %broadcast_in_dim3A_165 = vector.broadcast %broadcast_in_dim3A_164 : i32 to vector<16xi32>
      %add3A_166 = arith.constant 1 : i32
      %add3A_167 = arith.addi %mul3A_56, %add3A_166 : i32
      %get3A_168 = arith.index_cast %add3A_167 : i32 to index
      %get3A_169 = arith.constant 0 : index
      %get3A_170 = tpu.vector_load %arg4[%get3A_168, %get3A_169] {strides = array<i32>} : memref<336x151xf32, #tpu.memory_space<vmem>>, vector<16xf32>,
      %eq3A_171 = arith.constant 0 : i32
      %eq3A_172 = vector.broadcast %eq3A_171 : i32 to vector<16xi32>
      %eq3A_173 = arith.cmpi eq, %iota3A, %eq3A_172 : vector<16xi32>
      %select_n3A_174 = arith.select %eq3A_173, %broadcast_in_dim3A_1, %get3A_170 : vector<16xi1>, vector<16xf32>
      %gt3A_175 = arith.cmpf ogt, %select_n3A_174, %broadcast_in_dim3A_163 : vector<16xf32>
      %select_n3A_176 = arith.select %gt3A_175, %select_n3A_174, %broadcast_in_dim3A_163 : vector<16xi1>, vector<16xf32>
      %select_n3A_177 = arith.select %gt3A_175, %add3A_4, %broadcast_in_dim3A_165 : vector<16xi1>, vector<16xi32>
      %add3A_178 = arith.constant 1 : i32
      %add3A_179 = arith.addi %mul3A_56, %add3A_178 : i32
      %get3A_180 = arith.index_cast %add3A_179 : i32 to index
      %get3A_181 = arith.constant 16 : index
      %get3A_182 = tpu.vector_load %arg4[%get3A_180, %get3A_181] {strides = array<i32>} : memref<336x151xf32, #tpu.memory_space<vmem>>, vector<16xf32>,
      %gt3A_183 = arith.cmpf ogt, %get3A_182, %select_n3A_176 : vector<16xf32>
      %select_n3A_184 = arith.select %gt3A_183, %get3A_182, %select_n3A_176 : vector<16xi1>, vector<16xf32>
      %select_n3A_185 = arith.select %gt3A_183, %add3A_7, %select_n3A_177 : vector<16xi1>, vector<16xi32>
      %add3A_186 = arith.constant 1 : i32
      %add3A_187 = arith.addi %mul3A_56, %add3A_186 : i32
      %get3A_188 = arith.index_cast %add3A_187 : i32 to index
      %get3A_189 = arith.constant 32 : index
      %get3A_190 = tpu.vector_load %arg4[%get3A_188, %get3A_189] {strides = array<i32>} : memref<336x151xf32, #tpu.memory_space<vmem>>, vector<16xf32>,
      %gt3A_191 = arith.cmpf ogt, %get3A_190, %select_n3A_184 : vector<16xf32>
      %select_n3A_192 = arith.select %gt3A_191, %get3A_190, %select_n3A_184 : vector<16xi1>, vector<16xf32>
      %select_n3A_193 = arith.select %gt3A_191, %add3A_10, %select_n3A_185 : vector<16xi1>, vector<16xi32>
      %add3A_194 = arith.constant 1 : i32
      %add3A_195 = arith.addi %mul3A_56, %add3A_194 : i32
      %get3A_196 = arith.index_cast %add3A_195 : i32 to index
      %get3A_197 = arith.constant 48 : index
      %get3A_198 = tpu.vector_load %arg4[%get3A_196, %get3A_197] {strides = array<i32>} : memref<336x151xf32, #tpu.memory_space<vmem>>, vector<16xf32>,
      %gt3A_199 = arith.cmpf ogt, %get3A_198, %select_n3A_192 : vector<16xf32>
      %select_n3A_200 = arith.select %gt3A_199, %get3A_198, %select_n3A_192 : vector<16xi1>, vector<16xf32>
      %select_n3A_201 = arith.select %gt3A_199, %add3A_13, %select_n3A_193 : vector<16xi1>, vector<16xi32>
      %add3A_202 = arith.constant 1 : i32
      %add3A_203 = arith.addi %mul3A_56, %add3A_202 : i32
      %get3A_204 = arith.index_cast %add3A_203 : i32 to index
      %get3A_205 = arith.constant 64 : index
      %get3A_206 = tpu.vector_load %arg4[%get3A_204, %get3A_205] {strides = array<i32>} : memref<336x151xf32, #tpu.memory_space<vmem>>, vector<16xf32>,
      %gt3A_207 = arith.cmpf ogt, %get3A_206, %select_n3A_200 : vector<16xf32>
      %select_n3A_208 = arith.select %gt3A_207, %get3A_206, %select_n3A_200 : vector<16xi1>, vector<16xf32>
      %select_n3A_209 = arith.select %gt3A_207, %add3A_16, %select_n3A_201 : vector<16xi1>, vector<16xi32>
      %add3A_210 = arith.constant 1 : i32
      %add3A_211 = arith.addi %mul3A_56, %add3A_210 : i32
      %get3A_212 = arith.index_cast %add3A_211 : i32 to index
      %get3A_213 = arith.constant 80 : index
      %get3A_214 = tpu.vector_load %arg4[%get3A_212, %get3A_213] {strides = array<i32>} : memref<336x151xf32, #tpu.memory_space<vmem>>, vector<16xf32>,
      %gt3A_215 = arith.cmpf ogt, %get3A_214, %select_n3A_208 : vector<16xf32>
      %select_n3A_216 = arith.select %gt3A_215, %get3A_214, %select_n3A_208 : vector<16xi1>, vector<16xf32>
      %select_n3A_217 = arith.select %gt3A_215, %add3A_19, %select_n3A_209 : vector<16xi1>, vector<16xi32>
      %add3A_218 = arith.constant 1 : i32
      %add3A_219 = arith.addi %mul3A_56, %add3A_218 : i32
      %get3A_220 = arith.index_cast %add3A_219 : i32 to index
      %get3A_221 = arith.constant 96 : index
      %get3A_222 = tpu.vector_load %arg4[%get3A_220, %get3A_221] {strides = array<i32>} : memref<336x151xf32, #tpu.memory_space<vmem>>, vector<16xf32>,
      %gt3A_223 = arith.cmpf ogt, %get3A_222, %select_n3A_216 : vector<16xf32>
      %select_n3A_224 = arith.select %gt3A_223, %get3A_222, %select_n3A_216 : vector<16xi1>, vector<16xf32>
      %select_n3A_225 = arith.select %gt3A_223, %add3A_22, %select_n3A_217 : vector<16xi1>, vector<16xi32>
      %add3A_226 = arith.constant 1 : i32
      %add3A_227 = arith.addi %mul3A_56, %add3A_226 : i32
      %get3A_228 = arith.index_cast %add3A_227 : i32 to index
      %get3A_229 = arith.constant 112 : index
      %get3A_230 = tpu.vector_load %arg4[%get3A_228, %get3A_229] {strides = array<i32>} : memref<336x151xf32, #tpu.memory_space<vmem>>, vector<16xf32>,
      %gt3A_231 = arith.cmpf ogt, %get3A_230, %select_n3A_224 : vector<16xf32>
      %select_n3A_232 = arith.select %gt3A_231, %get3A_230, %select_n3A_224 : vector<16xi1>, vector<16xf32>
      %select_n3A_233 = arith.select %gt3A_231, %add3A_25, %select_n3A_225 : vector<16xi1>, vector<16xi32>
      %add3A_234 = arith.constant 1 : i32
      %add3A_235 = arith.addi %mul3A_56, %add3A_234 : i32
      %get3A_236 = arith.index_cast %add3A_235 : i32 to index
      %get3A_237 = arith.constant 128 : index
      %get3A_238 = tpu.vector_load %arg4[%get3A_236, %get3A_237] {strides = array<i32>} : memref<336x151xf32, #tpu.memory_space<vmem>>, vector<16xf32>,
      %gt3A_239 = arith.cmpf ogt, %get3A_238, %select_n3A_232 : vector<16xf32>
      %select_n3A_240 = arith.select %gt3A_239, %get3A_238, %select_n3A_232 : vector<16xi1>, vector<16xf32>
      %select_n3A_241 = arith.select %gt3A_239, %add3A_28, %select_n3A_233 : vector<16xi1>, vector<16xi32>
      %add3A_242 = arith.constant 1 : i32
      %add3A_243 = arith.addi %mul3A_56, %add3A_242 : i32
      %get3A_244 = arith.index_cast %add3A_243 : i32 to index
      %get3A_245 = arith.constant 135 : index
      %get3A_246 = tpu.vector_load %arg4[%get3A_244, %get3A_245] {strides = array<i32>} : memref<336x151xf32, #tpu.memory_space<vmem>>, vector<16xf32>,
      %gt3A_247 = arith.cmpf ogt, %get3A_246, %select_n3A_240 : vector<16xf32>
      %select_n3A_248 = arith.select %gt3A_247, %get3A_246, %select_n3A_240 : vector<16xi1>, vector<16xf32>
      %select_n3A_249 = arith.select %gt3A_247, %add3A_31, %select_n3A_241 : vector<16xi1>, vector<16xi32>
      %reduce_max3A_250 = arith.constant true
      %reduce_max3A_251 = vector.broadcast %reduce_max3A_250 : i1 to vector<16xi1>
      %reduce_max3A_252 = tpu.scan <max>, %select_n3A_248 masked %reduce_max3A_251 : vector<16xf32>, vector<16xi1> -> vector<16xf32>
      %reduce_max3A_253 = vector.extract %reduce_max3A_252[15] : f32 from vector<16xf32>
      %eq3A_254 = vector.broadcast %reduce_max3A_253 : f32 to vector<16xf32>
      %eq3A_255 = arith.cmpf oeq, %select_n3A_248, %eq3A_254 : vector<16xf32>
      %jit3A_256 = arith.constant 151 : i32
      %broadcast_in_dim3A_257 = vector.broadcast %jit3A_256 : i32 to vector<16xi32>
      %select_n3A_258 = arith.select %eq3A_255, %select_n3A_249, %broadcast_in_dim3A_257 : vector<16xi1>, vector<16xi32>
      %eq3A_259 = arith.constant 1 : i32
      %eq3A_260 = vector.broadcast %eq3A_259 : i32 to vector<16xi32>
      %eq3A_261 = arith.cmpi eq, %iota3A, %eq3A_260 : vector<16xi32>
      %reduce_min3A_262 = arith.constant true
      %reduce_min3A_263 = vector.broadcast %reduce_min3A_262 : i1 to vector<16xi1>
      %reduce_min3A_264 = arith.constant -2147483648 : i32
      %reduce_min3A_265 = vector.broadcast %reduce_min3A_264 : i32 to vector<16xi32>
      %reduce_min3A_266 = arith.xori %select_n3A_258, %reduce_min3A_265 : vector<16xi32>
      %reduce_min3A_267 = tpu.scan <min>, %reduce_min3A_266 masked %reduce_min3A_263 : vector<16xi32>, vector<16xi1> -> vector<16xi32>
      %reduce_min3A_268 = arith.xori %reduce_min3A_267, %reduce_min3A_265 : vector<16xi32>
      %reduce_min3A_269 = vector.extract %reduce_min3A_268[15] : i32 from vector<16xi32>
      %broadcast_in_dim3A_270 = vector.broadcast %reduce_min3A_269 : i32 to vector<16xi32>
      %select_n3A_271 = arith.select %eq3A_261, %broadcast_in_dim3A_270, %select_n3A_161 : vector<16xi1>, vector<16xi32>
      %broadcast_in_dim3A_272 = arith.constant 0xFF800000 : f32
      %broadcast_in_dim3A_273 = vector.broadcast %broadcast_in_dim3A_272 : f32 to vector<16xf32>
      %broadcast_in_dim3A_274 = arith.constant 1 : i32
      %broadcast_in_dim3A_275 = vector.broadcast %broadcast_in_dim3A_274 : i32 to vector<16xi32>
      %add3A_276 = arith.constant 2 : i32
      %add3A_277 = arith.addi %mul3A_56, %add3A_276 : i32
      %get3A_278 = arith.index_cast %add3A_277 : i32 to index
      %get3A_279 = arith.constant 0 : index
      %get3A_280 = tpu.vector_load %arg4[%get3A_278, %get3A_279] {strides = array<i32>} : memref<336x151xf32, #tpu.memory_space<vmem>>, vector<16xf32>,
      %eq3A_281 = arith.constant 0 : i32
      %eq3A_282 = vector.broadcast %eq3A_281 : i32 to vector<16xi32>
      %eq3A_283 = arith.cmpi eq, %iota3A, %eq3A_282 : vector<16xi32>
      %select_n3A_284 = arith.select %eq3A_283, %broadcast_in_dim3A_1, %get3A_280 : vector<16xi1>, vector<16xf32>
      %gt3A_285 = arith.cmpf ogt, %select_n3A_284, %broadcast_in_dim3A_273 : vector<16xf32>
      %select_n3A_286 = arith.select %gt3A_285, %select_n3A_284, %broadcast_in_dim3A_273 : vector<16xi1>, vector<16xf32>
      %select_n3A_287 = arith.select %gt3A_285, %add3A_4, %broadcast_in_dim3A_275 : vector<16xi1>, vector<16xi32>
      %add3A_288 = arith.constant 2 : i32
      %add3A_289 = arith.addi %mul3A_56, %add3A_288 : i32
      %get3A_290 = arith.index_cast %add3A_289 : i32 to index
      %get3A_291 = arith.constant 16 : index
      %get3A_292 = tpu.vector_load %arg4[%get3A_290, %get3A_291] {strides = array<i32>} : memref<336x151xf32, #tpu.memory_space<vmem>>, vector<16xf32>,
      %gt3A_293 = arith.cmpf ogt, %get3A_292, %select_n3A_286 : vector<16xf32>
      %select_n3A_294 = arith.select %gt3A_293, %get3A_292, %select_n3A_286 : vector<16xi1>, vector<16xf32>
      %select_n3A_295 = arith.select %gt3A_293, %add3A_7, %select_n3A_287 : vector<16xi1>, vector<16xi32>
      %add3A_296 = arith.constant 2 : i32
      %add3A_297 = arith.addi %mul3A_56, %add3A_296 : i32
      %get3A_298 = arith.index_cast %add3A_297 : i32 to index
      %get3A_299 = arith.constant 32 : index
      %get3A_300 = tpu.vector_load %arg4[%get3A_298, %get3A_299] {strides = array<i32>} : memref<336x151xf32, #tpu.memory_space<vmem>>, vector<16xf32>,
      %gt3A_301 = arith.cmpf ogt, %get3A_300, %select_n3A_294 : vector<16xf32>
      %select_n3A_302 = arith.select %gt3A_301, %get3A_300, %select_n3A_294 : vector<16xi1>, vector<16xf32>
      %select_n3A_303 = arith.select %gt3A_301, %add3A_10, %select_n3A_295 : vector<16xi1>, vector<16xi32>
      %add3A_304 = arith.constant 2 : i32
      %add3A_305 = arith.addi %mul3A_56, %add3A_304 : i32
      %get3A_306 = arith.index_cast %add3A_305 : i32 to index
      %get3A_307 = arith.constant 48 : index
      %get3A_308 = tpu.vector_load %arg4[%get3A_306, %get3A_307] {strides = array<i32>} : memref<336x151xf32, #tpu.memory_space<vmem>>, vector<16xf32>,
      %gt3A_309 = arith.cmpf ogt, %get3A_308, %select_n3A_302 : vector<16xf32>
      %select_n3A_310 = arith.select %gt3A_309, %get3A_308, %select_n3A_302 : vector<16xi1>, vector<16xf32>
      %select_n3A_311 = arith.select %gt3A_309, %add3A_13, %select_n3A_303 : vector<16xi1>, vector<16xi32>
      %add3A_312 = arith.constant 2 : i32
      %add3A_313 = arith.addi %mul3A_56, %add3A_312 : i32
      %get3A_314 = arith.index_cast %add3A_313 : i32 to index
      %get3A_315 = arith.constant 64 : index
      %get3A_316 = tpu.vector_load %arg4[%get3A_314, %get3A_315] {strides = array<i32>} : memref<336x151xf32, #tpu.memory_space<vmem>>, vector<16xf32>,
      %gt3A_317 = arith.cmpf ogt, %get3A_316, %select_n3A_310 : vector<16xf32>
      %select_n3A_318 = arith.select %gt3A_317, %get3A_316, %select_n3A_310 : vector<16xi1>, vector<16xf32>
      %select_n3A_319 = arith.select %gt3A_317, %add3A_16, %select_n3A_311 : vector<16xi1>, vector<16xi32>
      %add3A_320 = arith.constant 2 : i32
      %add3A_321 = arith.addi %mul3A_56, %add3A_320 : i32
      %get3A_322 = arith.index_cast %add3A_321 : i32 to index
      %get3A_323 = arith.constant 80 : index
      %get3A_324 = tpu.vector_load %arg4[%get3A_322, %get3A_323] {strides = array<i32>} : memref<336x151xf32, #tpu.memory_space<vmem>>, vector<16xf32>,
      %gt3A_325 = arith.cmpf ogt, %get3A_324, %select_n3A_318 : vector<16xf32>
      %select_n3A_326 = arith.select %gt3A_325, %get3A_324, %select_n3A_318 : vector<16xi1>, vector<16xf32>
      %select_n3A_327 = arith.select %gt3A_325, %add3A_19, %select_n3A_319 : vector<16xi1>, vector<16xi32>
      %add3A_328 = arith.constant 2 : i32
      %add3A_329 = arith.addi %mul3A_56, %add3A_328 : i32
      %get3A_330 = arith.index_cast %add3A_329 : i32 to index
      %get3A_331 = arith.constant 96 : index
      %get3A_332 = tpu.vector_load %arg4[%get3A_330, %get3A_331] {strides = array<i32>} : memref<336x151xf32, #tpu.memory_space<vmem>>, vector<16xf32>,
      %gt3A_333 = arith.cmpf ogt, %get3A_332, %select_n3A_326 : vector<16xf32>
      %select_n3A_334 = arith.select %gt3A_333, %get3A_332, %select_n3A_326 : vector<16xi1>, vector<16xf32>
      %select_n3A_335 = arith.select %gt3A_333, %add3A_22, %select_n3A_327 : vector<16xi1>, vector<16xi32>
      %add3A_336 = arith.constant 2 : i32
      %add3A_337 = arith.addi %mul3A_56, %add3A_336 : i32
      %get3A_338 = arith.index_cast %add3A_337 : i32 to index
      %get3A_339 = arith.constant 112 : index
      %get3A_340 = tpu.vector_load %arg4[%get3A_338, %get3A_339] {strides = array<i32>} : memref<336x151xf32, #tpu.memory_space<vmem>>, vector<16xf32>,
      %gt3A_341 = arith.cmpf ogt, %get3A_340, %select_n3A_334 : vector<16xf32>
      %select_n3A_342 = arith.select %gt3A_341, %get3A_340, %select_n3A_334 : vector<16xi1>, vector<16xf32>
      %select_n3A_343 = arith.select %gt3A_341, %add3A_25, %select_n3A_335 : vector<16xi1>, vector<16xi32>
      %add3A_344 = arith.constant 2 : i32
      %add3A_345 = arith.addi %mul3A_56, %add3A_344 : i32
      %get3A_346 = arith.index_cast %add3A_345 : i32 to index
      %get3A_347 = arith.constant 128 : index
      %get3A_348 = tpu.vector_load %arg4[%get3A_346, %get3A_347] {strides = array<i32>} : memref<336x151xf32, #tpu.memory_space<vmem>>, vector<16xf32>,
      %gt3A_349 = arith.cmpf ogt, %get3A_348, %select_n3A_342 : vector<16xf32>
      %select_n3A_350 = arith.select %gt3A_349, %get3A_348, %select_n3A_342 : vector<16xi1>, vector<16xf32>
      %select_n3A_351 = arith.select %gt3A_349, %add3A_28, %select_n3A_343 : vector<16xi1>, vector<16xi32>
      %add3A_352 = arith.constant 2 : i32
      %add3A_353 = arith.addi %mul3A_56, %add3A_352 : i32
      %get3A_354 = arith.index_cast %add3A_353 : i32 to index
      %get3A_355 = arith.constant 135 : index
      %get3A_356 = tpu.vector_load %arg4[%get3A_354, %get3A_355] {strides = array<i32>} : memref<336x151xf32, #tpu.memory_space<vmem>>, vector<16xf32>,
      %gt3A_357 = arith.cmpf ogt, %get3A_356, %select_n3A_350 : vector<16xf32>
      %select_n3A_358 = arith.select %gt3A_357, %get3A_356, %select_n3A_350 : vector<16xi1>, vector<16xf32>
      %select_n3A_359 = arith.select %gt3A_357, %add3A_31, %select_n3A_351 : vector<16xi1>, vector<16xi32>
      %reduce_max3A_360 = arith.constant true
      %reduce_max3A_361 = vector.broadcast %reduce_max3A_360 : i1 to vector<16xi1>
      %reduce_max3A_362 = tpu.scan <max>, %select_n3A_358 masked %reduce_max3A_361 : vector<16xf32>, vector<16xi1> -> vector<16xf32>
      %reduce_max3A_363 = vector.extract %reduce_max3A_362[15] : f32 from vector<16xf32>
      %eq3A_364 = vector.broadcast %reduce_max3A_363 : f32 to vector<16xf32>
      %eq3A_365 = arith.cmpf oeq, %select_n3A_358, %eq3A_364 : vector<16xf32>
      %jit3A_366 = arith.constant 151 : i32
      %broadcast_in_dim3A_367 = vector.broadcast %jit3A_366 : i32 to vector<16xi32>
      %select_n3A_368 = arith.select %eq3A_365, %select_n3A_359, %broadcast_in_dim3A_367 : vector<16xi1>, vector<16xi32>
      %eq3A_369 = arith.constant 2 : i32
      %eq3A_370 = vector.broadcast %eq3A_369 : i32 to vector<16xi32>
      %eq3A_371 = arith.cmpi eq, %iota3A, %eq3A_370 : vector<16xi32>
      %reduce_min3A_372 = arith.constant true
      %reduce_min3A_373 = vector.broadcast %reduce_min3A_372 : i1 to vector<16xi1>
      %reduce_min3A_374 = arith.constant -2147483648 : i32
      %reduce_min3A_375 = vector.broadcast %reduce_min3A_374 : i32 to vector<16xi32>
      %reduce_min3A_376 = arith.xori %select_n3A_368, %reduce_min3A_375 : vector<16xi32>
      %reduce_min3A_377 = tpu.scan <min>, %reduce_min3A_376 masked %reduce_min3A_373 : vector<16xi32>, vector<16xi1> -> vector<16xi32>
      %reduce_min3A_378 = arith.xori %reduce_min3A_377, %reduce_min3A_375 : vector<16xi32>
      %reduce_min3A_379 = vector.extract %reduce_min3A_378[15] : i32 from vector<16xi32>
      %broadcast_in_dim3A_380 = vector.broadcast %reduce_min3A_379 : i32 to vector<16xi32>
      %select_n3A_381 = arith.select %eq3A_371, %broadcast_in_dim3A_380, %select_n3A_271 : vector<16xi1>, vector<16xi32>
      %broadcast_in_dim3A_382 = arith.constant 0xFF800000 : f32
      %broadcast_in_dim3A_383 = vector.broadcast %broadcast_in_dim3A_382 : f32 to vector<16xf32>
      %broadcast_in_dim3A_384 = arith.constant 1 : i32
      %broadcast_in_dim3A_385 = vector.broadcast %broadcast_in_dim3A_384 : i32 to vector<16xi32>
      %add3A_386 = arith.constant 3 : i32
      %add3A_387 = arith.addi %mul3A_56, %add3A_386 : i32
      %get3A_388 = arith.index_cast %add3A_387 : i32 to index
      %get3A_389 = arith.constant 0 : index
      %get3A_390 = tpu.vector_load %arg4[%get3A_388, %get3A_389] {strides = array<i32>} : memref<336x151xf32, #tpu.memory_space<vmem>>, vector<16xf32>,
      %eq3A_391 = arith.constant 0 : i32
      %eq3A_392 = vector.broadcast %eq3A_391 : i32 to vector<16xi32>
      %eq3A_393 = arith.cmpi eq, %iota3A, %eq3A_392 : vector<16xi32>
      %select_n3A_394 = arith.select %eq3A_393, %broadcast_in_dim3A_1, %get3A_390 : vector<16xi1>, vector<16xf32>
      %gt3A_395 = arith.cmpf ogt, %select_n3A_394, %broadcast_in_dim3A_383 : vector<16xf32>
      %select_n3A_396 = arith.select %gt3A_395, %select_n3A_394, %broadcast_in_dim3A_383 : vector<16xi1>, vector<16xf32>
      %select_n3A_397 = arith.select %gt3A_395, %add3A_4, %broadcast_in_dim3A_385 : vector<16xi1>, vector<16xi32>
      %add3A_398 = arith.constant 3 : i32
      %add3A_399 = arith.addi %mul3A_56, %add3A_398 : i32
      %get3A_400 = arith.index_cast %add3A_399 : i32 to index
      %get3A_401 = arith.constant 16 : index
      %get3A_402 = tpu.vector_load %arg4[%get3A_400, %get3A_401] {strides = array<i32>} : memref<336x151xf32, #tpu.memory_space<vmem>>, vector<16xf32>,
      %gt3A_403 = arith.cmpf ogt, %get3A_402, %select_n3A_396 : vector<16xf32>
      %select_n3A_404 = arith.select %gt3A_403, %get3A_402, %select_n3A_396 : vector<16xi1>, vector<16xf32>
      %select_n3A_405 = arith.select %gt3A_403, %add3A_7, %select_n3A_397 : vector<16xi1>, vector<16xi32>
      %add3A_406 = arith.constant 3 : i32
      %add3A_407 = arith.addi %mul3A_56, %add3A_406 : i32
      %get3A_408 = arith.index_cast %add3A_407 : i32 to index
      %get3A_409 = arith.constant 32 : index
      %get3A_410 = tpu.vector_load %arg4[%get3A_408, %get3A_409] {strides = array<i32>} : memref<336x151xf32, #tpu.memory_space<vmem>>, vector<16xf32>,
      %gt3A_411 = arith.cmpf ogt, %get3A_410, %select_n3A_404 : vector<16xf32>
      %select_n3A_412 = arith.select %gt3A_411, %get3A_410, %select_n3A_404 : vector<16xi1>, vector<16xf32>
      %select_n3A_413 = arith.select %gt3A_411, %add3A_10, %select_n3A_405 : vector<16xi1>, vector<16xi32>
      %add3A_414 = arith.constant 3 : i32
      %add3A_415 = arith.addi %mul3A_56, %add3A_414 : i32
      %get3A_416 = arith.index_cast %add3A_415 : i32 to index
      %get3A_417 = arith.constant 48 : index
      %get3A_418 = tpu.vector_load %arg4[%get3A_416, %get3A_417] {strides = array<i32>} : memref<336x151xf32, #tpu.memory_space<vmem>>, vector<16xf32>,
      %gt3A_419 = arith.cmpf ogt, %get3A_418, %select_n3A_412 : vector<16xf32>
      %select_n3A_420 = arith.select %gt3A_419, %get3A_418, %select_n3A_412 : vector<16xi1>, vector<16xf32>
      %select_n3A_421 = arith.select %gt3A_419, %add3A_13, %select_n3A_413 : vector<16xi1>, vector<16xi32>
      %add3A_422 = arith.constant 3 : i32
      %add3A_423 = arith.addi %mul3A_56, %add3A_422 : i32
      %get3A_424 = arith.index_cast %add3A_423 : i32 to index
      %get3A_425 = arith.constant 64 : index
      %get3A_426 = tpu.vector_load %arg4[%get3A_424, %get3A_425] {strides = array<i32>} : memref<336x151xf32, #tpu.memory_space<vmem>>, vector<16xf32>,
      %gt3A_427 = arith.cmpf ogt, %get3A_426, %select_n3A_420 : vector<16xf32>
      %select_n3A_428 = arith.select %gt3A_427, %get3A_426, %select_n3A_420 : vector<16xi1>, vector<16xf32>
      %select_n3A_429 = arith.select %gt3A_427, %add3A_16, %select_n3A_421 : vector<16xi1>, vector<16xi32>
      %add3A_430 = arith.constant 3 : i32
      %add3A_431 = arith.addi %mul3A_56, %add3A_430 : i32
      %get3A_432 = arith.index_cast %add3A_431 : i32 to index
      %get3A_433 = arith.constant 80 : index
      %get3A_434 = tpu.vector_load %arg4[%get3A_432, %get3A_433] {strides = array<i32>} : memref<336x151xf32, #tpu.memory_space<vmem>>, vector<16xf32>,
      %gt3A_435 = arith.cmpf ogt, %get3A_434, %select_n3A_428 : vector<16xf32>
      %select_n3A_436 = arith.select %gt3A_435, %get3A_434, %select_n3A_428 : vector<16xi1>, vector<16xf32>
      %select_n3A_437 = arith.select %gt3A_435, %add3A_19, %select_n3A_429 : vector<16xi1>, vector<16xi32>
      %add3A_438 = arith.constant 3 : i32
      %add3A_439 = arith.addi %mul3A_56, %add3A_438 : i32
      %get3A_440 = arith.index_cast %add3A_439 : i32 to index
      %get3A_441 = arith.constant 96 : index
      %get3A_442 = tpu.vector_load %arg4[%get3A_440, %get3A_441] {strides = array<i32>} : memref<336x151xf32, #tpu.memory_space<vmem>>, vector<16xf32>,
      %gt3A_443 = arith.cmpf ogt, %get3A_442, %select_n3A_436 : vector<16xf32>
      %select_n3A_444 = arith.select %gt3A_443, %get3A_442, %select_n3A_436 : vector<16xi1>, vector<16xf32>
      %select_n3A_445 = arith.select %gt3A_443, %add3A_22, %select_n3A_437 : vector<16xi1>, vector<16xi32>
      %add3A_446 = arith.constant 3 : i32
      %add3A_447 = arith.addi %mul3A_56, %add3A_446 : i32
      %get3A_448 = arith.index_cast %add3A_447 : i32 to index
      %get3A_449 = arith.constant 112 : index
      %get3A_450 = tpu.vector_load %arg4[%get3A_448, %get3A_449] {strides = array<i32>} : memref<336x151xf32, #tpu.memory_space<vmem>>, vector<16xf32>,
      %gt3A_451 = arith.cmpf ogt, %get3A_450, %select_n3A_444 : vector<16xf32>
      %select_n3A_452 = arith.select %gt3A_451, %get3A_450, %select_n3A_444 : vector<16xi1>, vector<16xf32>
      %select_n3A_453 = arith.select %gt3A_451, %add3A_25, %select_n3A_445 : vector<16xi1>, vector<16xi32>
      %add3A_454 = arith.constant 3 : i32
      %add3A_455 = arith.addi %mul3A_56, %add3A_454 : i32
      %get3A_456 = arith.index_cast %add3A_455 : i32 to index
      %get3A_457 = arith.constant 128 : index
      %get3A_458 = tpu.vector_load %arg4[%get3A_456, %get3A_457] {strides = array<i32>} : memref<336x151xf32, #tpu.memory_space<vmem>>, vector<16xf32>,
      %gt3A_459 = arith.cmpf ogt, %get3A_458, %select_n3A_452 : vector<16xf32>
      %select_n3A_460 = arith.select %gt3A_459, %get3A_458, %select_n3A_452 : vector<16xi1>, vector<16xf32>
      %select_n3A_461 = arith.select %gt3A_459, %add3A_28, %select_n3A_453 : vector<16xi1>, vector<16xi32>
      %add3A_462 = arith.constant 3 : i32
      %add3A_463 = arith.addi %mul3A_56, %add3A_462 : i32
      %get3A_464 = arith.index_cast %add3A_463 : i32 to index
      %get3A_465 = arith.constant 135 : index
      %get3A_466 = tpu.vector_load %arg4[%get3A_464, %get3A_465] {strides = array<i32>} : memref<336x151xf32, #tpu.memory_space<vmem>>, vector<16xf32>,
      %gt3A_467 = arith.cmpf ogt, %get3A_466, %select_n3A_460 : vector<16xf32>
      %select_n3A_468 = arith.select %gt3A_467, %get3A_466, %select_n3A_460 : vector<16xi1>, vector<16xf32>
      %select_n3A_469 = arith.select %gt3A_467, %add3A_31, %select_n3A_461 : vector<16xi1>, vector<16xi32>
      %reduce_max3A_470 = arith.constant true
      %reduce_max3A_471 = vector.broadcast %reduce_max3A_470 : i1 to vector<16xi1>
      %reduce_max3A_472 = tpu.scan <max>, %select_n3A_468 masked %reduce_max3A_471 : vector<16xf32>, vector<16xi1> -> vector<16xf32>
      %reduce_max3A_473 = vector.extract %reduce_max3A_472[15] : f32 from vector<16xf32>
      %eq3A_474 = vector.broadcast %reduce_max3A_473 : f32 to vector<16xf32>
      %eq3A_475 = arith.cmpf oeq, %select_n3A_468, %eq3A_474 : vector<16xf32>
      %jit3A_476 = arith.constant 151 : i32
      %broadcast_in_dim3A_477 = vector.broadcast %jit3A_476 : i32 to vector<16xi32>
      %select_n3A_478 = arith.select %eq3A_475, %select_n3A_469, %broadcast_in_dim3A_477 : vector<16xi1>, vector<16xi32>
      %eq3A_479 = arith.constant 3 : i32
      %eq3A_480 = vector.broadcast %eq3A_479 : i32 to vector<16xi32>
      %eq3A_481 = arith.cmpi eq, %iota3A, %eq3A_480 : vector<16xi32>
      %reduce_min3A_482 = arith.constant true
      %reduce_min3A_483 = vector.broadcast %reduce_min3A_482 : i1 to vector<16xi1>
      %reduce_min3A_484 = arith.constant -2147483648 : i32
      %reduce_min3A_485 = vector.broadcast %reduce_min3A_484 : i32 to vector<16xi32>
      %reduce_min3A_486 = arith.xori %select_n3A_478, %reduce_min3A_485 : vector<16xi32>
      %reduce_min3A_487 = tpu.scan <min>, %reduce_min3A_486 masked %reduce_min3A_483 : vector<16xi32>, vector<16xi1> -> vector<16xi32>
      %reduce_min3A_488 = arith.xori %reduce_min3A_487, %reduce_min3A_485 : vector<16xi32>
      %reduce_min3A_489 = vector.extract %reduce_min3A_488[15] : i32 from vector<16xi32>
      %broadcast_in_dim3A_490 = vector.broadcast %reduce_min3A_489 : i32 to vector<16xi32>
      %select_n3A_491 = arith.select %eq3A_481, %broadcast_in_dim3A_490, %select_n3A_381 : vector<16xi1>, vector<16xi32>
      %broadcast_in_dim3A_492 = arith.constant 0xFF800000 : f32
      %broadcast_in_dim3A_493 = vector.broadcast %broadcast_in_dim3A_492 : f32 to vector<16xf32>
      %broadcast_in_dim3A_494 = arith.constant 1 : i32
      %broadcast_in_dim3A_495 = vector.broadcast %broadcast_in_dim3A_494 : i32 to vector<16xi32>
      %add3A_496 = arith.constant 4 : i32
      %add3A_497 = arith.addi %mul3A_56, %add3A_496 : i32
      %get3A_498 = arith.index_cast %add3A_497 : i32 to index
      %get3A_499 = arith.constant 0 : index
      %get3A_500 = tpu.vector_load %arg4[%get3A_498, %get3A_499] {strides = array<i32>} : memref<336x151xf32, #tpu.memory_space<vmem>>, vector<16xf32>,
      %eq3A_501 = arith.constant 0 : i32
      %eq3A_502 = vector.broadcast %eq3A_501 : i32 to vector<16xi32>
      %eq3A_503 = arith.cmpi eq, %iota3A, %eq3A_502 : vector<16xi32>
      %select_n3A_504 = arith.select %eq3A_503, %broadcast_in_dim3A_1, %get3A_500 : vector<16xi1>, vector<16xf32>
      %gt3A_505 = arith.cmpf ogt, %select_n3A_504, %broadcast_in_dim3A_493 : vector<16xf32>
      %select_n3A_506 = arith.select %gt3A_505, %select_n3A_504, %broadcast_in_dim3A_493 : vector<16xi1>, vector<16xf32>
      %select_n3A_507 = arith.select %gt3A_505, %add3A_4, %broadcast_in_dim3A_495 : vector<16xi1>, vector<16xi32>
      %add3A_508 = arith.constant 4 : i32
      %add3A_509 = arith.addi %mul3A_56, %add3A_508 : i32
      %get3A_510 = arith.index_cast %add3A_509 : i32 to index
      %get3A_511 = arith.constant 16 : index
      %get3A_512 = tpu.vector_load %arg4[%get3A_510, %get3A_511] {strides = array<i32>} : memref<336x151xf32, #tpu.memory_space<vmem>>, vector<16xf32>,
      %gt3A_513 = arith.cmpf ogt, %get3A_512, %select_n3A_506 : vector<16xf32>
      %select_n3A_514 = arith.select %gt3A_513, %get3A_512, %select_n3A_506 : vector<16xi1>, vector<16xf32>
      %select_n3A_515 = arith.select %gt3A_513, %add3A_7, %select_n3A_507 : vector<16xi1>, vector<16xi32>
      %add3A_516 = arith.constant 4 : i32
      %add3A_517 = arith.addi %mul3A_56, %add3A_516 : i32
      %get3A_518 = arith.index_cast %add3A_517 : i32 to index
      %get3A_519 = arith.constant 32 : index
      %get3A_520 = tpu.vector_load %arg4[%get3A_518, %get3A_519] {strides = array<i32>} : memref<336x151xf32, #tpu.memory_space<vmem>>, vector<16xf32>,
      %gt3A_521 = arith.cmpf ogt, %get3A_520, %select_n3A_514 : vector<16xf32>
      %select_n3A_522 = arith.select %gt3A_521, %get3A_520, %select_n3A_514 : vector<16xi1>, vector<16xf32>
      %select_n3A_523 = arith.select %gt3A_521, %add3A_10, %select_n3A_515 : vector<16xi1>, vector<16xi32>
      %add3A_524 = arith.constant 4 : i32
      %add3A_525 = arith.addi %mul3A_56, %add3A_524 : i32
      %get3A_526 = arith.index_cast %add3A_525 : i32 to index
      %get3A_527 = arith.constant 48 : index
      %get3A_528 = tpu.vector_load %arg4[%get3A_526, %get3A_527] {strides = array<i32>} : memref<336x151xf32, #tpu.memory_space<vmem>>, vector<16xf32>,
      %gt3A_529 = arith.cmpf ogt, %get3A_528, %select_n3A_522 : vector<16xf32>
      %select_n3A_530 = arith.select %gt3A_529, %get3A_528, %select_n3A_522 : vector<16xi1>, vector<16xf32>
      %select_n3A_531 = arith.select %gt3A_529, %add3A_13, %select_n3A_523 : vector<16xi1>, vector<16xi32>
      %add3A_532 = arith.constant 4 : i32
      %add3A_533 = arith.addi %mul3A_56, %add3A_532 : i32
      %get3A_534 = arith.index_cast %add3A_533 : i32 to index
      %get3A_535 = arith.constant 64 : index
      %get3A_536 = tpu.vector_load %arg4[%get3A_534, %get3A_535] {strides = array<i32>} : memref<336x151xf32, #tpu.memory_space<vmem>>, vector<16xf32>,
      %gt3A_537 = arith.cmpf ogt, %get3A_536, %select_n3A_530 : vector<16xf32>
      %select_n3A_538 = arith.select %gt3A_537, %get3A_536, %select_n3A_530 : vector<16xi1>, vector<16xf32>
      %select_n3A_539 = arith.select %gt3A_537, %add3A_16, %select_n3A_531 : vector<16xi1>, vector<16xi32>
      %add3A_540 = arith.constant 4 : i32
      %add3A_541 = arith.addi %mul3A_56, %add3A_540 : i32
      %get3A_542 = arith.index_cast %add3A_541 : i32 to index
      %get3A_543 = arith.constant 80 : index
      %get3A_544 = tpu.vector_load %arg4[%get3A_542, %get3A_543] {strides = array<i32>} : memref<336x151xf32, #tpu.memory_space<vmem>>, vector<16xf32>,
      %gt3A_545 = arith.cmpf ogt, %get3A_544, %select_n3A_538 : vector<16xf32>
      %select_n3A_546 = arith.select %gt3A_545, %get3A_544, %select_n3A_538 : vector<16xi1>, vector<16xf32>
      %select_n3A_547 = arith.select %gt3A_545, %add3A_19, %select_n3A_539 : vector<16xi1>, vector<16xi32>
      %add3A_548 = arith.constant 4 : i32
      %add3A_549 = arith.addi %mul3A_56, %add3A_548 : i32
      %get3A_550 = arith.index_cast %add3A_549 : i32 to index
      %get3A_551 = arith.constant 96 : index
      %get3A_552 = tpu.vector_load %arg4[%get3A_550, %get3A_551] {strides = array<i32>} : memref<336x151xf32, #tpu.memory_space<vmem>>, vector<16xf32>,
      %gt3A_553 = arith.cmpf ogt, %get3A_552, %select_n3A_546 : vector<16xf32>
      %select_n3A_554 = arith.select %gt3A_553, %get3A_552, %select_n3A_546 : vector<16xi1>, vector<16xf32>
      %select_n3A_555 = arith.select %gt3A_553, %add3A_22, %select_n3A_547 : vector<16xi1>, vector<16xi32>
      %add3A_556 = arith.constant 4 : i32
      %add3A_557 = arith.addi %mul3A_56, %add3A_556 : i32
      %get3A_558 = arith.index_cast %add3A_557 : i32 to index
      %get3A_559 = arith.constant 112 : index
      %get3A_560 = tpu.vector_load %arg4[%get3A_558, %get3A_559] {strides = array<i32>} : memref<336x151xf32, #tpu.memory_space<vmem>>, vector<16xf32>,
      %gt3A_561 = arith.cmpf ogt, %get3A_560, %select_n3A_554 : vector<16xf32>
      %select_n3A_562 = arith.select %gt3A_561, %get3A_560, %select_n3A_554 : vector<16xi1>, vector<16xf32>
      %select_n3A_563 = arith.select %gt3A_561, %add3A_25, %select_n3A_555 : vector<16xi1>, vector<16xi32>
      %add3A_564 = arith.constant 4 : i32
      %add3A_565 = arith.addi %mul3A_56, %add3A_564 : i32
      %get3A_566 = arith.index_cast %add3A_565 : i32 to index
      %get3A_567 = arith.constant 128 : index
      %get3A_568 = tpu.vector_load %arg4[%get3A_566, %get3A_567] {strides = array<i32>} : memref<336x151xf32, #tpu.memory_space<vmem>>, vector<16xf32>,
      %gt3A_569 = arith.cmpf ogt, %get3A_568, %select_n3A_562 : vector<16xf32>
      %select_n3A_570 = arith.select %gt3A_569, %get3A_568, %select_n3A_562 : vector<16xi1>, vector<16xf32>
      %select_n3A_571 = arith.select %gt3A_569, %add3A_28, %select_n3A_563 : vector<16xi1>, vector<16xi32>
      %add3A_572 = arith.constant 4 : i32
      %add3A_573 = arith.addi %mul3A_56, %add3A_572 : i32
      %get3A_574 = arith.index_cast %add3A_573 : i32 to index
      %get3A_575 = arith.constant 135 : index
      %get3A_576 = tpu.vector_load %arg4[%get3A_574, %get3A_575] {strides = array<i32>} : memref<336x151xf32, #tpu.memory_space<vmem>>, vector<16xf32>,
      %gt3A_577 = arith.cmpf ogt, %get3A_576, %select_n3A_570 : vector<16xf32>
      %select_n3A_578 = arith.select %gt3A_577, %get3A_576, %select_n3A_570 : vector<16xi1>, vector<16xf32>
      %select_n3A_579 = arith.select %gt3A_577, %add3A_31, %select_n3A_571 : vector<16xi1>, vector<16xi32>
      %reduce_max3A_580 = arith.constant true
      %reduce_max3A_581 = vector.broadcast %reduce_max3A_580 : i1 to vector<16xi1>
      %reduce_max3A_582 = tpu.scan <max>, %select_n3A_578 masked %reduce_max3A_581 : vector<16xf32>, vector<16xi1> -> vector<16xf32>
      %reduce_max3A_583 = vector.extract %reduce_max3A_582[15] : f32 from vector<16xf32>
      %eq3A_584 = vector.broadcast %reduce_max3A_583 : f32 to vector<16xf32>
      %eq3A_585 = arith.cmpf oeq, %select_n3A_578, %eq3A_584 : vector<16xf32>
      %jit3A_586 = arith.constant 151 : i32
      %broadcast_in_dim3A_587 = vector.broadcast %jit3A_586 : i32 to vector<16xi32>
      %select_n3A_588 = arith.select %eq3A_585, %select_n3A_579, %broadcast_in_dim3A_587 : vector<16xi1>, vector<16xi32>
      %eq3A_589 = arith.constant 4 : i32
      %eq3A_590 = vector.broadcast %eq3A_589 : i32 to vector<16xi32>
      %eq3A_591 = arith.cmpi eq, %iota3A, %eq3A_590 : vector<16xi32>
      %reduce_min3A_592 = arith.constant true
      %reduce_min3A_593 = vector.broadcast %reduce_min3A_592 : i1 to vector<16xi1>
      %reduce_min3A_594 = arith.constant -2147483648 : i32
      %reduce_min3A_595 = vector.broadcast %reduce_min3A_594 : i32 to vector<16xi32>
      %reduce_min3A_596 = arith.xori %select_n3A_588, %reduce_min3A_595 : vector<16xi32>
      %reduce_min3A_597 = tpu.scan <min>, %reduce_min3A_596 masked %reduce_min3A_593 : vector<16xi32>, vector<16xi1> -> vector<16xi32>
      %reduce_min3A_598 = arith.xori %reduce_min3A_597, %reduce_min3A_595 : vector<16xi32>
      %reduce_min3A_599 = vector.extract %reduce_min3A_598[15] : i32 from vector<16xi32>
      %broadcast_in_dim3A_600 = vector.broadcast %reduce_min3A_599 : i32 to vector<16xi32>
      %select_n3A_601 = arith.select %eq3A_591, %broadcast_in_dim3A_600, %select_n3A_491 : vector<16xi1>, vector<16xi32>
      %broadcast_in_dim3A_602 = arith.constant 0xFF800000 : f32
      %broadcast_in_dim3A_603 = vector.broadcast %broadcast_in_dim3A_602 : f32 to vector<16xf32>
      %broadcast_in_dim3A_604 = arith.constant 1 : i32
      %broadcast_in_dim3A_605 = vector.broadcast %broadcast_in_dim3A_604 : i32 to vector<16xi32>
      %add3A_606 = arith.constant 5 : i32
      %add3A_607 = arith.addi %mul3A_56, %add3A_606 : i32
      %get3A_608 = arith.index_cast %add3A_607 : i32 to index
      %get3A_609 = arith.constant 0 : index
      %get3A_610 = tpu.vector_load %arg4[%get3A_608, %get3A_609] {strides = array<i32>} : memref<336x151xf32, #tpu.memory_space<vmem>>, vector<16xf32>,
      %eq3A_611 = arith.constant 0 : i32
      %eq3A_612 = vector.broadcast %eq3A_611 : i32 to vector<16xi32>
      %eq3A_613 = arith.cmpi eq, %iota3A, %eq3A_612 : vector<16xi32>
      %select_n3A_614 = arith.select %eq3A_613, %broadcast_in_dim3A_1, %get3A_610 : vector<16xi1>, vector<16xf32>
      %gt3A_615 = arith.cmpf ogt, %select_n3A_614, %broadcast_in_dim3A_603 : vector<16xf32>
      %select_n3A_616 = arith.select %gt3A_615, %select_n3A_614, %broadcast_in_dim3A_603 : vector<16xi1>, vector<16xf32>
      %select_n3A_617 = arith.select %gt3A_615, %add3A_4, %broadcast_in_dim3A_605 : vector<16xi1>, vector<16xi32>
      %add3A_618 = arith.constant 5 : i32
      %add3A_619 = arith.addi %mul3A_56, %add3A_618 : i32
      %get3A_620 = arith.index_cast %add3A_619 : i32 to index
      %get3A_621 = arith.constant 16 : index
      %get3A_622 = tpu.vector_load %arg4[%get3A_620, %get3A_621] {strides = array<i32>} : memref<336x151xf32, #tpu.memory_space<vmem>>, vector<16xf32>,
      %gt3A_623 = arith.cmpf ogt, %get3A_622, %select_n3A_616 : vector<16xf32>
      %select_n3A_624 = arith.select %gt3A_623, %get3A_622, %select_n3A_616 : vector<16xi1>, vector<16xf32>
      %select_n3A_625 = arith.select %gt3A_623, %add3A_7, %select_n3A_617 : vector<16xi1>, vector<16xi32>
      %add3A_626 = arith.constant 5 : i32
      %add3A_627 = arith.addi %mul3A_56, %add3A_626 : i32
      %get3A_628 = arith.index_cast %add3A_627 : i32 to index
      %get3A_629 = arith.constant 32 : index
      %get3A_630 = tpu.vector_load %arg4[%get3A_628, %get3A_629] {strides = array<i32>} : memref<336x151xf32, #tpu.memory_space<vmem>>, vector<16xf32>,
      %gt3A_631 = arith.cmpf ogt, %get3A_630, %select_n3A_624 : vector<16xf32>
      %select_n3A_632 = arith.select %gt3A_631, %get3A_630, %select_n3A_624 : vector<16xi1>, vector<16xf32>
      %select_n3A_633 = arith.select %gt3A_631, %add3A_10, %select_n3A_625 : vector<16xi1>, vector<16xi32>
      %add3A_634 = arith.constant 5 : i32
      %add3A_635 = arith.addi %mul3A_56, %add3A_634 : i32
      %get3A_636 = arith.index_cast %add3A_635 : i32 to index
      %get3A_637 = arith.constant 48 : index
      %get3A_638 = tpu.vector_load %arg4[%get3A_636, %get3A_637] {strides = array<i32>} : memref<336x151xf32, #tpu.memory_space<vmem>>, vector<16xf32>,
      %gt3A_639 = arith.cmpf ogt, %get3A_638, %select_n3A_632 : vector<16xf32>
      %select_n3A_640 = arith.select %gt3A_639, %get3A_638, %select_n3A_632 : vector<16xi1>, vector<16xf32>
      %select_n3A_641 = arith.select %gt3A_639, %add3A_13, %select_n3A_633 : vector<16xi1>, vector<16xi32>
      %add3A_642 = arith.constant 5 : i32
      %add3A_643 = arith.addi %mul3A_56, %add3A_642 : i32
      %get3A_644 = arith.index_cast %add3A_643 : i32 to index
      %get3A_645 = arith.constant 64 : index
      %get3A_646 = tpu.vector_load %arg4[%get3A_644, %get3A_645] {strides = array<i32>} : memref<336x151xf32, #tpu.memory_space<vmem>>, vector<16xf32>,
      %gt3A_647 = arith.cmpf ogt, %get3A_646, %select_n3A_640 : vector<16xf32>
      %select_n3A_648 = arith.select %gt3A_647, %get3A_646, %select_n3A_640 : vector<16xi1>, vector<16xf32>
      %select_n3A_649 = arith.select %gt3A_647, %add3A_16, %select_n3A_641 : vector<16xi1>, vector<16xi32>
      %add3A_650 = arith.constant 5 : i32
      %add3A_651 = arith.addi %mul3A_56, %add3A_650 : i32
      %get3A_652 = arith.index_cast %add3A_651 : i32 to index
      %get3A_653 = arith.constant 80 : index
      %get3A_654 = tpu.vector_load %arg4[%get3A_652, %get3A_653] {strides = array<i32>} : memref<336x151xf32, #tpu.memory_space<vmem>>, vector<16xf32>,
      %gt3A_655 = arith.cmpf ogt, %get3A_654, %select_n3A_648 : vector<16xf32>
      %select_n3A_656 = arith.select %gt3A_655, %get3A_654, %select_n3A_648 : vector<16xi1>, vector<16xf32>
      %select_n3A_657 = arith.select %gt3A_655, %add3A_19, %select_n3A_649 : vector<16xi1>, vector<16xi32>
      %add3A_658 = arith.constant 5 : i32
      %add3A_659 = arith.addi %mul3A_56, %add3A_658 : i32
      %get3A_660 = arith.index_cast %add3A_659 : i32 to index
      %get3A_661 = arith.constant 96 : index
      %get3A_662 = tpu.vector_load %arg4[%get3A_660, %get3A_661] {strides = array<i32>} : memref<336x151xf32, #tpu.memory_space<vmem>>, vector<16xf32>,
      %gt3A_663 = arith.cmpf ogt, %get3A_662, %select_n3A_656 : vector<16xf32>
      %select_n3A_664 = arith.select %gt3A_663, %get3A_662, %select_n3A_656 : vector<16xi1>, vector<16xf32>
      %select_n3A_665 = arith.select %gt3A_663, %add3A_22, %select_n3A_657 : vector<16xi1>, vector<16xi32>
      %add3A_666 = arith.constant 5 : i32
      %add3A_667 = arith.addi %mul3A_56, %add3A_666 : i32
      %get3A_668 = arith.index_cast %add3A_667 : i32 to index
      %get3A_669 = arith.constant 112 : index
      %get3A_670 = tpu.vector_load %arg4[%get3A_668, %get3A_669] {strides = array<i32>} : memref<336x151xf32, #tpu.memory_space<vmem>>, vector<16xf32>,
      %gt3A_671 = arith.cmpf ogt, %get3A_670, %select_n3A_664 : vector<16xf32>
      %select_n3A_672 = arith.select %gt3A_671, %get3A_670, %select_n3A_664 : vector<16xi1>, vector<16xf32>
      %select_n3A_673 = arith.select %gt3A_671, %add3A_25, %select_n3A_665 : vector<16xi1>, vector<16xi32>
      %add3A_674 = arith.constant 5 : i32
      %add3A_675 = arith.addi %mul3A_56, %add3A_674 : i32
      %get3A_676 = arith.index_cast %add3A_675 : i32 to index
      %get3A_677 = arith.constant 128 : index
      %get3A_678 = tpu.vector_load %arg4[%get3A_676, %get3A_677] {strides = array<i32>} : memref<336x151xf32, #tpu.memory_space<vmem>>, vector<16xf32>,
      %gt3A_679 = arith.cmpf ogt, %get3A_678, %select_n3A_672 : vector<16xf32>
      %select_n3A_680 = arith.select %gt3A_679, %get3A_678, %select_n3A_672 : vector<16xi1>, vector<16xf32>
      %select_n3A_681 = arith.select %gt3A_679, %add3A_28, %select_n3A_673 : vector<16xi1>, vector<16xi32>
      %add3A_682 = arith.constant 5 : i32
      %add3A_683 = arith.addi %mul3A_56, %add3A_682 : i32
      %get3A_684 = arith.index_cast %add3A_683 : i32 to index
      %get3A_685 = arith.constant 135 : index
      %get3A_686 = tpu.vector_load %arg4[%get3A_684, %get3A_685] {strides = array<i32>} : memref<336x151xf32, #tpu.memory_space<vmem>>, vector<16xf32>,
      %gt3A_687 = arith.cmpf ogt, %get3A_686, %select_n3A_680 : vector<16xf32>
      %select_n3A_688 = arith.select %gt3A_687, %get3A_686, %select_n3A_680 : vector<16xi1>, vector<16xf32>
      %select_n3A_689 = arith.select %gt3A_687, %add3A_31, %select_n3A_681 : vector<16xi1>, vector<16xi32>
      %reduce_max3A_690 = arith.constant true
      %reduce_max3A_691 = vector.broadcast %reduce_max3A_690 : i1 to vector<16xi1>
      %reduce_max3A_692 = tpu.scan <max>, %select_n3A_688 masked %reduce_max3A_691 : vector<16xf32>, vector<16xi1> -> vector<16xf32>
      %reduce_max3A_693 = vector.extract %reduce_max3A_692[15] : f32 from vector<16xf32>
      %eq3A_694 = vector.broadcast %reduce_max3A_693 : f32 to vector<16xf32>
      %eq3A_695 = arith.cmpf oeq, %select_n3A_688, %eq3A_694 : vector<16xf32>
      %jit3A_696 = arith.constant 151 : i32
      %broadcast_in_dim3A_697 = vector.broadcast %jit3A_696 : i32 to vector<16xi32>
      %select_n3A_698 = arith.select %eq3A_695, %select_n3A_689, %broadcast_in_dim3A_697 : vector<16xi1>, vector<16xi32>
      %eq3A_699 = arith.constant 5 : i32
      %eq3A_700 = vector.broadcast %eq3A_699 : i32 to vector<16xi32>
      %eq3A_701 = arith.cmpi eq, %iota3A, %eq3A_700 : vector<16xi32>
      %reduce_min3A_702 = arith.constant true
      %reduce_min3A_703 = vector.broadcast %reduce_min3A_702 : i1 to vector<16xi1>
      %reduce_min3A_704 = arith.constant -2147483648 : i32
      %reduce_min3A_705 = vector.broadcast %reduce_min3A_704 : i32 to vector<16xi32>
      %reduce_min3A_706 = arith.xori %select_n3A_698, %reduce_min3A_705 : vector<16xi32>
      %reduce_min3A_707 = tpu.scan <min>, %reduce_min3A_706 masked %reduce_min3A_703 : vector<16xi32>, vector<16xi1> -> vector<16xi32>
      %reduce_min3A_708 = arith.xori %reduce_min3A_707, %reduce_min3A_705 : vector<16xi32>
      %reduce_min3A_709 = vector.extract %reduce_min3A_708[15] : i32 from vector<16xi32>
      %broadcast_in_dim3A_710 = vector.broadcast %reduce_min3A_709 : i32 to vector<16xi32>
      %select_n3A_711 = arith.select %eq3A_701, %broadcast_in_dim3A_710, %select_n3A_601 : vector<16xi1>, vector<16xi32>
      %broadcast_in_dim3A_712 = arith.constant 0xFF800000 : f32
      %broadcast_in_dim3A_713 = vector.broadcast %broadcast_in_dim3A_712 : f32 to vector<16xf32>
      %broadcast_in_dim3A_714 = arith.constant 1 : i32
      %broadcast_in_dim3A_715 = vector.broadcast %broadcast_in_dim3A_714 : i32 to vector<16xi32>
      %add3A_716 = arith.constant 6 : i32
      %add3A_717 = arith.addi %mul3A_56, %add3A_716 : i32
      %get3A_718 = arith.index_cast %add3A_717 : i32 to index
      %get3A_719 = arith.constant 0 : index
      %get3A_720 = tpu.vector_load %arg4[%get3A_718, %get3A_719] {strides = array<i32>} : memref<336x151xf32, #tpu.memory_space<vmem>>, vector<16xf32>,
      %eq3A_721 = arith.constant 0 : i32
      %eq3A_722 = vector.broadcast %eq3A_721 : i32 to vector<16xi32>
      %eq3A_723 = arith.cmpi eq, %iota3A, %eq3A_722 : vector<16xi32>
      %select_n3A_724 = arith.select %eq3A_723, %broadcast_in_dim3A_1, %get3A_720 : vector<16xi1>, vector<16xf32>
      %gt3A_725 = arith.cmpf ogt, %select_n3A_724, %broadcast_in_dim3A_713 : vector<16xf32>
      %select_n3A_726 = arith.select %gt3A_725, %select_n3A_724, %broadcast_in_dim3A_713 : vector<16xi1>, vector<16xf32>
      %select_n3A_727 = arith.select %gt3A_725, %add3A_4, %broadcast_in_dim3A_715 : vector<16xi1>, vector<16xi32>
      %add3A_728 = arith.constant 6 : i32
      %add3A_729 = arith.addi %mul3A_56, %add3A_728 : i32
      %get3A_730 = arith.index_cast %add3A_729 : i32 to index
      %get3A_731 = arith.constant 16 : index
      %get3A_732 = tpu.vector_load %arg4[%get3A_730, %get3A_731] {strides = array<i32>} : memref<336x151xf32, #tpu.memory_space<vmem>>, vector<16xf32>,
      %gt3A_733 = arith.cmpf ogt, %get3A_732, %select_n3A_726 : vector<16xf32>
      %select_n3A_734 = arith.select %gt3A_733, %get3A_732, %select_n3A_726 : vector<16xi1>, vector<16xf32>
      %select_n3A_735 = arith.select %gt3A_733, %add3A_7, %select_n3A_727 : vector<16xi1>, vector<16xi32>
      %add3A_736 = arith.constant 6 : i32
      %add3A_737 = arith.addi %mul3A_56, %add3A_736 : i32
      %get3A_738 = arith.index_cast %add3A_737 : i32 to index
      %get3A_739 = arith.constant 32 : index
      %get3A_740 = tpu.vector_load %arg4[%get3A_738, %get3A_739] {strides = array<i32>} : memref<336x151xf32, #tpu.memory_space<vmem>>, vector<16xf32>,
      %gt3A_741 = arith.cmpf ogt, %get3A_740, %select_n3A_734 : vector<16xf32>
      %select_n3A_742 = arith.select %gt3A_741, %get3A_740, %select_n3A_734 : vector<16xi1>, vector<16xf32>
      %select_n3A_743 = arith.select %gt3A_741, %add3A_10, %select_n3A_735 : vector<16xi1>, vector<16xi32>
      %add3A_744 = arith.constant 6 : i32
      %add3A_745 = arith.addi %mul3A_56, %add3A_744 : i32
      %get3A_746 = arith.index_cast %add3A_745 : i32 to index
      %get3A_747 = arith.constant 48 : index
      %get3A_748 = tpu.vector_load %arg4[%get3A_746, %get3A_747] {strides = array<i32>} : memref<336x151xf32, #tpu.memory_space<vmem>>, vector<16xf32>,
      %gt3A_749 = arith.cmpf ogt, %get3A_748, %select_n3A_742 : vector<16xf32>
      %select_n3A_750 = arith.select %gt3A_749, %get3A_748, %select_n3A_742 : vector<16xi1>, vector<16xf32>
      %select_n3A_751 = arith.select %gt3A_749, %add3A_13, %select_n3A_743 : vector<16xi1>, vector<16xi32>
      %add3A_752 = arith.constant 6 : i32
      %add3A_753 = arith.addi %mul3A_56, %add3A_752 : i32
      %get3A_754 = arith.index_cast %add3A_753 : i32 to index
      %get3A_755 = arith.constant 64 : index
      %get3A_756 = tpu.vector_load %arg4[%get3A_754, %get3A_755] {strides = array<i32>} : memref<336x151xf32, #tpu.memory_space<vmem>>, vector<16xf32>,
      %gt3A_757 = arith.cmpf ogt, %get3A_756, %select_n3A_750 : vector<16xf32>
      %select_n3A_758 = arith.select %gt3A_757, %get3A_756, %select_n3A_750 : vector<16xi1>, vector<16xf32>
      %select_n3A_759 = arith.select %gt3A_757, %add3A_16, %select_n3A_751 : vector<16xi1>, vector<16xi32>
      %add3A_760 = arith.constant 6 : i32
      %add3A_761 = arith.addi %mul3A_56, %add3A_760 : i32
      %get3A_762 = arith.index_cast %add3A_761 : i32 to index
      %get3A_763 = arith.constant 80 : index
      %get3A_764 = tpu.vector_load %arg4[%get3A_762, %get3A_763] {strides = array<i32>} : memref<336x151xf32, #tpu.memory_space<vmem>>, vector<16xf32>,
      %gt3A_765 = arith.cmpf ogt, %get3A_764, %select_n3A_758 : vector<16xf32>
      %select_n3A_766 = arith.select %gt3A_765, %get3A_764, %select_n3A_758 : vector<16xi1>, vector<16xf32>
      %select_n3A_767 = arith.select %gt3A_765, %add3A_19, %select_n3A_759 : vector<16xi1>, vector<16xi32>
      %add3A_768 = arith.constant 6 : i32
      %add3A_769 = arith.addi %mul3A_56, %add3A_768 : i32
      %get3A_770 = arith.index_cast %add3A_769 : i32 to index
      %get3A_771 = arith.constant 96 : index
      %get3A_772 = tpu.vector_load %arg4[%get3A_770, %get3A_771] {strides = array<i32>} : memref<336x151xf32, #tpu.memory_space<vmem>>, vector<16xf32>,
      %gt3A_773 = arith.cmpf ogt, %get3A_772, %select_n3A_766 : vector<16xf32>
      %select_n3A_774 = arith.select %gt3A_773, %get3A_772, %select_n3A_766 : vector<16xi1>, vector<16xf32>
      %select_n3A_775 = arith.select %gt3A_773, %add3A_22, %select_n3A_767 : vector<16xi1>, vector<16xi32>
      %add3A_776 = arith.constant 6 : i32
      %add3A_777 = arith.addi %mul3A_56, %add3A_776 : i32
      %get3A_778 = arith.index_cast %add3A_777 : i32 to index
      %get3A_779 = arith.constant 112 : index
      %get3A_780 = tpu.vector_load %arg4[%get3A_778, %get3A_779] {strides = array<i32>} : memref<336x151xf32, #tpu.memory_space<vmem>>, vector<16xf32>,
      %gt3A_781 = arith.cmpf ogt, %get3A_780, %select_n3A_774 : vector<16xf32>
      %select_n3A_782 = arith.select %gt3A_781, %get3A_780, %select_n3A_774 : vector<16xi1>, vector<16xf32>
      %select_n3A_783 = arith.select %gt3A_781, %add3A_25, %select_n3A_775 : vector<16xi1>, vector<16xi32>
      %add3A_784 = arith.constant 6 : i32
      %add3A_785 = arith.addi %mul3A_56, %add3A_784 : i32
      %get3A_786 = arith.index_cast %add3A_785 : i32 to index
      %get3A_787 = arith.constant 128 : index
      %get3A_788 = tpu.vector_load %arg4[%get3A_786, %get3A_787] {strides = array<i32>} : memref<336x151xf32, #tpu.memory_space<vmem>>, vector<16xf32>,
      %gt3A_789 = arith.cmpf ogt, %get3A_788, %select_n3A_782 : vector<16xf32>
      %select_n3A_790 = arith.select %gt3A_789, %get3A_788, %select_n3A_782 : vector<16xi1>, vector<16xf32>
      %select_n3A_791 = arith.select %gt3A_789, %add3A_28, %select_n3A_783 : vector<16xi1>, vector<16xi32>
      %add3A_792 = arith.constant 6 : i32
      %add3A_793 = arith.addi %mul3A_56, %add3A_792 : i32
      %get3A_794 = arith.index_cast %add3A_793 : i32 to index
      %get3A_795 = arith.constant 135 : index
      %get3A_796 = tpu.vector_load %arg4[%get3A_794, %get3A_795] {strides = array<i32>} : memref<336x151xf32, #tpu.memory_space<vmem>>, vector<16xf32>,
      %gt3A_797 = arith.cmpf ogt, %get3A_796, %select_n3A_790 : vector<16xf32>
      %select_n3A_798 = arith.select %gt3A_797, %get3A_796, %select_n3A_790 : vector<16xi1>, vector<16xf32>
      %select_n3A_799 = arith.select %gt3A_797, %add3A_31, %select_n3A_791 : vector<16xi1>, vector<16xi32>
      %reduce_max3A_800 = arith.constant true
      %reduce_max3A_801 = vector.broadcast %reduce_max3A_800 : i1 to vector<16xi1>
      %reduce_max3A_802 = tpu.scan <max>, %select_n3A_798 masked %reduce_max3A_801 : vector<16xf32>, vector<16xi1> -> vector<16xf32>
      %reduce_max3A_803 = vector.extract %reduce_max3A_802[15] : f32 from vector<16xf32>
      %eq3A_804 = vector.broadcast %reduce_max3A_803 : f32 to vector<16xf32>
      %eq3A_805 = arith.cmpf oeq, %select_n3A_798, %eq3A_804 : vector<16xf32>
      %jit3A_806 = arith.constant 151 : i32
      %broadcast_in_dim3A_807 = vector.broadcast %jit3A_806 : i32 to vector<16xi32>
      %select_n3A_808 = arith.select %eq3A_805, %select_n3A_799, %broadcast_in_dim3A_807 : vector<16xi1>, vector<16xi32>
      %eq3A_809 = arith.constant 6 : i32
      %eq3A_810 = vector.broadcast %eq3A_809 : i32 to vector<16xi32>
      %eq3A_811 = arith.cmpi eq, %iota3A, %eq3A_810 : vector<16xi32>
      %reduce_min3A_812 = arith.constant true
      %reduce_min3A_813 = vector.broadcast %reduce_min3A_812 : i1 to vector<16xi1>
      %reduce_min3A_814 = arith.constant -2147483648 : i32
      %reduce_min3A_815 = vector.broadcast %reduce_min3A_814 : i32 to vector<16xi32>
      %reduce_min3A_816 = arith.xori %select_n3A_808, %reduce_min3A_815 : vector<16xi32>
      %reduce_min3A_817 = tpu.scan <min>, %reduce_min3A_816 masked %reduce_min3A_813 : vector<16xi32>, vector<16xi1> -> vector<16xi32>
      %reduce_min3A_818 = arith.xori %reduce_min3A_817, %reduce_min3A_815 : vector<16xi32>
      %reduce_min3A_819 = vector.extract %reduce_min3A_818[15] : i32 from vector<16xi32>
      %broadcast_in_dim3A_820 = vector.broadcast %reduce_min3A_819 : i32 to vector<16xi32>
      %select_n3A_821 = arith.select %eq3A_811, %broadcast_in_dim3A_820, %select_n3A_711 : vector<16xi1>, vector<16xi32>
      %broadcast_in_dim3A_822 = arith.constant 0xFF800000 : f32
      %broadcast_in_dim3A_823 = vector.broadcast %broadcast_in_dim3A_822 : f32 to vector<16xf32>
      %broadcast_in_dim3A_824 = arith.constant 1 : i32
      %broadcast_in_dim3A_825 = vector.broadcast %broadcast_in_dim3A_824 : i32 to vector<16xi32>
      %add3A_826 = arith.constant 7 : i32
      %add3A_827 = arith.addi %mul3A_56, %add3A_826 : i32
      %get3A_828 = arith.index_cast %add3A_827 : i32 to index
      %get3A_829 = arith.constant 0 : index
      %get3A_830 = tpu.vector_load %arg4[%get3A_828, %get3A_829] {strides = array<i32>} : memref<336x151xf32, #tpu.memory_space<vmem>>, vector<16xf32>,
      %eq3A_831 = arith.constant 0 : i32
      %eq3A_832 = vector.broadcast %eq3A_831 : i32 to vector<16xi32>
      %eq3A_833 = arith.cmpi eq, %iota3A, %eq3A_832 : vector<16xi32>
      %select_n3A_834 = arith.select %eq3A_833, %broadcast_in_dim3A_1, %get3A_830 : vector<16xi1>, vector<16xf32>
      %gt3A_835 = arith.cmpf ogt, %select_n3A_834, %broadcast_in_dim3A_823 : vector<16xf32>
      %select_n3A_836 = arith.select %gt3A_835, %select_n3A_834, %broadcast_in_dim3A_823 : vector<16xi1>, vector<16xf32>
      %select_n3A_837 = arith.select %gt3A_835, %add3A_4, %broadcast_in_dim3A_825 : vector<16xi1>, vector<16xi32>
      %add3A_838 = arith.constant 7 : i32
      %add3A_839 = arith.addi %mul3A_56, %add3A_838 : i32
      %get3A_840 = arith.index_cast %add3A_839 : i32 to index
      %get3A_841 = arith.constant 16 : index
      %get3A_842 = tpu.vector_load %arg4[%get3A_840, %get3A_841] {strides = array<i32>} : memref<336x151xf32, #tpu.memory_space<vmem>>, vector<16xf32>,
      %gt3A_843 = arith.cmpf ogt, %get3A_842, %select_n3A_836 : vector<16xf32>
      %select_n3A_844 = arith.select %gt3A_843, %get3A_842, %select_n3A_836 : vector<16xi1>, vector<16xf32>
      %select_n3A_845 = arith.select %gt3A_843, %add3A_7, %select_n3A_837 : vector<16xi1>, vector<16xi32>
      %add3A_846 = arith.constant 7 : i32
      %add3A_847 = arith.addi %mul3A_56, %add3A_846 : i32
      %get3A_848 = arith.index_cast %add3A_847 : i32 to index
      %get3A_849 = arith.constant 32 : index
      %get3A_850 = tpu.vector_load %arg4[%get3A_848, %get3A_849] {strides = array<i32>} : memref<336x151xf32, #tpu.memory_space<vmem>>, vector<16xf32>,
      %gt3A_851 = arith.cmpf ogt, %get3A_850, %select_n3A_844 : vector<16xf32>
      %select_n3A_852 = arith.select %gt3A_851, %get3A_850, %select_n3A_844 : vector<16xi1>, vector<16xf32>
      %select_n3A_853 = arith.select %gt3A_851, %add3A_10, %select_n3A_845 : vector<16xi1>, vector<16xi32>
      %add3A_854 = arith.constant 7 : i32
      %add3A_855 = arith.addi %mul3A_56, %add3A_854 : i32
      %get3A_856 = arith.index_cast %add3A_855 : i32 to index
      %get3A_857 = arith.constant 48 : index
      %get3A_858 = tpu.vector_load %arg4[%get3A_856, %get3A_857] {strides = array<i32>} : memref<336x151xf32, #tpu.memory_space<vmem>>, vector<16xf32>,
      %gt3A_859 = arith.cmpf ogt, %get3A_858, %select_n3A_852 : vector<16xf32>
      %select_n3A_860 = arith.select %gt3A_859, %get3A_858, %select_n3A_852 : vector<16xi1>, vector<16xf32>
      %select_n3A_861 = arith.select %gt3A_859, %add3A_13, %select_n3A_853 : vector<16xi1>, vector<16xi32>
      %add3A_862 = arith.constant 7 : i32
      %add3A_863 = arith.addi %mul3A_56, %add3A_862 : i32
      %get3A_864 = arith.index_cast %add3A_863 : i32 to index
      %get3A_865 = arith.constant 64 : index
      %get3A_866 = tpu.vector_load %arg4[%get3A_864, %get3A_865] {strides = array<i32>} : memref<336x151xf32, #tpu.memory_space<vmem>>, vector<16xf32>,
      %gt3A_867 = arith.cmpf ogt, %get3A_866, %select_n3A_860 : vector<16xf32>
      %select_n3A_868 = arith.select %gt3A_867, %get3A_866, %select_n3A_860 : vector<16xi1>, vector<16xf32>
      %select_n3A_869 = arith.select %gt3A_867, %add3A_16, %select_n3A_861 : vector<16xi1>, vector<16xi32>
      %add3A_870 = arith.constant 7 : i32
      %add3A_871 = arith.addi %mul3A_56, %add3A_870 : i32
      %get3A_872 = arith.index_cast %add3A_871 : i32 to index
      %get3A_873 = arith.constant 80 : index
      %get3A_874 = tpu.vector_load %arg4[%get3A_872, %get3A_873] {strides = array<i32>} : memref<336x151xf32, #tpu.memory_space<vmem>>, vector<16xf32>,
      %gt3A_875 = arith.cmpf ogt, %get3A_874, %select_n3A_868 : vector<16xf32>
      %select_n3A_876 = arith.select %gt3A_875, %get3A_874, %select_n3A_868 : vector<16xi1>, vector<16xf32>
      %select_n3A_877 = arith.select %gt3A_875, %add3A_19, %select_n3A_869 : vector<16xi1>, vector<16xi32>
      %add3A_878 = arith.constant 7 : i32
      %add3A_879 = arith.addi %mul3A_56, %add3A_878 : i32
      %get3A_880 = arith.index_cast %add3A_879 : i32 to index
      %get3A_881 = arith.constant 96 : index
      %get3A_882 = tpu.vector_load %arg4[%get3A_880, %get3A_881] {strides = array<i32>} : memref<336x151xf32, #tpu.memory_space<vmem>>, vector<16xf32>,
      %gt3A_883 = arith.cmpf ogt, %get3A_882, %select_n3A_876 : vector<16xf32>
      %select_n3A_884 = arith.select %gt3A_883, %get3A_882, %select_n3A_876 : vector<16xi1>, vector<16xf32>
      %select_n3A_885 = arith.select %gt3A_883, %add3A_22, %select_n3A_877 : vector<16xi1>, vector<16xi32>
      %add3A_886 = arith.constant 7 : i32
      %add3A_887 = arith.addi %mul3A_56, %add3A_886 : i32
      %get3A_888 = arith.index_cast %add3A_887 : i32 to index
      %get3A_889 = arith.constant 112 : index
      %get3A_890 = tpu.vector_load %arg4[%get3A_888, %get3A_889] {strides = array<i32>} : memref<336x151xf32, #tpu.memory_space<vmem>>, vector<16xf32>,
      %gt3A_891 = arith.cmpf ogt, %get3A_890, %select_n3A_884 : vector<16xf32>
      %select_n3A_892 = arith.select %gt3A_891, %get3A_890, %select_n3A_884 : vector<16xi1>, vector<16xf32>
      %select_n3A_893 = arith.select %gt3A_891, %add3A_25, %select_n3A_885 : vector<16xi1>, vector<16xi32>
      %add3A_894 = arith.constant 7 : i32
      %add3A_895 = arith.addi %mul3A_56, %add3A_894 : i32
      %get3A_896 = arith.index_cast %add3A_895 : i32 to index
      %get3A_897 = arith.constant 128 : index
      %get3A_898 = tpu.vector_load %arg4[%get3A_896, %get3A_897] {strides = array<i32>} : memref<336x151xf32, #tpu.memory_space<vmem>>, vector<16xf32>,
      %gt3A_899 = arith.cmpf ogt, %get3A_898, %select_n3A_892 : vector<16xf32>
      %select_n3A_900 = arith.select %gt3A_899, %get3A_898, %select_n3A_892 : vector<16xi1>, vector<16xf32>
      %select_n3A_901 = arith.select %gt3A_899, %add3A_28, %select_n3A_893 : vector<16xi1>, vector<16xi32>
      %add3A_902 = arith.constant 7 : i32
      %add3A_903 = arith.addi %mul3A_56, %add3A_902 : i32
      %get3A_904 = arith.index_cast %add3A_903 : i32 to index
      %get3A_905 = arith.constant 135 : index
      %get3A_906 = tpu.vector_load %arg4[%get3A_904, %get3A_905] {strides = array<i32>} : memref<336x151xf32, #tpu.memory_space<vmem>>, vector<16xf32>,
      %gt3A_907 = arith.cmpf ogt, %get3A_906, %select_n3A_900 : vector<16xf32>
      %select_n3A_908 = arith.select %gt3A_907, %get3A_906, %select_n3A_900 : vector<16xi1>, vector<16xf32>
      %select_n3A_909 = arith.select %gt3A_907, %add3A_31, %select_n3A_901 : vector<16xi1>, vector<16xi32>
      %reduce_max3A_910 = arith.constant true
      %reduce_max3A_911 = vector.broadcast %reduce_max3A_910 : i1 to vector<16xi1>
      %reduce_max3A_912 = tpu.scan <max>, %select_n3A_908 masked %reduce_max3A_911 : vector<16xf32>, vector<16xi1> -> vector<16xf32>
      %reduce_max3A_913 = vector.extract %reduce_max3A_912[15] : f32 from vector<16xf32>
      %eq3A_914 = vector.broadcast %reduce_max3A_913 : f32 to vector<16xf32>
      %eq3A_915 = arith.cmpf oeq, %select_n3A_908, %eq3A_914 : vector<16xf32>
      %jit3A_916 = arith.constant 151 : i32
      %broadcast_in_dim3A_917 = vector.broadcast %jit3A_916 : i32 to vector<16xi32>
      %select_n3A_918 = arith.select %eq3A_915, %select_n3A_909, %broadcast_in_dim3A_917 : vector<16xi1>, vector<16xi32>
      %eq3A_919 = arith.constant 7 : i32
      %eq3A_920 = vector.broadcast %eq3A_919 : i32 to vector<16xi32>
      %eq3A_921 = arith.cmpi eq, %iota3A, %eq3A_920 : vector<16xi32>
      %reduce_min3A_922 = arith.constant true
      %reduce_min3A_923 = vector.broadcast %reduce_min3A_922 : i1 to vector<16xi1>
      %reduce_min3A_924 = arith.constant -2147483648 : i32
      %reduce_min3A_925 = vector.broadcast %reduce_min3A_924 : i32 to vector<16xi32>
      %reduce_min3A_926 = arith.xori %select_n3A_918, %reduce_min3A_925 : vector<16xi32>
      %reduce_min3A_927 = tpu.scan <min>, %reduce_min3A_926 masked %reduce_min3A_923 : vector<16xi32>, vector<16xi1> -> vector<16xi32>
      %reduce_min3A_928 = arith.xori %reduce_min3A_927, %reduce_min3A_925 : vector<16xi32>
      %reduce_min3A_929 = vector.extract %reduce_min3A_928[15] : i32 from vector<16xi32>
      %broadcast_in_dim3A_930 = vector.broadcast %reduce_min3A_929 : i32 to vector<16xi32>
      %select_n3A_931 = arith.select %eq3A_921, %broadcast_in_dim3A_930, %select_n3A_821 : vector<16xi1>, vector<16xi32>
      %broadcast_in_dim3A_932 = arith.constant 0xFF800000 : f32
      %broadcast_in_dim3A_933 = vector.broadcast %broadcast_in_dim3A_932 : f32 to vector<16xf32>
      %broadcast_in_dim3A_934 = arith.constant 1 : i32
      %broadcast_in_dim3A_935 = vector.broadcast %broadcast_in_dim3A_934 : i32 to vector<16xi32>
      %add3A_936 = arith.constant 8 : i32
      %add3A_937 = arith.addi %mul3A_56, %add3A_936 : i32
      %get3A_938 = arith.index_cast %add3A_937 : i32 to index
      %get3A_939 = arith.constant 0 : index
      %get3A_940 = tpu.vector_load %arg4[%get3A_938, %get3A_939] {strides = array<i32>} : memref<336x151xf32, #tpu.memory_space<vmem>>, vector<16xf32>,
      %eq3A_941 = arith.constant 0 : i32
      %eq3A_942 = vector.broadcast %eq3A_941 : i32 to vector<16xi32>
      %eq3A_943 = arith.cmpi eq, %iota3A, %eq3A_942 : vector<16xi32>
      %select_n3A_944 = arith.select %eq3A_943, %broadcast_in_dim3A_1, %get3A_940 : vector<16xi1>, vector<16xf32>
      %gt3A_945 = arith.cmpf ogt, %select_n3A_944, %broadcast_in_dim3A_933 : vector<16xf32>
      %select_n3A_946 = arith.select %gt3A_945, %select_n3A_944, %broadcast_in_dim3A_933 : vector<16xi1>, vector<16xf32>
      %select_n3A_947 = arith.select %gt3A_945, %add3A_4, %broadcast_in_dim3A_935 : vector<16xi1>, vector<16xi32>
      %add3A_948 = arith.constant 8 : i32
      %add3A_949 = arith.addi %mul3A_56, %add3A_948 : i32
      %get3A_950 = arith.index_cast %add3A_949 : i32 to index
      %get3A_951 = arith.constant 16 : index
      %get3A_952 = tpu.vector_load %arg4[%get3A_950, %get3A_951] {strides = array<i32>} : memref<336x151xf32, #tpu.memory_space<vmem>>, vector<16xf32>,
      %gt3A_953 = arith.cmpf ogt, %get3A_952, %select_n3A_946 : vector<16xf32>
      %select_n3A_954 = arith.select %gt3A_953, %get3A_952, %select_n3A_946 : vector<16xi1>, vector<16xf32>
      %select_n3A_955 = arith.select %gt3A_953, %add3A_7, %select_n3A_947 : vector<16xi1>, vector<16xi32>
      %add3A_956 = arith.constant 8 : i32
      %add3A_957 = arith.addi %mul3A_56, %add3A_956 : i32
      %get3A_958 = arith.index_cast %add3A_957 : i32 to index
      %get3A_959 = arith.constant 32 : index
      %get3A_960 = tpu.vector_load %arg4[%get3A_958, %get3A_959] {strides = array<i32>} : memref<336x151xf32, #tpu.memory_space<vmem>>, vector<16xf32>,
      %gt3A_961 = arith.cmpf ogt, %get3A_960, %select_n3A_954 : vector<16xf32>
      %select_n3A_962 = arith.select %gt3A_961, %get3A_960, %select_n3A_954 : vector<16xi1>, vector<16xf32>
      %select_n3A_963 = arith.select %gt3A_961, %add3A_10, %select_n3A_955 : vector<16xi1>, vector<16xi32>
      %add3A_964 = arith.constant 8 : i32
      %add3A_965 = arith.addi %mul3A_56, %add3A_964 : i32
      %get3A_966 = arith.index_cast %add3A_965 : i32 to index
      %get3A_967 = arith.constant 48 : index
      %get3A_968 = tpu.vector_load %arg4[%get3A_966, %get3A_967] {strides = array<i32>} : memref<336x151xf32, #tpu.memory_space<vmem>>, vector<16xf32>,
      %gt3A_969 = arith.cmpf ogt, %get3A_968, %select_n3A_962 : vector<16xf32>
      %select_n3A_970 = arith.select %gt3A_969, %get3A_968, %select_n3A_962 : vector<16xi1>, vector<16xf32>
      %select_n3A_971 = arith.select %gt3A_969, %add3A_13, %select_n3A_963 : vector<16xi1>, vector<16xi32>
      %add3A_972 = arith.constant 8 : i32
      %add3A_973 = arith.addi %mul3A_56, %add3A_972 : i32
      %get3A_974 = arith.index_cast %add3A_973 : i32 to index
      %get3A_975 = arith.constant 64 : index
      %get3A_976 = tpu.vector_load %arg4[%get3A_974, %get3A_975] {strides = array<i32>} : memref<336x151xf32, #tpu.memory_space<vmem>>, vector<16xf32>,
      %gt3A_977 = arith.cmpf ogt, %get3A_976, %select_n3A_970 : vector<16xf32>
      %select_n3A_978 = arith.select %gt3A_977, %get3A_976, %select_n3A_970 : vector<16xi1>, vector<16xf32>
      %select_n3A_979 = arith.select %gt3A_977, %add3A_16, %select_n3A_971 : vector<16xi1>, vector<16xi32>
      %add3A_980 = arith.constant 8 : i32
      %add3A_981 = arith.addi %mul3A_56, %add3A_980 : i32
      %get3A_982 = arith.index_cast %add3A_981 : i32 to index
      %get3A_983 = arith.constant 80 : index
      %get3A_984 = tpu.vector_load %arg4[%get3A_982, %get3A_983] {strides = array<i32>} : memref<336x151xf32, #tpu.memory_space<vmem>>, vector<16xf32>,
      %gt3A_985 = arith.cmpf ogt, %get3A_984, %select_n3A_978 : vector<16xf32>
      %select_n3A_986 = arith.select %gt3A_985, %get3A_984, %select_n3A_978 : vector<16xi1>, vector<16xf32>
      %select_n3A_987 = arith.select %gt3A_985, %add3A_19, %select_n3A_979 : vector<16xi1>, vector<16xi32>
      %add3A_988 = arith.constant 8 : i32
      %add3A_989 = arith.addi %mul3A_56, %add3A_988 : i32
      %get3A_990 = arith.index_cast %add3A_989 : i32 to index
      %get3A_991 = arith.constant 96 : index
      %get3A_992 = tpu.vector_load %arg4[%get3A_990, %get3A_991] {strides = array<i32>} : memref<336x151xf32, #tpu.memory_space<vmem>>, vector<16xf32>,
      %gt3A_993 = arith.cmpf ogt, %get3A_992, %select_n3A_986 : vector<16xf32>
      %select_n3A_994 = arith.select %gt3A_993, %get3A_992, %select_n3A_986 : vector<16xi1>, vector<16xf32>
      %select_n3A_995 = arith.select %gt3A_993, %add3A_22, %select_n3A_987 : vector<16xi1>, vector<16xi32>
      %add3A_996 = arith.constant 8 : i32
      %add3A_997 = arith.addi %mul3A_56, %add3A_996 : i32
      %get3A_998 = arith.index_cast %add3A_997 : i32 to index
      %get3A_999 = arith.constant 112 : index
      %get3A_1000 = tpu.vector_load %arg4[%get3A_998, %get3A_999] {strides = array<i32>} : memref<336x151xf32, #tpu.memory_space<vmem>>, vector<16xf32>,
      %gt3A_1001 = arith.cmpf ogt, %get3A_1000, %select_n3A_994 : vector<16xf32>
      %select_n3A_1002 = arith.select %gt3A_1001, %get3A_1000, %select_n3A_994 : vector<16xi1>, vector<16xf32>
      %select_n3A_1003 = arith.select %gt3A_1001, %add3A_25, %select_n3A_995 : vector<16xi1>, vector<16xi32>
      %add3A_1004 = arith.constant 8 : i32
      %add3A_1005 = arith.addi %mul3A_56, %add3A_1004 : i32
      %get3A_1006 = arith.index_cast %add3A_1005 : i32 to index
      %get3A_1007 = arith.constant 128 : index
      %get3A_1008 = tpu.vector_load %arg4[%get3A_1006, %get3A_1007] {strides = array<i32>} : memref<336x151xf32, #tpu.memory_space<vmem>>, vector<16xf32>,
      %gt3A_1009 = arith.cmpf ogt, %get3A_1008, %select_n3A_1002 : vector<16xf32>
      %select_n3A_1010 = arith.select %gt3A_1009, %get3A_1008, %select_n3A_1002 : vector<16xi1>, vector<16xf32>
      %select_n3A_1011 = arith.select %gt3A_1009, %add3A_28, %select_n3A_1003 : vector<16xi1>, vector<16xi32>
      %add3A_1012 = arith.constant 8 : i32
      %add3A_1013 = arith.addi %mul3A_56, %add3A_1012 : i32
      %get3A_1014 = arith.index_cast %add3A_1013 : i32 to index
      %get3A_1015 = arith.constant 135 : index
      %get3A_1016 = tpu.vector_load %arg4[%get3A_1014, %get3A_1015] {strides = array<i32>} : memref<336x151xf32, #tpu.memory_space<vmem>>, vector<16xf32>,
      %gt3A_1017 = arith.cmpf ogt, %get3A_1016, %select_n3A_1010 : vector<16xf32>
      %select_n3A_1018 = arith.select %gt3A_1017, %get3A_1016, %select_n3A_1010 : vector<16xi1>, vector<16xf32>
      %select_n3A_1019 = arith.select %gt3A_1017, %add3A_31, %select_n3A_1011 : vector<16xi1>, vector<16xi32>
      %reduce_max3A_1020 = arith.constant true
      %reduce_max3A_1021 = vector.broadcast %reduce_max3A_1020 : i1 to vector<16xi1>
      %reduce_max3A_1022 = tpu.scan <max>, %select_n3A_1018 masked %reduce_max3A_1021 : vector<16xf32>, vector<16xi1> -> vector<16xf32>
      %reduce_max3A_1023 = vector.extract %reduce_max3A_1022[15] : f32 from vector<16xf32>
      %eq3A_1024 = vector.broadcast %reduce_max3A_1023 : f32 to vector<16xf32>
      %eq3A_1025 = arith.cmpf oeq, %select_n3A_1018, %eq3A_1024 : vector<16xf32>
      %jit3A_1026 = arith.constant 151 : i32
      %broadcast_in_dim3A_1027 = vector.broadcast %jit3A_1026 : i32 to vector<16xi32>
      %select_n3A_1028 = arith.select %eq3A_1025, %select_n3A_1019, %broadcast_in_dim3A_1027 : vector<16xi1>, vector<16xi32>
      %eq3A_1029 = arith.constant 8 : i32
      %eq3A_1030 = vector.broadcast %eq3A_1029 : i32 to vector<16xi32>
      %eq3A_1031 = arith.cmpi eq, %iota3A, %eq3A_1030 : vector<16xi32>
      %reduce_min3A_1032 = arith.constant true
      %reduce_min3A_1033 = vector.broadcast %reduce_min3A_1032 : i1 to vector<16xi1>
      %reduce_min3A_1034 = arith.constant -2147483648 : i32
      %reduce_min3A_1035 = vector.broadcast %reduce_min3A_1034 : i32 to vector<16xi32>
      %reduce_min3A_1036 = arith.xori %select_n3A_1028, %reduce_min3A_1035 : vector<16xi32>
      %reduce_min3A_1037 = tpu.scan <min>, %reduce_min3A_1036 masked %reduce_min3A_1033 : vector<16xi32>, vector<16xi1> -> vector<16xi32>
      %reduce_min3A_1038 = arith.xori %reduce_min3A_1037, %reduce_min3A_1035 : vector<16xi32>
      %reduce_min3A_1039 = vector.extract %reduce_min3A_1038[15] : i32 from vector<16xi32>
      %broadcast_in_dim3A_1040 = vector.broadcast %reduce_min3A_1039 : i32 to vector<16xi32>
      %select_n3A_1041 = arith.select %eq3A_1031, %broadcast_in_dim3A_1040, %select_n3A_931 : vector<16xi1>, vector<16xi32>
      %broadcast_in_dim3A_1042 = arith.constant 0xFF800000 : f32
      %broadcast_in_dim3A_1043 = vector.broadcast %broadcast_in_dim3A_1042 : f32 to vector<16xf32>
      %broadcast_in_dim3A_1044 = arith.constant 1 : i32
      %broadcast_in_dim3A_1045 = vector.broadcast %broadcast_in_dim3A_1044 : i32 to vector<16xi32>
      %add3A_1046 = arith.constant 9 : i32
      %add3A_1047 = arith.addi %mul3A_56, %add3A_1046 : i32
      %get3A_1048 = arith.index_cast %add3A_1047 : i32 to index
      %get3A_1049 = arith.constant 0 : index
      %get3A_1050 = tpu.vector_load %arg4[%get3A_1048, %get3A_1049] {strides = array<i32>} : memref<336x151xf32, #tpu.memory_space<vmem>>, vector<16xf32>,
      %eq3A_1051 = arith.constant 0 : i32
      %eq3A_1052 = vector.broadcast %eq3A_1051 : i32 to vector<16xi32>
      %eq3A_1053 = arith.cmpi eq, %iota3A, %eq3A_1052 : vector<16xi32>
      %select_n3A_1054 = arith.select %eq3A_1053, %broadcast_in_dim3A_1, %get3A_1050 : vector<16xi1>, vector<16xf32>
      %gt3A_1055 = arith.cmpf ogt, %select_n3A_1054, %broadcast_in_dim3A_1043 : vector<16xf32>
      %select_n3A_1056 = arith.select %gt3A_1055, %select_n3A_1054, %broadcast_in_dim3A_1043 : vector<16xi1>, vector<16xf32>
      %select_n3A_1057 = arith.select %gt3A_1055, %add3A_4, %broadcast_in_dim3A_1045 : vector<16xi1>, vector<16xi32>
      %add3A_1058 = arith.constant 9 : i32
      %add3A_1059 = arith.addi %mul3A_56, %add3A_1058 : i32
      %get3A_1060 = arith.index_cast %add3A_1059 : i32 to index
      %get3A_1061 = arith.constant 16 : index
      %get3A_1062 = tpu.vector_load %arg4[%get3A_1060, %get3A_1061] {strides = array<i32>} : memref<336x151xf32, #tpu.memory_space<vmem>>, vector<16xf32>,
      %gt3A_1063 = arith.cmpf ogt, %get3A_1062, %select_n3A_1056 : vector<16xf32>
      %select_n3A_1064 = arith.select %gt3A_1063, %get3A_1062, %select_n3A_1056 : vector<16xi1>, vector<16xf32>
      %select_n3A_1065 = arith.select %gt3A_1063, %add3A_7, %select_n3A_1057 : vector<16xi1>, vector<16xi32>
      %add3A_1066 = arith.constant 9 : i32
      %add3A_1067 = arith.addi %mul3A_56, %add3A_1066 : i32
      %get3A_1068 = arith.index_cast %add3A_1067 : i32 to index
      %get3A_1069 = arith.constant 32 : index
      %get3A_1070 = tpu.vector_load %arg4[%get3A_1068, %get3A_1069] {strides = array<i32>} : memref<336x151xf32, #tpu.memory_space<vmem>>, vector<16xf32>,
      %gt3A_1071 = arith.cmpf ogt, %get3A_1070, %select_n3A_1064 : vector<16xf32>
      %select_n3A_1072 = arith.select %gt3A_1071, %get3A_1070, %select_n3A_1064 : vector<16xi1>, vector<16xf32>
      %select_n3A_1073 = arith.select %gt3A_1071, %add3A_10, %select_n3A_1065 : vector<16xi1>, vector<16xi32>
      %add3A_1074 = arith.constant 9 : i32
      %add3A_1075 = arith.addi %mul3A_56, %add3A_1074 : i32
      %get3A_1076 = arith.index_cast %add3A_1075 : i32 to index
      %get3A_1077 = arith.constant 48 : index
      %get3A_1078 = tpu.vector_load %arg4[%get3A_1076, %get3A_1077] {strides = array<i32>} : memref<336x151xf32, #tpu.memory_space<vmem>>, vector<16xf32>,
      %gt3A_1079 = arith.cmpf ogt, %get3A_1078, %select_n3A_1072 : vector<16xf32>
      %select_n3A_1080 = arith.select %gt3A_1079, %get3A_1078, %select_n3A_1072 : vector<16xi1>, vector<16xf32>
      %select_n3A_1081 = arith.select %gt3A_1079, %add3A_13, %select_n3A_1073 : vector<16xi1>, vector<16xi32>
      %add3A_1082 = arith.constant 9 : i32
      %add3A_1083 = arith.addi %mul3A_56, %add3A_1082 : i32
      %get3A_1084 = arith.index_cast %add3A_1083 : i32 to index
      %get3A_1085 = arith.constant 64 : index
      %get3A_1086 = tpu.vector_load %arg4[%get3A_1084, %get3A_1085] {strides = array<i32>} : memref<336x151xf32, #tpu.memory_space<vmem>>, vector<16xf32>,
      %gt3A_1087 = arith.cmpf ogt, %get3A_1086, %select_n3A_1080 : vector<16xf32>
      %select_n3A_1088 = arith.select %gt3A_1087, %get3A_1086, %select_n3A_1080 : vector<16xi1>, vector<16xf32>
      %select_n3A_1089 = arith.select %gt3A_1087, %add3A_16, %select_n3A_1081 : vector<16xi1>, vector<16xi32>
      %add3A_1090 = arith.constant 9 : i32
      %add3A_1091 = arith.addi %mul3A_56, %add3A_1090 : i32
      %get3A_1092 = arith.index_cast %add3A_1091 : i32 to index
      %get3A_1093 = arith.constant 80 : index
      %get3A_1094 = tpu.vector_load %arg4[%get3A_1092, %get3A_1093] {strides = array<i32>} : memref<336x151xf32, #tpu.memory_space<vmem>>, vector<16xf32>,
      %gt3A_1095 = arith.cmpf ogt, %get3A_1094, %select_n3A_1088 : vector<16xf32>
      %select_n3A_1096 = arith.select %gt3A_1095, %get3A_1094, %select_n3A_1088 : vector<16xi1>, vector<16xf32>
      %select_n3A_1097 = arith.select %gt3A_1095, %add3A_19, %select_n3A_1089 : vector<16xi1>, vector<16xi32>
      %add3A_1098 = arith.constant 9 : i32
      %add3A_1099 = arith.addi %mul3A_56, %add3A_1098 : i32
      %get3A_1100 = arith.index_cast %add3A_1099 : i32 to index
      %get3A_1101 = arith.constant 96 : index
      %get3A_1102 = tpu.vector_load %arg4[%get3A_1100, %get3A_1101] {strides = array<i32>} : memref<336x151xf32, #tpu.memory_space<vmem>>, vector<16xf32>,
      %gt3A_1103 = arith.cmpf ogt, %get3A_1102, %select_n3A_1096 : vector<16xf32>
      %select_n3A_1104 = arith.select %gt3A_1103, %get3A_1102, %select_n3A_1096 : vector<16xi1>, vector<16xf32>
      %select_n3A_1105 = arith.select %gt3A_1103, %add3A_22, %select_n3A_1097 : vector<16xi1>, vector<16xi32>
      %add3A_1106 = arith.constant 9 : i32
      %add3A_1107 = arith.addi %mul3A_56, %add3A_1106 : i32
      %get3A_1108 = arith.index_cast %add3A_1107 : i32 to index
      %get3A_1109 = arith.constant 112 : index
      %get3A_1110 = tpu.vector_load %arg4[%get3A_1108, %get3A_1109] {strides = array<i32>} : memref<336x151xf32, #tpu.memory_space<vmem>>, vector<16xf32>,
      %gt3A_1111 = arith.cmpf ogt, %get3A_1110, %select_n3A_1104 : vector<16xf32>
      %select_n3A_1112 = arith.select %gt3A_1111, %get3A_1110, %select_n3A_1104 : vector<16xi1>, vector<16xf32>
      %select_n3A_1113 = arith.select %gt3A_1111, %add3A_25, %select_n3A_1105 : vector<16xi1>, vector<16xi32>
      %add3A_1114 = arith.constant 9 : i32
      %add3A_1115 = arith.addi %mul3A_56, %add3A_1114 : i32
      %get3A_1116 = arith.index_cast %add3A_1115 : i32 to index
      %get3A_1117 = arith.constant 128 : index
      %get3A_1118 = tpu.vector_load %arg4[%get3A_1116, %get3A_1117] {strides = array<i32>} : memref<336x151xf32, #tpu.memory_space<vmem>>, vector<16xf32>,
      %gt3A_1119 = arith.cmpf ogt, %get3A_1118, %select_n3A_1112 : vector<16xf32>
      %select_n3A_1120 = arith.select %gt3A_1119, %get3A_1118, %select_n3A_1112 : vector<16xi1>, vector<16xf32>
      %select_n3A_1121 = arith.select %gt3A_1119, %add3A_28, %select_n3A_1113 : vector<16xi1>, vector<16xi32>
      %add3A_1122 = arith.constant 9 : i32
      %add3A_1123 = arith.addi %mul3A_56, %add3A_1122 : i32
      %get3A_1124 = arith.index_cast %add3A_1123 : i32 to index
      %get3A_1125 = arith.constant 135 : index
      %get3A_1126 = tpu.vector_load %arg4[%get3A_1124, %get3A_1125] {strides = array<i32>} : memref<336x151xf32, #tpu.memory_space<vmem>>, vector<16xf32>,
      %gt3A_1127 = arith.cmpf ogt, %get3A_1126, %select_n3A_1120 : vector<16xf32>
      %select_n3A_1128 = arith.select %gt3A_1127, %get3A_1126, %select_n3A_1120 : vector<16xi1>, vector<16xf32>
      %select_n3A_1129 = arith.select %gt3A_1127, %add3A_31, %select_n3A_1121 : vector<16xi1>, vector<16xi32>
      %reduce_max3A_1130 = arith.constant true
      %reduce_max3A_1131 = vector.broadcast %reduce_max3A_1130 : i1 to vector<16xi1>
      %reduce_max3A_1132 = tpu.scan <max>, %select_n3A_1128 masked %reduce_max3A_1131 : vector<16xf32>, vector<16xi1> -> vector<16xf32>
      %reduce_max3A_1133 = vector.extract %reduce_max3A_1132[15] : f32 from vector<16xf32>
      %eq3A_1134 = vector.broadcast %reduce_max3A_1133 : f32 to vector<16xf32>
      %eq3A_1135 = arith.cmpf oeq, %select_n3A_1128, %eq3A_1134 : vector<16xf32>
      %jit3A_1136 = arith.constant 151 : i32
      %broadcast_in_dim3A_1137 = vector.broadcast %jit3A_1136 : i32 to vector<16xi32>
      %select_n3A_1138 = arith.select %eq3A_1135, %select_n3A_1129, %broadcast_in_dim3A_1137 : vector<16xi1>, vector<16xi32>
      %eq3A_1139 = arith.constant 9 : i32
      %eq3A_1140 = vector.broadcast %eq3A_1139 : i32 to vector<16xi32>
      %eq3A_1141 = arith.cmpi eq, %iota3A, %eq3A_1140 : vector<16xi32>
      %reduce_min3A_1142 = arith.constant true
      %reduce_min3A_1143 = vector.broadcast %reduce_min3A_1142 : i1 to vector<16xi1>
      %reduce_min3A_1144 = arith.constant -2147483648 : i32
      %reduce_min3A_1145 = vector.broadcast %reduce_min3A_1144 : i32 to vector<16xi32>
      %reduce_min3A_1146 = arith.xori %select_n3A_1138, %reduce_min3A_1145 : vector<16xi32>
      %reduce_min3A_1147 = tpu.scan <min>, %reduce_min3A_1146 masked %reduce_min3A_1143 : vector<16xi32>, vector<16xi1> -> vector<16xi32>
      %reduce_min3A_1148 = arith.xori %reduce_min3A_1147, %reduce_min3A_1145 : vector<16xi32>
      %reduce_min3A_1149 = vector.extract %reduce_min3A_1148[15] : i32 from vector<16xi32>
      %broadcast_in_dim3A_1150 = vector.broadcast %reduce_min3A_1149 : i32 to vector<16xi32>
      %select_n3A_1151 = arith.select %eq3A_1141, %broadcast_in_dim3A_1150, %select_n3A_1041 : vector<16xi1>, vector<16xi32>
      %broadcast_in_dim3A_1152 = arith.constant 0xFF800000 : f32
      %broadcast_in_dim3A_1153 = vector.broadcast %broadcast_in_dim3A_1152 : f32 to vector<16xf32>
      %broadcast_in_dim3A_1154 = arith.constant 1 : i32
      %broadcast_in_dim3A_1155 = vector.broadcast %broadcast_in_dim3A_1154 : i32 to vector<16xi32>
      %add3A_1156 = arith.constant 10 : i32
      %add3A_1157 = arith.addi %mul3A_56, %add3A_1156 : i32
      %get3A_1158 = arith.index_cast %add3A_1157 : i32 to index
      %get3A_1159 = arith.constant 0 : index
      %get3A_1160 = tpu.vector_load %arg4[%get3A_1158, %get3A_1159] {strides = array<i32>} : memref<336x151xf32, #tpu.memory_space<vmem>>, vector<16xf32>,
      %eq3A_1161 = arith.constant 0 : i32
      %eq3A_1162 = vector.broadcast %eq3A_1161 : i32 to vector<16xi32>
      %eq3A_1163 = arith.cmpi eq, %iota3A, %eq3A_1162 : vector<16xi32>
      %select_n3A_1164 = arith.select %eq3A_1163, %broadcast_in_dim3A_1, %get3A_1160 : vector<16xi1>, vector<16xf32>
      %gt3A_1165 = arith.cmpf ogt, %select_n3A_1164, %broadcast_in_dim3A_1153 : vector<16xf32>
      %select_n3A_1166 = arith.select %gt3A_1165, %select_n3A_1164, %broadcast_in_dim3A_1153 : vector<16xi1>, vector<16xf32>
      %select_n3A_1167 = arith.select %gt3A_1165, %add3A_4, %broadcast_in_dim3A_1155 : vector<16xi1>, vector<16xi32>
      %add3A_1168 = arith.constant 10 : i32
      %add3A_1169 = arith.addi %mul3A_56, %add3A_1168 : i32
      %get3A_1170 = arith.index_cast %add3A_1169 : i32 to index
      %get3A_1171 = arith.constant 16 : index
      %get3A_1172 = tpu.vector_load %arg4[%get3A_1170, %get3A_1171] {strides = array<i32>} : memref<336x151xf32, #tpu.memory_space<vmem>>, vector<16xf32>,
      %gt3A_1173 = arith.cmpf ogt, %get3A_1172, %select_n3A_1166 : vector<16xf32>
      %select_n3A_1174 = arith.select %gt3A_1173, %get3A_1172, %select_n3A_1166 : vector<16xi1>, vector<16xf32>
      %select_n3A_1175 = arith.select %gt3A_1173, %add3A_7, %select_n3A_1167 : vector<16xi1>, vector<16xi32>
      %add3A_1176 = arith.constant 10 : i32
      %add3A_1177 = arith.addi %mul3A_56, %add3A_1176 : i32
      %get3A_1178 = arith.index_cast %add3A_1177 : i32 to index
      %get3A_1179 = arith.constant 32 : index
      %get3A_1180 = tpu.vector_load %arg4[%get3A_1178, %get3A_1179] {strides = array<i32>} : memref<336x151xf32, #tpu.memory_space<vmem>>, vector<16xf32>,
      %gt3A_1181 = arith.cmpf ogt, %get3A_1180, %select_n3A_1174 : vector<16xf32>
      %select_n3A_1182 = arith.select %gt3A_1181, %get3A_1180, %select_n3A_1174 : vector<16xi1>, vector<16xf32>
      %select_n3A_1183 = arith.select %gt3A_1181, %add3A_10, %select_n3A_1175 : vector<16xi1>, vector<16xi32>
      %add3A_1184 = arith.constant 10 : i32
      %add3A_1185 = arith.addi %mul3A_56, %add3A_1184 : i32
      %get3A_1186 = arith.index_cast %add3A_1185 : i32 to index
      %get3A_1187 = arith.constant 48 : index
      %get3A_1188 = tpu.vector_load %arg4[%get3A_1186, %get3A_1187] {strides = array<i32>} : memref<336x151xf32, #tpu.memory_space<vmem>>, vector<16xf32>,
      %gt3A_1189 = arith.cmpf ogt, %get3A_1188, %select_n3A_1182 : vector<16xf32>
      %select_n3A_1190 = arith.select %gt3A_1189, %get3A_1188, %select_n3A_1182 : vector<16xi1>, vector<16xf32>
      %select_n3A_1191 = arith.select %gt3A_1189, %add3A_13, %select_n3A_1183 : vector<16xi1>, vector<16xi32>
      %add3A_1192 = arith.constant 10 : i32
      %add3A_1193 = arith.addi %mul3A_56, %add3A_1192 : i32
      %get3A_1194 = arith.index_cast %add3A_1193 : i32 to index
      %get3A_1195 = arith.constant 64 : index
      %get3A_1196 = tpu.vector_load %arg4[%get3A_1194, %get3A_1195] {strides = array<i32>} : memref<336x151xf32, #tpu.memory_space<vmem>>, vector<16xf32>,
      %gt3A_1197 = arith.cmpf ogt, %get3A_1196, %select_n3A_1190 : vector<16xf32>
      %select_n3A_1198 = arith.select %gt3A_1197, %get3A_1196, %select_n3A_1190 : vector<16xi1>, vector<16xf32>
      %select_n3A_1199 = arith.select %gt3A_1197, %add3A_16, %select_n3A_1191 : vector<16xi1>, vector<16xi32>
      %add3A_1200 = arith.constant 10 : i32
      %add3A_1201 = arith.addi %mul3A_56, %add3A_1200 : i32
      %get3A_1202 = arith.index_cast %add3A_1201 : i32 to index
      %get3A_1203 = arith.constant 80 : index
      %get3A_1204 = tpu.vector_load %arg4[%get3A_1202, %get3A_1203] {strides = array<i32>} : memref<336x151xf32, #tpu.memory_space<vmem>>, vector<16xf32>,
      %gt3A_1205 = arith.cmpf ogt, %get3A_1204, %select_n3A_1198 : vector<16xf32>
      %select_n3A_1206 = arith.select %gt3A_1205, %get3A_1204, %select_n3A_1198 : vector<16xi1>, vector<16xf32>
      %select_n3A_1207 = arith.select %gt3A_1205, %add3A_19, %select_n3A_1199 : vector<16xi1>, vector<16xi32>
      %add3A_1208 = arith.constant 10 : i32
      %add3A_1209 = arith.addi %mul3A_56, %add3A_1208 : i32
      %get3A_1210 = arith.index_cast %add3A_1209 : i32 to index
      %get3A_1211 = arith.constant 96 : index
      %get3A_1212 = tpu.vector_load %arg4[%get3A_1210, %get3A_1211] {strides = array<i32>} : memref<336x151xf32, #tpu.memory_space<vmem>>, vector<16xf32>,
      %gt3A_1213 = arith.cmpf ogt, %get3A_1212, %select_n3A_1206 : vector<16xf32>
      %select_n3A_1214 = arith.select %gt3A_1213, %get3A_1212, %select_n3A_1206 : vector<16xi1>, vector<16xf32>
      %select_n3A_1215 = arith.select %gt3A_1213, %add3A_22, %select_n3A_1207 : vector<16xi1>, vector<16xi32>
      %add3A_1216 = arith.constant 10 : i32
      %add3A_1217 = arith.addi %mul3A_56, %add3A_1216 : i32
      %get3A_1218 = arith.index_cast %add3A_1217 : i32 to index
      %get3A_1219 = arith.constant 112 : index
      %get3A_1220 = tpu.vector_load %arg4[%get3A_1218, %get3A_1219] {strides = array<i32>} : memref<336x151xf32, #tpu.memory_space<vmem>>, vector<16xf32>,
      %gt3A_1221 = arith.cmpf ogt, %get3A_1220, %select_n3A_1214 : vector<16xf32>
      %select_n3A_1222 = arith.select %gt3A_1221, %get3A_1220, %select_n3A_1214 : vector<16xi1>, vector<16xf32>
      %select_n3A_1223 = arith.select %gt3A_1221, %add3A_25, %select_n3A_1215 : vector<16xi1>, vector<16xi32>
      %add3A_1224 = arith.constant 10 : i32
      %add3A_1225 = arith.addi %mul3A_56, %add3A_1224 : i32
      %get3A_1226 = arith.index_cast %add3A_1225 : i32 to index
      %get3A_1227 = arith.constant 128 : index
      %get3A_1228 = tpu.vector_load %arg4[%get3A_1226, %get3A_1227] {strides = array<i32>} : memref<336x151xf32, #tpu.memory_space<vmem>>, vector<16xf32>,
      %gt3A_1229 = arith.cmpf ogt, %get3A_1228, %select_n3A_1222 : vector<16xf32>
      %select_n3A_1230 = arith.select %gt3A_1229, %get3A_1228, %select_n3A_1222 : vector<16xi1>, vector<16xf32>
      %select_n3A_1231 = arith.select %gt3A_1229, %add3A_28, %select_n3A_1223 : vector<16xi1>, vector<16xi32>
      %add3A_1232 = arith.constant 10 : i32
      %add3A_1233 = arith.addi %mul3A_56, %add3A_1232 : i32
      %get3A_1234 = arith.index_cast %add3A_1233 : i32 to index
      %get3A_1235 = arith.constant 135 : index
      %get3A_1236 = tpu.vector_load %arg4[%get3A_1234, %get3A_1235] {strides = array<i32>} : memref<336x151xf32, #tpu.memory_space<vmem>>, vector<16xf32>,
      %gt3A_1237 = arith.cmpf ogt, %get3A_1236, %select_n3A_1230 : vector<16xf32>
      %select_n3A_1238 = arith.select %gt3A_1237, %get3A_1236, %select_n3A_1230 : vector<16xi1>, vector<16xf32>
      %select_n3A_1239 = arith.select %gt3A_1237, %add3A_31, %select_n3A_1231 : vector<16xi1>, vector<16xi32>
      %reduce_max3A_1240 = arith.constant true
      %reduce_max3A_1241 = vector.broadcast %reduce_max3A_1240 : i1 to vector<16xi1>
      %reduce_max3A_1242 = tpu.scan <max>, %select_n3A_1238 masked %reduce_max3A_1241 : vector<16xf32>, vector<16xi1> -> vector<16xf32>
      %reduce_max3A_1243 = vector.extract %reduce_max3A_1242[15] : f32 from vector<16xf32>
      %eq3A_1244 = vector.broadcast %reduce_max3A_1243 : f32 to vector<16xf32>
      %eq3A_1245 = arith.cmpf oeq, %select_n3A_1238, %eq3A_1244 : vector<16xf32>
      %jit3A_1246 = arith.constant 151 : i32
      %broadcast_in_dim3A_1247 = vector.broadcast %jit3A_1246 : i32 to vector<16xi32>
      %select_n3A_1248 = arith.select %eq3A_1245, %select_n3A_1239, %broadcast_in_dim3A_1247 : vector<16xi1>, vector<16xi32>
      %eq3A_1249 = arith.constant 10 : i32
      %eq3A_1250 = vector.broadcast %eq3A_1249 : i32 to vector<16xi32>
      %eq3A_1251 = arith.cmpi eq, %iota3A, %eq3A_1250 : vector<16xi32>
      %reduce_min3A_1252 = arith.constant true
      %reduce_min3A_1253 = vector.broadcast %reduce_min3A_1252 : i1 to vector<16xi1>
      %reduce_min3A_1254 = arith.constant -2147483648 : i32
      %reduce_min3A_1255 = vector.broadcast %reduce_min3A_1254 : i32 to vector<16xi32>
      %reduce_min3A_1256 = arith.xori %select_n3A_1248, %reduce_min3A_1255 : vector<16xi32>
      %reduce_min3A_1257 = tpu.scan <min>, %reduce_min3A_1256 masked %reduce_min3A_1253 : vector<16xi32>, vector<16xi1> -> vector<16xi32>
      %reduce_min3A_1258 = arith.xori %reduce_min3A_1257, %reduce_min3A_1255 : vector<16xi32>
      %reduce_min3A_1259 = vector.extract %reduce_min3A_1258[15] : i32 from vector<16xi32>
      %broadcast_in_dim3A_1260 = vector.broadcast %reduce_min3A_1259 : i32 to vector<16xi32>
      %select_n3A_1261 = arith.select %eq3A_1251, %broadcast_in_dim3A_1260, %select_n3A_1151 : vector<16xi1>, vector<16xi32>
      %broadcast_in_dim3A_1262 = arith.constant 0xFF800000 : f32
      %broadcast_in_dim3A_1263 = vector.broadcast %broadcast_in_dim3A_1262 : f32 to vector<16xf32>
      %broadcast_in_dim3A_1264 = arith.constant 1 : i32
      %broadcast_in_dim3A_1265 = vector.broadcast %broadcast_in_dim3A_1264 : i32 to vector<16xi32>
      %add3A_1266 = arith.constant 11 : i32
      %add3A_1267 = arith.addi %mul3A_56, %add3A_1266 : i32
      %get3A_1268 = arith.index_cast %add3A_1267 : i32 to index
      %get3A_1269 = arith.constant 0 : index
      %get3A_1270 = tpu.vector_load %arg4[%get3A_1268, %get3A_1269] {strides = array<i32>} : memref<336x151xf32, #tpu.memory_space<vmem>>, vector<16xf32>,
      %eq3A_1271 = arith.constant 0 : i32
      %eq3A_1272 = vector.broadcast %eq3A_1271 : i32 to vector<16xi32>
      %eq3A_1273 = arith.cmpi eq, %iota3A, %eq3A_1272 : vector<16xi32>
      %select_n3A_1274 = arith.select %eq3A_1273, %broadcast_in_dim3A_1, %get3A_1270 : vector<16xi1>, vector<16xf32>
      %gt3A_1275 = arith.cmpf ogt, %select_n3A_1274, %broadcast_in_dim3A_1263 : vector<16xf32>
      %select_n3A_1276 = arith.select %gt3A_1275, %select_n3A_1274, %broadcast_in_dim3A_1263 : vector<16xi1>, vector<16xf32>
      %select_n3A_1277 = arith.select %gt3A_1275, %add3A_4, %broadcast_in_dim3A_1265 : vector<16xi1>, vector<16xi32>
      %add3A_1278 = arith.constant 11 : i32
      %add3A_1279 = arith.addi %mul3A_56, %add3A_1278 : i32
      %get3A_1280 = arith.index_cast %add3A_1279 : i32 to index
      %get3A_1281 = arith.constant 16 : index
      %get3A_1282 = tpu.vector_load %arg4[%get3A_1280, %get3A_1281] {strides = array<i32>} : memref<336x151xf32, #tpu.memory_space<vmem>>, vector<16xf32>,
      %gt3A_1283 = arith.cmpf ogt, %get3A_1282, %select_n3A_1276 : vector<16xf32>
      %select_n3A_1284 = arith.select %gt3A_1283, %get3A_1282, %select_n3A_1276 : vector<16xi1>, vector<16xf32>
      %select_n3A_1285 = arith.select %gt3A_1283, %add3A_7, %select_n3A_1277 : vector<16xi1>, vector<16xi32>
      %add3A_1286 = arith.constant 11 : i32
      %add3A_1287 = arith.addi %mul3A_56, %add3A_1286 : i32
      %get3A_1288 = arith.index_cast %add3A_1287 : i32 to index
      %get3A_1289 = arith.constant 32 : index
      %get3A_1290 = tpu.vector_load %arg4[%get3A_1288, %get3A_1289] {strides = array<i32>} : memref<336x151xf32, #tpu.memory_space<vmem>>, vector<16xf32>,
      %gt3A_1291 = arith.cmpf ogt, %get3A_1290, %select_n3A_1284 : vector<16xf32>
      %select_n3A_1292 = arith.select %gt3A_1291, %get3A_1290, %select_n3A_1284 : vector<16xi1>, vector<16xf32>
      %select_n3A_1293 = arith.select %gt3A_1291, %add3A_10, %select_n3A_1285 : vector<16xi1>, vector<16xi32>
      %add3A_1294 = arith.constant 11 : i32
      %add3A_1295 = arith.addi %mul3A_56, %add3A_1294 : i32
      %get3A_1296 = arith.index_cast %add3A_1295 : i32 to index
      %get3A_1297 = arith.constant 48 : index
      %get3A_1298 = tpu.vector_load %arg4[%get3A_1296, %get3A_1297] {strides = array<i32>} : memref<336x151xf32, #tpu.memory_space<vmem>>, vector<16xf32>,
      %gt3A_1299 = arith.cmpf ogt, %get3A_1298, %select_n3A_1292 : vector<16xf32>
      %select_n3A_1300 = arith.select %gt3A_1299, %get3A_1298, %select_n3A_1292 : vector<16xi1>, vector<16xf32>
      %select_n3A_1301 = arith.select %gt3A_1299, %add3A_13, %select_n3A_1293 : vector<16xi1>, vector<16xi32>
      %add3A_1302 = arith.constant 11 : i32
      %add3A_1303 = arith.addi %mul3A_56, %add3A_1302 : i32
      %get3A_1304 = arith.index_cast %add3A_1303 : i32 to index
      %get3A_1305 = arith.constant 64 : index
      %get3A_1306 = tpu.vector_load %arg4[%get3A_1304, %get3A_1305] {strides = array<i32>} : memref<336x151xf32, #tpu.memory_space<vmem>>, vector<16xf32>,
      %gt3A_1307 = arith.cmpf ogt, %get3A_1306, %select_n3A_1300 : vector<16xf32>
      %select_n3A_1308 = arith.select %gt3A_1307, %get3A_1306, %select_n3A_1300 : vector<16xi1>, vector<16xf32>
      %select_n3A_1309 = arith.select %gt3A_1307, %add3A_16, %select_n3A_1301 : vector<16xi1>, vector<16xi32>
      %add3A_1310 = arith.constant 11 : i32
      %add3A_1311 = arith.addi %mul3A_56, %add3A_1310 : i32
      %get3A_1312 = arith.index_cast %add3A_1311 : i32 to index
      %get3A_1313 = arith.constant 80 : index
      %get3A_1314 = tpu.vector_load %arg4[%get3A_1312, %get3A_1313] {strides = array<i32>} : memref<336x151xf32, #tpu.memory_space<vmem>>, vector<16xf32>,
      %gt3A_1315 = arith.cmpf ogt, %get3A_1314, %select_n3A_1308 : vector<16xf32>
      %select_n3A_1316 = arith.select %gt3A_1315, %get3A_1314, %select_n3A_1308 : vector<16xi1>, vector<16xf32>
      %select_n3A_1317 = arith.select %gt3A_1315, %add3A_19, %select_n3A_1309 : vector<16xi1>, vector<16xi32>
      %add3A_1318 = arith.constant 11 : i32
      %add3A_1319 = arith.addi %mul3A_56, %add3A_1318 : i32
      %get3A_1320 = arith.index_cast %add3A_1319 : i32 to index
      %get3A_1321 = arith.constant 96 : index
      %get3A_1322 = tpu.vector_load %arg4[%get3A_1320, %get3A_1321] {strides = array<i32>} : memref<336x151xf32, #tpu.memory_space<vmem>>, vector<16xf32>,
      %gt3A_1323 = arith.cmpf ogt, %get3A_1322, %select_n3A_1316 : vector<16xf32>
      %select_n3A_1324 = arith.select %gt3A_1323, %get3A_1322, %select_n3A_1316 : vector<16xi1>, vector<16xf32>
      %select_n3A_1325 = arith.select %gt3A_1323, %add3A_22, %select_n3A_1317 : vector<16xi1>, vector<16xi32>
      %add3A_1326 = arith.constant 11 : i32
      %add3A_1327 = arith.addi %mul3A_56, %add3A_1326 : i32
      %get3A_1328 = arith.index_cast %add3A_1327 : i32 to index
      %get3A_1329 = arith.constant 112 : index
      %get3A_1330 = tpu.vector_load %arg4[%get3A_1328, %get3A_1329] {strides = array<i32>} : memref<336x151xf32, #tpu.memory_space<vmem>>, vector<16xf32>,
      %gt3A_1331 = arith.cmpf ogt, %get3A_1330, %select_n3A_1324 : vector<16xf32>
      %select_n3A_1332 = arith.select %gt3A_1331, %get3A_1330, %select_n3A_1324 : vector<16xi1>, vector<16xf32>
      %select_n3A_1333 = arith.select %gt3A_1331, %add3A_25, %select_n3A_1325 : vector<16xi1>, vector<16xi32>
      %add3A_1334 = arith.constant 11 : i32
      %add3A_1335 = arith.addi %mul3A_56, %add3A_1334 : i32
      %get3A_1336 = arith.index_cast %add3A_1335 : i32 to index
      %get3A_1337 = arith.constant 128 : index
      %get3A_1338 = tpu.vector_load %arg4[%get3A_1336, %get3A_1337] {strides = array<i32>} : memref<336x151xf32, #tpu.memory_space<vmem>>, vector<16xf32>,
      %gt3A_1339 = arith.cmpf ogt, %get3A_1338, %select_n3A_1332 : vector<16xf32>
      %select_n3A_1340 = arith.select %gt3A_1339, %get3A_1338, %select_n3A_1332 : vector<16xi1>, vector<16xf32>
      %select_n3A_1341 = arith.select %gt3A_1339, %add3A_28, %select_n3A_1333 : vector<16xi1>, vector<16xi32>
      %add3A_1342 = arith.constant 11 : i32
      %add3A_1343 = arith.addi %mul3A_56, %add3A_1342 : i32
      %get3A_1344 = arith.index_cast %add3A_1343 : i32 to index
      %get3A_1345 = arith.constant 135 : index
      %get3A_1346 = tpu.vector_load %arg4[%get3A_1344, %get3A_1345] {strides = array<i32>} : memref<336x151xf32, #tpu.memory_space<vmem>>, vector<16xf32>,
      %gt3A_1347 = arith.cmpf ogt, %get3A_1346, %select_n3A_1340 : vector<16xf32>
      %select_n3A_1348 = arith.select %gt3A_1347, %get3A_1346, %select_n3A_1340 : vector<16xi1>, vector<16xf32>
      %select_n3A_1349 = arith.select %gt3A_1347, %add3A_31, %select_n3A_1341 : vector<16xi1>, vector<16xi32>
      %reduce_max3A_1350 = arith.constant true
      %reduce_max3A_1351 = vector.broadcast %reduce_max3A_1350 : i1 to vector<16xi1>
      %reduce_max3A_1352 = tpu.scan <max>, %select_n3A_1348 masked %reduce_max3A_1351 : vector<16xf32>, vector<16xi1> -> vector<16xf32>
      %reduce_max3A_1353 = vector.extract %reduce_max3A_1352[15] : f32 from vector<16xf32>
      %eq3A_1354 = vector.broadcast %reduce_max3A_1353 : f32 to vector<16xf32>
      %eq3A_1355 = arith.cmpf oeq, %select_n3A_1348, %eq3A_1354 : vector<16xf32>
      %jit3A_1356 = arith.constant 151 : i32
      %broadcast_in_dim3A_1357 = vector.broadcast %jit3A_1356 : i32 to vector<16xi32>
      %select_n3A_1358 = arith.select %eq3A_1355, %select_n3A_1349, %broadcast_in_dim3A_1357 : vector<16xi1>, vector<16xi32>
      %eq3A_1359 = arith.constant 11 : i32
      %eq3A_1360 = vector.broadcast %eq3A_1359 : i32 to vector<16xi32>
      %eq3A_1361 = arith.cmpi eq, %iota3A, %eq3A_1360 : vector<16xi32>
      %reduce_min3A_1362 = arith.constant true
      %reduce_min3A_1363 = vector.broadcast %reduce_min3A_1362 : i1 to vector<16xi1>
      %reduce_min3A_1364 = arith.constant -2147483648 : i32
      %reduce_min3A_1365 = vector.broadcast %reduce_min3A_1364 : i32 to vector<16xi32>
      %reduce_min3A_1366 = arith.xori %select_n3A_1358, %reduce_min3A_1365 : vector<16xi32>
      %reduce_min3A_1367 = tpu.scan <min>, %reduce_min3A_1366 masked %reduce_min3A_1363 : vector<16xi32>, vector<16xi1> -> vector<16xi32>
      %reduce_min3A_1368 = arith.xori %reduce_min3A_1367, %reduce_min3A_1365 : vector<16xi32>
      %reduce_min3A_1369 = vector.extract %reduce_min3A_1368[15] : i32 from vector<16xi32>
      %broadcast_in_dim3A_1370 = vector.broadcast %reduce_min3A_1369 : i32 to vector<16xi32>
      %select_n3A_1371 = arith.select %eq3A_1361, %broadcast_in_dim3A_1370, %select_n3A_1261 : vector<16xi1>, vector<16xi32>
      %broadcast_in_dim3A_1372 = arith.constant 0xFF800000 : f32
      %broadcast_in_dim3A_1373 = vector.broadcast %broadcast_in_dim3A_1372 : f32 to vector<16xf32>
      %broadcast_in_dim3A_1374 = arith.constant 1 : i32
      %broadcast_in_dim3A_1375 = vector.broadcast %broadcast_in_dim3A_1374 : i32 to vector<16xi32>
      %add3A_1376 = arith.constant 12 : i32
      %add3A_1377 = arith.addi %mul3A_56, %add3A_1376 : i32
      %get3A_1378 = arith.index_cast %add3A_1377 : i32 to index
      %get3A_1379 = arith.constant 0 : index
      %get3A_1380 = tpu.vector_load %arg4[%get3A_1378, %get3A_1379] {strides = array<i32>} : memref<336x151xf32, #tpu.memory_space<vmem>>, vector<16xf32>,
      %eq3A_1381 = arith.constant 0 : i32
      %eq3A_1382 = vector.broadcast %eq3A_1381 : i32 to vector<16xi32>
      %eq3A_1383 = arith.cmpi eq, %iota3A, %eq3A_1382 : vector<16xi32>
      %select_n3A_1384 = arith.select %eq3A_1383, %broadcast_in_dim3A_1, %get3A_1380 : vector<16xi1>, vector<16xf32>
      %gt3A_1385 = arith.cmpf ogt, %select_n3A_1384, %broadcast_in_dim3A_1373 : vector<16xf32>
      %select_n3A_1386 = arith.select %gt3A_1385, %select_n3A_1384, %broadcast_in_dim3A_1373 : vector<16xi1>, vector<16xf32>
      %select_n3A_1387 = arith.select %gt3A_1385, %add3A_4, %broadcast_in_dim3A_1375 : vector<16xi1>, vector<16xi32>
      %add3A_1388 = arith.constant 12 : i32
      %add3A_1389 = arith.addi %mul3A_56, %add3A_1388 : i32
      %get3A_1390 = arith.index_cast %add3A_1389 : i32 to index
      %get3A_1391 = arith.constant 16 : index
      %get3A_1392 = tpu.vector_load %arg4[%get3A_1390, %get3A_1391] {strides = array<i32>} : memref<336x151xf32, #tpu.memory_space<vmem>>, vector<16xf32>,
      %gt3A_1393 = arith.cmpf ogt, %get3A_1392, %select_n3A_1386 : vector<16xf32>
      %select_n3A_1394 = arith.select %gt3A_1393, %get3A_1392, %select_n3A_1386 : vector<16xi1>, vector<16xf32>
      %select_n3A_1395 = arith.select %gt3A_1393, %add3A_7, %select_n3A_1387 : vector<16xi1>, vector<16xi32>
      %add3A_1396 = arith.constant 12 : i32
      %add3A_1397 = arith.addi %mul3A_56, %add3A_1396 : i32
      %get3A_1398 = arith.index_cast %add3A_1397 : i32 to index
      %get3A_1399 = arith.constant 32 : index
      %get3A_1400 = tpu.vector_load %arg4[%get3A_1398, %get3A_1399] {strides = array<i32>} : memref<336x151xf32, #tpu.memory_space<vmem>>, vector<16xf32>,
      %gt3A_1401 = arith.cmpf ogt, %get3A_1400, %select_n3A_1394 : vector<16xf32>
      %select_n3A_1402 = arith.select %gt3A_1401, %get3A_1400, %select_n3A_1394 : vector<16xi1>, vector<16xf32>
      %select_n3A_1403 = arith.select %gt3A_1401, %add3A_10, %select_n3A_1395 : vector<16xi1>, vector<16xi32>
      %add3A_1404 = arith.constant 12 : i32
      %add3A_1405 = arith.addi %mul3A_56, %add3A_1404 : i32
      %get3A_1406 = arith.index_cast %add3A_1405 : i32 to index
      %get3A_1407 = arith.constant 48 : index
      %get3A_1408 = tpu.vector_load %arg4[%get3A_1406, %get3A_1407] {strides = array<i32>} : memref<336x151xf32, #tpu.memory_space<vmem>>, vector<16xf32>,
      %gt3A_1409 = arith.cmpf ogt, %get3A_1408, %select_n3A_1402 : vector<16xf32>
      %select_n3A_1410 = arith.select %gt3A_1409, %get3A_1408, %select_n3A_1402 : vector<16xi1>, vector<16xf32>
      %select_n3A_1411 = arith.select %gt3A_1409, %add3A_13, %select_n3A_1403 : vector<16xi1>, vector<16xi32>
      %add3A_1412 = arith.constant 12 : i32
      %add3A_1413 = arith.addi %mul3A_56, %add3A_1412 : i32
      %get3A_1414 = arith.index_cast %add3A_1413 : i32 to index
      %get3A_1415 = arith.constant 64 : index
      %get3A_1416 = tpu.vector_load %arg4[%get3A_1414, %get3A_1415] {strides = array<i32>} : memref<336x151xf32, #tpu.memory_space<vmem>>, vector<16xf32>,
      %gt3A_1417 = arith.cmpf ogt, %get3A_1416, %select_n3A_1410 : vector<16xf32>
      %select_n3A_1418 = arith.select %gt3A_1417, %get3A_1416, %select_n3A_1410 : vector<16xi1>, vector<16xf32>
      %select_n3A_1419 = arith.select %gt3A_1417, %add3A_16, %select_n3A_1411 : vector<16xi1>, vector<16xi32>
      %add3A_1420 = arith.constant 12 : i32
      %add3A_1421 = arith.addi %mul3A_56, %add3A_1420 : i32
      %get3A_1422 = arith.index_cast %add3A_1421 : i32 to index
      %get3A_1423 = arith.constant 80 : index
      %get3A_1424 = tpu.vector_load %arg4[%get3A_1422, %get3A_1423] {strides = array<i32>} : memref<336x151xf32, #tpu.memory_space<vmem>>, vector<16xf32>,
      %gt3A_1425 = arith.cmpf ogt, %get3A_1424, %select_n3A_1418 : vector<16xf32>
      %select_n3A_1426 = arith.select %gt3A_1425, %get3A_1424, %select_n3A_1418 : vector<16xi1>, vector<16xf32>
      %select_n3A_1427 = arith.select %gt3A_1425, %add3A_19, %select_n3A_1419 : vector<16xi1>, vector<16xi32>
      %add3A_1428 = arith.constant 12 : i32
      %add3A_1429 = arith.addi %mul3A_56, %add3A_1428 : i32
      %get3A_1430 = arith.index_cast %add3A_1429 : i32 to index
      %get3A_1431 = arith.constant 96 : index
      %get3A_1432 = tpu.vector_load %arg4[%get3A_1430, %get3A_1431] {strides = array<i32>} : memref<336x151xf32, #tpu.memory_space<vmem>>, vector<16xf32>,
      %gt3A_1433 = arith.cmpf ogt, %get3A_1432, %select_n3A_1426 : vector<16xf32>
      %select_n3A_1434 = arith.select %gt3A_1433, %get3A_1432, %select_n3A_1426 : vector<16xi1>, vector<16xf32>
      %select_n3A_1435 = arith.select %gt3A_1433, %add3A_22, %select_n3A_1427 : vector<16xi1>, vector<16xi32>
      %add3A_1436 = arith.constant 12 : i32
      %add3A_1437 = arith.addi %mul3A_56, %add3A_1436 : i32
      %get3A_1438 = arith.index_cast %add3A_1437 : i32 to index
      %get3A_1439 = arith.constant 112 : index
      %get3A_1440 = tpu.vector_load %arg4[%get3A_1438, %get3A_1439] {strides = array<i32>} : memref<336x151xf32, #tpu.memory_space<vmem>>, vector<16xf32>,
      %gt3A_1441 = arith.cmpf ogt, %get3A_1440, %select_n3A_1434 : vector<16xf32>
      %select_n3A_1442 = arith.select %gt3A_1441, %get3A_1440, %select_n3A_1434 : vector<16xi1>, vector<16xf32>
      %select_n3A_1443 = arith.select %gt3A_1441, %add3A_25, %select_n3A_1435 : vector<16xi1>, vector<16xi32>
      %add3A_1444 = arith.constant 12 : i32
      %add3A_1445 = arith.addi %mul3A_56, %add3A_1444 : i32
      %get3A_1446 = arith.index_cast %add3A_1445 : i32 to index
      %get3A_1447 = arith.constant 128 : index
      %get3A_1448 = tpu.vector_load %arg4[%get3A_1446, %get3A_1447] {strides = array<i32>} : memref<336x151xf32, #tpu.memory_space<vmem>>, vector<16xf32>,
      %gt3A_1449 = arith.cmpf ogt, %get3A_1448, %select_n3A_1442 : vector<16xf32>
      %select_n3A_1450 = arith.select %gt3A_1449, %get3A_1448, %select_n3A_1442 : vector<16xi1>, vector<16xf32>
      %select_n3A_1451 = arith.select %gt3A_1449, %add3A_28, %select_n3A_1443 : vector<16xi1>, vector<16xi32>
      %add3A_1452 = arith.constant 12 : i32
      %add3A_1453 = arith.addi %mul3A_56, %add3A_1452 : i32
      %get3A_1454 = arith.index_cast %add3A_1453 : i32 to index
      %get3A_1455 = arith.constant 135 : index
      %get3A_1456 = tpu.vector_load %arg4[%get3A_1454, %get3A_1455] {strides = array<i32>} : memref<336x151xf32, #tpu.memory_space<vmem>>, vector<16xf32>,
      %gt3A_1457 = arith.cmpf ogt, %get3A_1456, %select_n3A_1450 : vector<16xf32>
      %select_n3A_1458 = arith.select %gt3A_1457, %get3A_1456, %select_n3A_1450 : vector<16xi1>, vector<16xf32>
      %select_n3A_1459 = arith.select %gt3A_1457, %add3A_31, %select_n3A_1451 : vector<16xi1>, vector<16xi32>
      %reduce_max3A_1460 = arith.constant true
      %reduce_max3A_1461 = vector.broadcast %reduce_max3A_1460 : i1 to vector<16xi1>
      %reduce_max3A_1462 = tpu.scan <max>, %select_n3A_1458 masked %reduce_max3A_1461 : vector<16xf32>, vector<16xi1> -> vector<16xf32>
      %reduce_max3A_1463 = vector.extract %reduce_max3A_1462[15] : f32 from vector<16xf32>
      %eq3A_1464 = vector.broadcast %reduce_max3A_1463 : f32 to vector<16xf32>
      %eq3A_1465 = arith.cmpf oeq, %select_n3A_1458, %eq3A_1464 : vector<16xf32>
      %jit3A_1466 = arith.constant 151 : i32
      %broadcast_in_dim3A_1467 = vector.broadcast %jit3A_1466 : i32 to vector<16xi32>
      %select_n3A_1468 = arith.select %eq3A_1465, %select_n3A_1459, %broadcast_in_dim3A_1467 : vector<16xi1>, vector<16xi32>
      %eq3A_1469 = arith.constant 12 : i32
      %eq3A_1470 = vector.broadcast %eq3A_1469 : i32 to vector<16xi32>
      %eq3A_1471 = arith.cmpi eq, %iota3A, %eq3A_1470 : vector<16xi32>
      %reduce_min3A_1472 = arith.constant true
      %reduce_min3A_1473 = vector.broadcast %reduce_min3A_1472 : i1 to vector<16xi1>
      %reduce_min3A_1474 = arith.constant -2147483648 : i32
      %reduce_min3A_1475 = vector.broadcast %reduce_min3A_1474 : i32 to vector<16xi32>
      %reduce_min3A_1476 = arith.xori %select_n3A_1468, %reduce_min3A_1475 : vector<16xi32>
      %reduce_min3A_1477 = tpu.scan <min>, %reduce_min3A_1476 masked %reduce_min3A_1473 : vector<16xi32>, vector<16xi1> -> vector<16xi32>
      %reduce_min3A_1478 = arith.xori %reduce_min3A_1477, %reduce_min3A_1475 : vector<16xi32>
      %reduce_min3A_1479 = vector.extract %reduce_min3A_1478[15] : i32 from vector<16xi32>
      %broadcast_in_dim3A_1480 = vector.broadcast %reduce_min3A_1479 : i32 to vector<16xi32>
      %select_n3A_1481 = arith.select %eq3A_1471, %broadcast_in_dim3A_1480, %select_n3A_1371 : vector<16xi1>, vector<16xi32>
      %broadcast_in_dim3A_1482 = arith.constant 0xFF800000 : f32
      %broadcast_in_dim3A_1483 = vector.broadcast %broadcast_in_dim3A_1482 : f32 to vector<16xf32>
      %broadcast_in_dim3A_1484 = arith.constant 1 : i32
      %broadcast_in_dim3A_1485 = vector.broadcast %broadcast_in_dim3A_1484 : i32 to vector<16xi32>
      %add3A_1486 = arith.constant 13 : i32
      %add3A_1487 = arith.addi %mul3A_56, %add3A_1486 : i32
      %get3A_1488 = arith.index_cast %add3A_1487 : i32 to index
      %get3A_1489 = arith.constant 0 : index
      %get3A_1490 = tpu.vector_load %arg4[%get3A_1488, %get3A_1489] {strides = array<i32>} : memref<336x151xf32, #tpu.memory_space<vmem>>, vector<16xf32>,
      %eq3A_1491 = arith.constant 0 : i32
      %eq3A_1492 = vector.broadcast %eq3A_1491 : i32 to vector<16xi32>
      %eq3A_1493 = arith.cmpi eq, %iota3A, %eq3A_1492 : vector<16xi32>
      %select_n3A_1494 = arith.select %eq3A_1493, %broadcast_in_dim3A_1, %get3A_1490 : vector<16xi1>, vector<16xf32>
      %gt3A_1495 = arith.cmpf ogt, %select_n3A_1494, %broadcast_in_dim3A_1483 : vector<16xf32>
      %select_n3A_1496 = arith.select %gt3A_1495, %select_n3A_1494, %broadcast_in_dim3A_1483 : vector<16xi1>, vector<16xf32>
      %select_n3A_1497 = arith.select %gt3A_1495, %add3A_4, %broadcast_in_dim3A_1485 : vector<16xi1>, vector<16xi32>
      %add3A_1498 = arith.constant 13 : i32
      %add3A_1499 = arith.addi %mul3A_56, %add3A_1498 : i32
      %get3A_1500 = arith.index_cast %add3A_1499 : i32 to index
      %get3A_1501 = arith.constant 16 : index
      %get3A_1502 = tpu.vector_load %arg4[%get3A_1500, %get3A_1501] {strides = array<i32>} : memref<336x151xf32, #tpu.memory_space<vmem>>, vector<16xf32>,
      %gt3A_1503 = arith.cmpf ogt, %get3A_1502, %select_n3A_1496 : vector<16xf32>
      %select_n3A_1504 = arith.select %gt3A_1503, %get3A_1502, %select_n3A_1496 : vector<16xi1>, vector<16xf32>
      %select_n3A_1505 = arith.select %gt3A_1503, %add3A_7, %select_n3A_1497 : vector<16xi1>, vector<16xi32>
      %add3A_1506 = arith.constant 13 : i32
      %add3A_1507 = arith.addi %mul3A_56, %add3A_1506 : i32
      %get3A_1508 = arith.index_cast %add3A_1507 : i32 to index
      %get3A_1509 = arith.constant 32 : index
      %get3A_1510 = tpu.vector_load %arg4[%get3A_1508, %get3A_1509] {strides = array<i32>} : memref<336x151xf32, #tpu.memory_space<vmem>>, vector<16xf32>,
      %gt3A_1511 = arith.cmpf ogt, %get3A_1510, %select_n3A_1504 : vector<16xf32>
      %select_n3A_1512 = arith.select %gt3A_1511, %get3A_1510, %select_n3A_1504 : vector<16xi1>, vector<16xf32>
      %select_n3A_1513 = arith.select %gt3A_1511, %add3A_10, %select_n3A_1505 : vector<16xi1>, vector<16xi32>
      %add3A_1514 = arith.constant 13 : i32
      %add3A_1515 = arith.addi %mul3A_56, %add3A_1514 : i32
      %get3A_1516 = arith.index_cast %add3A_1515 : i32 to index
      %get3A_1517 = arith.constant 48 : index
      %get3A_1518 = tpu.vector_load %arg4[%get3A_1516, %get3A_1517] {strides = array<i32>} : memref<336x151xf32, #tpu.memory_space<vmem>>, vector<16xf32>,
      %gt3A_1519 = arith.cmpf ogt, %get3A_1518, %select_n3A_1512 : vector<16xf32>
      %select_n3A_1520 = arith.select %gt3A_1519, %get3A_1518, %select_n3A_1512 : vector<16xi1>, vector<16xf32>
      %select_n3A_1521 = arith.select %gt3A_1519, %add3A_13, %select_n3A_1513 : vector<16xi1>, vector<16xi32>
      %add3A_1522 = arith.constant 13 : i32
      %add3A_1523 = arith.addi %mul3A_56, %add3A_1522 : i32
      %get3A_1524 = arith.index_cast %add3A_1523 : i32 to index
      %get3A_1525 = arith.constant 64 : index
      %get3A_1526 = tpu.vector_load %arg4[%get3A_1524, %get3A_1525] {strides = array<i32>} : memref<336x151xf32, #tpu.memory_space<vmem>>, vector<16xf32>,
      %gt3A_1527 = arith.cmpf ogt, %get3A_1526, %select_n3A_1520 : vector<16xf32>
      %select_n3A_1528 = arith.select %gt3A_1527, %get3A_1526, %select_n3A_1520 : vector<16xi1>, vector<16xf32>
      %select_n3A_1529 = arith.select %gt3A_1527, %add3A_16, %select_n3A_1521 : vector<16xi1>, vector<16xi32>
      %add3A_1530 = arith.constant 13 : i32
      %add3A_1531 = arith.addi %mul3A_56, %add3A_1530 : i32
      %get3A_1532 = arith.index_cast %add3A_1531 : i32 to index
      %get3A_1533 = arith.constant 80 : index
      %get3A_1534 = tpu.vector_load %arg4[%get3A_1532, %get3A_1533] {strides = array<i32>} : memref<336x151xf32, #tpu.memory_space<vmem>>, vector<16xf32>,
      %gt3A_1535 = arith.cmpf ogt, %get3A_1534, %select_n3A_1528 : vector<16xf32>
      %select_n3A_1536 = arith.select %gt3A_1535, %get3A_1534, %select_n3A_1528 : vector<16xi1>, vector<16xf32>
      %select_n3A_1537 = arith.select %gt3A_1535, %add3A_19, %select_n3A_1529 : vector<16xi1>, vector<16xi32>
      %add3A_1538 = arith.constant 13 : i32
      %add3A_1539 = arith.addi %mul3A_56, %add3A_1538 : i32
      %get3A_1540 = arith.index_cast %add3A_1539 : i32 to index
      %get3A_1541 = arith.constant 96 : index
      %get3A_1542 = tpu.vector_load %arg4[%get3A_1540, %get3A_1541] {strides = array<i32>} : memref<336x151xf32, #tpu.memory_space<vmem>>, vector<16xf32>,
      %gt3A_1543 = arith.cmpf ogt, %get3A_1542, %select_n3A_1536 : vector<16xf32>
      %select_n3A_1544 = arith.select %gt3A_1543, %get3A_1542, %select_n3A_1536 : vector<16xi1>, vector<16xf32>
      %select_n3A_1545 = arith.select %gt3A_1543, %add3A_22, %select_n3A_1537 : vector<16xi1>, vector<16xi32>
      %add3A_1546 = arith.constant 13 : i32
      %add3A_1547 = arith.addi %mul3A_56, %add3A_1546 : i32
      %get3A_1548 = arith.index_cast %add3A_1547 : i32 to index
      %get3A_1549 = arith.constant 112 : index
      %get3A_1550 = tpu.vector_load %arg4[%get3A_1548, %get3A_1549] {strides = array<i32>} : memref<336x151xf32, #tpu.memory_space<vmem>>, vector<16xf32>,
      %gt3A_1551 = arith.cmpf ogt, %get3A_1550, %select_n3A_1544 : vector<16xf32>
      %select_n3A_1552 = arith.select %gt3A_1551, %get3A_1550, %select_n3A_1544 : vector<16xi1>, vector<16xf32>
      %select_n3A_1553 = arith.select %gt3A_1551, %add3A_25, %select_n3A_1545 : vector<16xi1>, vector<16xi32>
      %add3A_1554 = arith.constant 13 : i32
      %add3A_1555 = arith.addi %mul3A_56, %add3A_1554 : i32
      %get3A_1556 = arith.index_cast %add3A_1555 : i32 to index
      %get3A_1557 = arith.constant 128 : index
      %get3A_1558 = tpu.vector_load %arg4[%get3A_1556, %get3A_1557] {strides = array<i32>} : memref<336x151xf32, #tpu.memory_space<vmem>>, vector<16xf32>,
      %gt3A_1559 = arith.cmpf ogt, %get3A_1558, %select_n3A_1552 : vector<16xf32>
      %select_n3A_1560 = arith.select %gt3A_1559, %get3A_1558, %select_n3A_1552 : vector<16xi1>, vector<16xf32>
      %select_n3A_1561 = arith.select %gt3A_1559, %add3A_28, %select_n3A_1553 : vector<16xi1>, vector<16xi32>
      %add3A_1562 = arith.constant 13 : i32
      %add3A_1563 = arith.addi %mul3A_56, %add3A_1562 : i32
      %get3A_1564 = arith.index_cast %add3A_1563 : i32 to index
      %get3A_1565 = arith.constant 135 : index
      %get3A_1566 = tpu.vector_load %arg4[%get3A_1564, %get3A_1565] {strides = array<i32>} : memref<336x151xf32, #tpu.memory_space<vmem>>, vector<16xf32>,
      %gt3A_1567 = arith.cmpf ogt, %get3A_1566, %select_n3A_1560 : vector<16xf32>
      %select_n3A_1568 = arith.select %gt3A_1567, %get3A_1566, %select_n3A_1560 : vector<16xi1>, vector<16xf32>
      %select_n3A_1569 = arith.select %gt3A_1567, %add3A_31, %select_n3A_1561 : vector<16xi1>, vector<16xi32>
      %reduce_max3A_1570 = arith.constant true
      %reduce_max3A_1571 = vector.broadcast %reduce_max3A_1570 : i1 to vector<16xi1>
      %reduce_max3A_1572 = tpu.scan <max>, %select_n3A_1568 masked %reduce_max3A_1571 : vector<16xf32>, vector<16xi1> -> vector<16xf32>
      %reduce_max3A_1573 = vector.extract %reduce_max3A_1572[15] : f32 from vector<16xf32>
      %eq3A_1574 = vector.broadcast %reduce_max3A_1573 : f32 to vector<16xf32>
      %eq3A_1575 = arith.cmpf oeq, %select_n3A_1568, %eq3A_1574 : vector<16xf32>
      %jit3A_1576 = arith.constant 151 : i32
      %broadcast_in_dim3A_1577 = vector.broadcast %jit3A_1576 : i32 to vector<16xi32>
      %select_n3A_1578 = arith.select %eq3A_1575, %select_n3A_1569, %broadcast_in_dim3A_1577 : vector<16xi1>, vector<16xi32>
      %eq3A_1579 = arith.constant 13 : i32
      %eq3A_1580 = vector.broadcast %eq3A_1579 : i32 to vector<16xi32>
      %eq3A_1581 = arith.cmpi eq, %iota3A, %eq3A_1580 : vector<16xi32>
      %reduce_min3A_1582 = arith.constant true
      %reduce_min3A_1583 = vector.broadcast %reduce_min3A_1582 : i1 to vector<16xi1>
      %reduce_min3A_1584 = arith.constant -2147483648 : i32
      %reduce_min3A_1585 = vector.broadcast %reduce_min3A_1584 : i32 to vector<16xi32>
      %reduce_min3A_1586 = arith.xori %select_n3A_1578, %reduce_min3A_1585 : vector<16xi32>
      %reduce_min3A_1587 = tpu.scan <min>, %reduce_min3A_1586 masked %reduce_min3A_1583 : vector<16xi32>, vector<16xi1> -> vector<16xi32>
      %reduce_min3A_1588 = arith.xori %reduce_min3A_1587, %reduce_min3A_1585 : vector<16xi32>
      %reduce_min3A_1589 = vector.extract %reduce_min3A_1588[15] : i32 from vector<16xi32>
      %broadcast_in_dim3A_1590 = vector.broadcast %reduce_min3A_1589 : i32 to vector<16xi32>
      %select_n3A_1591 = arith.select %eq3A_1581, %broadcast_in_dim3A_1590, %select_n3A_1481 : vector<16xi1>, vector<16xi32>
      %broadcast_in_dim3A_1592 = arith.constant 0xFF800000 : f32
      %broadcast_in_dim3A_1593 = vector.broadcast %broadcast_in_dim3A_1592 : f32 to vector<16xf32>
      %broadcast_in_dim3A_1594 = arith.constant 1 : i32
      %broadcast_in_dim3A_1595 = vector.broadcast %broadcast_in_dim3A_1594 : i32 to vector<16xi32>
      %add3A_1596 = arith.constant 14 : i32
      %add3A_1597 = arith.addi %mul3A_56, %add3A_1596 : i32
      %get3A_1598 = arith.index_cast %add3A_1597 : i32 to index
      %get3A_1599 = arith.constant 0 : index
      %get3A_1600 = tpu.vector_load %arg4[%get3A_1598, %get3A_1599] {strides = array<i32>} : memref<336x151xf32, #tpu.memory_space<vmem>>, vector<16xf32>,
      %eq3A_1601 = arith.constant 0 : i32
      %eq3A_1602 = vector.broadcast %eq3A_1601 : i32 to vector<16xi32>
      %eq3A_1603 = arith.cmpi eq, %iota3A, %eq3A_1602 : vector<16xi32>
      %select_n3A_1604 = arith.select %eq3A_1603, %broadcast_in_dim3A_1, %get3A_1600 : vector<16xi1>, vector<16xf32>
      %gt3A_1605 = arith.cmpf ogt, %select_n3A_1604, %broadcast_in_dim3A_1593 : vector<16xf32>
      %select_n3A_1606 = arith.select %gt3A_1605, %select_n3A_1604, %broadcast_in_dim3A_1593 : vector<16xi1>, vector<16xf32>
      %select_n3A_1607 = arith.select %gt3A_1605, %add3A_4, %broadcast_in_dim3A_1595 : vector<16xi1>, vector<16xi32>
      %add3A_1608 = arith.constant 14 : i32
      %add3A_1609 = arith.addi %mul3A_56, %add3A_1608 : i32
      %get3A_1610 = arith.index_cast %add3A_1609 : i32 to index
      %get3A_1611 = arith.constant 16 : index
      %get3A_1612 = tpu.vector_load %arg4[%get3A_1610, %get3A_1611] {strides = array<i32>} : memref<336x151xf32, #tpu.memory_space<vmem>>, vector<16xf32>,
      %gt3A_1613 = arith.cmpf ogt, %get3A_1612, %select_n3A_1606 : vector<16xf32>
      %select_n3A_1614 = arith.select %gt3A_1613, %get3A_1612, %select_n3A_1606 : vector<16xi1>, vector<16xf32>
      %select_n3A_1615 = arith.select %gt3A_1613, %add3A_7, %select_n3A_1607 : vector<16xi1>, vector<16xi32>
      %add3A_1616 = arith.constant 14 : i32
      %add3A_1617 = arith.addi %mul3A_56, %add3A_1616 : i32
      %get3A_1618 = arith.index_cast %add3A_1617 : i32 to index
      %get3A_1619 = arith.constant 32 : index
      %get3A_1620 = tpu.vector_load %arg4[%get3A_1618, %get3A_1619] {strides = array<i32>} : memref<336x151xf32, #tpu.memory_space<vmem>>, vector<16xf32>,
      %gt3A_1621 = arith.cmpf ogt, %get3A_1620, %select_n3A_1614 : vector<16xf32>
      %select_n3A_1622 = arith.select %gt3A_1621, %get3A_1620, %select_n3A_1614 : vector<16xi1>, vector<16xf32>
      %select_n3A_1623 = arith.select %gt3A_1621, %add3A_10, %select_n3A_1615 : vector<16xi1>, vector<16xi32>
      %add3A_1624 = arith.constant 14 : i32
      %add3A_1625 = arith.addi %mul3A_56, %add3A_1624 : i32
      %get3A_1626 = arith.index_cast %add3A_1625 : i32 to index
      %get3A_1627 = arith.constant 48 : index
      %get3A_1628 = tpu.vector_load %arg4[%get3A_1626, %get3A_1627] {strides = array<i32>} : memref<336x151xf32, #tpu.memory_space<vmem>>, vector<16xf32>,
      %gt3A_1629 = arith.cmpf ogt, %get3A_1628, %select_n3A_1622 : vector<16xf32>
      %select_n3A_1630 = arith.select %gt3A_1629, %get3A_1628, %select_n3A_1622 : vector<16xi1>, vector<16xf32>
      %select_n3A_1631 = arith.select %gt3A_1629, %add3A_13, %select_n3A_1623 : vector<16xi1>, vector<16xi32>
      %add3A_1632 = arith.constant 14 : i32
      %add3A_1633 = arith.addi %mul3A_56, %add3A_1632 : i32
      %get3A_1634 = arith.index_cast %add3A_1633 : i32 to index
      %get3A_1635 = arith.constant 64 : index
      %get3A_1636 = tpu.vector_load %arg4[%get3A_1634, %get3A_1635] {strides = array<i32>} : memref<336x151xf32, #tpu.memory_space<vmem>>, vector<16xf32>,
      %gt3A_1637 = arith.cmpf ogt, %get3A_1636, %select_n3A_1630 : vector<16xf32>
      %select_n3A_1638 = arith.select %gt3A_1637, %get3A_1636, %select_n3A_1630 : vector<16xi1>, vector<16xf32>
      %select_n3A_1639 = arith.select %gt3A_1637, %add3A_16, %select_n3A_1631 : vector<16xi1>, vector<16xi32>
      %add3A_1640 = arith.constant 14 : i32
      %add3A_1641 = arith.addi %mul3A_56, %add3A_1640 : i32
      %get3A_1642 = arith.index_cast %add3A_1641 : i32 to index
      %get3A_1643 = arith.constant 80 : index
      %get3A_1644 = tpu.vector_load %arg4[%get3A_1642, %get3A_1643] {strides = array<i32>} : memref<336x151xf32, #tpu.memory_space<vmem>>, vector<16xf32>,
      %gt3A_1645 = arith.cmpf ogt, %get3A_1644, %select_n3A_1638 : vector<16xf32>
      %select_n3A_1646 = arith.select %gt3A_1645, %get3A_1644, %select_n3A_1638 : vector<16xi1>, vector<16xf32>
      %select_n3A_1647 = arith.select %gt3A_1645, %add3A_19, %select_n3A_1639 : vector<16xi1>, vector<16xi32>
      %add3A_1648 = arith.constant 14 : i32
      %add3A_1649 = arith.addi %mul3A_56, %add3A_1648 : i32
      %get3A_1650 = arith.index_cast %add3A_1649 : i32 to index
      %get3A_1651 = arith.constant 96 : index
      %get3A_1652 = tpu.vector_load %arg4[%get3A_1650, %get3A_1651] {strides = array<i32>} : memref<336x151xf32, #tpu.memory_space<vmem>>, vector<16xf32>,
      %gt3A_1653 = arith.cmpf ogt, %get3A_1652, %select_n3A_1646 : vector<16xf32>
      %select_n3A_1654 = arith.select %gt3A_1653, %get3A_1652, %select_n3A_1646 : vector<16xi1>, vector<16xf32>
      %select_n3A_1655 = arith.select %gt3A_1653, %add3A_22, %select_n3A_1647 : vector<16xi1>, vector<16xi32>
      %add3A_1656 = arith.constant 14 : i32
      %add3A_1657 = arith.addi %mul3A_56, %add3A_1656 : i32
      %get3A_1658 = arith.index_cast %add3A_1657 : i32 to index
      %get3A_1659 = arith.constant 112 : index
      %get3A_1660 = tpu.vector_load %arg4[%get3A_1658, %get3A_1659] {strides = array<i32>} : memref<336x151xf32, #tpu.memory_space<vmem>>, vector<16xf32>,
      %gt3A_1661 = arith.cmpf ogt, %get3A_1660, %select_n3A_1654 : vector<16xf32>
      %select_n3A_1662 = arith.select %gt3A_1661, %get3A_1660, %select_n3A_1654 : vector<16xi1>, vector<16xf32>
      %select_n3A_1663 = arith.select %gt3A_1661, %add3A_25, %select_n3A_1655 : vector<16xi1>, vector<16xi32>
      %add3A_1664 = arith.constant 14 : i32
      %add3A_1665 = arith.addi %mul3A_56, %add3A_1664 : i32
      %get3A_1666 = arith.index_cast %add3A_1665 : i32 to index
      %get3A_1667 = arith.constant 128 : index
      %get3A_1668 = tpu.vector_load %arg4[%get3A_1666, %get3A_1667] {strides = array<i32>} : memref<336x151xf32, #tpu.memory_space<vmem>>, vector<16xf32>,
      %gt3A_1669 = arith.cmpf ogt, %get3A_1668, %select_n3A_1662 : vector<16xf32>
      %select_n3A_1670 = arith.select %gt3A_1669, %get3A_1668, %select_n3A_1662 : vector<16xi1>, vector<16xf32>
      %select_n3A_1671 = arith.select %gt3A_1669, %add3A_28, %select_n3A_1663 : vector<16xi1>, vector<16xi32>
      %add3A_1672 = arith.constant 14 : i32
      %add3A_1673 = arith.addi %mul3A_56, %add3A_1672 : i32
      %get3A_1674 = arith.index_cast %add3A_1673 : i32 to index
      %get3A_1675 = arith.constant 135 : index
      %get3A_1676 = tpu.vector_load %arg4[%get3A_1674, %get3A_1675] {strides = array<i32>} : memref<336x151xf32, #tpu.memory_space<vmem>>, vector<16xf32>,
      %gt3A_1677 = arith.cmpf ogt, %get3A_1676, %select_n3A_1670 : vector<16xf32>
      %select_n3A_1678 = arith.select %gt3A_1677, %get3A_1676, %select_n3A_1670 : vector<16xi1>, vector<16xf32>
      %select_n3A_1679 = arith.select %gt3A_1677, %add3A_31, %select_n3A_1671 : vector<16xi1>, vector<16xi32>
      %reduce_max3A_1680 = arith.constant true
      %reduce_max3A_1681 = vector.broadcast %reduce_max3A_1680 : i1 to vector<16xi1>
      %reduce_max3A_1682 = tpu.scan <max>, %select_n3A_1678 masked %reduce_max3A_1681 : vector<16xf32>, vector<16xi1> -> vector<16xf32>
      %reduce_max3A_1683 = vector.extract %reduce_max3A_1682[15] : f32 from vector<16xf32>
      %eq3A_1684 = vector.broadcast %reduce_max3A_1683 : f32 to vector<16xf32>
      %eq3A_1685 = arith.cmpf oeq, %select_n3A_1678, %eq3A_1684 : vector<16xf32>
      %jit3A_1686 = arith.constant 151 : i32
      %broadcast_in_dim3A_1687 = vector.broadcast %jit3A_1686 : i32 to vector<16xi32>
      %select_n3A_1688 = arith.select %eq3A_1685, %select_n3A_1679, %broadcast_in_dim3A_1687 : vector<16xi1>, vector<16xi32>
      %eq3A_1689 = arith.constant 14 : i32
      %eq3A_1690 = vector.broadcast %eq3A_1689 : i32 to vector<16xi32>
      %eq3A_1691 = arith.cmpi eq, %iota3A, %eq3A_1690 : vector<16xi32>
      %reduce_min3A_1692 = arith.constant true
      %reduce_min3A_1693 = vector.broadcast %reduce_min3A_1692 : i1 to vector<16xi1>
      %reduce_min3A_1694 = arith.constant -2147483648 : i32
      %reduce_min3A_1695 = vector.broadcast %reduce_min3A_1694 : i32 to vector<16xi32>
      %reduce_min3A_1696 = arith.xori %select_n3A_1688, %reduce_min3A_1695 : vector<16xi32>
      %reduce_min3A_1697 = tpu.scan <min>, %reduce_min3A_1696 masked %reduce_min3A_1693 : vector<16xi32>, vector<16xi1> -> vector<16xi32>
      %reduce_min3A_1698 = arith.xori %reduce_min3A_1697, %reduce_min3A_1695 : vector<16xi32>
      %reduce_min3A_1699 = vector.extract %reduce_min3A_1698[15] : i32 from vector<16xi32>
      %broadcast_in_dim3A_1700 = vector.broadcast %reduce_min3A_1699 : i32 to vector<16xi32>
      %select_n3A_1701 = arith.select %eq3A_1691, %broadcast_in_dim3A_1700, %select_n3A_1591 : vector<16xi1>, vector<16xi32>
      %broadcast_in_dim3A_1702 = arith.constant 0xFF800000 : f32
      %broadcast_in_dim3A_1703 = vector.broadcast %broadcast_in_dim3A_1702 : f32 to vector<16xf32>
      %broadcast_in_dim3A_1704 = arith.constant 1 : i32
      %broadcast_in_dim3A_1705 = vector.broadcast %broadcast_in_dim3A_1704 : i32 to vector<16xi32>
      %add3A_1706 = arith.constant 15 : i32
      %add3A_1707 = arith.addi %mul3A_56, %add3A_1706 : i32
      %get3A_1708 = arith.index_cast %add3A_1707 : i32 to index
      %get3A_1709 = arith.constant 0 : index
      %get3A_1710 = tpu.vector_load %arg4[%get3A_1708, %get3A_1709] {strides = array<i32>} : memref<336x151xf32, #tpu.memory_space<vmem>>, vector<16xf32>,
      %eq3A_1711 = arith.constant 0 : i32
      %eq3A_1712 = vector.broadcast %eq3A_1711 : i32 to vector<16xi32>
      %eq3A_1713 = arith.cmpi eq, %iota3A, %eq3A_1712 : vector<16xi32>
      %select_n3A_1714 = arith.select %eq3A_1713, %broadcast_in_dim3A_1, %get3A_1710 : vector<16xi1>, vector<16xf32>
      %gt3A_1715 = arith.cmpf ogt, %select_n3A_1714, %broadcast_in_dim3A_1703 : vector<16xf32>
      %select_n3A_1716 = arith.select %gt3A_1715, %select_n3A_1714, %broadcast_in_dim3A_1703 : vector<16xi1>, vector<16xf32>
      %select_n3A_1717 = arith.select %gt3A_1715, %add3A_4, %broadcast_in_dim3A_1705 : vector<16xi1>, vector<16xi32>
      %add3A_1718 = arith.constant 15 : i32
      %add3A_1719 = arith.addi %mul3A_56, %add3A_1718 : i32
      %get3A_1720 = arith.index_cast %add3A_1719 : i32 to index
      %get3A_1721 = arith.constant 16 : index
      %get3A_1722 = tpu.vector_load %arg4[%get3A_1720, %get3A_1721] {strides = array<i32>} : memref<336x151xf32, #tpu.memory_space<vmem>>, vector<16xf32>,
      %gt3A_1723 = arith.cmpf ogt, %get3A_1722, %select_n3A_1716 : vector<16xf32>
      %select_n3A_1724 = arith.select %gt3A_1723, %get3A_1722, %select_n3A_1716 : vector<16xi1>, vector<16xf32>
      %select_n3A_1725 = arith.select %gt3A_1723, %add3A_7, %select_n3A_1717 : vector<16xi1>, vector<16xi32>
      %add3A_1726 = arith.constant 15 : i32
      %add3A_1727 = arith.addi %mul3A_56, %add3A_1726 : i32
      %get3A_1728 = arith.index_cast %add3A_1727 : i32 to index
      %get3A_1729 = arith.constant 32 : index
      %get3A_1730 = tpu.vector_load %arg4[%get3A_1728, %get3A_1729] {strides = array<i32>} : memref<336x151xf32, #tpu.memory_space<vmem>>, vector<16xf32>,
      %gt3A_1731 = arith.cmpf ogt, %get3A_1730, %select_n3A_1724 : vector<16xf32>
      %select_n3A_1732 = arith.select %gt3A_1731, %get3A_1730, %select_n3A_1724 : vector<16xi1>, vector<16xf32>
      %select_n3A_1733 = arith.select %gt3A_1731, %add3A_10, %select_n3A_1725 : vector<16xi1>, vector<16xi32>
      %add3A_1734 = arith.constant 15 : i32
      %add3A_1735 = arith.addi %mul3A_56, %add3A_1734 : i32
      %get3A_1736 = arith.index_cast %add3A_1735 : i32 to index
      %get3A_1737 = arith.constant 48 : index
      %get3A_1738 = tpu.vector_load %arg4[%get3A_1736, %get3A_1737] {strides = array<i32>} : memref<336x151xf32, #tpu.memory_space<vmem>>, vector<16xf32>,
      %gt3A_1739 = arith.cmpf ogt, %get3A_1738, %select_n3A_1732 : vector<16xf32>
      %select_n3A_1740 = arith.select %gt3A_1739, %get3A_1738, %select_n3A_1732 : vector<16xi1>, vector<16xf32>
      %select_n3A_1741 = arith.select %gt3A_1739, %add3A_13, %select_n3A_1733 : vector<16xi1>, vector<16xi32>
      %add3A_1742 = arith.constant 15 : i32
      %add3A_1743 = arith.addi %mul3A_56, %add3A_1742 : i32
      %get3A_1744 = arith.index_cast %add3A_1743 : i32 to index
      %get3A_1745 = arith.constant 64 : index
      %get3A_1746 = tpu.vector_load %arg4[%get3A_1744, %get3A_1745] {strides = array<i32>} : memref<336x151xf32, #tpu.memory_space<vmem>>, vector<16xf32>,
      %gt3A_1747 = arith.cmpf ogt, %get3A_1746, %select_n3A_1740 : vector<16xf32>
      %select_n3A_1748 = arith.select %gt3A_1747, %get3A_1746, %select_n3A_1740 : vector<16xi1>, vector<16xf32>
      %select_n3A_1749 = arith.select %gt3A_1747, %add3A_16, %select_n3A_1741 : vector<16xi1>, vector<16xi32>
      %add3A_1750 = arith.constant 15 : i32
      %add3A_1751 = arith.addi %mul3A_56, %add3A_1750 : i32
      %get3A_1752 = arith.index_cast %add3A_1751 : i32 to index
      %get3A_1753 = arith.constant 80 : index
      %get3A_1754 = tpu.vector_load %arg4[%get3A_1752, %get3A_1753] {strides = array<i32>} : memref<336x151xf32, #tpu.memory_space<vmem>>, vector<16xf32>,
      %gt3A_1755 = arith.cmpf ogt, %get3A_1754, %select_n3A_1748 : vector<16xf32>
      %select_n3A_1756 = arith.select %gt3A_1755, %get3A_1754, %select_n3A_1748 : vector<16xi1>, vector<16xf32>
      %select_n3A_1757 = arith.select %gt3A_1755, %add3A_19, %select_n3A_1749 : vector<16xi1>, vector<16xi32>
      %add3A_1758 = arith.constant 15 : i32
      %add3A_1759 = arith.addi %mul3A_56, %add3A_1758 : i32
      %get3A_1760 = arith.index_cast %add3A_1759 : i32 to index
      %get3A_1761 = arith.constant 96 : index
      %get3A_1762 = tpu.vector_load %arg4[%get3A_1760, %get3A_1761] {strides = array<i32>} : memref<336x151xf32, #tpu.memory_space<vmem>>, vector<16xf32>,
      %gt3A_1763 = arith.cmpf ogt, %get3A_1762, %select_n3A_1756 : vector<16xf32>
      %select_n3A_1764 = arith.select %gt3A_1763, %get3A_1762, %select_n3A_1756 : vector<16xi1>, vector<16xf32>
      %select_n3A_1765 = arith.select %gt3A_1763, %add3A_22, %select_n3A_1757 : vector<16xi1>, vector<16xi32>
      %add3A_1766 = arith.constant 15 : i32
      %add3A_1767 = arith.addi %mul3A_56, %add3A_1766 : i32
      %get3A_1768 = arith.index_cast %add3A_1767 : i32 to index
      %get3A_1769 = arith.constant 112 : index
      %get3A_1770 = tpu.vector_load %arg4[%get3A_1768, %get3A_1769] {strides = array<i32>} : memref<336x151xf32, #tpu.memory_space<vmem>>, vector<16xf32>,
      %gt3A_1771 = arith.cmpf ogt, %get3A_1770, %select_n3A_1764 : vector<16xf32>
      %select_n3A_1772 = arith.select %gt3A_1771, %get3A_1770, %select_n3A_1764 : vector<16xi1>, vector<16xf32>
      %select_n3A_1773 = arith.select %gt3A_1771, %add3A_25, %select_n3A_1765 : vector<16xi1>, vector<16xi32>
      %add3A_1774 = arith.constant 15 : i32
      %add3A_1775 = arith.addi %mul3A_56, %add3A_1774 : i32
      %get3A_1776 = arith.index_cast %add3A_1775 : i32 to index
      %get3A_1777 = arith.constant 128 : index
      %get3A_1778 = tpu.vector_load %arg4[%get3A_1776, %get3A_1777] {strides = array<i32>} : memref<336x151xf32, #tpu.memory_space<vmem>>, vector<16xf32>,
      %gt3A_1779 = arith.cmpf ogt, %get3A_1778, %select_n3A_1772 : vector<16xf32>
      %select_n3A_1780 = arith.select %gt3A_1779, %get3A_1778, %select_n3A_1772 : vector<16xi1>, vector<16xf32>
      %select_n3A_1781 = arith.select %gt3A_1779, %add3A_28, %select_n3A_1773 : vector<16xi1>, vector<16xi32>
      %add3A_1782 = arith.constant 15 : i32
      %add3A_1783 = arith.addi %mul3A_56, %add3A_1782 : i32
      %get3A_1784 = arith.index_cast %add3A_1783 : i32 to index
      %get3A_1785 = arith.constant 135 : index
      %get3A_1786 = tpu.vector_load %arg4[%get3A_1784, %get3A_1785] {strides = array<i32>} : memref<336x151xf32, #tpu.memory_space<vmem>>, vector<16xf32>,
      %gt3A_1787 = arith.cmpf ogt, %get3A_1786, %select_n3A_1780 : vector<16xf32>
      %select_n3A_1788 = arith.select %gt3A_1787, %get3A_1786, %select_n3A_1780 : vector<16xi1>, vector<16xf32>
      %select_n3A_1789 = arith.select %gt3A_1787, %add3A_31, %select_n3A_1781 : vector<16xi1>, vector<16xi32>
      %reduce_max3A_1790 = arith.constant true
      %reduce_max3A_1791 = vector.broadcast %reduce_max3A_1790 : i1 to vector<16xi1>
      %reduce_max3A_1792 = tpu.scan <max>, %select_n3A_1788 masked %reduce_max3A_1791 : vector<16xf32>, vector<16xi1> -> vector<16xf32>
      %reduce_max3A_1793 = vector.extract %reduce_max3A_1792[15] : f32 from vector<16xf32>
      %eq3A_1794 = vector.broadcast %reduce_max3A_1793 : f32 to vector<16xf32>
      %eq3A_1795 = arith.cmpf oeq, %select_n3A_1788, %eq3A_1794 : vector<16xf32>
      %jit3A_1796 = arith.constant 151 : i32
      %broadcast_in_dim3A_1797 = vector.broadcast %jit3A_1796 : i32 to vector<16xi32>
      %select_n3A_1798 = arith.select %eq3A_1795, %select_n3A_1789, %broadcast_in_dim3A_1797 : vector<16xi1>, vector<16xi32>
      %eq3A_1799 = arith.constant 15 : i32
      %eq3A_1800 = vector.broadcast %eq3A_1799 : i32 to vector<16xi32>
      %eq3A_1801 = arith.cmpi eq, %iota3A, %eq3A_1800 : vector<16xi32>
      %reduce_min3A_1802 = arith.constant true
      %reduce_min3A_1803 = vector.broadcast %reduce_min3A_1802 : i1 to vector<16xi1>
      %reduce_min3A_1804 = arith.constant -2147483648 : i32
      %reduce_min3A_1805 = vector.broadcast %reduce_min3A_1804 : i32 to vector<16xi32>
      %reduce_min3A_1806 = arith.xori %select_n3A_1798, %reduce_min3A_1805 : vector<16xi32>
      %reduce_min3A_1807 = tpu.scan <min>, %reduce_min3A_1806 masked %reduce_min3A_1803 : vector<16xi32>, vector<16xi1> -> vector<16xi32>
      %reduce_min3A_1808 = arith.xori %reduce_min3A_1807, %reduce_min3A_1805 : vector<16xi32>
      %reduce_min3A_1809 = vector.extract %reduce_min3A_1808[15] : i32 from vector<16xi32>
      %broadcast_in_dim3A_1810 = vector.broadcast %reduce_min3A_1809 : i32 to vector<16xi32>
      %select_n3A_1811 = arith.select %eq3A_1801, %broadcast_in_dim3A_1810, %select_n3A_1701 : vector<16xi1>, vector<16xi32>
      %swap3A = arith.index_cast %mul3A_56 : i32 to index
      %swap3A_1812 = tpu.vector_load %arg5[%swap3A] {strides = array<i32>} : memref<336xi32, #tpu.memory_space<vmem>>, vector<16xi32>,
      tpu.vector_store %arg5[%swap3A], %select_n3A_1811 {strides = array<i32>} : memref<336xi32, #tpu.memory_space<vmem>>, vector<16xi32>,
    }
    %scan3A_53 = arith.constant 21 : i32
    "tpu.region"() ({
      %run_scoped3A = tpu.sem_alloc : memref<!tpu.dma_semaphore, #tpu.memory_space<semaphore_mem>>
      %dma_start3A = tpu.memref_slice %arg3[%min3A_47] : memref<20000xi32, #tpu.memory_space<hbm>> -> memref<336xi32, #tpu.memory_space<hbm>>
      %dma_start3A_54 = tpu.memref_slice %arg3[%min3A_47] : memref<20000xi32, #tpu.memory_space<hbm>> -> memref<336xi32, #tpu.memory_space<hbm>>
      tpu.enqueue_dma source(%arg5 : memref<336xi32, #tpu.memory_space<vmem>>) target(%dma_start3A_54 : memref<336xi32, #tpu.memory_space<hbm>>) target_semaphore(%run_scoped3A : memref<!tpu.dma_semaphore, #tpu.memory_space<semaphore_mem>>)
      %dma_wait3A = tpu.memref_slice %arg3[%min3A_47] : memref<20000xi32, #tpu.memory_space<hbm>> -> memref<336xi32, #tpu.memory_space<hbm>>
      %dma_wait3A_55 = tpu.memref_slice %arg3[%min3A_47] : memref<20000xi32, #tpu.memory_space<hbm>> -> memref<336xi32, #tpu.memory_space<hbm>>
      tpu.wait_dma2 semaphore(%run_scoped3A : memref<!tpu.dma_semaphore, #tpu.memory_space<semaphore_mem>>) src(%arg5 : memref<336xi32, #tpu.memory_space<vmem>>) dst(%dma_wait3A_55 : memref<336xi32, #tpu.memory_space<hbm>>)
      tpu.yield
    }) : () -> ()
    return
  }
}

module attributes {stable_mosaic.version = 14 : i64} {
  func.func @_mm_body(%arg0: i32, %arg1: memref<1000x4096xf32, #tpu.memory_space<vmem>>, %arg2: memref<4096x51xf32, #tpu.memory_space<vmem>>, %arg3: memref<1x51xf32, #tpu.memory_space<vmem>>, %arg4: memref<1000x51xf32, #tpu.memory_space<vmem>>) attributes {dimension_semantics = [#tpu.dimension_semantics<parallel>], iteration_bounds = array<i64: 20>, scalar_prefetch = 0 : i64, scratch_operands = 0 : i64, tpu.core_type = #tpu.core_type<tc>, window_params = [{transform_indices = @transform_0, window_bounds = array<i64: 1000, 4096>}, {pipeline_mode = #tpu.pipeline_mode<synchronous>, transform_indices = @transform_1, window_bounds = array<i64: 4096, 51>}, {pipeline_mode = #tpu.pipeline_mode<synchronous>, transform_indices = @transform_2, window_bounds = array<i64: 1, 51>}, {transform_indices = @transform_3, window_bounds = array<i64: 1000, 51>}]} {
    %get3A = arith.constant 0 : index
    %get3A_0 = arith.constant 0 : index
    %get3A_1 = vector.load %arg1[%get3A, %get3A_0] : memref<1000x4096xf32, #tpu.memory_space<vmem>>, vector<1000x4096xf32>
    %get3A_2 = arith.constant 0 : index
    %get3A_3 = arith.constant 0 : index
    %get3A_4 = vector.load %arg2[%get3A_2, %get3A_3] : memref<4096x51xf32, #tpu.memory_space<vmem>>, vector<4096x51xf32>
    %dot_general3A = arith.constant dense<0.000000e+00> : vector<1000x51xf32>
    %dot_general3A_5 = tpu.matmul %get3A_1, %get3A_4, %dot_general3A {dimension_numbers = #tpu.dot_dimension_numbers<[1], [0], [0], [1], [0, 0, 1, 1], [], []>, transpose_lhs_hint = false} : vector<1000x4096xf32>, vector<4096x51xf32>, vector<1000x51xf32> -> vector<1000x51xf32>
    %get3A_6 = arith.constant 0 : index
    %get3A_7 = arith.constant 0 : index
    %get3A_8 = vector.load %arg3[%get3A_6, %get3A_7] : memref<1x51xf32, #tpu.memory_space<vmem>>, vector<1x51xf32>
    %add3A = vector.broadcast %get3A_8 : vector<1x51xf32> to vector<1000x51xf32>
    %add3A_9 = arith.addf %dot_general3A_5, %add3A : vector<1000x51xf32>
    %swap3A = arith.constant 0 : index
    %swap3A_10 = arith.constant 0 : index
    %swap3A_11 = vector.load %arg4[%swap3A, %swap3A_10] : memref<1000x51xf32, #tpu.memory_space<vmem>>, vector<1000x51xf32>
    tpu.vector_store %arg4[%swap3A, %swap3A_10], %add3A_9 {strides = array<i32>} : memref<1000x51xf32, #tpu.memory_space<vmem>>, vector<1000x51xf32>,
    return
  }
  func.func @transform_0(%arg0: i32) -> (i32, i32) {
    %c0_i32 = arith.constant 0 : i32
    %c0_i32_0 = arith.constant 0 : i32
    return %arg0, %c0_i32 : i32, i32
  }
  func.func @transform_1(%arg0: i32) -> (i32, i32) {
    %c0_i32 = arith.constant 0 : i32
    %c0_i32_0 = arith.constant 0 : i32
    %c0_i32_1 = arith.constant 0 : i32
    return %c0_i32, %c0_i32_0 : i32, i32
  }
  func.func @transform_2(%arg0: i32) -> (i32, i32) {
    %c0_i32 = arith.constant 0 : i32
    %c0_i32_0 = arith.constant 0 : i32
    %c0_i32_1 = arith.constant 0 : i32
    return %c0_i32, %c0_i32_0 : i32, i32
  }
  func.func @transform_3(%arg0: i32) -> (i32, i32) {
    %c0_i32 = arith.constant 0 : i32
    %c0_i32_0 = arith.constant 0 : i32
    return %arg0, %c0_i32 : i32, i32
  }
}

</mosaic_0001>

<sc_bundles>
// kernel: kernel.4.cloned.1.call-start
scs
__scs_entry_jumppad:
0x0: {  	(pc) =	sbr.rel $0x88, $3  }
0x1: {  	(tag) =	ssettag $0x0;
	lr =	simm.s32 $0x1  }
0x2: {  	[smem:$0x3F9D] =	sst lr;
	_ =	strace $0xD0000000  }
0x3: {  	_ = 	snop  }
0x4: {  	_ = 	snop  }
0x5: {  	_ = 	snop  }
0x6: {  	_ = 	snop  }
0x7: {  	_ = 	snop  }
__scs_overlays_trampoline_lowered:
0x8: {  	[smem:$0x3FAC] =	sst s0  }
0x9: {  	[smem:$0x3FAD] =	sst s1  }
0xa: {  	[smem:$0x3FAE] =	sst s2  }
0xb: {  	[smem:$0x3FAF] =	sst s3  }
0xc: {  	[smem:$0x3FB0] =	sst s4  }
0xd: {  	[smem:$0x3FB1] =	sst s5  }
0xe: {  	[smem:$0x3FB2] =	sst s6  }
0xf: {  	[smem:$0x3FB3] =	sst s7  }
0x10: {  	[smem:$0x3FB4] =	sst s8  }
0x11: {  	[smem:$0x3FB5] =	sst s9;
	s0 =	simm.s32 @!p0 $0x0  }
0x12: {  	s1 =	sld [smem:$0x3F9B];
	s0 =	simm.s32 @p0 $0x1  }
0x13: {  	[smem:$0x3FB6] =	sst s0;
	s0 =	simm.s32 @!p1 $0x0  }
0x14: {  	s2 =	sld [smem:$0x3F9A];
	s0 =	simm.s32 @p1 $0x1  }
0x15: {  	[smem:$0x3FB7] =	sst s0;
	s0 =	simm.s32 @!p2 $0x0  }
0x16: {  	s3 =	sld [smem:$0x3FDB];
	s0 =	simm.s32 @p2 $0x1  }
0x17: {  	s4 =	simm.s32 $0x1BF5;
	[smem:$0x3FB9] =	sst s0  }
0x18: {  	s0 =	sld [smem:$0x3F9C];
	_ =	swait.ge [sflag:s4], $0x0  }
0x19: {  	s7 =	sld [smem:$0x3F9D]  }
0x1a: {  	s8 =	sadd.s32 $0xFFFFE003, lr  }
0x1b: {  	s9 =	sadd.s32 $0xFFFFFEF7, lr;
	s5 =	simm.s32 $0xFFFFFFFF;
	p2 =	slt.u32 s8, $0xFFFFF086  }
0x1c: {  	p1 =	slt.u32 s9, $0xF7A;
	s5 =	simm.s32 @!p2 $0x0  }
0x1d: {  	s5 =	simm.s32 @p1 $0x1;
	p0 =	seq.s32 s7, s2  }
0x1e: {  	s7 =	smul.u32 @!p0 $0xF7A, s2;
	p2 =	seq.s32 @!p0 s5, $0x0  }
0x1f: {  	s9 =	smul.u32 $0xF7A, s1;
	s8 =	simm.s32 @!p0 $0x1BF5;
	p2 =	por !p2, p0  }
0x20: {  	[sflag:s8] =	ssyncset.s32 @!p0 $0xFFFFF086;
	s6 =	sadd.s32 @!p0 s3, s7;
	s7 =	simm.s32 @!p0 $0x108  }
0x21: {  	s3 =	sadd.s32 s3, s9;
	s6 =	sadd.s32 @!p0 $0x88, s6;
	s7 =	simm.s32 @p2 $0x1082  }
0x22: {  	[simem:s7], [sflag:s8] =	dma.local @!p0 [hbm:s6], $0xF7A  }
0x23: {  	s9 =	sor.u32 $0xD0000000, s2;
	s6 =	simm.s32 $0x108;
	_ =	swait.ge @!p0 [sflag:s8], $0x0  }
0x24: {  	s3 =	sadd.s32 $0x88, s3;
	s6 =	simm.s32 @!p1 $0x1082;
	[sflag:s4] =	ssyncset.s32 $0xFFFFF086  }
0x25: {  	[simem:s6], [sflag:s4] =	dma.local [hbm:s3], $0xF7A  }
0x26: {  	[smem:$0x3F9D] =	sst s1;
	(tag) =	ssettag s2;
	_ =	strace s9  }
0x27: {  	s1 =	sld [smem:$0x3FAD]  }
0x28: {  	s2 =	sld [smem:$0x3FAE]  }
0x29: {  	s4 =	sld [smem:$0x3FB0]  }
0x2a: {  	p0 =	seq.s32 s5, $0x0;
	s5 =	sld [smem:$0x3FB1]  }
0x2b: {  	s6 =	sld [smem:$0x3FB2]  }
0x2c: {  	s7 =	sld [smem:$0x3FB3]  }
0x2d: {  	s3 =	simm.s32 $0x108;
	s8 =	sld [smem:$0x3FB4]  }
0x2e: {  	s3 =	simm.s32 @!p0 $0x1082;
	s9 =	sld [smem:$0x3FB5]  }
0x2f: {  	lr =	sadd.s32 s0, s3;
	s0 =	sld [smem:$0x3FAC]  }
0x30: {  	s3 =	sld [smem:$0x3FAF]  }
0x31: {  	[smem:$0x3FB8] =	sst s10  }
0x32: {  	s10 =	sld [smem:$0x3FB6];
	_ =	sdelay $0x3  }
0x33: {  	p0 =	seq.s32 s10, $0x1;
	s10 =	sld [smem:$0x3FB8];
	_ =	sdelay $0x3  }
0x34: {  	[smem:$0x3FB8] =	sst s10  }
0x35: {  	s10 =	sld [smem:$0x3FB7];
	_ =	sdelay $0x3  }
0x36: {  	p1 =	seq.s32 s10, $0x1;
	s10 =	sld [smem:$0x3FB8];
	_ =	sdelay $0x3  }
0x37: {  	[smem:$0x3FB8] =	sst s10  }
0x38: {  	s10 =	sld [smem:$0x3FB9]  }
0x39: {  	_ = 	snop;
	(pc) =	sbr.ind lr, $3  }
0x3a: {  	_ = 	snop  }
0x3b: {  	_ = 	snop  }
0x3c: {  	p2 =	seq.s32 s10, $0x1;
	s10 =	sld [smem:$0x3FB8]  }
0x3d: {  	_ =	shalt  }
0x3e: {  	_ =	shalt  }
0x3f: {  	_ =	shalt  }
0x40: {  	_ =	shalt  }
0x41: {  	_ =	shalt  }
0x42: {  	_ =	shalt  }
0x43: {  	_ =	shalt  }
0x44: {  	_ =	shalt  }
0x45: {  	_ =	shalt  }
0x46: {  	_ =	shalt  }
0x47: {  	_ =	shalt  }
0x48: {  	_ =	shalt  }
0x49: {  	_ =	shalt  }
0x4a: {  	_ =	shalt  }
0x4b: {  	_ =	shalt  }
0x4c: {  	_ =	shalt  }
0x4d: {  	_ =	shalt  }
0x4e: {  	_ =	shalt  }
0x4f: {  	_ =	shalt  }
0x50: {  	_ =	shalt  }
0x51: {  	_ =	shalt  }
0x52: {  	_ =	shalt  }
0x53: {  	_ =	shalt  }
0x54: {  	_ =	shalt  }
0x55: {  	_ =	shalt  }
0x56: {  	_ =	shalt  }
0x57: {  	_ =	shalt  }
0x58: {  	_ =	shalt  }
0x59: {  	_ =	shalt  }
0x5a: {  	_ =	shalt  }
0x5b: {  	_ =	shalt  }
0x5c: {  	_ =	shalt  }
0x5d: {  	_ =	shalt  }
0x5e: {  	_ =	shalt  }
0x5f: {  	_ =	shalt  }
0x60: {  	_ =	shalt  }
0x61: {  	_ =	shalt  }
0x62: {  	_ =	shalt  }
0x63: {  	_ =	shalt  }
0x64: {  	_ =	shalt  }
0x65: {  	_ =	shalt  }
0x66: {  	_ =	shalt  }
0x67: {  	_ =	shalt  }
0x68: {  	_ =	shalt  }
0x69: {  	_ =	shalt  }
0x6a: {  	_ =	shalt  }
0x6b: {  	_ =	shalt  }
0x6c: {  	_ =	shalt  }
0x6d: {  	_ =	shalt  }
0x6e: {  	_ =	shalt  }
0x6f: {  	_ =	shalt  }
0x70: {  	_ =	shalt  }
0x71: {  	_ =	shalt  }
0x72: {  	_ =	shalt  }
0x73: {  	_ =	shalt  }
0x74: {  	_ =	shalt  }
0x75: {  	_ =	shalt  }
0x76: {  	_ =	shalt  }
0x77: {  	_ =	shalt  }
0x78: {  	_ =	shalt  }
0x79: {  	_ =	shalt  }
0x7a: {  	_ =	shalt  }
0x7b: {  	_ =	shalt  }
0x7c: {  	_ =	shalt  }
0x7d: {  	_ =	shalt  }
0x7e: {  	_ =	shalt  }
0x7f: {  	_ =	shalt  }
0x80: {  	_ =	shalt  }
0x81: {  	_ =	shalt  }
0x82: {  	_ =	shalt  }
0x83: {  	_ =	shalt  }
0x84: {  	_ =	shalt  }
0x85: {  	_ =	shalt  }
0x86: {  	_ =	shalt  }
0x87: {  	_ =	shalt  }
.Lfunc_end0:
.L_simem_size_0:
called_computation_lowered:
.L_overlay_start_0:
0x88: {  	s2 =	sld [smem:$0x3FD9]  }
0x89: {  	s3 =	sld [smem:$0x3FFE];
	_ =	sdelay $0x1  }
0x8a: {  	s1 =	srdreg.scid  }
0x8b: {  	s0 =	sand.u32 $0x1, s1  }
0x8c: {  	s14 =	sshll.u32 s0, $0xA;
	s2 =	sadd.s32 s3, s2  }
0x8d: {  	s2 =	sadd.s32 s2, s14  }
0x8e: {  	[smem:$0x3FC4] =	sst s2  }
0x8f: {  	_ = 	snop  }
0x90: {  	s2 =	sld [smem:$0x3FD0];
	_ =	sdelay $0x2  }
0x91: {  	s15 =	simm.s32 $0xA;
	s4 =	simm.s32 $0x10  }
0x92: {  	[smem:s4], [sflag:s15] =	dma.local [hbm:s2], $0x1  }
0x93: {  	_ =	swait.eq [sflag:s15], $0x1  }
0x94: {  	[sflag:s15] =	ssyncset.done $0x0  }
0x95: {  	[sflag:s15] =	ssyncadd.s32 $0xFFFFFFFF  }
0x96: {  	s16 =	sld [smem:$0x11];
	(tm) =	ssettm $0x1  }
0x97: {  	s17 =	sld [smem:$0x3FFB];
	_ =	sdelay $0x3  }
0x98: {  	_ =	strace s17  }
0x99: {  	s3 =	sld [smem:$0x3FFC];
	_ =	sdelay $0x3  }
0x9a: {  	_ =	strace s3  }
0x9b: {  	s3 =	sld [smem:$0x3FFD];
	_ =	sdelay $0x3  }
0x9c: {  	_ =	strace s3  }
0x9d: {  	_ =	strace $0x8FFFFFFF  }
0x9e: {  	s18 =	sld [smem:$0x3FDB];
	_ =	sdelay $0x1  }
0x9f: {  	s19 =	simm.s32 $_scs_section_size  }
0xa0: {  	s5 =	simm.s32 $_size__tile_overlayer_lowered;
	s6 =	simm.s32 $_tile_overlayer_lowered  }
0xa1: {  	s22 =	simm.s32 $0x1BFF;
	s21 =	sshll.u32 s6, $0x1;
	s3 =	sadd.s32 s19, s18  }
0xa2: {  	s7 =	simm.s32 $0x0;
	s20 =	sshll.u32 s5, $0x1;
	s5 =	sadd.s32 s21, s3  }
0xa3: {  	[timem:s7], [sflag:s22] =	dma.local [hbm:s5], s20  }
0xa4: {  	_ =	swait.ge [sflag:s22], s20  }
0xa5: {  	s4 =	ssub.s32 $0x0, s20;
	[sflag:s22] =	ssyncset.done $0x0  }
0xa6: {  	[sflag:s22] =	ssyncadd.s32 s4;
	_ =	sdelay $0x1  }
0xa7: {  	s23 =	simm.s32 $0x1B8B  }
0xa8: {  	_ =	swait.ge [sflag:s23], $0x1  }
0xa9: {  	[sflag:s23] =	ssyncset.done $0x0  }
0xaa: {  	s25 =	simm.s32 $0x1B8E;
	s24 =	sld [smem:$0x3FFE];
	[sflag:s23] =	ssyncadd.s32 $0xFFFFFFFF  }
0xab: {  	s26 =	simm.s32 $execute0_lowered;
	[smem:$0x3FD2] =	sst s25  }
0xac: {  	s5 =	sshll.u32 s26, $0x1;
	_ =	strace $0x80000046;
	[dreg:$0x1] =	wrdreg $0xFFFFFFFF  }
0xad: {  	s28 =	simm.s32 $_size_execute0_lowered;
	s3 =	sadd.s32 s3, s5;
	[dreg:$0x0] =	wrdreg $0x0  }
0xae: {  	s5 =	sshll.u32 s28, $0x1;
	[dreg:$0x2] =	wrdreg s3  }
0xaf: {  	[dreg:$0x3] =	wrdreg s5  }
0xb0: {  	[dreg:$0x4] =	wrdreg $0xC0  }
0xb1: {  	_ =	task [dreg:s7], $0x5FFFF  }
0xb2: {  	[dreg:$0x1] =	wrdreg $0xFFFFFFFF  }
0xb3: {  	[dreg:$0x0] =	wrdreg $0x60  }
0xb4: {  	[dreg:$0x2] =	wrdreg s24  }
0xb5: {  	[dreg:$0x3] =	wrdreg s16  }
0xb6: {  	[dreg:$0x4] =	wrdreg $0x9  }
0xb7: {  	_ =	task.clear_ibuf [dreg:s7], $0x5FFFF;
	_ =	strace $0x90000046  }
0xb8: {  	s29 =	simm.s32 $0x9;
	_ =	strace $0x80000048  }
0xb9: {  	_ =	swait.ge [sflag:s29], $0x1  }
0xba: {  	[sflag:s29] =	ssyncadd.s32 $0xFFFFFFFF  }
0xbb: {  	_ =	strace $0x90000048  }
0xbc: {  	_ =	sfence  }
0xbd: {  	s30 =	sld [smem:$0x0];
	_ =	sdelay $0x2  }
0xbe: {  	s31 =	sshll.u32 s1, $0xD;
	s1 =	sshrl.u32 s1, $0x2  }
0xbf: {  	s3 =	sand.u32 $0x4000, s31;
	s1 =	sadd.s32 s1, s30  }
0xc0: {  	s0 =	sor.u32 s3, s0;
	s1 =	sshll.u32 s1, $0x11  }
0xc1: {  	s0 =	sor.u32 s1, s0  }
0xc2: {  	s0 =	sadd.s32 $0x8F2B, s0  }
0xc3: {  	[sflag:s0] =	ssyncadd.remote.s32 $0x1  }
0xc4: {  	_ =	sfence.sel $0xFFFF  }
0xc5: {  	[dreg:$0x0] =	wrdreg $0xFFFFFFFF;
	(pc) =	sbr.abs _section_cstart, $3  }
0xc6: {  	[dreg:$0x1] =	wrdreg $0xFFFFFFFF  }
0xc7: {  	_ =	task.clear_ibuf [dreg:s7], $0x2FFFF;
	_ =	strace $0x9FFFFFFF  }
0xc8: {  	(tm) =	ssettm $0x7FFFFFFF  }
0xc9: {  	_ =	shalt  }
tec
execute0_lowered:
.L_overlay_start_1:
0x0: {  	(tag) =	ssettag $0x1  }
0x1: {  	s3 =	rddreg [dreg:$0x0]  }
0x2: {  	s1 =	srdreg.scid;
	s0 =	stileid.u32  }
0x3: {  	s6 =	rddreg [dreg:$0x1];
	s4 =	sand.u32 $0x1, s1;
	s5 =	sshll.u32 s0, $0x1  }
0x4: {  	s2 =	simm.s32 $0x0;
	s1 =	rddreg [dreg:$0x2];
	s5 =	sor.u32 s4, s5  }
0x5: {  	s10 =	simm.s32 $0x0;
	[smem:$0x7FF] =	sst s2;
	s7 =	smul.u32 $0x270, s5  }
0x6: {  	s9 =	sadd.s32 $0x1400, s3;
	s4 =	ssub.s32 $0x2, s4;
	s5 =	smul.u32 $0x4E00, s5  }
0x7: {  	v0 =	vlaneseq.u32;
	_ =	strace $0x80000047;
	s8 =	sshrl.u32 s4, $0x1;
	s28 =	smin.u32 s7, $0x4B80  }
0x8: {  	v2 =	vor.u32 $0x80000010, v0;
	s8 =	ssub.s32 s4, s8;
	s3 =	sadd.s32 s9, s5;
	s30 =	sadd.s32 $0x150, s28  }
0x9: {  	v3 =	vor.u32 $0x80000020, v0;
	v4 =	vor.u32 $0x80000030, v0;
	v5 =	vor.u32 $0x80000040, v0;
	s29 =	sshrl.u32 s7, $0x3;
	s31 =	sshll.u32 s30, $0x5;
	s7 =	sshrl.u32 s30, $0x3  }
0xa: {  	v6 =	vor.u32 $0x80000050, v0;
	v7 =	vor.u32 $0x80000060, v0;
	v8 =	vor.u32 $0x80000070, v0;
	s4 =	sadd.s32 s6, s29;
	s5 =	sadd.s32 s9, s31;
	s6 =	sadd.s32 s6, s7  }
0xb: {  	v1 =	vor.u32 $0x80000000, v0;
	v9 =	vor.u32 $0x80000080, v0;
	v10 =	vadd.s32 $0x80000087, v0;
	s7 =	smax.u32 s8, $0x1;
	s8 =	simm.s32 $0x1;
	s9 =	simm.s32 $0x15000  }
.LBB2_1:
0xc: {  	[tilespmem:s2], [sflag:$0x1] =	stream.linear.gather [hbm4b:s3+s2], $0x15000, $0x38;
	[tilespmem:$0x15180] =	vst v63  }
0xd: {  	_ =	swait.ge [sflag:s8], $0x15000  }
0xe: {  	[sflag:s8] =	ssyncset.done $0x0  }
0xf: {  	s11 =	simm.s32 $0x800;
	s12 =	simm.s32 $0x0;
	[sflag:s8] =	ssyncadd.s32 $0xFFFEB000  }
.LBB2_2:
0x10: {  	v11 =	vld [tilespmem:s11+$0xFFFFF800];
	_ =	sdelay $0x3  }
0x11: {  	vm0 =	veq.s32 v0, $0x0;
	v12 =	vld [tilespmem:s11+$0xFFFFF810]  }
0x12: {  	v11 =	vsel vm0, $0xFF800000, v11  }
0x13: {  	v13 =	vld [tilespmem:s11+$0xFFFFF820];
	vm0 =	vlt.f32 v11, $-Inf;
	vm1 =	vgt.f32 v11, $-Inf  }
0x14: {  	vm0 =	vmor vm1, vm0  }
0x15: {  	v14 =	vld [tilespmem:s11+$0xFFFFF830];
	v11 =	vnsel vm0, $0xFF800000, v11  }
0x16: {  	vm3 =	vgt.f32 v12, v11  }
0x17: {  	v25 =	vld [tilespmem:s11+$0xFFFFF840];
	v11 =	vsel vm3, v12, v11  }
0x18: {  	vm6 =	vgt.f32 v13, v11  }
0x19: {  	v26 =	vld [tilespmem:s11+$0xFFFFF850];
	v11 =	vsel vm6, v13, v11  }
0x1a: {  	vm7 =	vgt.f32 v14, v11  }
0x1b: {  	v15 =	vld [tilespmem:s11+$0xFFFFF860];
	v11 =	vsel vm7, v14, v11  }
0x1c: {  	v27 =	vld [tilespmem:s11+$0xFFFFF880];
	vm10 =	vgt.f32 v25, v11  }
0x1d: {  	v28 =	vld [tilespmem:s11+$0xFFFFF870];
	v11 =	vsel vm10, v25, v11  }
0x1e: {  	vm9 =	vgt.f32 v26, v11  }
0x1f: {  	v16 =	vld [tilespmem:s11+$0xFFFFFC00];
	v11 =	vsel vm9, v26, v11  }
0x20: {  	vm2 =	veq.s32 v0, $0x0;
	v29 =	vld [tilespmem:s11+$0xFFFFF890];
	vm11 =	vgt.f32 v15, v11  }
0x21: {  	v17 =	vld [tilespmem:s11+$0xFFFFFC07];
	v14 =	vsel vm2, $0xFF800000, v27;
	v11 =	vsel vm11, v15, v11  }
0x22: {  	v30 =	vld [tilespmem:s11+$0xFFFFF8A0];
	vm8 =	vlt.f32 v14, $-Inf;
	vm2 =	vgt.f32 v14, $-Inf;
	vm12 =	vgt.f32 v28, v11  }
0x23: {  	vm13 =	vmor vm2, vm8;
	v11 =	vsel vm12, v28, v11  }
0x24: {  	v32 =	vld [tilespmem:s11+$0xFFFFF8B0];
	v31 =	vnsel vm13, $0xFF800000, v14;
	vm14 =	vgt.f32 v16, v11  }
0x25: {  	vm1 =	vgt.f32 v29, v31;
	v11 =	vsel vm14, v16, v11  }
0x26: {  	v33 =	vld [tilespmem:s11+$0xFFFFF8C0];
	v12 =	vsel vm1, v29, v31;
	vm15 =	vgt.f32 v17, v11  }
0x27: {  	vm2 =	vgt.f32 v30, v12;
	v11 =	vsel vm15, v17, v11  }
0x28: {  	v34 =	vld [tilespmem:s11+$0xFFFFF8D0];
	v12 =	vsel vm2, v30, v12;
	(xrf0) =	vmax.scan.msk.f32 $0xffff, v11  }
0x29: {  	v35 =	vnsel vm0, $0x80000001, v1;
	vm4 =	vgt.f32 v32, v12  }
0x2a: {  	v36 =	vld [tilespmem:s11+$0xFFFFF8E0];
	v12 =	vsel vm4, v32, v12;
	v16 =	vsel vm3, v2, v35  }
0x2b: {  	vm5 =	vgt.f32 v33, v12;
	v16 =	vsel vm6, v3, v16  }
0x2c: {  	v37 =	vld [tilespmem:s11+$0xFFFFF8F0];
	v12 =	vsel vm5, v33, v12;
	v16 =	vsel vm7, v4, v16  }
0x2d: {  	v38 =	vld [tilespmem:s11+$0xFFFFFC80];
	vm8 =	vgt.f32 v34, v12;
	v16 =	vsel vm10, v5, v16  }
0x2e: {  	v39 =	vld [tilespmem:s11+$0xFFFFF900];
	v12 =	vsel vm8, v34, v12;
	v16 =	vsel vm9, v6, v16;
	v18, _, _ =	vpop (xrf0)  }
0x2f: {  	vm6 =	vgt.f32 v36, v12;
	v16 =	vsel vm11, v7, v16;
	v18 =	vbroadcast v18, $0xF  }
0x30: {  	v40 =	vld [tilespmem:s11+$0xFFFFFC87];
	v12 =	vsel vm6, v36, v12;
	v16 =	vsel vm12, v8, v16  }
0x31: {  	vm11 =	vgt.f32 v37, v12;
	vm9 =	veq.f32 v11, v18;
	v11 =	vsel vm14, v9, v16  }
0x32: {  	v41 =	vld [tilespmem:s11+$0xFFFFF910];
	v12 =	vsel vm11, v37, v12;
	v11 =	vsel vm15, v10, v11;
	vm15 =	veq.s32 v0, $0x0  }
0x33: {  	vm12 =	vgt.f32 v38, v12;
	v15 =	vsel vm15, $0xFF800000, v39  }
0x34: {  	v42 =	vld [tilespmem:s11+$0xFFFFF920];
	v12 =	vsel vm12, v38, v12;
	vm10 =	vlt.f32 v15, $-Inf;
	vm14 =	vgt.f32 v15, $-Inf  }
0x35: {  	vm0 =	vgt.f32 v40, v12;
	v11 =	vnsel vm9, $0x80000097, v11;
	vm3 =	vmor vm14, vm10  }
0x36: {  	v43 =	vld [tilespmem:s11+$0xFFFFF930];
	v12 =	vsel vm0, v40, v12;
	(xrf0) =	vmin.scan.msk.u32 $0xffff, v11;
	v11 =	vnsel vm3, $0xFF800000, v15  }
0x37: {  	(xrf0) =	vmax.scan.msk.f32 $0xffff, v12;
	vm7 =	vgt.f32 v41, v11  }
0x38: {  	v44 =	vld [tilespmem:s11+$0xFFFFF940];
	v11 =	vsel vm7, v41, v11  }
0x39: {  	v49 =	vld [tilespmem:s11+$0xFFFFF980];
	v48 =	vnsel vm13, $0x80000001, v1;
	vm9 =	vgt.f32 v42, v11  }
0x3a: {  	v46 =	vld [tilespmem:s11+$0xFFFFF950];
	v18 =	vsel vm1, v2, v48;
	v45 =	vsel vm9, v42, v11  }
0x3b: {  	v18 =	vsel vm2, v3, v18;
	vm10 =	vgt.f32 v43, v45  }
0x3c: {  	v47 =	vld [tilespmem:s11+$0xFFFFF960];
	v18 =	vsel vm4, v4, v18;
	v11, _, _ =	vpop (xrf0);
	v14 =	vsel vm10, v43, v45  }
0x3d: {  	v50 =	vld [tilespmem:s11+$0xFFFFF970];
	v51 =	vsel vm5, v5, v18;
	v19, _, _ =	vpop (xrf0);
	vm13 =	vgt.f32 v44, v14  }
0x3e: {  	v52 =	vld [tilespmem:s11+$0xFFFFF990];
	v15 =	vsel vm15, $0xFF800000, v49;
	v19 =	vbroadcast v19, $0xF;
	v13 =	vsel vm13, v44, v14  }
0x3f: {  	v20 =	vld [tilespmem:s11+$0xFFFFFD00];
	vm4 =	vlt.f32 v15, $-Inf;
	vm15 =	vgt.f32 v15, $-Inf;
	vm14 =	vgt.f32 v46, v13  }
0x40: {  	v54 =	vld [tilespmem:s11+$0xFFFFF9A0];
	vm2 =	veq.f32 v12, v19;
	v12 =	vsel vm8, v6, v51;
	v13 =	vsel vm14, v46, v13  }
0x41: {  	v53 =	vld [tilespmem:s11+$0xFFFFFD07];
	vm4 =	vmor vm15, vm4;
	v12 =	vsel vm6, v7, v12;
	vm8 =	vgt.f32 v47, v13  }
0x42: {  	v57 =	vld [tilespmem:s11+$0xFFFFF9B0];
	v56 =	vnsel vm4, $0xFF800000, v15;
	v12 =	vsel vm11, v8, v12;
	v13 =	vsel vm8, v47, v13  }
0x43: {  	vm15 =	vgt.f32 v52, v56;
	v12 =	vsel vm12, v9, v12;
	vm1 =	vgt.f32 v50, v13  }
0x44: {  	v58 =	vld [tilespmem:s11+$0xFFFFF9C0];
	v14 =	vsel vm15, v52, v56;
	v12 =	vsel vm0, v10, v12;
	v13 =	vsel vm1, v50, v13  }
0x45: {  	v12 =	vnsel vm2, $0x80000097, v12;
	vm2 =	vgt.f32 v54, v14;
	vm12 =	vgt.f32 v20, v13  }
0x46: {  	v55 =	vimm.s32 $0x0;
	v60 =	vld [tilespmem:s11+$0xFFFFF9D0];
	v59 =	vsel vm2, v54, v14;
	v13 =	vsel vm12, v20, v13  }
0x47: {  	v19 =	vsel vm4, $0xFFFFFFFF, v55;
	vm4 =	vgt.f32 v57, v59;
	vm0 =	vgt.f32 v53, v13  }
0x48: {  	v62 =	vld [tilespmem:s11+$0xFFFFF9E0];
	v61 =	vnsel vm3, $0x80000001, v1;
	(xrf0) =	vmin.scan.msk.u32 $0xffff, v12;
	v12 =	vsel vm4, v57, v59;
	v13 =	vsel vm0, v53, v13  }
0x49: {  	v17 =	vsel vm7, v2, v61;
	vm5 =	vgt.f32 v58, v12;
	(xrf0) =	vmax.scan.msk.f32 $0xffff, v13  }
0x4a: {  	v63 =	vld [tilespmem:s11+$0xFFFFF9F0];
	v17 =	vsel vm9, v3, v17;
	v16 =	vsel vm5, v58, v12  }
0x4b: {  	v25 =	vld [tilespmem:s11+$0xFFFFFA00];
	v17 =	vsel vm10, v4, v17;
	vm6 =	vgt.f32 v60, v16  }
0x4c: {  	v24 =	vld [tilespmem:s11+$0xFFFFFD80];
	v17 =	vsel vm13, v5, v17;
	v14 =	vsel vm6, v60, v16  }
0x4d: {  	v17 =	vsel vm14, v6, v17;
	vm7 =	vgt.f32 v62, v14  }
0x4e: {  	v17 =	vsel vm8, v7, v17;
	v12, _, _ =	vpop (xrf0);
	v14 =	vsel vm7, v62, v14  }
0x4f: {  	v27 =	vld [tilespmem:s11+$0xFFFFFD87];
	vm10 =	veq.s32 v0, $0x0;
	v17 =	vsel vm1, v8, v17;
	vm11 =	vgt.f32 v63, v14;
	v26, _, _ =	vpop (xrf0)  }
0x50: {  	v29 =	vld [tilespmem:s11+$0xFFFFFA10];
	v16 =	vsel vm10, $0xFF800000, v25;
	v14 =	vsel vm11, v63, v14;
	v20 =	vbroadcast v26, $0xF  }
0x51: {  	v30 =	vld [tilespmem:s11+$0xFFFFFA20];
	[tilespmem:$0x1FFA0] =	vst v19;
	v28 =	vsel vm12, v9, v17;
	vm13 =	vgt.f32 v16, $-Inf;
	vm12 =	vgt.f32 v24, v14  }
0x52: {  	v36 =	vld [tilespmem:$0x1FFA0];
	vm9 =	veq.f32 v13, v20;
	v13 =	vsel vm0, v10, v28;
	vm0 =	vlt.f32 v16, $-Inf  }
0x53: {  	v14 =	vsel vm12, v24, v14;
	vm3 =	vmor vm13, vm0  }
0x54: {  	v32 =	vld [tilespmem:s11+$0xFFFFFA30];
	vm1 =	vgt.f32 v27, v14;
	v13 =	vnsel vm9, $0x80000097, v13;
	v31 =	vnsel vm3, $0xFF800000, v16  }
0x55: {  	v14 =	vsel vm1, v27, v14;
	(xrf0) =	vmin.scan.msk.u32 $0xffff, v13;
	vm8 =	vgt.f32 v29, v31  }
0x56: {  	v33 =	vld [tilespmem:s11+$0xFFFFFA40];
	(xrf0) =	vmax.scan.msk.f32 $0xffff, v14;
	v13 =	vsel vm8, v29, v31  }
0x57: {  	v34 =	vld [tilespmem:s11+$0xFFFFFA50];
	vm14 =	vnez.u8 v36;
	vm9 =	vgt.f32 v30, v13  }
0x58: {  	v37 =	vld [tilespmem:s11+$0xFFFFFA80];
	v20 =	vnsel vm14, $0x80000001, v1;
	v17 =	vsel vm9, v30, v13  }
0x59: {  	v20 =	vsel vm15, v2, v20;
	vm10 =	vgt.f32 v32, v17  }
0x5a: {  	v35 =	vld [tilespmem:s11+$0xFFFFFA60];
	v20 =	vsel vm2, v3, v20;
	v15 =	vsel vm10, v32, v17  }
0x5b: {  	v20 =	vsel vm4, v4, v20;
	v13, _, _ =	vpop (xrf0);
	vm13 =	vgt.f32 v33, v15  }
0x5c: {  	v38 =	vld [tilespmem:s11+$0xFFFFFA70];
	vm15 =	veq.s32 v0, $0x0;
	v39 =	vsel vm5, v5, v20;
	v21, _, _ =	vpop (xrf0);
	v15 =	vsel vm13, v33, v15  }
0x5d: {  	v40 =	vld [tilespmem:s11+$0xFFFFFA90];
	v17 =	vsel vm15, $0xFF800000, v37;
	v21 =	vbroadcast v21, $0xF;
	vm14 =	vgt.f32 v34, v15  }
0x5e: {  	v22 =	vld [tilespmem:s11+$0xFFFFFE00];
	vm4 =	vlt.f32 v17, $-Inf;
	vm5 =	vgt.f32 v17, $-Inf;
	v15 =	vsel vm14, v34, v15  }
0x5f: {  	v42 =	vld [tilespmem:s11+$0xFFFFFAA0];
	vm2 =	veq.f32 v14, v21;
	v14 =	vsel vm6, v6, v39;
	vm0 =	vgt.f32 v35, v15  }
0x60: {  	v41 =	vld [tilespmem:s11+$0xFFFFFE07];
	vm4 =	vmor vm5, vm4;
	v14 =	vsel vm7, v7, v14;
	v15 =	vsel vm0, v35, v15  }
0x61: {  	v45 =	vld [tilespmem:s11+$0xFFFFFAB0];
	v44 =	vnsel vm4, $0xFF800000, v17;
	v14 =	vsel vm11, v8, v14;
	vm15 =	vgt.f32 v38, v15  }
0x62: {  	vm11 =	vgt.f32 v40, v44;
	v14 =	vsel vm12, v9, v14;
	v15 =	vsel vm15, v38, v15  }
0x63: {  	v46 =	vld [tilespmem:s11+$0xFFFFFAC0];
	v16 =	vsel vm11, v40, v44;
	v14 =	vsel vm1, v10, v14;
	vm12 =	vgt.f32 v22, v15  }
0x64: {  	v14 =	vnsel vm2, $0x80000097, v14;
	vm2 =	vgt.f32 v42, v16;
	v15 =	vsel vm12, v22, v15  }
0x65: {  	v48 =	vld [tilespmem:s11+$0xFFFFFAD0];
	v43 =	vimm.s32 $0x0;
	v47 =	vsel vm2, v42, v16;
	vm1 =	vgt.f32 v41, v15  }
0x66: {  	v21 =	vsel vm4, $0xFFFFFFFF, v43;
	(xrf0) =	vmin.scan.msk.u32 $0xffff, v14;
	vm4 =	vgt.f32 v45, v47;
	v15 =	vsel vm1, v41, v15  }
0x67: {  	v50 =	vld [tilespmem:s11+$0xFFFFFAE0];
	v49 =	vnsel vm3, $0x80000001, v1;
	v14 =	vsel vm4, v45, v47;
	(xrf0) =	vmax.scan.msk.f32 $0xffff, v15  }
0x68: {  	v19 =	vsel vm8, v2, v49;
	vm5 =	vgt.f32 v46, v14  }
0x69: {  	v51 =	vld [tilespmem:s11+$0xFFFFFAF0];
	v19 =	vsel vm9, v3, v19;
	v18 =	vsel vm5, v46, v14  }
0x6a: {  	v53 =	vld [tilespmem:s11+$0xFFFFFB00];
	v19 =	vsel vm10, v4, v19;
	vm6 =	vgt.f32 v48, v18  }
0x6b: {  	v52 =	vld [tilespmem:s11+$0xFFFFFE80];
	v19 =	vsel vm13, v5, v19;
	v16 =	vsel vm6, v48, v18  }
0x6c: {  	v19 =	vsel vm14, v6, v19;
	v14, _, _ =	vpop (xrf0);
	vm7 =	vgt.f32 v50, v16  }
0x6d: {  	v55 =	vld [tilespmem:s11+$0xFFFFFE87];
	vm10 =	veq.s32 v0, $0x0;
	v19 =	vsel vm0, v7, v19;
	v16 =	vsel vm7, v50, v16;
	v54, _, _ =	vpop (xrf0)  }
0x6e: {  	v19 =	vsel vm15, v8, v19;
	vm15 =	vgt.f32 v51, v16;
	v22 =	vbroadcast v54, $0xF  }
0x6f: {  	v57 =	vld [tilespmem:s11+$0xFFFFFB10];
	v56 =	vsel vm12, v9, v19;
	v18 =	vsel vm10, $0xFF800000, v53;
	v16 =	vsel vm15, v51, v16  }
0x70: {  	vm13 =	vgt.f32 v18, $-Inf;
	vm12 =	vgt.f32 v52, v16;
	vm9 =	veq.f32 v15, v22  }
0x71: {  	v58 =	vld [tilespmem:s11+$0xFFFFFB20];
	[tilespmem:$0x1FFB0] =	vst v21;
	v15 =	vsel vm1, v10, v56;
	v16 =	vsel vm12, v52, v16;
	vm1 =	vlt.f32 v18, $-Inf  }
0x72: {  	v27 =	vld [tilespmem:$0x1FFB0];
	v15 =	vnsel vm9, $0x80000097, v15;
	vm0 =	vgt.f32 v55, v16;
	vm3 =	vmor vm13, vm1  }
0x73: {  	v60 =	vld [tilespmem:s11+$0xFFFFFB30];
	(xrf0) =	vmin.scan.msk.u32 $0xffff, v15;
	v16 =	vsel vm0, v55, v16;
	v59 =	vnsel vm3, $0xFF800000, v18  }
0x74: {  	(xrf0) =	vmax.scan.msk.f32 $0xffff, v16;
	vm8 =	vgt.f32 v57, v59  }
0x75: {  	v61 =	vld [tilespmem:s11+$0xFFFFFB40];
	v15 =	vsel vm8, v57, v59  }
0x76: {  	vm9 =	vgt.f32 v58, v15  }
0x77: {  	v62 =	vld [tilespmem:s11+$0xFFFFFB50];
	vm14 =	vnez.u8 v27;
	v19 =	vsel vm9, v58, v15  }
0x78: {  	v22 =	vnsel vm14, $0x80000001, v1;
	vm10 =	vgt.f32 v60, v19  }
0x79: {  	v28 =	vld [tilespmem:s11+$0xFFFFFB80];
	v22 =	vsel vm11, v2, v22;
	v15, _, _ =	vpop (xrf0);
	v17 =	vsel vm10, v60, v19  }
0x7a: {  	v63 =	vld [tilespmem:s11+$0xFFFFFB60];
	v22 =	vsel vm2, v3, v22;
	v23, _, _ =	vpop (xrf0);
	vm13 =	vgt.f32 v61, v17  }
0x7b: {  	v22 =	vsel vm4, v4, v22;
	v23 =	vbroadcast v23, $0xF;
	v17 =	vsel vm13, v61, v17  }
0x7c: {  	v29 =	vld [tilespmem:s11+$0xFFFFFB70];
	v30 =	vsel vm5, v5, v22;
	vm14 =	vgt.f32 v62, v17  }
0x7d: {  	v31 =	vld [tilespmem:s11+$0xFFFFFB90];
	vm4 =	veq.f32 v16, v23;
	v16 =	vsel vm6, v6, v30;
	vm6 =	veq.s32 v0, $0x0  }
0x7e: {  	v24 =	vld [tilespmem:s11+$0xFFFFFF00];
	v34 =	vimm.s32 $0x0;
	v17 =	vsel vm14, v62, v17;
	v19 =	vsel vm6, $0xFF800000, v28  }
0x7f: {  	v33 =	vld [tilespmem:s11+$0xFFFFFBA0];
	vm11 =	vgt.f32 v63, v17;
	vm1 =	vlt.f32 v19, $-Inf;
	vm5 =	vgt.f32 v19, $-Inf  }
0x80: {  	v32 =	vld [tilespmem:s11+$0xFFFFFF07];
	v16 =	vsel vm7, v7, v16;
	v17 =	vsel vm11, v63, v17;
	vm1 =	vmor vm5, vm1  }
0x81: {  	v36 =	vld [tilespmem:s11+$0xFFFFFBB0];
	v16 =	vsel vm15, v8, v16;
	vm2 =	vgt.f32 v29, v17;
	v35 =	vnsel vm1, $0xFF800000, v19  }
0x82: {  	v16 =	vsel vm12, v9, v16;
	v17 =	vsel vm2, v29, v17;
	vm15 =	vgt.f32 v31, v35  }
0x83: {  	v37 =	vld [tilespmem:s11+$0xFFFFFBC0];
	v23 =	vsel vm1, $0xFFFFFFFF, v34;
	vm1 =	vgt.f32 v24, v17;
	v18 =	vsel vm15, v31, v35  }
0x84: {  	v16 =	vsel vm0, v10, v16;
	v17 =	vsel vm1, v24, v17;
	vm0 =	vgt.f32 v33, v18  }
0x85: {  	v39 =	vld [tilespmem:s11+$0xFFFFFBD0];
	v16 =	vnsel vm4, $0x80000097, v16;
	vm12 =	vgt.f32 v32, v17;
	v38 =	vsel vm0, v33, v18  }
0x86: {  	(xrf0) =	vmin.scan.msk.u32 $0xffff, v16;
	v17 =	vsel vm12, v32, v17;
	vm4 =	vgt.f32 v36, v38  }
0x87: {  	v41 =	vld [tilespmem:s11+$0xFFFFFBE0];
	v40 =	vnsel vm3, $0x80000001, v1;
	(xrf0) =	vmax.scan.msk.f32 $0xffff, v17;
	v16 =	vsel vm4, v36, v38  }
0x88: {  	v21 =	vsel vm8, v2, v40;
	vm5 =	vgt.f32 v37, v16  }
0x89: {  	v42 =	vld [tilespmem:s11+$0xFFFFFBF0];
	v21 =	vsel vm9, v3, v21;
	v20 =	vsel vm5, v37, v16  }
0x8a: {  	v44 =	vld [tilespmem:s11+$0x0];
	v21 =	vsel vm10, v4, v21;
	vm6 =	vgt.f32 v39, v20  }
0x8b: {  	v43 =	vld [tilespmem:s11+$0xFFFFFF80];
	v21 =	vsel vm13, v5, v21;
	v18 =	vsel vm6, v39, v20  }
0x8c: {  	v21 =	vsel vm14, v6, v21;
	v16, _, _ =	vpop (xrf0);
	vm7 =	vgt.f32 v41, v18  }
0x8d: {  	v46 =	vld [tilespmem:s11+$0xFFFFFF87];
	vm13 =	veq.s32 v0, $0x0;
	v21 =	vsel vm11, v7, v21;
	v45, _, _ =	vpop (xrf0);
	v18 =	vsel vm7, v41, v18  }
0x8e: {  	v21 =	vsel vm2, v8, v21;
	v24 =	vbroadcast v45, $0xF;
	vm11 =	vgt.f32 v42, v18  }
0x8f: {  	v48 =	vld [tilespmem:s11+$0x10];
	[tilespmem:$0x1FFC0] =	vst v23;
	v47 =	vsel vm1, v9, v21;
	v20 =	vsel vm13, $0xFF800000, v44;
	v18 =	vsel vm11, v42, v18  }
0x90: {  	v55 =	vld [tilespmem:$0x1FFC0];
	vm2 =	veq.f32 v17, v24;
	v17 =	vsel vm12, v10, v47;
	vm12 =	vgt.f32 v43, v18  }
0x91: {  	v49 =	vld [tilespmem:s11+$0x20];
	vm14 =	vlt.f32 v20, $-Inf;
	vm13 =	vgt.f32 v20, $-Inf;
	v18 =	vsel vm12, v43, v18  }
0x92: {  	vm3 =	vmor vm13, vm14;
	v17 =	vnsel vm2, $0x80000097, v17;
	vm1 =	vgt.f32 v46, v18  }
0x93: {  	v51 =	vld [tilespmem:s11+$0x30];
	v50 =	vnsel vm3, $0xFF800000, v20;
	(xrf0) =	vmin.scan.msk.u32 $0xffff, v17;
	v18 =	vsel vm1, v46, v18  }
0x94: {  	v56 =	vld [tilespmem:s11+$0x80];
	vm8 =	vgt.f32 v48, v50;
	(xrf0) =	vmax.scan.msk.f32 $0xffff, v18  }
0x95: {  	v52 =	vld [tilespmem:s11+$0x40];
	vm14 =	vnez.u8 v55;
	v17 =	vsel vm8, v48, v50  }
0x96: {  	v24 =	vnsel vm14, $0x80000001, v1;
	vm9 =	vgt.f32 v49, v17  }
0x97: {  	v53 =	vld [tilespmem:s11+$0x50];
	v24 =	vsel vm15, v2, v24;
	v21 =	vsel vm9, v49, v17  }
0x98: {  	vm15 =	veq.s32 v0, $0x0;
	v24 =	vsel vm0, v3, v24;
	vm10 =	vgt.f32 v51, v21  }
0x99: {  	v54 =	vld [tilespmem:s11+$0x60];
	v24 =	vsel vm4, v4, v24;
	v19 =	vsel vm10, v51, v21;
	v21 =	vsel vm15, $0xFF800000, v56;
	v17, _, _ =	vpop (xrf0)  }
0x9a: {  	v57 =	vld [tilespmem:s11+$0x70];
	v58 =	vsel vm5, v5, v24;
	vm13 =	vgt.f32 v52, v19;
	vm4 =	vlt.f32 v21, $-Inf;
	v25, _, _ =	vpop (xrf0)  }
0x9b: {  	v59 =	vld [tilespmem:s11+$0x90];
	vm5 =	vgt.f32 v21, $-Inf;
	v19 =	vsel vm13, v52, v19;
	v25 =	vbroadcast v25, $0xF  }
0x9c: {  	v26 =	vld [tilespmem:s11+$0x400];
	v62 =	vimm.s32 $0x0;
	vm4 =	vmor vm5, vm4;
	vm14 =	vgt.f32 v53, v19  }
0x9d: {  	v61 =	vld [tilespmem:s11+$0xA0];
	v19 =	vsel vm14, v53, v19;
	vm2 =	veq.f32 v18, v25;
	v18 =	vsel vm6, v6, v58  }
0x9e: {  	v60 =	vld [tilespmem:s11+$0x407];
	vm0 =	vgt.f32 v54, v19;
	v25 =	vsel vm4, $0xFFFFFFFF, v62;
	v18 =	vsel vm7, v7, v18  }
0x9f: {  	v63 =	vnsel vm4, $0xFF800000, v21;
	v19 =	vsel vm0, v54, v19;
	[tilespmem:$0x1FFD0] =	vst v25;
	v25 =	vld [tilespmem:s11+$0xB0];
	v18 =	vsel vm11, v8, v18  }
0xa0: {  	vm15 =	vgt.f32 v57, v19;
	vm11 =	vgt.f32 v59, v63;
	v18 =	vsel vm12, v9, v18  }
0xa1: {  	v27 =	vld [tilespmem:s11+$0xC0];
	v19 =	vsel vm15, v57, v19;
	v20 =	vsel vm11, v59, v63;
	v18 =	vsel vm1, v10, v18  }
0xa2: {  	vm12 =	vgt.f32 v26, v19;
	v18 =	vnsel vm2, $0x80000097, v18;
	vm2 =	vgt.f32 v61, v20  }
0xa3: {  	v29 =	vld [tilespmem:s11+$0xD0];
	v19 =	vsel vm12, v26, v19;
	v28 =	vsel vm2, v61, v20  }
0xa4: {  	vm1 =	vgt.f32 v60, v19;
	vm4 =	vgt.f32 v25, v28  }
0xa5: {  	v31 =	vld [tilespmem:s11+$0xE0];
	v30 =	vnsel vm3, $0x80000001, v1;
	(xrf0) =	vmin.scan.msk.u32 $0xffff, v18;
	v19 =	vsel vm1, v60, v19;
	v18 =	vsel vm4, v25, v28  }
0xa6: {  	v34 =	vld [tilespmem:s11+$0x100];
	v23 =	vsel vm8, v2, v30;
	(xrf0) =	vmax.scan.msk.f32 $0xffff, v19;
	vm5 =	vgt.f32 v27, v18  }
0xa7: {  	v32 =	vld [tilespmem:s11+$0xF0];
	v23 =	vsel vm9, v3, v23;
	v22 =	vsel vm5, v27, v18  }
0xa8: {  	v23 =	vsel vm10, v4, v23;
	vm6 =	vgt.f32 v29, v22  }
0xa9: {  	v33 =	vld [tilespmem:s11+$0x480];
	v23 =	vsel vm13, v5, v23;
	v20 =	vsel vm6, v29, v22  }
0xaa: {  	vm13 =	veq.s32 v0, $0x0;
	v23 =	vsel vm14, v6, v23;
	vm7 =	vgt.f32 v31, v20  }
0xab: {  	v36 =	vld [tilespmem:s11+$0x487];
	v23 =	vsel vm0, v7, v23;
	v18, _, _ =	vpop (xrf0);
	v22 =	vsel vm13, $0xFF800000, v34;
	v20 =	vsel vm7, v31, v20  }
0xac: {  	v38 =	vld [tilespmem:s11+$0x110];
	v23 =	vsel vm15, v8, v23;
	v35, _, _ =	vpop (xrf0);
	vm14 =	vlt.f32 v22, $-Inf;
	vm15 =	vgt.f32 v32, v20  }
0xad: {  	vm13 =	vgt.f32 v22, $-Inf;
	v26 =	vbroadcast v35, $0xF;
	v20 =	vsel vm15, v32, v20  }
0xae: {  	v39 =	vld [tilespmem:s11+$0x120];
	v37 =	vsel vm12, v9, v23;
	vm3 =	vmor vm13, vm14;
	vm12 =	vgt.f32 v33, v20  }
0xaf: {  	v41 =	vld [tilespmem:s11+$0x130];
	vm0 =	veq.f32 v19, v26;
	v19 =	vsel vm1, v10, v37;
	v20 =	vsel vm12, v33, v20  }
0xb0: {  	v45 =	vld [tilespmem:$0x1FFD0];
	v40 =	vnsel vm3, $0xFF800000, v22;
	v19 =	vnsel vm0, $0x80000097, v19;
	vm1 =	vgt.f32 v36, v20  }
0xb1: {  	vm8 =	vgt.f32 v38, v40;
	(xrf0) =	vmin.scan.msk.u32 $0xffff, v19;
	v20 =	vsel vm1, v36, v20  }
0xb2: {  	v42 =	vld [tilespmem:s11+$0x140];
	v19 =	vsel vm8, v38, v40;
	(xrf0) =	vmax.scan.msk.f32 $0xffff, v20  }
0xb3: {  	vm9 =	vgt.f32 v39, v19  }
0xb4: {  	v43 =	vld [tilespmem:s11+$0x150];
	v23 =	vsel vm9, v39, v19  }
0xb5: {  	vm14 =	vnez.u8 v45;
	vm10 =	vgt.f32 v41, v23  }
0xb6: {  	v44 =	vld [tilespmem:s11+$0x160];
	v26 =	vnsel vm14, $0x80000001, v1;
	v21 =	vsel vm10, v41, v23  }
0xb7: {  	v46 =	vld [tilespmem:s11+$0x180];
	v26 =	vsel vm11, v2, v26;
	vm13 =	vgt.f32 v42, v21;
	v19, _, _ =	vpop (xrf0)  }
0xb8: {  	v26 =	vsel vm2, v3, v26;
	v21 =	vsel vm13, v42, v21;
	v27, _, _ =	vpop (xrf0)  }
0xb9: {  	v47 =	vld [tilespmem:s11+$0x170];
	v26 =	vsel vm4, v4, v26;
	vm14 =	vgt.f32 v43, v21;
	v27 =	vbroadcast v27, $0xF  }
0xba: {  	v49 =	vld [tilespmem:s11+$0x190];
	v48 =	vsel vm5, v5, v26;
	v21 =	vsel vm14, v43, v21  }
0xbb: {  	v28 =	vld [tilespmem:s11+$0x500];
	vm2 =	veq.f32 v20, v27;
	v20 =	vsel vm6, v6, v48;
	vm6 =	veq.s32 v0, $0x0  }
0xbc: {  	v50 =	vld [tilespmem:s11+$0x507];
	vm11 =	vgt.f32 v44, v21;
	v23 =	vsel vm6, $0xFF800000, v46  }
0xbd: {  	v51 =	vld [tilespmem:s11+$0x1A0];
	v21 =	vsel vm11, v44, v21;
	vm4 =	vlt.f32 v23, $-Inf;
	vm5 =	vgt.f32 v23, $-Inf  }
0xbe: {  	vm0 =	vgt.f32 v47, v21;
	v20 =	vsel vm7, v7, v20;
	vm4 =	vmor vm5, vm4  }
0xbf: {  	v54 =	vld [tilespmem:s11+$0x1B0];
	v21 =	vsel vm0, v47, v21;
	v20 =	vsel vm15, v8, v20;
	v53 =	vnsel vm4, $0xFF800000, v23  }
0xc0: {  	v20 =	vsel vm12, v9, v20;
	vm12 =	vgt.f32 v28, v21;
	vm15 =	vgt.f32 v49, v53  }
0xc1: {  	v55 =	vld [tilespmem:s11+$0x1C0];
	v20 =	vsel vm1, v10, v20;
	v21 =	vsel vm12, v28, v21;
	v22 =	vsel vm15, v49, v53  }
0xc2: {  	v20 =	vnsel vm2, $0x80000097, v20;
	vm1 =	vgt.f32 v50, v21;
	vm2 =	vgt.f32 v51, v22  }
0xc3: {  	v52 =	vimm.s32 $0x0;
	v57 =	vld [tilespmem:s11+$0x1D0];
	(xrf0) =	vmin.scan.msk.u32 $0xffff, v20;
	v21 =	vsel vm1, v50, v21;
	v56 =	vsel vm2, v51, v22  }
0xc4: {  	v58 =	vnsel vm3, $0x80000001, v1;
	v27 =	vsel vm4, $0xFFFFFFFF, v52;
	(xrf0) =	vmax.scan.msk.f32 $0xffff, v21;
	vm4 =	vgt.f32 v54, v56  }
0xc5: {  	v59 =	vld [tilespmem:s11+$0x1E0];
	v25 =	vsel vm8, v2, v58;
	v20 =	vsel vm4, v54, v56  }
0xc6: {  	v62 =	vld [tilespmem:s11+$0x200];
	v25 =	vsel vm9, v3, v25;
	vm5 =	vgt.f32 v55, v20  }
0xc7: {  	v60 =	vld [tilespmem:s11+$0x1F0];
	v25 =	vsel vm10, v4, v25;
	v24 =	vsel vm5, v55, v20  }
0xc8: {  	v25 =	vsel vm13, v5, v25;
	vm6 =	vgt.f32 v57, v24  }
0xc9: {  	v61 =	vld [tilespmem:s11+$0x580];
	v25 =	vsel vm14, v6, v25;
	v20, _, _ =	vpop (xrf0);
	v22 =	vsel vm6, v57, v24  }
0xca: {  	v25 =	vsel vm11, v7, v25;
	vm11 =	veq.s32 v0, $0x0;
	v63, _, _ =	vpop (xrf0);
	vm7 =	vgt.f32 v59, v22  }
0xcb: {  	v31 =	vld [tilespmem:s11+$0x587];
	v25 =	vsel vm0, v8, v25;
	v28 =	vbroadcast v63, $0xF;
	v22 =	vsel vm7, v59, v22  }
0xcc: {  	v33 =	vld [tilespmem:s11+$0x210];
	v32 =	vsel vm12, v9, v25;
	v24 =	vsel vm11, $0xFF800000, v62;
	vm10 =	vgt.f32 v60, v22  }
0xcd: {  	vm13 =	vgt.f32 v24, $-Inf;
	vm9 =	veq.f32 v21, v28;
	v22 =	vsel vm10, v60, v22  }
0xce: {  	v34 =	vld [tilespmem:s11+$0x220];
	v21 =	vsel vm1, v10, v32;
	vm1 =	vlt.f32 v24, $-Inf;
	vm12 =	vgt.f32 v61, v22  }
0xcf: {  	v36 =	vld [tilespmem:s11+$0x230];
	[tilespmem:$0x1FFE0] =	vst v27;
	vm3 =	vmor vm13, vm1;
	v22 =	vsel vm12, v61, v22  }
0xd0: {  	v40 =	vld [tilespmem:$0x1FFE0];
	v21 =	vnsel vm9, $0x80000097, v21;
	v35 =	vnsel vm3, $0xFF800000, v24;
	vm0 =	vgt.f32 v31, v22  }
0xd1: {  	(xrf0) =	vmin.scan.msk.u32 $0xffff, v21;
	vm8 =	vgt.f32 v33, v35;
	v22 =	vsel vm0, v31, v22  }
0xd2: {  	v37 =	vld [tilespmem:s11+$0x240];
	v21 =	vsel vm8, v33, v35;
	(xrf0) =	vmax.scan.msk.f32 $0xffff, v22  }
0xd3: {  	vm9 =	vgt.f32 v34, v21  }
0xd4: {  	v38 =	vld [tilespmem:s11+$0x250];
	v25 =	vsel vm9, v34, v21  }
0xd5: {  	vm14 =	vnez.u8 v40;
	vm11 =	vgt.f32 v36, v25  }
0xd6: {  	v39 =	vld [tilespmem:s11+$0x260];
	v28 =	vnsel vm14, $0x80000001, v1;
	v23 =	vsel vm11, v36, v25  }
0xd7: {  	v41 =	vld [tilespmem:s11+$0x280];
	v28 =	vsel vm15, v2, v28;
	v21, _, _ =	vpop (xrf0);
	vm13 =	vgt.f32 v37, v23  }
0xd8: {  	v28 =	vsel vm2, v3, v28;
	v23 =	vsel vm13, v37, v23;
	v29, _, _ =	vpop (xrf0)  }
0xd9: {  	v42 =	vld [tilespmem:s11+$0x270];
	v28 =	vsel vm4, v4, v28;
	vm14 =	vgt.f32 v38, v23;
	v29 =	vbroadcast v29, $0xF  }
0xda: {  	v30 =	vld [tilespmem:s11+$0x600];
	v43 =	vsel vm5, v5, v28;
	v23 =	vsel vm14, v38, v23  }
0xdb: {  	v44 =	vld [tilespmem:s11+$0x290];
	vm1 =	veq.f32 v22, v29;
	v22 =	vsel vm6, v6, v43;
	vm6 =	veq.s32 v0, $0x0  }
0xdc: {  	v45 =	vld [tilespmem:s11+$0x607];
	v53 =	vnsel vm3, $0x80000001, v1;
	vm4 =	vgt.f32 v39, v23;
	v25 =	vsel vm6, $0xFF800000, v41  }
0xdd: {  	v46 =	vld [tilespmem:s11+$0x2A0];
	v23 =	vsel vm4, v39, v23;
	vm2 =	vlt.f32 v25, $-Inf;
	vm15 =	vgt.f32 v25, $-Inf  }
0xde: {  	v22 =	vsel vm7, v7, v22;
	vm7 =	vgt.f32 v42, v23;
	vm2 =	vmor vm15, vm2  }
0xdf: {  	v49 =	vld [tilespmem:s11+$0x2B0];
	v22 =	vsel vm10, v8, v22;
	v23 =	vsel vm7, v42, v23;
	v48 =	vnsel vm2, $0xFF800000, v25  }
0xe0: {  	v22 =	vsel vm12, v9, v22;
	vm12 =	vgt.f32 v30, v23;
	vm15 =	vgt.f32 v44, v48  }
0xe1: {  	v50 =	vld [tilespmem:s11+$0x2C0];
	v22 =	vsel vm0, v10, v22;
	v23 =	vsel vm12, v30, v23;
	v24 =	vsel vm15, v44, v48  }
0xe2: {  	v22 =	vnsel vm1, $0x80000097, v22;
	vm0 =	vgt.f32 v45, v23;
	vm1 =	vgt.f32 v46, v24  }
0xe3: {  	v52 =	vld [tilespmem:s11+$0x2D0];
	v27 =	vsel vm8, v2, v53;
	(xrf0) =	vmin.scan.msk.u32 $0xffff, v22;
	v23 =	vsel vm0, v45, v23;
	v51 =	vsel vm1, v46, v24  }
0xe4: {  	v27 =	vsel vm9, v3, v27;
	(xrf0) =	vmax.scan.msk.f32 $0xffff, v23;
	vm6 =	vgt.f32 v49, v51  }
0xe5: {  	v54 =	vld [tilespmem:s11+$0x2E0];
	v27 =	vsel vm11, v4, v27;
	v22 =	vsel vm6, v49, v51  }
0xe6: {  	v57 =	vld [tilespmem:s11+$0x300];
	v27 =	vsel vm13, v5, v27;
	vm10 =	vgt.f32 v50, v22  }
0xe7: {  	v47 =	vimm.s32 $0x0;
	v55 =	vld [tilespmem:s11+$0x2F0];
	v27 =	vsel vm14, v6, v27;
	v26 =	vsel vm10, v50, v22  }
0xe8: {  	v27 =	vsel vm4, v7, v27;
	v29 =	vsel vm2, $0xFFFFFFFF, v47;
	vm2 =	vgt.f32 v52, v26  }
0xe9: {  	v56 =	vld [tilespmem:s11+$0x680];
	v27 =	vsel vm7, v8, v27;
	v22, _, _ =	vpop (xrf0);
	v24 =	vsel vm2, v52, v26  }
0xea: {  	v59 =	vld [tilespmem:s11+$0x687];
	vm14 =	veq.s32 v0, $0x0;
	v60 =	vsel vm12, v9, v27;
	v58, _, _ =	vpop (xrf0);
	vm5 =	vgt.f32 v54, v24  }
0xeb: {  	v61 =	vld [tilespmem:s11+$0x310];
	v26 =	vsel vm14, $0xFF800000, v57;
	v30 =	vbroadcast v58, $0xF;
	v24 =	vsel vm5, v54, v24  }
0xec: {  	vm8 =	vlt.f32 v26, $-Inf;
	vm9 =	vgt.f32 v26, $-Inf;
	vm7 =	vgt.f32 v55, v24  }
0xed: {  	v62 =	vld [tilespmem:s11+$0x320];
	[tilespmem:$0x1FFF0] =	vst v29;
	vm3 =	veq.f32 v23, v30;
	v23 =	vsel vm0, v10, v60;
	v24 =	vsel vm7, v55, v24  }
0xee: {  	v41 =	vld [tilespmem:$0x1FFF0];
	v23 =	vnsel vm3, $0x80000097, v23;
	vm3 =	vmor vm9, vm8;
	vm11 =	vgt.f32 v56, v24  }
0xef: {  	v37 =	vld [tilespmem:s11+$0x330];
	v36 =	vnsel vm3, $0xFF800000, v26;
	v24 =	vsel vm11, v56, v24  }
0xf0: {  	vm8 =	vgt.f32 v61, v36;
	vm13 =	vgt.f32 v59, v24  }
0xf1: {  	v38 =	vld [tilespmem:s11+$0x340];
	v63 =	vsel vm13, v59, v24;
	v24 =	vsel vm8, v61, v36  }
0xf2: {  	v40 =	vld [tilespmem:s11+$0x380];
	vm9 =	vgt.f32 v62, v24  }
0xf3: {  	v39 =	vld [tilespmem:s11+$0x350];
	vm4 =	vnez.u8 v41;
	v24 =	vsel vm9, v62, v24  }
0xf4: {  	v29 =	vnsel vm4, $0x80000001, v1;
	vm12 =	vgt.f32 v37, v24  }
0xf5: {  	v43 =	vld [tilespmem:s11+$0x360];
	v29 =	vsel vm15, v2, v29;
	(xrf0) =	vmin.scan.msk.u32 $0xffff, v23;
	v24 =	vsel vm12, v37, v24  }
0xf6: {  	v32 =	vld [tilespmem:s11+$0x370];
	v29 =	vsel vm1, v3, v29;
	(xrf0) =	vmax.scan.msk.f32 $0xffff, v63;
	vm1 =	vgt.f32 v38, v24  }
0xf7: {  	v28 =	vsel vm14, $0xFF800000, v40;
	v44 =	vld [tilespmem:s11+$0x390];
	v29 =	vsel vm6, v4, v29;
	v24 =	vsel vm1, v38, v24  }
0xf8: {  	v33 =	vld [tilespmem:s11+$0x700];
	v29 =	vsel vm10, v5, v29;
	vm10 =	vgt.f32 v28, $-Inf;
	vm4 =	vgt.f32 v39, v24  }
0xf9: {  	v45 =	vld [tilespmem:s11+$0x3A0];
	vm0 =	vlt.f32 v28, $-Inf;
	v29 =	vsel vm2, v6, v29;
	v24 =	vsel vm4, v39, v24  }
0xfa: {  	v48 =	vld [tilespmem:s11+$0x3B0];
	vm0 =	vmor vm10, vm0;
	v29 =	vsel vm5, v7, v29;
	vm6 =	vgt.f32 v43, v24  }
0xfb: {  	v46 =	vld [tilespmem:s11+$0x707];
	v47 =	vnsel vm0, $0xFF800000, v28;
	v29 =	vsel vm7, v8, v29;
	v42, _, _ =	vpop (xrf0);
	v24 =	vsel vm6, v43, v24  }
0xfc: {  	vm2 =	vgt.f32 v44, v47;
	v29 =	vsel vm11, v9, v29;
	v31, _, _ =	vpop (xrf0);
	vm10 =	vgt.f32 v32, v24  }
0xfd: {  	v49 =	vld [tilespmem:s11+$0x3C0];
	v25 =	vsel vm2, v44, v47;
	v31 =	vbroadcast v31, $0xF;
	v24 =	vsel vm10, v32, v24  }
0xfe: {  	vm5 =	vgt.f32 v45, v25;
	v29 =	vsel vm13, v10, v29;
	vm11 =	vgt.f32 v33, v24  }
0xff: {  	v50 =	vld [tilespmem:s11+$0x3D0];
	v25 =	vsel vm5, v45, v25;
	vm14 =	veq.f32 v63, v31;
	v24 =	vsel vm11, v33, v24  }
0x100: {  	vm7 =	vgt.f32 v48, v25;
	v29 =	vnsel vm14, $0x80000097, v29;
	vm13 =	vgt.f32 v46, v24  }
0x101: {  	v52 =	vld [tilespmem:s11+$0x3E0];
	v51 =	vsel vm7, v48, v25;
	(xrf0) =	vmin.scan.msk.u32 $0xffff, v29;
	v23 =	vsel vm13, v46, v24  }
0x102: {  	v53 =	vnsel vm3, $0x80000001, v1;
	vm3 =	vgt.f32 v49, v51;
	(xrf0) =	vmax.scan.msk.f32 $0xffff, v23  }
0x103: {  	v54 =	vld [tilespmem:s11+$0x3F0];
	v28 =	vsel vm8, v2, v53;
	v24 =	vsel vm3, v49, v51  }
0x104: {  	v28 =	vsel vm9, v3, v28;
	vm8 =	vgt.f32 v50, v24  }
0x105: {  	v55 =	vld [tilespmem:s11+$0x780];
	v28 =	vsel vm12, v4, v28;
	v24 =	vsel vm8, v50, v24  }
0x106: {  	v28 =	vsel vm1, v5, v28;
	vm1 =	vgt.f32 v52, v24  }
0x107: {  	v56 =	vld [tilespmem:s11+$0x787];
	v28 =	vsel vm4, v6, v28;
	v29, _, _ =	vpop (xrf0);
	v24 =	vsel vm1, v52, v24  }
0x108: {  	v28 =	vsel vm6, v7, v28;
	vm4 =	vgt.f32 v54, v24;
	v57, _, _ =	vpop (xrf0)  }
0x109: {  	v28 =	vsel vm10, v8, v28;
	v24 =	vsel vm4, v54, v24;
	v58 =	vbroadcast v57, $0xF  }
0x10a: {  	v28 =	vsel vm11, v9, v28;
	vm12 =	vgt.f32 v55, v24  }
0x10b: {  	v28 =	vsel vm13, v10, v28;
	v59 =	vsel vm12, v55, v24;
	vm14 =	veq.f32 v23, v58  }
0x10c: {  	vm15 =	vgt.f32 v56, v59;
	v60 =	vnsel vm14, $0x80000097, v28  }
0x10d: {  	v23 =	vsel vm15, v56, v59;
	(xrf0) =	vmin.scan.msk.u32 $0xffff, v60  }
0x10e: {  	v61 =	vnsel vm0, $0x80000001, v1;
	(xrf0) =	vmax.scan.msk.f32 $0xffff, v23  }
0x10f: {  	v24 =	vsel vm2, v2, v61  }
0x110: {  	v24 =	vsel vm5, v3, v24  }
0x111: {  	(v2sf) =	vpush v11, $0xF;
	v24 =	vsel vm7, v4, v24  }
0x112: {  	(v2sf) =	vpush v12, $0xF;
	v11 =	vsel vm3, v5, v24  }
0x113: {  	(v2sf) =	vpush v13, $0xF;
	v11 =	vsel vm8, v6, v11;
	v62, _, _ =	vpop (xrf0)  }
0x114: {  	(v2sf) =	vpush v14, $0xF;
	v11 =	vsel vm1, v7, v11;
	v63, _, _ =	vpop (xrf0)  }
0x115: {  	(v2sf) =	vpush v15, $0xF;
	v11 =	vsel vm4, v8, v11;
	v13 =	vbroadcast v63, $0xF  }
0x116: {  	(v2sf) =	vpush v16, $0xF;
	v11 =	vsel vm12, v9, v11  }
0x117: {  	(v2sf) =	vpush v17, $0xF;
	v11 =	vsel vm15, v10, v11;
	vm12 =	veq.f32 v23, v13  }
0x118: {  	(v2sf) =	vpush v18, $0xF;
	v11 =	vnsel vm12, $0x80000097, v11  }
0x119: {  	(v2sf) =	vpush v19, $0xF;
	(xrf0) =	vmin.scan.msk.u32 $0xffff, v11  }
0x11a: {  	(v2sf) =	vpush v20, $0xF  }
0x11b: {  	(v2sf) =	vpush v21, $0xF  }
0x11c: {  	(v2sf) =	vpush v22, $0xF  }
0x11d: {  	(v2sf) =	vpush v42, $0xF  }
0x11e: {  	(v2sf) =	vpush v29, $0xF  }
0x11f: {  	(v2sf) =	vpush v62, $0xF;
	v11, _, _ =	vpop (xrf0)  }
0x120: {  	s13 =	spop (v2sf);
	(v2sf) =	vpush v11, $0xF  }
0x121: {  	s14 =	spop (v2sf)  }
0x122: {  	s15 =	spop (v2sf)  }
0x123: {  	s16 =	spop (v2sf)  }
0x124: {  	s17 =	spop (v2sf)  }
0x125: {  	s18 =	spop (v2sf)  }
0x126: {  	s19 =	spop (v2sf)  }
0x127: {  	s20 =	spop (v2sf)  }
0x128: {  	s21 =	spop (v2sf)  }
0x129: {  	s22 =	spop (v2sf)  }
0x12a: {  	s23 =	spop (v2sf)  }
0x12b: {  	s24 =	spop (v2sf)  }
0x12c: {  	s25 =	spop (v2sf)  }
0x12d: {  	s26 =	spop (v2sf)  }
0x12e: {  	s28 =	spop (v2sf)  }
0x12f: {  	s29 =	spop (v2sf)  }
0x130: {  	s29 =	sxor.u32 $0x80000000, s29  }
0x131: {  	s13 =	sxor.u32 $0x80000000, s13;
	vm13 =	vcmask $0x300;
	v11 =	vmov s29  }
0x132: {  	s14 =	sxor.u32 $0x80000000, s14;
	vm14 =	vcmask $0x704;
	v11 =	vsel vm13, s13, v11  }
0x133: {  	s15 =	sxor.u32 $0x80000000, s15;
	vm15 =	vcmask $0xB08;
	v11 =	vsel vm14, s14, v11  }
0x134: {  	s16 =	sxor.u32 $0x80000000, s16;
	vm4 =	vcmask $0xF0C;
	v11 =	vsel vm15, s15, v11  }
0x135: {  	s17 =	sxor.u32 $0x80000000, s17;
	vm5 =	vcmask $0x1310;
	v11 =	vsel vm4, s16, v11  }
0x136: {  	s18 =	sxor.u32 $0x80000000, s18;
	vm6 =	vcmask $0x1714;
	v11 =	vsel vm5, s17, v11  }
0x137: {  	s19 =	sxor.u32 $0x80000000, s19;
	vm7 =	vcmask $0x1B18;
	v11 =	vsel vm6, s18, v11  }
0x138: {  	s20 =	sxor.u32 $0x80000000, s20;
	vm8 =	vcmask $0x1F1C;
	v11 =	vsel vm7, s19, v11  }
0x139: {  	s21 =	sxor.u32 $0x80000000, s21;
	vm9 =	vcmask $0x2320;
	v11 =	vsel vm8, s20, v11  }
0x13a: {  	s22 =	sxor.u32 $0x80000000, s22;
	vm10 =	vcmask $0x2724;
	v11 =	vsel vm9, s21, v11  }
0x13b: {  	s23 =	sxor.u32 $0x80000000, s23;
	vm11 =	vcmask $0x2B28;
	v11 =	vsel vm10, s22, v11  }
0x13c: {  	p0 =	sne.s32 s12, $0x500;
	s24 =	sxor.u32 $0x80000000, s24;
	vm12 =	vcmask $0x2F2C;
	v11 =	vsel vm11, s23, v11  }
.Ltmp0:
0x13d: {  	s25 =	sxor.u32 $0x80000000, s25;
	vm13 =	vcmask $0x3330;
	v11 =	vsel vm12, s24, v11;
	(pc) =	sbr.rel @p0 .LBB2_2-.Ltmp0, $4  }
0x13e: {  	s29 =	sxor.u32 $0x80000000, s26;
	vm14 =	vcmask $0x3734;
	v11 =	vsel vm13, s25, v11  }
0x13f: {  	s30 =	sxor.u32 $0x80000000, s28;
	vm15 =	vcmask $0x3B38;
	v11 =	vsel vm14, s29, v11  }
0x140: {  	s31 =	sshra.s32 s12, $0x2;
	v11 =	vsel vm15, s30, v11  }
0x141: {  	s12 =	sadd.s32 $0x40, s12;
	s11 =	sadd.s32 $0x1000, s11;
	[tilespmem:s31+$0x15000] =	vst v11  }
0x142: {  	s11 =	simm.s32 $0x0  }
0x143: {  	[hbm4b:s4+s11] =	stream.linear.scatter [tilespmem:s9], [sflag:$0x1], $0x150, $0x38;
	[tilespmem:$0x15180] =	vst v63  }
0x144: {  	_ =	swait.ge [sflag:s8], $0x150  }
0x145: {  	[sflag:s8] =	ssyncset.done $0x0  }
0x146: {  	[sflag:s8] =	ssyncadd.s32 $0xFFFFFEB0  }
0x147: {  	[tilespmem:s11], [sflag:$0x1] =	stream.linear.gather [hbm4b:s5+s11], $0x15000, $0x38;
	[tilespmem:$0x15180] =	vst v63  }
0x148: {  	_ =	swait.ge [sflag:s8], $0x15000  }
0x149: {  	[sflag:s8] =	ssyncset.done $0x0  }
0x14a: {  	s12 =	simm.s32 $0x800;
	[sflag:s8] =	ssyncadd.s32 $0xFFFEB000  }
.LBB2_4:
0x14b: {  	v11 =	vld [tilespmem:s12+$0xFFFFF800];
	_ =	sdelay $0x3  }
0x14c: {  	vm0 =	veq.s32 v0, $0x0;
	v12 =	vld [tilespmem:s12+$0xFFFFF810]  }
0x14d: {  	v11 =	vsel vm0, $0xFF800000, v11  }
0x14e: {  	v13 =	vld [tilespmem:s12+$0xFFFFF820];
	vm0 =	vlt.f32 v11, $-Inf;
	vm1 =	vgt.f32 v11, $-Inf  }
0x14f: {  	vm0 =	vmor vm1, vm0  }
0x150: {  	v14 =	vld [tilespmem:s12+$0xFFFFF830];
	v11 =	vnsel vm0, $0xFF800000, v11  }
0x151: {  	vm3 =	vgt.f32 v12, v11  }
0x152: {  	v25 =	vld [tilespmem:s12+$0xFFFFF840];
	v11 =	vsel vm3, v12, v11  }
0x153: {  	vm6 =	vgt.f32 v13, v11  }
0x154: {  	v26 =	vld [tilespmem:s12+$0xFFFFF850];
	v11 =	vsel vm6, v13, v11  }
0x155: {  	vm7 =	vgt.f32 v14, v11  }
0x156: {  	v15 =	vld [tilespmem:s12+$0xFFFFF860];
	v11 =	vsel vm7, v14, v11  }
0x157: {  	v27 =	vld [tilespmem:s12+$0xFFFFF880];
	vm10 =	vgt.f32 v25, v11  }
0x158: {  	v28 =	vld [tilespmem:s12+$0xFFFFF870];
	v11 =	vsel vm10, v25, v11  }
0x159: {  	vm9 =	vgt.f32 v26, v11  }
0x15a: {  	v16 =	vld [tilespmem:s12+$0xFFFFFC00];
	v11 =	vsel vm9, v26, v11  }
0x15b: {  	vm2 =	veq.s32 v0, $0x0;
	v29 =	vld [tilespmem:s12+$0xFFFFF890];
	vm11 =	vgt.f32 v15, v11  }
0x15c: {  	v17 =	vld [tilespmem:s12+$0xFFFFFC07];
	v14 =	vsel vm2, $0xFF800000, v27;
	v11 =	vsel vm11, v15, v11  }
0x15d: {  	v30 =	vld [tilespmem:s12+$0xFFFFF8A0];
	vm8 =	vlt.f32 v14, $-Inf;
	vm2 =	vgt.f32 v14, $-Inf;
	vm12 =	vgt.f32 v28, v11  }
0x15e: {  	vm13 =	vmor vm2, vm8;
	v11 =	vsel vm12, v28, v11  }
0x15f: {  	v32 =	vld [tilespmem:s12+$0xFFFFF8B0];
	v31 =	vnsel vm13, $0xFF800000, v14;
	vm14 =	vgt.f32 v16, v11  }
0x160: {  	vm1 =	vgt.f32 v29, v31;
	v11 =	vsel vm14, v16, v11  }
0x161: {  	v33 =	vld [tilespmem:s12+$0xFFFFF8C0];
	v12 =	vsel vm1, v29, v31;
	vm15 =	vgt.f32 v17, v11  }
0x162: {  	vm2 =	vgt.f32 v30, v12;
	v11 =	vsel vm15, v17, v11  }
0x163: {  	v34 =	vld [tilespmem:s12+$0xFFFFF8D0];
	v12 =	vsel vm2, v30, v12;
	(xrf0) =	vmax.scan.msk.f32 $0xffff, v11  }
0x164: {  	v35 =	vnsel vm0, $0x80000001, v1;
	vm4 =	vgt.f32 v32, v12  }
0x165: {  	v36 =	vld [tilespmem:s12+$0xFFFFF8E0];
	v12 =	vsel vm4, v32, v12;
	v16 =	vsel vm3, v2, v35  }
0x166: {  	vm5 =	vgt.f32 v33, v12;
	v16 =	vsel vm6, v3, v16  }
0x167: {  	v37 =	vld [tilespmem:s12+$0xFFFFF8F0];
	v12 =	vsel vm5, v33, v12;
	v16 =	vsel vm7, v4, v16  }
0x168: {  	v38 =	vld [tilespmem:s12+$0xFFFFFC80];
	vm8 =	vgt.f32 v34, v12;
	v16 =	vsel vm10, v5, v16  }
0x169: {  	v39 =	vld [tilespmem:s12+$0xFFFFF900];
	v12 =	vsel vm8, v34, v12;
	v16 =	vsel vm9, v6, v16;
	v18, _, _ =	vpop (xrf0)  }
0x16a: {  	vm6 =	vgt.f32 v36, v12;
	v16 =	vsel vm11, v7, v16;
	v18 =	vbroadcast v18, $0xF  }
0x16b: {  	v40 =	vld [tilespmem:s12+$0xFFFFFC87];
	v12 =	vsel vm6, v36, v12;
	v16 =	vsel vm12, v8, v16  }
0x16c: {  	vm11 =	vgt.f32 v37, v12;
	vm9 =	veq.f32 v11, v18;
	v11 =	vsel vm14, v9, v16  }
0x16d: {  	v41 =	vld [tilespmem:s12+$0xFFFFF910];
	v12 =	vsel vm11, v37, v12;
	v11 =	vsel vm15, v10, v11;
	vm15 =	veq.s32 v0, $0x0  }
0x16e: {  	vm12 =	vgt.f32 v38, v12;
	v15 =	vsel vm15, $0xFF800000, v39  }
0x16f: {  	v42 =	vld [tilespmem:s12+$0xFFFFF920];
	v12 =	vsel vm12, v38, v12;
	vm10 =	vlt.f32 v15, $-Inf;
	vm14 =	vgt.f32 v15, $-Inf  }
0x170: {  	vm0 =	vgt.f32 v40, v12;
	v11 =	vnsel vm9, $0x80000097, v11;
	vm3 =	vmor vm14, vm10  }
0x171: {  	v43 =	vld [tilespmem:s12+$0xFFFFF930];
	v12 =	vsel vm0, v40, v12;
	(xrf0) =	vmin.scan.msk.u32 $0xffff, v11;
	v11 =	vnsel vm3, $0xFF800000, v15  }
0x172: {  	(xrf0) =	vmax.scan.msk.f32 $0xffff, v12;
	vm7 =	vgt.f32 v41, v11  }
0x173: {  	v44 =	vld [tilespmem:s12+$0xFFFFF940];
	v11 =	vsel vm7, v41, v11  }
0x174: {  	v49 =	vld [tilespmem:s12+$0xFFFFF980];
	v48 =	vnsel vm13, $0x80000001, v1;
	vm9 =	vgt.f32 v42, v11  }
0x175: {  	v46 =	vld [tilespmem:s12+$0xFFFFF950];
	v18 =	vsel vm1, v2, v48;
	v45 =	vsel vm9, v42, v11  }
0x176: {  	v18 =	vsel vm2, v3, v18;
	vm10 =	vgt.f32 v43, v45  }
0x177: {  	v47 =	vld [tilespmem:s12+$0xFFFFF960];
	v18 =	vsel vm4, v4, v18;
	v11, _, _ =	vpop (xrf0);
	v14 =	vsel vm10, v43, v45  }
0x178: {  	v50 =	vld [tilespmem:s12+$0xFFFFF970];
	v51 =	vsel vm5, v5, v18;
	v19, _, _ =	vpop (xrf0);
	vm13 =	vgt.f32 v44, v14  }
0x179: {  	v52 =	vld [tilespmem:s12+$0xFFFFF990];
	v15 =	vsel vm15, $0xFF800000, v49;
	v19 =	vbroadcast v19, $0xF;
	v13 =	vsel vm13, v44, v14  }
0x17a: {  	v20 =	vld [tilespmem:s12+$0xFFFFFD00];
	vm4 =	vlt.f32 v15, $-Inf;
	vm15 =	vgt.f32 v15, $-Inf;
	vm14 =	vgt.f32 v46, v13  }
0x17b: {  	v54 =	vld [tilespmem:s12+$0xFFFFF9A0];
	vm2 =	veq.f32 v12, v19;
	v12 =	vsel vm8, v6, v51;
	v13 =	vsel vm14, v46, v13  }
0x17c: {  	v53 =	vld [tilespmem:s12+$0xFFFFFD07];
	vm4 =	vmor vm15, vm4;
	v12 =	vsel vm6, v7, v12;
	vm8 =	vgt.f32 v47, v13  }
0x17d: {  	v57 =	vld [tilespmem:s12+$0xFFFFF9B0];
	v56 =	vnsel vm4, $0xFF800000, v15;
	v12 =	vsel vm11, v8, v12;
	v13 =	vsel vm8, v47, v13  }
0x17e: {  	vm15 =	vgt.f32 v52, v56;
	v12 =	vsel vm12, v9, v12;
	vm1 =	vgt.f32 v50, v13  }
0x17f: {  	v58 =	vld [tilespmem:s12+$0xFFFFF9C0];
	v14 =	vsel vm15, v52, v56;
	v12 =	vsel vm0, v10, v12;
	v13 =	vsel vm1, v50, v13  }
0x180: {  	v12 =	vnsel vm2, $0x80000097, v12;
	vm2 =	vgt.f32 v54, v14;
	vm12 =	vgt.f32 v20, v13  }
0x181: {  	v55 =	vimm.s32 $0x0;
	v60 =	vld [tilespmem:s12+$0xFFFFF9D0];
	v59 =	vsel vm2, v54, v14;
	v13 =	vsel vm12, v20, v13  }
0x182: {  	v19 =	vsel vm4, $0xFFFFFFFF, v55;
	vm4 =	vgt.f32 v57, v59;
	vm0 =	vgt.f32 v53, v13  }
0x183: {  	v62 =	vld [tilespmem:s12+$0xFFFFF9E0];
	v61 =	vnsel vm3, $0x80000001, v1;
	(xrf0) =	vmin.scan.msk.u32 $0xffff, v12;
	v12 =	vsel vm4, v57, v59;
	v13 =	vsel vm0, v53, v13  }
0x184: {  	v17 =	vsel vm7, v2, v61;
	vm5 =	vgt.f32 v58, v12;
	(xrf0) =	vmax.scan.msk.f32 $0xffff, v13  }
0x185: {  	v63 =	vld [tilespmem:s12+$0xFFFFF9F0];
	v17 =	vsel vm9, v3, v17;
	v16 =	vsel vm5, v58, v12  }
0x186: {  	v25 =	vld [tilespmem:s12+$0xFFFFFA00];
	v17 =	vsel vm10, v4, v17;
	vm6 =	vgt.f32 v60, v16  }
0x187: {  	v24 =	vld [tilespmem:s12+$0xFFFFFD80];
	v17 =	vsel vm13, v5, v17;
	v14 =	vsel vm6, v60, v16  }
0x188: {  	v17 =	vsel vm14, v6, v17;
	vm7 =	vgt.f32 v62, v14  }
0x189: {  	v17 =	vsel vm8, v7, v17;
	v12, _, _ =	vpop (xrf0);
	v14 =	vsel vm7, v62, v14  }
0x18a: {  	v27 =	vld [tilespmem:s12+$0xFFFFFD87];
	vm10 =	veq.s32 v0, $0x0;
	v17 =	vsel vm1, v8, v17;
	vm11 =	vgt.f32 v63, v14;
	v26, _, _ =	vpop (xrf0)  }
0x18b: {  	v29 =	vld [tilespmem:s12+$0xFFFFFA10];
	v16 =	vsel vm10, $0xFF800000, v25;
	v14 =	vsel vm11, v63, v14;
	v20 =	vbroadcast v26, $0xF  }
0x18c: {  	v30 =	vld [tilespmem:s12+$0xFFFFFA20];
	[tilespmem:$0x1FF40] =	vst v19;
	v28 =	vsel vm12, v9, v17;
	vm13 =	vgt.f32 v16, $-Inf;
	vm12 =	vgt.f32 v24, v14  }
0x18d: {  	v36 =	vld [tilespmem:$0x1FF40];
	vm9 =	veq.f32 v13, v20;
	v13 =	vsel vm0, v10, v28;
	vm0 =	vlt.f32 v16, $-Inf  }
0x18e: {  	v14 =	vsel vm12, v24, v14;
	vm3 =	vmor vm13, vm0  }
0x18f: {  	v32 =	vld [tilespmem:s12+$0xFFFFFA30];
	vm1 =	vgt.f32 v27, v14;
	v13 =	vnsel vm9, $0x80000097, v13;
	v31 =	vnsel vm3, $0xFF800000, v16  }
0x190: {  	v14 =	vsel vm1, v27, v14;
	(xrf0) =	vmin.scan.msk.u32 $0xffff, v13;
	vm8 =	vgt.f32 v29, v31  }
0x191: {  	v33 =	vld [tilespmem:s12+$0xFFFFFA40];
	(xrf0) =	vmax.scan.msk.f32 $0xffff, v14;
	v13 =	vsel vm8, v29, v31  }
0x192: {  	v34 =	vld [tilespmem:s12+$0xFFFFFA50];
	vm14 =	vnez.u8 v36;
	vm9 =	vgt.f32 v30, v13  }
0x193: {  	v37 =	vld [tilespmem:s12+$0xFFFFFA80];
	v20 =	vnsel vm14, $0x80000001, v1;
	v17 =	vsel vm9, v30, v13  }
0x194: {  	v20 =	vsel vm15, v2, v20;
	vm10 =	vgt.f32 v32, v17  }
0x195: {  	v35 =	vld [tilespmem:s12+$0xFFFFFA60];
	v20 =	vsel vm2, v3, v20;
	v15 =	vsel vm10, v32, v17  }
0x196: {  	v20 =	vsel vm4, v4, v20;
	v13, _, _ =	vpop (xrf0);
	vm13 =	vgt.f32 v33, v15  }
0x197: {  	v38 =	vld [tilespmem:s12+$0xFFFFFA70];
	vm15 =	veq.s32 v0, $0x0;
	v39 =	vsel vm5, v5, v20;
	v21, _, _ =	vpop (xrf0);
	v15 =	vsel vm13, v33, v15  }
0x198: {  	v40 =	vld [tilespmem:s12+$0xFFFFFA90];
	v17 =	vsel vm15, $0xFF800000, v37;
	v21 =	vbroadcast v21, $0xF;
	vm14 =	vgt.f32 v34, v15  }
0x199: {  	v22 =	vld [tilespmem:s12+$0xFFFFFE00];
	vm4 =	vlt.f32 v17, $-Inf;
	vm5 =	vgt.f32 v17, $-Inf;
	v15 =	vsel vm14, v34, v15  }
0x19a: {  	v42 =	vld [tilespmem:s12+$0xFFFFFAA0];
	vm2 =	veq.f32 v14, v21;
	v14 =	vsel vm6, v6, v39;
	vm0 =	vgt.f32 v35, v15  }
0x19b: {  	v41 =	vld [tilespmem:s12+$0xFFFFFE07];
	vm4 =	vmor vm5, vm4;
	v14 =	vsel vm7, v7, v14;
	v15 =	vsel vm0, v35, v15  }
0x19c: {  	v45 =	vld [tilespmem:s12+$0xFFFFFAB0];
	v44 =	vnsel vm4, $0xFF800000, v17;
	v14 =	vsel vm11, v8, v14;
	vm15 =	vgt.f32 v38, v15  }
0x19d: {  	vm11 =	vgt.f32 v40, v44;
	v14 =	vsel vm12, v9, v14;
	v15 =	vsel vm15, v38, v15  }
0x19e: {  	v46 =	vld [tilespmem:s12+$0xFFFFFAC0];
	v16 =	vsel vm11, v40, v44;
	v14 =	vsel vm1, v10, v14;
	vm12 =	vgt.f32 v22, v15  }
0x19f: {  	v14 =	vnsel vm2, $0x80000097, v14;
	vm2 =	vgt.f32 v42, v16;
	v15 =	vsel vm12, v22, v15  }
0x1a0: {  	v48 =	vld [tilespmem:s12+$0xFFFFFAD0];
	v43 =	vimm.s32 $0x0;
	v47 =	vsel vm2, v42, v16;
	vm1 =	vgt.f32 v41, v15  }
0x1a1: {  	v21 =	vsel vm4, $0xFFFFFFFF, v43;
	(xrf0) =	vmin.scan.msk.u32 $0xffff, v14;
	vm4 =	vgt.f32 v45, v47;
	v15 =	vsel vm1, v41, v15  }
0x1a2: {  	v50 =	vld [tilespmem:s12+$0xFFFFFAE0];
	v49 =	vnsel vm3, $0x80000001, v1;
	v14 =	vsel vm4, v45, v47;
	(xrf0) =	vmax.scan.msk.f32 $0xffff, v15  }
0x1a3: {  	v19 =	vsel vm8, v2, v49;
	vm5 =	vgt.f32 v46, v14  }
0x1a4: {  	v51 =	vld [tilespmem:s12+$0xFFFFFAF0];
	v19 =	vsel vm9, v3, v19;
	v18 =	vsel vm5, v46, v14  }
0x1a5: {  	v53 =	vld [tilespmem:s12+$0xFFFFFB00];
	v19 =	vsel vm10, v4, v19;
	vm6 =	vgt.f32 v48, v18  }
0x1a6: {  	v52 =	vld [tilespmem:s12+$0xFFFFFE80];
	v19 =	vsel vm13, v5, v19;
	v16 =	vsel vm6, v48, v18  }
0x1a7: {  	v19 =	vsel vm14, v6, v19;
	v14, _, _ =	vpop (xrf0);
	vm7 =	vgt.f32 v50, v16  }
0x1a8: {  	v55 =	vld [tilespmem:s12+$0xFFFFFE87];
	vm10 =	veq.s32 v0, $0x0;
	v19 =	vsel vm0, v7, v19;
	v16 =	vsel vm7, v50, v16;
	v54, _, _ =	vpop (xrf0)  }
0x1a9: {  	v19 =	vsel vm15, v8, v19;
	vm15 =	vgt.f32 v51, v16;
	v22 =	vbroadcast v54, $0xF  }
0x1aa: {  	v57 =	vld [tilespmem:s12+$0xFFFFFB10];
	v56 =	vsel vm12, v9, v19;
	v18 =	vsel vm10, $0xFF800000, v53;
	v16 =	vsel vm15, v51, v16  }
0x1ab: {  	vm13 =	vgt.f32 v18, $-Inf;
	vm12 =	vgt.f32 v52, v16;
	vm9 =	veq.f32 v15, v22  }
0x1ac: {  	v58 =	vld [tilespmem:s12+$0xFFFFFB20];
	[tilespmem:$0x1FF50] =	vst v21;
	v15 =	vsel vm1, v10, v56;
	v16 =	vsel vm12, v52, v16;
	vm1 =	vlt.f32 v18, $-Inf  }
0x1ad: {  	v27 =	vld [tilespmem:$0x1FF50];
	v15 =	vnsel vm9, $0x80000097, v15;
	vm0 =	vgt.f32 v55, v16;
	vm3 =	vmor vm13, vm1  }
0x1ae: {  	v60 =	vld [tilespmem:s12+$0xFFFFFB30];
	(xrf0) =	vmin.scan.msk.u32 $0xffff, v15;
	v16 =	vsel vm0, v55, v16;
	v59 =	vnsel vm3, $0xFF800000, v18  }
0x1af: {  	(xrf0) =	vmax.scan.msk.f32 $0xffff, v16;
	vm8 =	vgt.f32 v57, v59  }
0x1b0: {  	v61 =	vld [tilespmem:s12+$0xFFFFFB40];
	v15 =	vsel vm8, v57, v59  }
0x1b1: {  	vm9 =	vgt.f32 v58, v15  }
0x1b2: {  	v62 =	vld [tilespmem:s12+$0xFFFFFB50];
	vm14 =	vnez.u8 v27;
	v19 =	vsel vm9, v58, v15  }
0x1b3: {  	v22 =	vnsel vm14, $0x80000001, v1;
	vm10 =	vgt.f32 v60, v19  }
0x1b4: {  	v28 =	vld [tilespmem:s12+$0xFFFFFB80];
	v22 =	vsel vm11, v2, v22;
	v15, _, _ =	vpop (xrf0);
	v17 =	vsel vm10, v60, v19  }
0x1b5: {  	v63 =	vld [tilespmem:s12+$0xFFFFFB60];
	v22 =	vsel vm2, v3, v22;
	v23, _, _ =	vpop (xrf0);
	vm13 =	vgt.f32 v61, v17  }
0x1b6: {  	v22 =	vsel vm4, v4, v22;
	v23 =	vbroadcast v23, $0xF;
	v17 =	vsel vm13, v61, v17  }
0x1b7: {  	v29 =	vld [tilespmem:s12+$0xFFFFFB70];
	v30 =	vsel vm5, v5, v22;
	vm14 =	vgt.f32 v62, v17  }
0x1b8: {  	v31 =	vld [tilespmem:s12+$0xFFFFFB90];
	vm4 =	veq.f32 v16, v23;
	v16 =	vsel vm6, v6, v30;
	vm6 =	veq.s32 v0, $0x0  }
0x1b9: {  	v24 =	vld [tilespmem:s12+$0xFFFFFF00];
	v34 =	vimm.s32 $0x0;
	v17 =	vsel vm14, v62, v17;
	v19 =	vsel vm6, $0xFF800000, v28  }
0x1ba: {  	v33 =	vld [tilespmem:s12+$0xFFFFFBA0];
	vm11 =	vgt.f32 v63, v17;
	vm1 =	vlt.f32 v19, $-Inf;
	vm5 =	vgt.f32 v19, $-Inf  }
0x1bb: {  	v32 =	vld [tilespmem:s12+$0xFFFFFF07];
	v16 =	vsel vm7, v7, v16;
	v17 =	vsel vm11, v63, v17;
	vm1 =	vmor vm5, vm1  }
0x1bc: {  	v36 =	vld [tilespmem:s12+$0xFFFFFBB0];
	v16 =	vsel vm15, v8, v16;
	vm2 =	vgt.f32 v29, v17;
	v35 =	vnsel vm1, $0xFF800000, v19  }
0x1bd: {  	v16 =	vsel vm12, v9, v16;
	v17 =	vsel vm2, v29, v17;
	vm15 =	vgt.f32 v31, v35  }
0x1be: {  	v37 =	vld [tilespmem:s12+$0xFFFFFBC0];
	v23 =	vsel vm1, $0xFFFFFFFF, v34;
	vm1 =	vgt.f32 v24, v17;
	v18 =	vsel vm15, v31, v35  }
0x1bf: {  	v16 =	vsel vm0, v10, v16;
	v17 =	vsel vm1, v24, v17;
	vm0 =	vgt.f32 v33, v18  }
0x1c0: {  	v39 =	vld [tilespmem:s12+$0xFFFFFBD0];
	v16 =	vnsel vm4, $0x80000097, v16;
	vm12 =	vgt.f32 v32, v17;
	v38 =	vsel vm0, v33, v18  }
0x1c1: {  	(xrf0) =	vmin.scan.msk.u32 $0xffff, v16;
	v17 =	vsel vm12, v32, v17;
	vm4 =	vgt.f32 v36, v38  }
0x1c2: {  	v41 =	vld [tilespmem:s12+$0xFFFFFBE0];
	v40 =	vnsel vm3, $0x80000001, v1;
	(xrf0) =	vmax.scan.msk.f32 $0xffff, v17;
	v16 =	vsel vm4, v36, v38  }
0x1c3: {  	v21 =	vsel vm8, v2, v40;
	vm5 =	vgt.f32 v37, v16  }
0x1c4: {  	v42 =	vld [tilespmem:s12+$0xFFFFFBF0];
	v21 =	vsel vm9, v3, v21;
	v20 =	vsel vm5, v37, v16  }
0x1c5: {  	v44 =	vld [tilespmem:s12+$0x0];
	v21 =	vsel vm10, v4, v21;
	vm6 =	vgt.f32 v39, v20  }
0x1c6: {  	v43 =	vld [tilespmem:s12+$0xFFFFFF80];
	v21 =	vsel vm13, v5, v21;
	v18 =	vsel vm6, v39, v20  }
0x1c7: {  	v21 =	vsel vm14, v6, v21;
	v16, _, _ =	vpop (xrf0);
	vm7 =	vgt.f32 v41, v18  }
0x1c8: {  	v46 =	vld [tilespmem:s12+$0xFFFFFF87];
	vm13 =	veq.s32 v0, $0x0;
	v21 =	vsel vm11, v7, v21;
	v45, _, _ =	vpop (xrf0);
	v18 =	vsel vm7, v41, v18  }
0x1c9: {  	v21 =	vsel vm2, v8, v21;
	v24 =	vbroadcast v45, $0xF;
	vm11 =	vgt.f32 v42, v18  }
0x1ca: {  	v48 =	vld [tilespmem:s12+$0x10];
	[tilespmem:$0x1FF60] =	vst v23;
	v47 =	vsel vm1, v9, v21;
	v20 =	vsel vm13, $0xFF800000, v44;
	v18 =	vsel vm11, v42, v18  }
0x1cb: {  	v55 =	vld [tilespmem:$0x1FF60];
	vm2 =	veq.f32 v17, v24;
	v17 =	vsel vm12, v10, v47;
	vm12 =	vgt.f32 v43, v18  }
0x1cc: {  	v49 =	vld [tilespmem:s12+$0x20];
	vm14 =	vlt.f32 v20, $-Inf;
	vm13 =	vgt.f32 v20, $-Inf;
	v18 =	vsel vm12, v43, v18  }
0x1cd: {  	vm3 =	vmor vm13, vm14;
	v17 =	vnsel vm2, $0x80000097, v17;
	vm1 =	vgt.f32 v46, v18  }
0x1ce: {  	v51 =	vld [tilespmem:s12+$0x30];
	v50 =	vnsel vm3, $0xFF800000, v20;
	(xrf0) =	vmin.scan.msk.u32 $0xffff, v17;
	v18 =	vsel vm1, v46, v18  }
0x1cf: {  	v56 =	vld [tilespmem:s12+$0x80];
	vm8 =	vgt.f32 v48, v50;
	(xrf0) =	vmax.scan.msk.f32 $0xffff, v18  }
0x1d0: {  	v52 =	vld [tilespmem:s12+$0x40];
	vm14 =	vnez.u8 v55;
	v17 =	vsel vm8, v48, v50  }
0x1d1: {  	v24 =	vnsel vm14, $0x80000001, v1;
	vm9 =	vgt.f32 v49, v17  }
0x1d2: {  	v53 =	vld [tilespmem:s12+$0x50];
	v24 =	vsel vm15, v2, v24;
	v21 =	vsel vm9, v49, v17  }
0x1d3: {  	vm15 =	veq.s32 v0, $0x0;
	v24 =	vsel vm0, v3, v24;
	vm10 =	vgt.f32 v51, v21  }
0x1d4: {  	v54 =	vld [tilespmem:s12+$0x60];
	v24 =	vsel vm4, v4, v24;
	v19 =	vsel vm10, v51, v21;
	v21 =	vsel vm15, $0xFF800000, v56;
	v17, _, _ =	vpop (xrf0)  }
0x1d5: {  	v57 =	vld [tilespmem:s12+$0x70];
	v58 =	vsel vm5, v5, v24;
	vm13 =	vgt.f32 v52, v19;
	vm4 =	vlt.f32 v21, $-Inf;
	v25, _, _ =	vpop (xrf0)  }
0x1d6: {  	v59 =	vld [tilespmem:s12+$0x90];
	vm5 =	vgt.f32 v21, $-Inf;
	v19 =	vsel vm13, v52, v19;
	v25 =	vbroadcast v25, $0xF  }
0x1d7: {  	v26 =	vld [tilespmem:s12+$0x400];
	v62 =	vimm.s32 $0x0;
	vm4 =	vmor vm5, vm4;
	vm14 =	vgt.f32 v53, v19  }
0x1d8: {  	v61 =	vld [tilespmem:s12+$0xA0];
	v19 =	vsel vm14, v53, v19;
	vm2 =	veq.f32 v18, v25;
	v18 =	vsel vm6, v6, v58  }
0x1d9: {  	v60 =	vld [tilespmem:s12+$0x407];
	vm0 =	vgt.f32 v54, v19;
	v25 =	vsel vm4, $0xFFFFFFFF, v62;
	v18 =	vsel vm7, v7, v18  }
0x1da: {  	v63 =	vnsel vm4, $0xFF800000, v21;
	v19 =	vsel vm0, v54, v19;
	[tilespmem:$0x1FF70] =	vst v25;
	v25 =	vld [tilespmem:s12+$0xB0];
	v18 =	vsel vm11, v8, v18  }
0x1db: {  	vm15 =	vgt.f32 v57, v19;
	vm11 =	vgt.f32 v59, v63;
	v18 =	vsel vm12, v9, v18  }
0x1dc: {  	v27 =	vld [tilespmem:s12+$0xC0];
	v19 =	vsel vm15, v57, v19;
	v20 =	vsel vm11, v59, v63;
	v18 =	vsel vm1, v10, v18  }
0x1dd: {  	vm12 =	vgt.f32 v26, v19;
	v18 =	vnsel vm2, $0x80000097, v18;
	vm2 =	vgt.f32 v61, v20  }
0x1de: {  	v29 =	vld [tilespmem:s12+$0xD0];
	v19 =	vsel vm12, v26, v19;
	v28 =	vsel vm2, v61, v20  }
0x1df: {  	vm1 =	vgt.f32 v60, v19;
	vm4 =	vgt.f32 v25, v28  }
0x1e0: {  	v31 =	vld [tilespmem:s12+$0xE0];
	v30 =	vnsel vm3, $0x80000001, v1;
	(xrf0) =	vmin.scan.msk.u32 $0xffff, v18;
	v19 =	vsel vm1, v60, v19;
	v18 =	vsel vm4, v25, v28  }
0x1e1: {  	v34 =	vld [tilespmem:s12+$0x100];
	v23 =	vsel vm8, v2, v30;
	(xrf0) =	vmax.scan.msk.f32 $0xffff, v19;
	vm5 =	vgt.f32 v27, v18  }
0x1e2: {  	v32 =	vld [tilespmem:s12+$0xF0];
	v23 =	vsel vm9, v3, v23;
	v22 =	vsel vm5, v27, v18  }
0x1e3: {  	v23 =	vsel vm10, v4, v23;
	vm6 =	vgt.f32 v29, v22  }
0x1e4: {  	v33 =	vld [tilespmem:s12+$0x480];
	v23 =	vsel vm13, v5, v23;
	v20 =	vsel vm6, v29, v22  }
0x1e5: {  	vm13 =	veq.s32 v0, $0x0;
	v23 =	vsel vm14, v6, v23;
	vm7 =	vgt.f32 v31, v20  }
0x1e6: {  	v36 =	vld [tilespmem:s12+$0x487];
	v23 =	vsel vm0, v7, v23;
	v18, _, _ =	vpop (xrf0);
	v22 =	vsel vm13, $0xFF800000, v34;
	v20 =	vsel vm7, v31, v20  }
0x1e7: {  	v38 =	vld [tilespmem:s12+$0x110];
	v23 =	vsel vm15, v8, v23;
	v35, _, _ =	vpop (xrf0);
	vm14 =	vlt.f32 v22, $-Inf;
	vm15 =	vgt.f32 v32, v20  }
0x1e8: {  	vm13 =	vgt.f32 v22, $-Inf;
	v26 =	vbroadcast v35, $0xF;
	v20 =	vsel vm15, v32, v20  }
0x1e9: {  	v39 =	vld [tilespmem:s12+$0x120];
	v37 =	vsel vm12, v9, v23;
	vm3 =	vmor vm13, vm14;
	vm12 =	vgt.f32 v33, v20  }
0x1ea: {  	v41 =	vld [tilespmem:s12+$0x130];
	vm0 =	veq.f32 v19, v26;
	v19 =	vsel vm1, v10, v37;
	v20 =	vsel vm12, v33, v20  }
0x1eb: {  	v45 =	vld [tilespmem:$0x1FF70];
	v40 =	vnsel vm3, $0xFF800000, v22;
	v19 =	vnsel vm0, $0x80000097, v19;
	vm1 =	vgt.f32 v36, v20  }
0x1ec: {  	vm8 =	vgt.f32 v38, v40;
	(xrf0) =	vmin.scan.msk.u32 $0xffff, v19;
	v20 =	vsel vm1, v36, v20  }
0x1ed: {  	v42 =	vld [tilespmem:s12+$0x140];
	v19 =	vsel vm8, v38, v40;
	(xrf0) =	vmax.scan.msk.f32 $0xffff, v20  }
0x1ee: {  	vm9 =	vgt.f32 v39, v19  }
0x1ef: {  	v43 =	vld [tilespmem:s12+$0x150];
	v23 =	vsel vm9, v39, v19  }
0x1f0: {  	vm14 =	vnez.u8 v45;
	vm10 =	vgt.f32 v41, v23  }
0x1f1: {  	v44 =	vld [tilespmem:s12+$0x160];
	v26 =	vnsel vm14, $0x80000001, v1;
	v21 =	vsel vm10, v41, v23  }
0x1f2: {  	v46 =	vld [tilespmem:s12+$0x180];
	v26 =	vsel vm11, v2, v26;
	vm13 =	vgt.f32 v42, v21;
	v19, _, _ =	vpop (xrf0)  }
0x1f3: {  	v26 =	vsel vm2, v3, v26;
	v21 =	vsel vm13, v42, v21;
	v27, _, _ =	vpop (xrf0)  }
0x1f4: {  	v47 =	vld [tilespmem:s12+$0x170];
	v26 =	vsel vm4, v4, v26;
	vm14 =	vgt.f32 v43, v21;
	v27 =	vbroadcast v27, $0xF  }
0x1f5: {  	v49 =	vld [tilespmem:s12+$0x190];
	v48 =	vsel vm5, v5, v26;
	v21 =	vsel vm14, v43, v21  }
0x1f6: {  	v28 =	vld [tilespmem:s12+$0x500];
	vm2 =	veq.f32 v20, v27;
	v20 =	vsel vm6, v6, v48;
	vm6 =	veq.s32 v0, $0x0  }
0x1f7: {  	v50 =	vld [tilespmem:s12+$0x507];
	vm11 =	vgt.f32 v44, v21;
	v23 =	vsel vm6, $0xFF800000, v46  }
0x1f8: {  	v51 =	vld [tilespmem:s12+$0x1A0];
	v21 =	vsel vm11, v44, v21;
	vm4 =	vlt.f32 v23, $-Inf;
	vm5 =	vgt.f32 v23, $-Inf  }
0x1f9: {  	vm0 =	vgt.f32 v47, v21;
	v20 =	vsel vm7, v7, v20;
	vm4 =	vmor vm5, vm4  }
0x1fa: {  	v54 =	vld [tilespmem:s12+$0x1B0];
	v21 =	vsel vm0, v47, v21;
	v20 =	vsel vm15, v8, v20;
	v53 =	vnsel vm4, $0xFF800000, v23  }
0x1fb: {  	v20 =	vsel vm12, v9, v20;
	vm12 =	vgt.f32 v28, v21;
	vm15 =	vgt.f32 v49, v53  }
0x1fc: {  	v55 =	vld [tilespmem:s12+$0x1C0];
	v20 =	vsel vm1, v10, v20;
	v21 =	vsel vm12, v28, v21;
	v22 =	vsel vm15, v49, v53  }
0x1fd: {  	v20 =	vnsel vm2, $0x80000097, v20;
	vm1 =	vgt.f32 v50, v21;
	vm2 =	vgt.f32 v51, v22  }
0x1fe: {  	v52 =	vimm.s32 $0x0;
	v57 =	vld [tilespmem:s12+$0x1D0];
	(xrf0) =	vmin.scan.msk.u32 $0xffff, v20;
	v21 =	vsel vm1, v50, v21;
	v56 =	vsel vm2, v51, v22  }
0x1ff: {  	v58 =	vnsel vm3, $0x80000001, v1;
	v27 =	vsel vm4, $0xFFFFFFFF, v52;
	(xrf0) =	vmax.scan.msk.f32 $0xffff, v21;
	vm4 =	vgt.f32 v54, v56  }
0x200: {  	v59 =	vld [tilespmem:s12+$0x1E0];
	v25 =	vsel vm8, v2, v58;
	v20 =	vsel vm4, v54, v56  }
0x201: {  	v62 =	vld [tilespmem:s12+$0x200];
	v25 =	vsel vm9, v3, v25;
	vm5 =	vgt.f32 v55, v20  }
0x202: {  	v60 =	vld [tilespmem:s12+$0x1F0];
	v25 =	vsel vm10, v4, v25;
	v24 =	vsel vm5, v55, v20  }
0x203: {  	v25 =	vsel vm13, v5, v25;
	vm6 =	vgt.f32 v57, v24  }
0x204: {  	v61 =	vld [tilespmem:s12+$0x580];
	v25 =	vsel vm14, v6, v25;
	v20, _, _ =	vpop (xrf0);
	v22 =	vsel vm6, v57, v24  }
0x205: {  	v25 =	vsel vm11, v7, v25;
	vm11 =	veq.s32 v0, $0x0;
	v63, _, _ =	vpop (xrf0);
	vm7 =	vgt.f32 v59, v22  }
0x206: {  	v31 =	vld [tilespmem:s12+$0x587];
	v25 =	vsel vm0, v8, v25;
	v28 =	vbroadcast v63, $0xF;
	v22 =	vsel vm7, v59, v22  }
0x207: {  	v33 =	vld [tilespmem:s12+$0x210];
	v32 =	vsel vm12, v9, v25;
	v24 =	vsel vm11, $0xFF800000, v62;
	vm10 =	vgt.f32 v60, v22  }
0x208: {  	vm13 =	vgt.f32 v24, $-Inf;
	vm9 =	veq.f32 v21, v28;
	v22 =	vsel vm10, v60, v22  }
0x209: {  	v34 =	vld [tilespmem:s12+$0x220];
	v21 =	vsel vm1, v10, v32;
	vm1 =	vlt.f32 v24, $-Inf;
	vm12 =	vgt.f32 v61, v22  }
0x20a: {  	v36 =	vld [tilespmem:s12+$0x230];
	[tilespmem:$0x1FF80] =	vst v27;
	vm3 =	vmor vm13, vm1;
	v22 =	vsel vm12, v61, v22  }
0x20b: {  	v40 =	vld [tilespmem:$0x1FF80];
	v21 =	vnsel vm9, $0x80000097, v21;
	v35 =	vnsel vm3, $0xFF800000, v24;
	vm0 =	vgt.f32 v31, v22  }
0x20c: {  	(xrf0) =	vmin.scan.msk.u32 $0xffff, v21;
	vm8 =	vgt.f32 v33, v35;
	v22 =	vsel vm0, v31, v22  }
0x20d: {  	v37 =	vld [tilespmem:s12+$0x240];
	v21 =	vsel vm8, v33, v35;
	(xrf0) =	vmax.scan.msk.f32 $0xffff, v22  }
0x20e: {  	vm9 =	vgt.f32 v34, v21  }
0x20f: {  	v38 =	vld [tilespmem:s12+$0x250];
	v25 =	vsel vm9, v34, v21  }
0x210: {  	vm14 =	vnez.u8 v40;
	vm11 =	vgt.f32 v36, v25  }
0x211: {  	v39 =	vld [tilespmem:s12+$0x260];
	v28 =	vnsel vm14, $0x80000001, v1;
	v23 =	vsel vm11, v36, v25  }
0x212: {  	v41 =	vld [tilespmem:s12+$0x280];
	v28 =	vsel vm15, v2, v28;
	v21, _, _ =	vpop (xrf0);
	vm13 =	vgt.f32 v37, v23  }
0x213: {  	v28 =	vsel vm2, v3, v28;
	v23 =	vsel vm13, v37, v23;
	v29, _, _ =	vpop (xrf0)  }
0x214: {  	v42 =	vld [tilespmem:s12+$0x270];
	v28 =	vsel vm4, v4, v28;
	vm14 =	vgt.f32 v38, v23;
	v29 =	vbroadcast v29, $0xF  }
0x215: {  	v30 =	vld [tilespmem:s12+$0x600];
	v43 =	vsel vm5, v5, v28;
	v23 =	vsel vm14, v38, v23  }
0x216: {  	v44 =	vld [tilespmem:s12+$0x290];
	vm1 =	veq.f32 v22, v29;
	v22 =	vsel vm6, v6, v43;
	vm6 =	veq.s32 v0, $0x0  }
0x217: {  	v45 =	vld [tilespmem:s12+$0x607];
	v53 =	vnsel vm3, $0x80000001, v1;
	vm4 =	vgt.f32 v39, v23;
	v25 =	vsel vm6, $0xFF800000, v41  }
0x218: {  	v46 =	vld [tilespmem:s12+$0x2A0];
	v23 =	vsel vm4, v39, v23;
	vm2 =	vlt.f32 v25, $-Inf;
	vm15 =	vgt.f32 v25, $-Inf  }
0x219: {  	v22 =	vsel vm7, v7, v22;
	vm7 =	vgt.f32 v42, v23;
	vm2 =	vmor vm15, vm2  }
0x21a: {  	v49 =	vld [tilespmem:s12+$0x2B0];
	v22 =	vsel vm10, v8, v22;
	v23 =	vsel vm7, v42, v23;
	v48 =	vnsel vm2, $0xFF800000, v25  }
0x21b: {  	v22 =	vsel vm12, v9, v22;
	vm12 =	vgt.f32 v30, v23;
	vm15 =	vgt.f32 v44, v48  }
0x21c: {  	v50 =	vld [tilespmem:s12+$0x2C0];
	v22 =	vsel vm0, v10, v22;
	v23 =	vsel vm12, v30, v23;
	v24 =	vsel vm15, v44, v48  }
0x21d: {  	v22 =	vnsel vm1, $0x80000097, v22;
	vm0 =	vgt.f32 v45, v23;
	vm1 =	vgt.f32 v46, v24  }
0x21e: {  	v52 =	vld [tilespmem:s12+$0x2D0];
	v27 =	vsel vm8, v2, v53;
	(xrf0) =	vmin.scan.msk.u32 $0xffff, v22;
	v23 =	vsel vm0, v45, v23;
	v51 =	vsel vm1, v46, v24  }
0x21f: {  	v27 =	vsel vm9, v3, v27;
	(xrf0) =	vmax.scan.msk.f32 $0xffff, v23;
	vm6 =	vgt.f32 v49, v51  }
0x220: {  	v54 =	vld [tilespmem:s12+$0x2E0];
	v27 =	vsel vm11, v4, v27;
	v22 =	vsel vm6, v49, v51  }
0x221: {  	v57 =	vld [tilespmem:s12+$0x300];
	v27 =	vsel vm13, v5, v27;
	vm10 =	vgt.f32 v50, v22  }
0x222: {  	v47 =	vimm.s32 $0x0;
	v55 =	vld [tilespmem:s12+$0x2F0];
	v27 =	vsel vm14, v6, v27;
	v26 =	vsel vm10, v50, v22  }
0x223: {  	v27 =	vsel vm4, v7, v27;
	v29 =	vsel vm2, $0xFFFFFFFF, v47;
	vm2 =	vgt.f32 v52, v26  }
0x224: {  	v56 =	vld [tilespmem:s12+$0x680];
	v27 =	vsel vm7, v8, v27;
	v22, _, _ =	vpop (xrf0);
	v24 =	vsel vm2, v52, v26  }
0x225: {  	v59 =	vld [tilespmem:s12+$0x687];
	vm14 =	veq.s32 v0, $0x0;
	v60 =	vsel vm12, v9, v27;
	v58, _, _ =	vpop (xrf0);
	vm5 =	vgt.f32 v54, v24  }
0x226: {  	v61 =	vld [tilespmem:s12+$0x310];
	v26 =	vsel vm14, $0xFF800000, v57;
	v30 =	vbroadcast v58, $0xF;
	v24 =	vsel vm5, v54, v24  }
0x227: {  	vm8 =	vlt.f32 v26, $-Inf;
	vm9 =	vgt.f32 v26, $-Inf;
	vm7 =	vgt.f32 v55, v24  }
0x228: {  	v62 =	vld [tilespmem:s12+$0x320];
	[tilespmem:$0x1FF90] =	vst v29;
	vm3 =	veq.f32 v23, v30;
	v23 =	vsel vm0, v10, v60;
	v24 =	vsel vm7, v55, v24  }
0x229: {  	v41 =	vld [tilespmem:$0x1FF90];
	v23 =	vnsel vm3, $0x80000097, v23;
	vm3 =	vmor vm9, vm8;
	vm11 =	vgt.f32 v56, v24  }
0x22a: {  	v37 =	vld [tilespmem:s12+$0x330];
	v36 =	vnsel vm3, $0xFF800000, v26;
	v24 =	vsel vm11, v56, v24  }
0x22b: {  	vm8 =	vgt.f32 v61, v36;
	vm13 =	vgt.f32 v59, v24  }
0x22c: {  	v38 =	vld [tilespmem:s12+$0x340];
	v63 =	vsel vm13, v59, v24;
	v24 =	vsel vm8, v61, v36  }
0x22d: {  	v40 =	vld [tilespmem:s12+$0x380];
	vm9 =	vgt.f32 v62, v24  }
0x22e: {  	v39 =	vld [tilespmem:s12+$0x350];
	vm4 =	vnez.u8 v41;
	v24 =	vsel vm9, v62, v24  }
0x22f: {  	v29 =	vnsel vm4, $0x80000001, v1;
	vm12 =	vgt.f32 v37, v24  }
0x230: {  	v43 =	vld [tilespmem:s12+$0x360];
	v29 =	vsel vm15, v2, v29;
	(xrf0) =	vmin.scan.msk.u32 $0xffff, v23;
	v24 =	vsel vm12, v37, v24  }
0x231: {  	v32 =	vld [tilespmem:s12+$0x370];
	v29 =	vsel vm1, v3, v29;
	(xrf0) =	vmax.scan.msk.f32 $0xffff, v63;
	vm1 =	vgt.f32 v38, v24  }
0x232: {  	v28 =	vsel vm14, $0xFF800000, v40;
	v44 =	vld [tilespmem:s12+$0x390];
	v29 =	vsel vm6, v4, v29;
	v24 =	vsel vm1, v38, v24  }
0x233: {  	v33 =	vld [tilespmem:s12+$0x700];
	v29 =	vsel vm10, v5, v29;
	vm10 =	vgt.f32 v28, $-Inf;
	vm4 =	vgt.f32 v39, v24  }
0x234: {  	v45 =	vld [tilespmem:s12+$0x3A0];
	vm0 =	vlt.f32 v28, $-Inf;
	v29 =	vsel vm2, v6, v29;
	v24 =	vsel vm4, v39, v24  }
0x235: {  	v48 =	vld [tilespmem:s12+$0x3B0];
	vm0 =	vmor vm10, vm0;
	v29 =	vsel vm5, v7, v29;
	vm6 =	vgt.f32 v43, v24  }
0x236: {  	v46 =	vld [tilespmem:s12+$0x707];
	v47 =	vnsel vm0, $0xFF800000, v28;
	v29 =	vsel vm7, v8, v29;
	v42, _, _ =	vpop (xrf0);
	v24 =	vsel vm6, v43, v24  }
0x237: {  	vm2 =	vgt.f32 v44, v47;
	v29 =	vsel vm11, v9, v29;
	v31, _, _ =	vpop (xrf0);
	vm10 =	vgt.f32 v32, v24  }
0x238: {  	v49 =	vld [tilespmem:s12+$0x3C0];
	v25 =	vsel vm2, v44, v47;
	v31 =	vbroadcast v31, $0xF;
	v24 =	vsel vm10, v32, v24  }
0x239: {  	vm5 =	vgt.f32 v45, v25;
	v29 =	vsel vm13, v10, v29;
	vm11 =	vgt.f32 v33, v24  }
0x23a: {  	v50 =	vld [tilespmem:s12+$0x3D0];
	v25 =	vsel vm5, v45, v25;
	vm14 =	veq.f32 v63, v31;
	v24 =	vsel vm11, v33, v24  }
0x23b: {  	vm7 =	vgt.f32 v48, v25;
	v29 =	vnsel vm14, $0x80000097, v29;
	vm13 =	vgt.f32 v46, v24  }
0x23c: {  	v52 =	vld [tilespmem:s12+$0x3E0];
	v51 =	vsel vm7, v48, v25;
	(xrf0) =	vmin.scan.msk.u32 $0xffff, v29;
	v23 =	vsel vm13, v46, v24  }
0x23d: {  	v53 =	vnsel vm3, $0x80000001, v1;
	vm3 =	vgt.f32 v49, v51;
	(xrf0) =	vmax.scan.msk.f32 $0xffff, v23  }
0x23e: {  	v54 =	vld [tilespmem:s12+$0x3F0];
	v28 =	vsel vm8, v2, v53;
	v24 =	vsel vm3, v49, v51  }
0x23f: {  	v28 =	vsel vm9, v3, v28;
	vm8 =	vgt.f32 v50, v24  }
0x240: {  	v55 =	vld [tilespmem:s12+$0x780];
	v28 =	vsel vm12, v4, v28;
	v24 =	vsel vm8, v50, v24  }
0x241: {  	v28 =	vsel vm1, v5, v28;
	vm1 =	vgt.f32 v52, v24  }
0x242: {  	v56 =	vld [tilespmem:s12+$0x787];
	v28 =	vsel vm4, v6, v28;
	v29, _, _ =	vpop (xrf0);
	v24 =	vsel vm1, v52, v24  }
0x243: {  	v28 =	vsel vm6, v7, v28;
	vm4 =	vgt.f32 v54, v24;
	v57, _, _ =	vpop (xrf0)  }
0x244: {  	v28 =	vsel vm10, v8, v28;
	v24 =	vsel vm4, v54, v24;
	v58 =	vbroadcast v57, $0xF  }
0x245: {  	v28 =	vsel vm11, v9, v28;
	vm12 =	vgt.f32 v55, v24  }
0x246: {  	v28 =	vsel vm13, v10, v28;
	v59 =	vsel vm12, v55, v24;
	vm14 =	veq.f32 v23, v58  }
0x247: {  	vm15 =	vgt.f32 v56, v59;
	v60 =	vnsel vm14, $0x80000097, v28  }
0x248: {  	v23 =	vsel vm15, v56, v59;
	(xrf0) =	vmin.scan.msk.u32 $0xffff, v60  }
0x249: {  	v61 =	vnsel vm0, $0x80000001, v1;
	(xrf0) =	vmax.scan.msk.f32 $0xffff, v23  }
0x24a: {  	v24 =	vsel vm2, v2, v61  }
0x24b: {  	v24 =	vsel vm5, v3, v24  }
0x24c: {  	(v2sf) =	vpush v11, $0xF;
	v24 =	vsel vm7, v4, v24  }
0x24d: {  	(v2sf) =	vpush v12, $0xF;
	v11 =	vsel vm3, v5, v24  }
0x24e: {  	(v2sf) =	vpush v13, $0xF;
	v11 =	vsel vm8, v6, v11;
	v62, _, _ =	vpop (xrf0)  }
0x24f: {  	(v2sf) =	vpush v14, $0xF;
	v11 =	vsel vm1, v7, v11;
	v63, _, _ =	vpop (xrf0)  }
0x250: {  	(v2sf) =	vpush v15, $0xF;
	v11 =	vsel vm4, v8, v11;
	v13 =	vbroadcast v63, $0xF  }
0x251: {  	(v2sf) =	vpush v16, $0xF;
	v11 =	vsel vm12, v9, v11  }
0x252: {  	(v2sf) =	vpush v17, $0xF;
	v11 =	vsel vm15, v10, v11;
	vm12 =	veq.f32 v23, v13  }
0x253: {  	(v2sf) =	vpush v18, $0xF;
	v11 =	vnsel vm12, $0x80000097, v11  }
0x254: {  	(v2sf) =	vpush v19, $0xF;
	(xrf0) =	vmin.scan.msk.u32 $0xffff, v11  }
0x255: {  	(v2sf) =	vpush v20, $0xF  }
0x256: {  	(v2sf) =	vpush v21, $0xF  }
0x257: {  	(v2sf) =	vpush v22, $0xF  }
0x258: {  	(v2sf) =	vpush v42, $0xF  }
0x259: {  	(v2sf) =	vpush v29, $0xF  }
0x25a: {  	(v2sf) =	vpush v62, $0xF;
	v11, _, _ =	vpop (xrf0)  }
0x25b: {  	s13 =	spop (v2sf);
	(v2sf) =	vpush v11, $0xF  }
0x25c: {  	s14 =	spop (v2sf)  }
0x25d: {  	s15 =	spop (v2sf)  }
0x25e: {  	s16 =	spop (v2sf)  }
0x25f: {  	s17 =	spop (v2sf)  }
0x260: {  	s18 =	spop (v2sf)  }
0x261: {  	s19 =	spop (v2sf)  }
0x262: {  	s20 =	spop (v2sf)  }
0x263: {  	s21 =	spop (v2sf)  }
0x264: {  	s22 =	spop (v2sf)  }
0x265: {  	s23 =	spop (v2sf)  }
0x266: {  	s24 =	spop (v2sf)  }
0x267: {  	s25 =	spop (v2sf)  }
0x268: {  	s26 =	spop (v2sf)  }
0x269: {  	s28 =	spop (v2sf)  }
0x26a: {  	s29 =	spop (v2sf)  }
0x26b: {  	s29 =	sxor.u32 $0x80000000, s29  }
0x26c: {  	s13 =	sxor.u32 $0x80000000, s13;
	vm13 =	vcmask $0x300;
	v11 =	vmov s29  }
0x26d: {  	s14 =	sxor.u32 $0x80000000, s14;
	vm14 =	vcmask $0x704;
	v11 =	vsel vm13, s13, v11  }
0x26e: {  	s15 =	sxor.u32 $0x80000000, s15;
	vm15 =	vcmask $0xB08;
	v11 =	vsel vm14, s14, v11  }
0x26f: {  	s16 =	sxor.u32 $0x80000000, s16;
	vm4 =	vcmask $0xF0C;
	v11 =	vsel vm15, s15, v11  }
0x270: {  	s17 =	sxor.u32 $0x80000000, s17;
	vm5 =	vcmask $0x1310;
	v11 =	vsel vm4, s16, v11  }
0x271: {  	s18 =	sxor.u32 $0x80000000, s18;
	vm6 =	vcmask $0x1714;
	v11 =	vsel vm5, s17, v11  }
0x272: {  	s19 =	sxor.u32 $0x80000000, s19;
	vm7 =	vcmask $0x1B18;
	v11 =	vsel vm6, s18, v11  }
0x273: {  	s20 =	sxor.u32 $0x80000000, s20;
	vm8 =	vcmask $0x1F1C;
	v11 =	vsel vm7, s19, v11  }
0x274: {  	s21 =	sxor.u32 $0x80000000, s21;
	vm9 =	vcmask $0x2320;
	v11 =	vsel vm8, s20, v11  }
0x275: {  	s22 =	sxor.u32 $0x80000000, s22;
	vm10 =	vcmask $0x2724;
	v11 =	vsel vm9, s21, v11  }
0x276: {  	s23 =	sxor.u32 $0x80000000, s23;
	vm11 =	vcmask $0x2B28;
	v11 =	vsel vm10, s22, v11  }
0x277: {  	p0 =	sne.s32 s11, $0x500;
	s24 =	sxor.u32 $0x80000000, s24;
	vm12 =	vcmask $0x2F2C;
	v11 =	vsel vm11, s23, v11  }
.Ltmp1:
0x278: {  	s25 =	sxor.u32 $0x80000000, s25;
	vm13 =	vcmask $0x3330;
	v11 =	vsel vm12, s24, v11;
	(pc) =	sbr.rel @p0 .LBB2_4-.Ltmp1, $4  }
0x279: {  	s29 =	sxor.u32 $0x80000000, s26;
	vm14 =	vcmask $0x3734;
	v11 =	vsel vm13, s25, v11  }
0x27a: {  	s30 =	sxor.u32 $0x80000000, s28;
	vm15 =	vcmask $0x3B38;
	v11 =	vsel vm14, s29, v11  }
0x27b: {  	s31 =	sshra.s32 s11, $0x2;
	v11 =	vsel vm15, s30, v11  }
0x27c: {  	s11 =	sadd.s32 $0x40, s11;
	s12 =	sadd.s32 $0x1000, s12;
	[tilespmem:s31+$0x15000] =	vst v11  }
0x27d: {  	s10 =	sadd.s32 $0x1, s10  }
0x27e: {  	p0 =	sne.s32 s10, s7  }
.Ltmp2:
0x27f: {  	_ = 	snop;
	(pc) =	sbr.rel @p0 .LBB2_1-.Ltmp2, $4  }
0x280: {  	[hbm4b:s6+s2] =	stream.linear.scatter [tilespmem:s9], [sflag:$0x1], $0x150, $0x38;
	[tilespmem:$0x15180] =	vst v63  }
0x281: {  	_ =	swait.ge [sflag:s8], $0x150  }
0x282: {  	[sflag:s8] =	ssyncset.done $0x0  }
0x283: {  	[sflag:s8] =	ssyncadd.s32 $0xFFFFFEB0  }
0x284: {  	_ =	sfence.sel $0x180000  }
0x285: {  	[bflag:$0x0] =	sbarrier.arrive $0xFFFF  }
0x286: {  	p0 =	sne.s32 s0, $0x0;
	_ =	strace $0x90000047  }
0x287: {  	s0 =	sadd.s32 @!p0 $0x100000, s1;
	[bflag:$0x2] =	sbarrier.arrive $0xFFFF  }
0x288: {  	[sflag:s0] =	ssyncadd.tile.s32 @!p0 $0x1;
	_ =	shalt  }
.Lfunc_end2:
_tile_overlayer_lowered:
.L_overlay_start_2:
0x289: {  	(tag) =	ssettag $0x2  }
0x28a: {  	s0 =	rddreg [dreg:$0x0];
	s2 =	stileid.u32  }
0x28b: {  	s1 =	rddreg [dreg:$0x1];
	p0 =	sne.s32 s2, $0x0  }
0x28c: {  	s3 =	rddreg [dreg:$0x2];
	[bflag:$0x3] =	sbarrier.arrive $0xFFFF;
	s2 =	simm.s32 @!p0 $0x1C01  }
0x28d: {  	[timem:s3], [sflag:s2] =	dma.local @!p0 [hbm:s0], s1  }
0x28e: {  	s0 =	simm.s32 @!p0 $0x1  }
0x28f: {  	_ =	swait.ge @!p0 [sflag:s0], s1  }
0x290: {  	s1 =	ssub.s32 @!p0 $0x0, s1;
	[sflag:s0] =	ssyncset.done @!p0 $0x0  }
0x291: {  	[sflag:s0] =	ssyncadd.s32 @!p0 s1  }
0x292: {  	[bflag:$0x3] =	sbarrier.arrive $0xFFFF  }
0x293: {  	_ =	shalt  }

</sc_bundles>
